<compile_context>
chip_gen: v7x
topology: tpu7x:2x2x1
jax: 0.10.2.dev20260603
libtpu: 0.0.44.dev20260713+nightly
codegen_flags: <defaults>
</compile_context>

<pallas_src>
import functools

import jax
import jax.numpy as jnp
from jax import lax
from jax.experimental import pallas as pl
from jax.experimental.pallas import tpu as pltpu
from jax.experimental.pallas import tpu_sc as plsc

N = 10000
E = 320000
D = 128
NC = 2
NS = 16
K = 250
EPS = E // (NC * NS)
CH = EPS // K
CH2 = CH // 2
NP = 10240
RT = NP // NS
ZR = 80


BLK = 1000


def _matmul_body(h0, h1, h2, w0, w1, w2, o_ref):
    for g, (h, w) in enumerate(((h0, w0), (h1, w1), (h2, w2))):
        o_ref[g] = jnp.dot(h[...], w[...],
                           preferred_element_type=jnp.float32
                           ).astype(jnp.bfloat16)


def _matmul(h0, h1, h2, w0, w1, w2):
    return pl.pallas_call(
        _matmul_body,
        grid=(N // BLK,),
        in_specs=[pl.BlockSpec((BLK, D), lambda i: (i, 0))] * 3
        + [pl.BlockSpec((D, D), lambda i: (0, 0))] * 3,
        out_specs=pl.BlockSpec((3, BLK, D), lambda i: (0, i, 0)),
        out_shape=jax.ShapeDtypeStruct((3, N, D), jnp.bfloat16),
    )(h0, h1, h2, w0, w1, w2)


def _finalize_body(p_ref, h0, h1, h2, b_ref, o0, o1, o2):
    for g, (h, o) in enumerate(((h0, o0), (h1, o1), (h2, o2))):
        agg = (p_ref[g, 0].astype(jnp.float32)
               + p_ref[g, 1].astype(jnp.float32) + b_ref[g, 0][None, :])
        o[...] = jnp.maximum(agg, 0.0) + h[...]


def _finalize(parts, h0, h1, h2, bs):
    return pl.pallas_call(
        _finalize_body,
        grid=(N // BLK,),
        in_specs=[pl.BlockSpec((3, 2, BLK, D), lambda i: (0, 0, i, 0))]
        + [pl.BlockSpec((BLK, D), lambda i: (i, 0))] * 3
        + [pl.BlockSpec((3, 1, D), lambda i: (0, 0, 0))],
        out_specs=[pl.BlockSpec((BLK, D), lambda i: (i, 0))] * 3,
        out_shape=[jax.ShapeDtypeStruct((N, D), jnp.float32)] * 3,
    )(parts, h0, h1, h2, bs)


def _sc_body(hw0, hw1, hw2, e0, e1, e2, po,
             acc, sidx, didx, rows_a, rows_b, rows_c, sem_a, sem_b, sem_c):
    cid = lax.axis_index("c")
    sid = lax.axis_index("s")
    wid = cid * NS + sid

    for g, (hw, e) in enumerate(((hw0, e0), (hw1, e1), (hw2, e2))):
        def zlp(i, c):
            rows_a[i // (D // 32), pl.ds((i % (D // 32)) * 32, 32)] = (
                jnp.zeros((32,), jnp.bfloat16))
            return c
        lax.fori_loop(0, ZR * (D // 32), zlp, 0)

        def zero(z, c):
            pltpu.sync_copy(rows_a.at[pl.ds(0, ZR)],
                            acc.at[pl.ds(sid * RT + z * ZR, ZR)])
            return c
        lax.fori_loop(0, RT // ZR, zero, 0)
        plsc.subcore_barrier()

        def _start(ch, buf, sem):
            pltpu.async_copy(hw.at[sidx.at[ch]], buf, sem)

        def _wait(ch, buf, sem):
            pltpu.make_async_copy(hw.at[sidx.at[ch]], buf, sem).wait()

        def _scat(ch, buf):
            pltpu.sync_copy(buf, acc.at[didx.at[ch]], add=True)

        for h in range(2):
            pltpu.sync_copy(e.at[0, wid, pl.ds(h * CH2, CH2)], sidx)
            pltpu.sync_copy(e.at[1, wid, pl.ds(h * CH2, CH2)], didx)
            _start(0, rows_a, sem_a)
            _start(1, rows_b, sem_b)

            def chunk(i, c):
                _start(3 * i + 2, rows_c, sem_c)
                _wait(3 * i, rows_a, sem_a)
                _scat(3 * i, rows_a)
                _start(3 * i + 3, rows_a, sem_a)
                _wait(3 * i + 1, rows_b, sem_b)
                _scat(3 * i + 1, rows_b)
                _start(3 * i + 4, rows_b, sem_b)
                _wait(3 * i + 2, rows_c, sem_c)
                _scat(3 * i + 2, rows_c)
                return c
            lax.fori_loop(0, (CH2 - 2) // 3, chunk, 0)
            _wait(CH2 - 2, rows_a, sem_a)
            _scat(CH2 - 2, rows_a)
            _wait(CH2 - 1, rows_b, sem_b)
            _scat(CH2 - 1, rows_b)
        plsc.subcore_barrier()

        def wout(z, c):
            r0 = sid * RT + 2 * z * ZR
            r1 = r0 + ZR
            pltpu.sync_copy(acc.at[pl.ds(r0, ZR)], rows_a.at[pl.ds(0, ZR)])
            pltpu.async_copy(rows_a.at[pl.ds(0, ZR)],
                             po.at[g, cid, pl.ds(r0, ZR)], sem_a)
            pltpu.sync_copy(acc.at[pl.ds(r1, ZR)], rows_b.at[pl.ds(0, ZR)])
            pltpu.async_copy(rows_b.at[pl.ds(0, ZR)],
                             po.at[g, cid, pl.ds(r1, ZR)], sem_b)
            pltpu.make_async_copy(rows_a.at[pl.ds(0, ZR)],
                                  po.at[g, cid, pl.ds(r0, ZR)],
                                  sem_a).wait()
            pltpu.make_async_copy(rows_b.at[pl.ds(0, ZR)],
                                  po.at[g, cid, pl.ds(r1, ZR)],
                                  sem_b).wait()
            return c
        lax.fori_loop(0, RT // ZR // 2, wout, 0)


_sc_call = pl.kernel(
    _sc_body,
    out_type=jax.ShapeDtypeStruct((3, NC, NP, D), jnp.bfloat16),
    mesh=plsc.VectorSubcoreMesh(core_axis_name="c", subcore_axis_name="s"),
    compiler_params=pltpu.CompilerParams(use_tc_tiling_on_sc=False),
    scratch_types=[
        pltpu.VMEM_SHARED((NP, D), jnp.bfloat16),
        pltpu.VMEM((CH2, K), jnp.int32),
        pltpu.VMEM((CH2, K), jnp.int32),
        pltpu.VMEM((K, D), jnp.bfloat16),
        pltpu.VMEM((K, D), jnp.bfloat16),
        pltpu.VMEM((K, D), jnp.bfloat16),
        pltpu.SemaphoreType.DMA,
        pltpu.SemaphoreType.DMA,
        pltpu.SemaphoreType.DMA,
    ],
)


def kernel(h_mf_new, h_bp_new, h_cc_new, mf_edge_index, bp_edge_index,
           cc_edge_index, W_mf, b_mf, W_bp, b_bp, W_cc, b_cc):
    bs = jnp.stack([b_mf, b_bp, b_cc]).reshape(3, 1, D)

    hw = _matmul(h_mf_new, h_bp_new, h_cc_new, W_mf, W_bp, W_cc)

    def _idx(ei):
        return ei.astype(jnp.int32).reshape(2, NC * NS, CH, K)

    parts = _sc_call(hw[0], hw[1], hw[2], _idx(mf_edge_index),
                     _idx(bp_edge_index), _idx(cc_edge_index))

    return tuple(_finalize(parts, h_mf_new, h_bp_new, h_cc_new, bs))

# --- scband reference (transcript-rebuilt; emitter-appended) ---
"""Pipeline reference for scband-go-sim-embedding-9457517986562 (READ-ONLY COPY).

The authoritative reference and input builder live on the scoring server;
editing this copy changes nothing except your own understanding.
"""

import jax, jax.numpy as jnp
import numpy as np

N_NODES = 10000
N_EDGES = 320000
D = 128


def _gcn_layer(x, edge_index, W, b):
    # DGL GraphConv(norm='none', weight=True, activation=relu, allow_zero_in_degree=True)
    # 1) linear transform, 2) copy-src message, 3) sum-aggregate to dst, 4) bias + relu
    h = x @ W
    src = edge_index[0]
    dst = edge_index[1]
    msg = jnp.take(h, src, axis=0)
    agg = jax.ops.segment_sum(msg, dst, num_segments=x.shape[0])
    return jax.nn.relu(agg + b)


def setup_inputs(seed: int = 0) -> dict:
    key = jax.random.key(seed)
    ks = [jax.random.fold_in(key, i) for i in range(12)]
    h_mf_new = jax.random.normal(ks[0], (N_NODES, D), dtype=jnp.float32)
    h_bp_new = jax.random.normal(ks[1], (N_NODES, D), dtype=jnp.float32)
    h_cc_new = jax.random.normal(ks[2], (N_NODES, D), dtype=jnp.float32)
    mf_edge_index = jax.random.randint(ks[3], (2, N_EDGES), 0, N_NODES, dtype=jnp.int64)
    bp_edge_index = jax.random.randint(ks[4], (2, N_EDGES), 0, N_NODES, dtype=jnp.int64)
    cc_edge_index = jax.random.randint(ks[5], (2, N_EDGES), 0, N_NODES, dtype=jnp.int64)
    scale = 1.0 / np.sqrt(D)
    W_mf = jax.random.normal(ks[6], (D, D), dtype=jnp.float32) * scale
    b_mf = jnp.zeros((D,), dtype=jnp.float32)
    W_bp = jax.random.normal(ks[7], (D, D), dtype=jnp.float32) * scale
    b_bp = jnp.zeros((D,), dtype=jnp.float32)
    W_cc = jax.random.normal(ks[8], (D, D), dtype=jnp.float32) * scale
    b_cc = jnp.zeros((D,), dtype=jnp.float32)
    return {
        "h_mf_new": h_mf_new,
        "h_bp_new": h_bp_new,
        "h_cc_new": h_cc_new,
        "mf_edge_index": mf_edge_index,
        "bp_edge_index": bp_edge_index,
        "cc_edge_index": cc_edge_index,
        "W_mf": W_mf,
        "b_mf": b_mf,
        "W_bp": W_bp,
        "b_bp": b_bp,
        "W_cc": W_cc,
        "b_cc": b_cc,
    }


def reference(h_mf_new, h_bp_new, h_cc_new, mf_edge_index, bp_edge_index, cc_edge_index,
              W_mf, b_mf, W_bp, b_bp, W_cc, b_cc):
    mf_feat = _gcn_layer(h_mf_new, mf_edge_index, W_mf, b_mf) + h_mf_new
    bp_feat = _gcn_layer(h_bp_new, bp_edge_index, W_bp, b_bp) + h_bp_new
    cc_feat = _gcn_layer(h_cc_new, cc_edge_index, W_cc, b_cc) + h_cc_new
    return (mf_feat, bp_feat, cc_feat)

if __name__ == "__main__":
    import jax
    _d = setup_inputs()
    print(jax.jit(kernel)(*tuple(_d.values())))

</pallas_src>

<mosaic_0001>
#map = affine_map<(d0, d1) -> (0, 0)>
#map1 = affine_map<(d0, d1) -> (0, 0, 0, 0)>
module attributes {stable_mosaic.version = 14 : i64} {
  func.func @_sc_body(%arg0: i32, %arg1: i32, %arg2: memref<10000x128xbf16, #tpu.memory_space<hbm>>, %arg3: memref<10000x128xbf16, #tpu.memory_space<hbm>>, %arg4: memref<10000x128xbf16, #tpu.memory_space<hbm>>, %arg5: memref<2x32x40x250xi32, #tpu.memory_space<hbm>>, %arg6: memref<2x32x40x250xi32, #tpu.memory_space<hbm>>, %arg7: memref<2x32x40x250xi32, #tpu.memory_space<hbm>>, %arg8: memref<3x2x10240x128xbf16, #tpu.memory_space<hbm>>, %arg9: memref<10240x128xbf16, #tpu.memory_space<vmem_shared>>, %arg10: memref<20x250xi32, #tpu.memory_space<vmem>>, %arg11: memref<20x250xi32, #tpu.memory_space<vmem>>, %arg12: memref<250x128xbf16, #tpu.memory_space<vmem>>, %arg13: memref<250x128xbf16, #tpu.memory_space<vmem>>, %arg14: memref<250x128xbf16, #tpu.memory_space<vmem>>, %arg15: memref<!tpu.dma_semaphore, #tpu.memory_space<semaphore_mem>>, %arg16: memref<!tpu.dma_semaphore, #tpu.memory_space<semaphore_mem>>, %arg17: memref<!tpu.dma_semaphore, #tpu.memory_space<semaphore_mem>>) attributes {dimension_semantics = [#tpu.dimension_semantics<core_parallel>, #tpu.dimension_semantics<subcore_parallel>], iteration_bounds = array<i64: 2, 16>, scalar_prefetch = 0 : i64, scratch_operands = 9 : i64, tpu.core_type = #tpu.core_type<sc_vector_subcore>, window_params = [{transform_indices = #map}, {transform_indices = #map}, {transform_indices = #map}, {transform_indices = #map1}, {transform_indices = #map1}, {transform_indices = #map1}, {transform_indices = #map1}]} {
    %mul3A = arith.constant 16 : i32
    %mul3A_0 = arith.muli %arg0, %mul3A : i32
    %add3A = arith.addi %mul3A_0, %arg1 : i32
    %scan3A = arith.constant 0 : i32
    %scan3A_1 = arith.constant 0 : i32
    %scan3A_2 = arith.constant 320 : i32
    %scan3A_3 = arith.addi %scan3A_1, %scan3A_2 : i32
    %scan3A_4 = arith.constant 1 : i32
    scf.for %scan3A_284 = %scan3A_1 to %scan3A_3 step %scan3A_4  : i32 {
      %broadcast_in_dim3A = arith.constant 0.000000e+00 : bf16
      %broadcast_in_dim3A_285 = vector.broadcast %broadcast_in_dim3A : bf16 to vector<32xbf16>
      %jit3A = arith.constant 4 : i32
      %div3A = arith.divsi %scan3A_284, %jit3A : i32
      %sign3A = arith.constant 0 : i32
      %sign3A_286 = arith.cmpi sgt, %scan3A_284, %sign3A : i32
      %sign3A_287 = arith.extui %sign3A_286 : i1 to i32
      %sign3A_288 = arith.constant 0 : i32
      %sign3A_289 = arith.cmpi slt, %scan3A_284, %sign3A_288 : i32
      %sign3A_290 = arith.extui %sign3A_289 : i1 to i32
      %sign3A_291 = arith.subi %sign3A_287, %sign3A_290 : i32
      %sign3A_292 = arith.constant 0 : i32
      %sign3A_293 = arith.cmpi sgt, %jit3A, %sign3A_292 : i32
      %sign3A_294 = arith.extui %sign3A_293 : i1 to i32
      %sign3A_295 = arith.constant 0 : i32
      %sign3A_296 = arith.cmpi slt, %jit3A, %sign3A_295 : i32
      %sign3A_297 = arith.extui %sign3A_296 : i1 to i32
      %sign3A_298 = arith.subi %sign3A_294, %sign3A_297 : i32
      %ne3A = arith.cmpi ne, %sign3A_291, %sign3A_298 : i32
      %rem3A = arith.remsi %scan3A_284, %jit3A : i32
      %ne3A_299 = arith.constant 0 : i32
      %ne3A_300 = arith.cmpi ne, %rem3A, %ne3A_299 : i32
      %and3A = arith.andi %ne3A, %ne3A_300 : i1
      %sub3A = arith.constant 1 : i32
      %sub3A_301 = arith.subi %div3A, %sub3A : i32
      %select_n3A = arith.select %and3A, %sub3A_301, %div3A : i32
      %jit3A_302 = arith.constant 4 : i32
      %eq3A = arith.constant 0 : i32
      %eq3A_303 = arith.cmpi eq, %jit3A_302, %eq3A : i32
      %jit3A_304 = arith.constant 1 : i32
      %select_n3A_305 = arith.select %eq3A_303, %jit3A_304, %jit3A_302 : i32
      %rem3A_306 = arith.remsi %scan3A_284, %select_n3A_305 : i32
      %ne3A_307 = arith.constant 0 : i32
      %ne3A_308 = arith.cmpi ne, %rem3A_306, %ne3A_307 : i32
      %lt3A = arith.constant 0 : i32
      %lt3A_309 = arith.cmpi slt, %rem3A_306, %lt3A : i32
      %lt3A_310 = arith.constant 0 : i32
      %lt3A_311 = arith.cmpi slt, %select_n3A_305, %lt3A_310 : i32
      %ne3A_312 = arith.xori %lt3A_309, %lt3A_311 : i1
      %and3A_313 = arith.andi %ne3A_312, %ne3A_308 : i1
      %add3A_314 = arith.addi %rem3A_306, %select_n3A_305 : i32
      %select_n3A_315 = arith.select %and3A_313, %add3A_314, %rem3A_306 : i32
      %mul3A_316 = arith.constant 32 : i32
      %mul3A_317 = arith.muli %select_n3A_315, %mul3A_316 : i32
      %swap3A = arith.index_cast %select_n3A : i32 to index
      %swap3A_318 = arith.index_cast %mul3A_317 : i32 to index
      %swap3A_319 = tpu.vector_load %arg12[%swap3A, %swap3A_318] {strides = array<i32>} : memref<250x128xbf16, #tpu.memory_space<vmem>>, vector<1x32xbf16>,
      %swap3A_320 = vector.shape_cast %swap3A_319 : vector<1x32xbf16> to vector<32xbf16>
      %swap3A_321 = vector.shape_cast %broadcast_in_dim3A_285 : vector<32xbf16> to vector<1x32xbf16>
      tpu.vector_store %arg12[%swap3A, %swap3A_318], %swap3A_321 {strides = array<i32>} : memref<250x128xbf16, #tpu.memory_space<vmem>>, vector<1x32xbf16>,
    }
    %scan3A_5 = arith.constant 320 : i32
    %scan3A_6 = arith.constant 0 : i32
    %scan3A_7 = arith.constant 0 : i32
    %scan3A_8 = arith.constant 8 : i32
    %scan3A_9 = arith.addi %scan3A_7, %scan3A_8 : i32
    %scan3A_10 = arith.constant 1 : i32
    scf.for %scan3A_284 = %scan3A_7 to %scan3A_9 step %scan3A_10  : i32 {
      %mul3A_285 = arith.constant 640 : i32
      %mul3A_286 = arith.muli %arg1, %mul3A_285 : i32
      %mul3A_287 = arith.constant 80 : i32
      %mul3A_288 = arith.muli %scan3A_284, %mul3A_287 : i32
      %add3A_289 = arith.addi %mul3A_286, %mul3A_288 : i32
      "tpu.region"() ({
        %run_scoped3A_290 = tpu.sem_alloc : memref<!tpu.dma_semaphore, #tpu.memory_space<semaphore_mem>>
        %dma_start3A_291 = arith.constant 0 : i32
        %dma_start3A_292 = arith.constant 0 : i32
        %dma_start3A_293 = tpu.memref_slice %arg12[%dma_start3A_291, %dma_start3A_292] : memref<250x128xbf16, #tpu.memory_space<vmem>> -> memref<80x128xbf16, #tpu.memory_space<vmem>>
        %dma_start3A_294 = arith.constant 0 : i32
        %dma_start3A_295 = tpu.memref_slice %arg9[%add3A_289, %dma_start3A_294] : memref<10240x128xbf16, #tpu.memory_space<vmem_shared>> -> memref<80x128xbf16, #tpu.memory_space<vmem_shared>>
        %dma_start3A_296 = arith.constant 0 : i32
        %dma_start3A_297 = tpu.memref_slice %arg9[%add3A_289, %dma_start3A_296] : memref<10240x128xbf16, #tpu.memory_space<vmem_shared>> -> memref<80x128xbf16, #tpu.memory_space<vmem_shared>>
        %dma_start3A_298 = arith.constant 0 : i32
        %dma_start3A_299 = arith.constant 0 : i32
        %dma_start3A_300 = tpu.memref_slice %arg12[%dma_start3A_298, %dma_start3A_299] : memref<250x128xbf16, #tpu.memory_space<vmem>> -> memref<80x128xbf16, #tpu.memory_space<vmem>>
        tpu.enqueue_dma source(%dma_start3A_300 : memref<80x128xbf16, #tpu.memory_space<vmem>>) target(%dma_start3A_297 : memref<80x128xbf16, #tpu.memory_space<vmem_shared>>) target_semaphore(%run_scoped3A_290 : memref<!tpu.dma_semaphore, #tpu.memory_space<semaphore_mem>>)
        %dma_wait3A_301 = arith.constant 0 : i32
        %dma_wait3A_302 = arith.constant 0 : i32
        %dma_wait3A_303 = tpu.memref_slice %arg12[%dma_wait3A_301, %dma_wait3A_302] : memref<250x128xbf16, #tpu.memory_space<vmem>> -> memref<80x128xbf16, #tpu.memory_space<vmem>>
        %dma_wait3A_304 = arith.constant 0 : i32
        %dma_wait3A_305 = tpu.memref_slice %arg9[%add3A_289, %dma_wait3A_304] : memref<10240x128xbf16, #tpu.memory_space<vmem_shared>> -> memref<80x128xbf16, #tpu.memory_space<vmem_shared>>
        %dma_wait3A_306 = arith.constant 0 : i32
        %dma_wait3A_307 = tpu.memref_slice %arg9[%add3A_289, %dma_wait3A_306] : memref<10240x128xbf16, #tpu.memory_space<vmem_shared>> -> memref<80x128xbf16, #tpu.memory_space<vmem_shared>>
        %dma_wait3A_308 = arith.constant 0 : i32
        %dma_wait3A_309 = arith.constant 0 : i32
        %dma_wait3A_310 = tpu.memref_slice %arg12[%dma_wait3A_308, %dma_wait3A_309] : memref<250x128xbf16, #tpu.memory_space<vmem>> -> memref<80x128xbf16, #tpu.memory_space<vmem>>
        tpu.wait_dma2 semaphore(%run_scoped3A_290 : memref<!tpu.dma_semaphore, #tpu.memory_space<semaphore_mem>>) src(%dma_wait3A_310 : memref<80x128xbf16, #tpu.memory_space<vmem>>) dst(%dma_wait3A_307 : memref<80x128xbf16, #tpu.memory_space<vmem_shared>>)
        tpu.yield
      }) : () -> ()
    }
    %scan3A_11 = arith.constant 8 : i32
    %barrier3A = arith.constant 0 : index
    tpu.barrier barrier_id(%barrier3A)
    %run_scoped3A = arith.constant 0 : i32
    "tpu.region"() ({
      %run_scoped3A_284 = tpu.sem_alloc : memref<!tpu.dma_semaphore, #tpu.memory_space<semaphore_mem>>
      %dma_start3A_285 = arith.constant 0 : i32
      %dma_start3A_286 = arith.constant 0 : i32
      %dma_start3A_287 = tpu.memref_slice %arg5[%run_scoped3A, %add3A, %dma_start3A_285, %dma_start3A_286] : memref<2x32x40x250xi32, #tpu.memory_space<hbm>> -> memref<1x1x20x250xi32, #tpu.memory_space<hbm>>
      %dma_start3A_288 = tpu.memref_squeeze %dma_start3A_287 : memref<1x1x20x250xi32, #tpu.memory_space<hbm>> -> memref<20x250xi32, #tpu.memory_space<hbm>>
      %dma_start3A_289 = arith.constant 0 : i32
      %dma_start3A_290 = arith.constant 0 : i32
      %dma_start3A_291 = tpu.memref_slice %arg5[%run_scoped3A, %add3A, %dma_start3A_289, %dma_start3A_290] : memref<2x32x40x250xi32, #tpu.memory_space<hbm>> -> memref<1x1x20x250xi32, #tpu.memory_space<hbm>>
      %dma_start3A_292 = tpu.memref_squeeze %dma_start3A_291 : memref<1x1x20x250xi32, #tpu.memory_space<hbm>> -> memref<20x250xi32, #tpu.memory_space<hbm>>
      tpu.enqueue_dma source(%dma_start3A_292 : memref<20x250xi32, #tpu.memory_space<hbm>>) target(%arg10 : memref<20x250xi32, #tpu.memory_space<vmem>>) target_semaphore(%run_scoped3A_284 : memref<!tpu.dma_semaphore, #tpu.memory_space<semaphore_mem>>)
      %dma_wait3A_293 = arith.constant 0 : i32
      %dma_wait3A_294 = arith.constant 0 : i32
      %dma_wait3A_295 = tpu.memref_slice %arg5[%run_scoped3A, %add3A, %dma_wait3A_293, %dma_wait3A_294] : memref<2x32x40x250xi32, #tpu.memory_space<hbm>> -> memref<1x1x20x250xi32, #tpu.memory_space<hbm>>
      %dma_wait3A_296 = tpu.memref_squeeze %dma_wait3A_295 : memref<1x1x20x250xi32, #tpu.memory_space<hbm>> -> memref<20x250xi32, #tpu.memory_space<hbm>>
      %dma_wait3A_297 = arith.constant 0 : i32
      %dma_wait3A_298 = arith.constant 0 : i32
      %dma_wait3A_299 = tpu.memref_slice %arg5[%run_scoped3A, %add3A, %dma_wait3A_297, %dma_wait3A_298] : memref<2x32x40x250xi32, #tpu.memory_space<hbm>> -> memref<1x1x20x250xi32, #tpu.memory_space<hbm>>
      %dma_wait3A_300 = tpu.memref_squeeze %dma_wait3A_299 : memref<1x1x20x250xi32, #tpu.memory_space<hbm>> -> memref<20x250xi32, #tpu.memory_space<hbm>>
      tpu.wait_dma2 semaphore(%run_scoped3A_284 : memref<!tpu.dma_semaphore, #tpu.memory_space<semaphore_mem>>) src(%dma_wait3A_300 : memref<20x250xi32, #tpu.memory_space<hbm>>) dst(%arg10 : memref<20x250xi32, #tpu.memory_space<vmem>>)
      tpu.yield
    }) : () -> ()
    %run_scoped3A_12 = arith.constant 1 : i32
    "tpu.region"() ({
      %run_scoped3A_284 = tpu.sem_alloc : memref<!tpu.dma_semaphore, #tpu.memory_space<semaphore_mem>>
      %dma_start3A_285 = arith.constant 0 : i32
      %dma_start3A_286 = arith.constant 0 : i32
      %dma_start3A_287 = tpu.memref_slice %arg5[%run_scoped3A_12, %add3A, %dma_start3A_285, %dma_start3A_286] : memref<2x32x40x250xi32, #tpu.memory_space<hbm>> -> memref<1x1x20x250xi32, #tpu.memory_space<hbm>>
      %dma_start3A_288 = tpu.memref_squeeze %dma_start3A_287 : memref<1x1x20x250xi32, #tpu.memory_space<hbm>> -> memref<20x250xi32, #tpu.memory_space<hbm>>
      %dma_start3A_289 = arith.constant 0 : i32
      %dma_start3A_290 = arith.constant 0 : i32
      %dma_start3A_291 = tpu.memref_slice %arg5[%run_scoped3A_12, %add3A, %dma_start3A_289, %dma_start3A_290] : memref<2x32x40x250xi32, #tpu.memory_space<hbm>> -> memref<1x1x20x250xi32, #tpu.memory_space<hbm>>
      %dma_start3A_292 = tpu.memref_squeeze %dma_start3A_291 : memref<1x1x20x250xi32, #tpu.memory_space<hbm>> -> memref<20x250xi32, #tpu.memory_space<hbm>>
      tpu.enqueue_dma source(%dma_start3A_292 : memref<20x250xi32, #tpu.memory_space<hbm>>) target(%arg11 : memref<20x250xi32, #tpu.memory_space<vmem>>) target_semaphore(%run_scoped3A_284 : memref<!tpu.dma_semaphore, #tpu.memory_space<semaphore_mem>>)
      %dma_wait3A_293 = arith.constant 0 : i32
      %dma_wait3A_294 = arith.constant 0 : i32
      %dma_wait3A_295 = tpu.memref_slice %arg5[%run_scoped3A_12, %add3A, %dma_wait3A_293, %dma_wait3A_294] : memref<2x32x40x250xi32, #tpu.memory_space<hbm>> -> memref<1x1x20x250xi32, #tpu.memory_space<hbm>>
      %dma_wait3A_296 = tpu.memref_squeeze %dma_wait3A_295 : memref<1x1x20x250xi32, #tpu.memory_space<hbm>> -> memref<20x250xi32, #tpu.memory_space<hbm>>
      %dma_wait3A_297 = arith.constant 0 : i32
      %dma_wait3A_298 = arith.constant 0 : i32
      %dma_wait3A_299 = tpu.memref_slice %arg5[%run_scoped3A_12, %add3A, %dma_wait3A_297, %dma_wait3A_298] : memref<2x32x40x250xi32, #tpu.memory_space<hbm>> -> memref<1x1x20x250xi32, #tpu.memory_space<hbm>>
      %dma_wait3A_300 = tpu.memref_squeeze %dma_wait3A_299 : memref<1x1x20x250xi32, #tpu.memory_space<hbm>> -> memref<20x250xi32, #tpu.memory_space<hbm>>
      tpu.wait_dma2 semaphore(%run_scoped3A_284 : memref<!tpu.dma_semaphore, #tpu.memory_space<semaphore_mem>>) src(%dma_wait3A_300 : memref<20x250xi32, #tpu.memory_space<hbm>>) dst(%arg11 : memref<20x250xi32, #tpu.memory_space<vmem>>)
      tpu.yield
    }) : () -> ()
    %dma_start3A = arith.constant 0 : i32
    %dma_start3A_13 = arith.constant 0 : i32
    %dma_start3A_14 = tpu.memref_slice %arg10[%dma_start3A, %dma_start3A_13] : memref<20x250xi32, #tpu.memory_space<vmem>> -> memref<1x250xi32, #tpu.memory_space<vmem>>
    %dma_start3A_15 = tpu.memref_squeeze %dma_start3A_14 : memref<1x250xi32, #tpu.memory_space<vmem>> -> memref<250xi32, #tpu.memory_space<vmem>>
    %dma_start3A_16 = arith.constant 0 : i32
    %dma_start3A_17 = arith.constant 0 : i32
    %dma_start3A_18 = tpu.memref_slice %arg2[%dma_start3A_16, %dma_start3A_17] : memref<10000x128xbf16, #tpu.memory_space<hbm>> -> memref<10000x128xbf16, #tpu.memory_space<hbm>>
    tpu.enqueue_indirect_dma source(%dma_start3A_18 : memref<10000x128xbf16, #tpu.memory_space<hbm>>) target(%arg12 : memref<250x128xbf16, #tpu.memory_space<vmem>>) offsets(%dma_start3A_15 : memref<250xi32, #tpu.memory_space<vmem>>) semaphore(%arg15 : memref<!tpu.dma_semaphore, #tpu.memory_space<semaphore_mem>>)
    %dma_start3A_19 = arith.constant 1 : i32
    %dma_start3A_20 = arith.constant 0 : i32
    %dma_start3A_21 = tpu.memref_slice %arg10[%dma_start3A_19, %dma_start3A_20] : memref<20x250xi32, #tpu.memory_space<vmem>> -> memref<1x250xi32, #tpu.memory_space<vmem>>
    %dma_start3A_22 = tpu.memref_squeeze %dma_start3A_21 : memref<1x250xi32, #tpu.memory_space<vmem>> -> memref<250xi32, #tpu.memory_space<vmem>>
    %dma_start3A_23 = arith.constant 0 : i32
    %dma_start3A_24 = arith.constant 0 : i32
    %dma_start3A_25 = tpu.memref_slice %arg2[%dma_start3A_23, %dma_start3A_24] : memref<10000x128xbf16, #tpu.memory_space<hbm>> -> memref<10000x128xbf16, #tpu.memory_space<hbm>>
    tpu.enqueue_indirect_dma source(%dma_start3A_25 : memref<10000x128xbf16, #tpu.memory_space<hbm>>) target(%arg13 : memref<250x128xbf16, #tpu.memory_space<vmem>>) offsets(%dma_start3A_22 : memref<250xi32, #tpu.memory_space<vmem>>) semaphore(%arg16 : memref<!tpu.dma_semaphore, #tpu.memory_space<semaphore_mem>>)
    %scan3A_26 = arith.constant 0 : i32
    %scan3A_27 = arith.constant 0 : i32
    %scan3A_28 = arith.constant 6 : i32
    %scan3A_29 = arith.addi %scan3A_27, %scan3A_28 : i32
    %scan3A_30 = arith.constant 1 : i32
    scf.for %scan3A_284 = %scan3A_27 to %scan3A_29 step %scan3A_30  : i32 {
      %mul3A_285 = arith.constant 3 : i32
      %mul3A_286 = arith.muli %mul3A_285, %scan3A_284 : i32
      %add3A_287 = arith.constant 2 : i32
      %add3A_288 = arith.addi %mul3A_286, %add3A_287 : i32
      %dma_start3A_289 = arith.constant 0 : i32
      %dma_start3A_290 = tpu.memref_slice %arg10[%add3A_288, %dma_start3A_289] : memref<20x250xi32, #tpu.memory_space<vmem>> -> memref<1x250xi32, #tpu.memory_space<vmem>>
      %dma_start3A_291 = tpu.memref_squeeze %dma_start3A_290 : memref<1x250xi32, #tpu.memory_space<vmem>> -> memref<250xi32, #tpu.memory_space<vmem>>
      %dma_start3A_292 = arith.constant 0 : i32
      %dma_start3A_293 = arith.constant 0 : i32
      %dma_start3A_294 = tpu.memref_slice %arg2[%dma_start3A_292, %dma_start3A_293] : memref<10000x128xbf16, #tpu.memory_space<hbm>> -> memref<10000x128xbf16, #tpu.memory_space<hbm>>
      tpu.enqueue_indirect_dma source(%dma_start3A_294 : memref<10000x128xbf16, #tpu.memory_space<hbm>>) target(%arg14 : memref<250x128xbf16, #tpu.memory_space<vmem>>) offsets(%dma_start3A_291 : memref<250xi32, #tpu.memory_space<vmem>>) semaphore(%arg17 : memref<!tpu.dma_semaphore, #tpu.memory_space<semaphore_mem>>)
      %mul3A_295 = arith.constant 3 : i32
      %mul3A_296 = arith.muli %mul3A_295, %scan3A_284 : i32
      %dma_wait3A_297 = arith.constant 0 : i32
      %dma_wait3A_298 = tpu.memref_slice %arg10[%mul3A_296, %dma_wait3A_297] : memref<20x250xi32, #tpu.memory_space<vmem>> -> memref<1x250xi32, #tpu.memory_space<vmem>>
      %dma_wait3A_299 = tpu.memref_squeeze %dma_wait3A_298 : memref<1x250xi32, #tpu.memory_space<vmem>> -> memref<250xi32, #tpu.memory_space<vmem>>
      %dma_wait3A_300 = arith.constant 0 : i32
      %dma_wait3A_301 = arith.constant 0 : i32
      %dma_wait3A_302 = tpu.memref_slice %arg2[%dma_wait3A_300, %dma_wait3A_301] : memref<10000x128xbf16, #tpu.memory_space<hbm>> -> memref<10000x128xbf16, #tpu.memory_space<hbm>>
      tpu.wait_indirect_dma semaphore(%arg15 : memref<!tpu.dma_semaphore, #tpu.memory_space<semaphore_mem>>) src(%dma_wait3A_302 : memref<10000x128xbf16, #tpu.memory_space<hbm>>) dst(%arg12 : memref<250x128xbf16, #tpu.memory_space<vmem>>)
      %mul3A_303 = arith.constant 3 : i32
      %mul3A_304 = arith.muli %mul3A_303, %scan3A_284 : i32
      "tpu.region"() ({
        %run_scoped3A_353 = tpu.sem_alloc : memref<!tpu.dma_semaphore, #tpu.memory_space<semaphore_mem>>
        %dma_start3A_354 = arith.constant 0 : i32
        %dma_start3A_355 = tpu.memref_slice %arg11[%mul3A_304, %dma_start3A_354] : memref<20x250xi32, #tpu.memory_space<vmem>> -> memref<1x250xi32, #tpu.memory_space<vmem>>
        %dma_start3A_356 = tpu.memref_squeeze %dma_start3A_355 : memref<1x250xi32, #tpu.memory_space<vmem>> -> memref<250xi32, #tpu.memory_space<vmem>>
        %dma_start3A_357 = arith.constant 0 : i32
        %dma_start3A_358 = arith.constant 0 : i32
        %dma_start3A_359 = tpu.memref_slice %arg9[%dma_start3A_357, %dma_start3A_358] : memref<10240x128xbf16, #tpu.memory_space<vmem_shared>> -> memref<10240x128xbf16, #tpu.memory_space<vmem_shared>>
        tpu.enqueue_indirect_dma source(%arg12 : memref<250x128xbf16, #tpu.memory_space<vmem>>) target(%dma_start3A_359 : memref<10240x128xbf16, #tpu.memory_space<vmem_shared>>) offsets(%dma_start3A_356 : memref<250xi32, #tpu.memory_space<vmem>>) semaphore(%run_scoped3A_353 : memref<!tpu.dma_semaphore, #tpu.memory_space<semaphore_mem>>) {add = true}
        %dma_wait3A_360 = arith.constant 0 : i32
        %dma_wait3A_361 = tpu.memref_slice %arg11[%mul3A_304, %dma_wait3A_360] : memref<20x250xi32, #tpu.memory_space<vmem>> -> memref<1x250xi32, #tpu.memory_space<vmem>>
        %dma_wait3A_362 = tpu.memref_squeeze %dma_wait3A_361 : memref<1x250xi32, #tpu.memory_space<vmem>> -> memref<250xi32, #tpu.memory_space<vmem>>
        %dma_wait3A_363 = arith.constant 0 : i32
        %dma_wait3A_364 = arith.constant 0 : i32
        %dma_wait3A_365 = tpu.memref_slice %arg9[%dma_wait3A_363, %dma_wait3A_364] : memref<10240x128xbf16, #tpu.memory_space<vmem_shared>> -> memref<10240x128xbf16, #tpu.memory_space<vmem_shared>>
        tpu.wait_indirect_dma semaphore(%run_scoped3A_353 : memref<!tpu.dma_semaphore, #tpu.memory_space<semaphore_mem>>) src(%arg12 : memref<250x128xbf16, #tpu.memory_space<vmem>>) dst(%dma_wait3A_365 : memref<10240x128xbf16, #tpu.memory_space<vmem_shared>>)
        tpu.yield
      }) : () -> ()
      %mul3A_305 = arith.constant 3 : i32
      %mul3A_306 = arith.muli %mul3A_305, %scan3A_284 : i32
      %add3A_307 = arith.constant 3 : i32
      %add3A_308 = arith.addi %mul3A_306, %add3A_307 : i32
      %dma_start3A_309 = arith.constant 0 : i32
      %dma_start3A_310 = tpu.memref_slice %arg10[%add3A_308, %dma_start3A_309] : memref<20x250xi32, #tpu.memory_space<vmem>> -> memref<1x250xi32, #tpu.memory_space<vmem>>
      %dma_start3A_311 = tpu.memref_squeeze %dma_start3A_310 : memref<1x250xi32, #tpu.memory_space<vmem>> -> memref<250xi32, #tpu.memory_space<vmem>>
      %dma_start3A_312 = arith.constant 0 : i32
      %dma_start3A_313 = arith.constant 0 : i32
      %dma_start3A_314 = tpu.memref_slice %arg2[%dma_start3A_312, %dma_start3A_313] : memref<10000x128xbf16, #tpu.memory_space<hbm>> -> memref<10000x128xbf16, #tpu.memory_space<hbm>>
      tpu.enqueue_indirect_dma source(%dma_start3A_314 : memref<10000x128xbf16, #tpu.memory_space<hbm>>) target(%arg12 : memref<250x128xbf16, #tpu.memory_space<vmem>>) offsets(%dma_start3A_311 : memref<250xi32, #tpu.memory_space<vmem>>) semaphore(%arg15 : memref<!tpu.dma_semaphore, #tpu.memory_space<semaphore_mem>>)
      %mul3A_315 = arith.constant 3 : i32
      %mul3A_316 = arith.muli %mul3A_315, %scan3A_284 : i32
      %add3A_317 = arith.constant 1 : i32
      %add3A_318 = arith.addi %mul3A_316, %add3A_317 : i32
      %dma_wait3A_319 = arith.constant 0 : i32
      %dma_wait3A_320 = tpu.memref_slice %arg10[%add3A_318, %dma_wait3A_319] : memref<20x250xi32, #tpu.memory_space<vmem>> -> memref<1x250xi32, #tpu.memory_space<vmem>>
      %dma_wait3A_321 = tpu.memref_squeeze %dma_wait3A_320 : memref<1x250xi32, #tpu.memory_space<vmem>> -> memref<250xi32, #tpu.memory_space<vmem>>
      %dma_wait3A_322 = arith.constant 0 : i32
      %dma_wait3A_323 = arith.constant 0 : i32
      %dma_wait3A_324 = tpu.memref_slice %arg2[%dma_wait3A_322, %dma_wait3A_323] : memref<10000x128xbf16, #tpu.memory_space<hbm>> -> memref<10000x128xbf16, #tpu.memory_space<hbm>>
      tpu.wait_indirect_dma semaphore(%arg16 : memref<!tpu.dma_semaphore, #tpu.memory_space<semaphore_mem>>) src(%dma_wait3A_324 : memref<10000x128xbf16, #tpu.memory_space<hbm>>) dst(%arg13 : memref<250x128xbf16, #tpu.memory_space<vmem>>)
      %mul3A_325 = arith.constant 3 : i32
      %mul3A_326 = arith.muli %mul3A_325, %scan3A_284 : i32
      %add3A_327 = arith.constant 1 : i32
      %add3A_328 = arith.addi %mul3A_326, %add3A_327 : i32
      "tpu.region"() ({
        %run_scoped3A_353 = tpu.sem_alloc : memref<!tpu.dma_semaphore, #tpu.memory_space<semaphore_mem>>
        %dma_start3A_354 = arith.constant 0 : i32
        %dma_start3A_355 = tpu.memref_slice %arg11[%add3A_328, %dma_start3A_354] : memref<20x250xi32, #tpu.memory_space<vmem>> -> memref<1x250xi32, #tpu.memory_space<vmem>>
        %dma_start3A_356 = tpu.memref_squeeze %dma_start3A_355 : memref<1x250xi32, #tpu.memory_space<vmem>> -> memref<250xi32, #tpu.memory_space<vmem>>
        %dma_start3A_357 = arith.constant 0 : i32
        %dma_start3A_358 = arith.constant 0 : i32
        %dma_start3A_359 = tpu.memref_slice %arg9[%dma_start3A_357, %dma_start3A_358] : memref<10240x128xbf16, #tpu.memory_space<vmem_shared>> -> memref<10240x128xbf16, #tpu.memory_space<vmem_shared>>
        tpu.enqueue_indirect_dma source(%arg13 : memref<250x128xbf16, #tpu.memory_space<vmem>>) target(%dma_start3A_359 : memref<10240x128xbf16, #tpu.memory_space<vmem_shared>>) offsets(%dma_start3A_356 : memref<250xi32, #tpu.memory_space<vmem>>) semaphore(%run_scoped3A_353 : memref<!tpu.dma_semaphore, #tpu.memory_space<semaphore_mem>>) {add = true}
        %dma_wait3A_360 = arith.constant 0 : i32
        %dma_wait3A_361 = tpu.memref_slice %arg11[%add3A_328, %dma_wait3A_360] : memref<20x250xi32, #tpu.memory_space<vmem>> -> memref<1x250xi32, #tpu.memory_space<vmem>>
        %dma_wait3A_362 = tpu.memref_squeeze %dma_wait3A_361 : memref<1x250xi32, #tpu.memory_space<vmem>> -> memref<250xi32, #tpu.memory_space<vmem>>
        %dma_wait3A_363 = arith.constant 0 : i32
        %dma_wait3A_364 = arith.constant 0 : i32
        %dma_wait3A_365 = tpu.memref_slice %arg9[%dma_wait3A_363, %dma_wait3A_364] : memref<10240x128xbf16, #tpu.memory_space<vmem_shared>> -> memref<10240x128xbf16, #tpu.memory_space<vmem_shared>>
        tpu.wait_indirect_dma semaphore(%run_scoped3A_353 : memref<!tpu.dma_semaphore, #tpu.memory_space<semaphore_mem>>) src(%arg13 : memref<250x128xbf16, #tpu.memory_space<vmem>>) dst(%dma_wait3A_365 : memref<10240x128xbf16, #tpu.memory_space<vmem_shared>>)
        tpu.yield
      }) : () -> ()
      %mul3A_329 = arith.constant 3 : i32
      %mul3A_330 = arith.muli %mul3A_329, %scan3A_284 : i32
      %add3A_331 = arith.constant 4 : i32
      %add3A_332 = arith.addi %mul3A_330, %add3A_331 : i32
      %dma_start3A_333 = arith.constant 0 : i32
      %dma_start3A_334 = tpu.memref_slice %arg10[%add3A_332, %dma_start3A_333] : memref<20x250xi32, #tpu.memory_space<vmem>> -> memref<1x250xi32, #tpu.memory_space<vmem>>
      %dma_start3A_335 = tpu.memref_squeeze %dma_start3A_334 : memref<1x250xi32, #tpu.memory_space<vmem>> -> memref<250xi32, #tpu.memory_space<vmem>>
      %dma_start3A_336 = arith.constant 0 : i32
      %dma_start3A_337 = arith.constant 0 : i32
      %dma_start3A_338 = tpu.memref_slice %arg2[%dma_start3A_336, %dma_start3A_337] : memref<10000x128xbf16, #tpu.memory_space<hbm>> -> memref<10000x128xbf16, #tpu.memory_space<hbm>>
      tpu.enqueue_indirect_dma source(%dma_start3A_338 : memref<10000x128xbf16, #tpu.memory_space<hbm>>) target(%arg13 : memref<250x128xbf16, #tpu.memory_space<vmem>>) offsets(%dma_start3A_335 : memref<250xi32, #tpu.memory_space<vmem>>) semaphore(%arg16 : memref<!tpu.dma_semaphore, #tpu.memory_space<semaphore_mem>>)
      %mul3A_339 = arith.constant 3 : i32
      %mul3A_340 = arith.muli %mul3A_339, %scan3A_284 : i32
      %add3A_341 = arith.constant 2 : i32
      %add3A_342 = arith.addi %mul3A_340, %add3A_341 : i32
      %dma_wait3A_343 = arith.constant 0 : i32
      %dma_wait3A_344 = tpu.memref_slice %arg10[%add3A_342, %dma_wait3A_343] : memref<20x250xi32, #tpu.memory_space<vmem>> -> memref<1x250xi32, #tpu.memory_space<vmem>>
      %dma_wait3A_345 = tpu.memref_squeeze %dma_wait3A_344 : memref<1x250xi32, #tpu.memory_space<vmem>> -> memref<250xi32, #tpu.memory_space<vmem>>
      %dma_wait3A_346 = arith.constant 0 : i32
      %dma_wait3A_347 = arith.constant 0 : i32
      %dma_wait3A_348 = tpu.memref_slice %arg2[%dma_wait3A_346, %dma_wait3A_347] : memref<10000x128xbf16, #tpu.memory_space<hbm>> -> memref<10000x128xbf16, #tpu.memory_space<hbm>>
      tpu.wait_indirect_dma semaphore(%arg17 : memref<!tpu.dma_semaphore, #tpu.memory_space<semaphore_mem>>) src(%dma_wait3A_348 : memref<10000x128xbf16, #tpu.memory_space<hbm>>) dst(%arg14 : memref<250x128xbf16, #tpu.memory_space<vmem>>)
      %mul3A_349 = arith.constant 3 : i32
      %mul3A_350 = arith.muli %mul3A_349, %scan3A_284 : i32
      %add3A_351 = arith.constant 2 : i32
      %add3A_352 = arith.addi %mul3A_350, %add3A_351 : i32
      "tpu.region"() ({
        %run_scoped3A_353 = tpu.sem_alloc : memref<!tpu.dma_semaphore, #tpu.memory_space<semaphore_mem>>
        %dma_start3A_354 = arith.constant 0 : i32
        %dma_start3A_355 = tpu.memref_slice %arg11[%add3A_352, %dma_start3A_354] : memref<20x250xi32, #tpu.memory_space<vmem>> -> memref<1x250xi32, #tpu.memory_space<vmem>>
        %dma_start3A_356 = tpu.memref_squeeze %dma_start3A_355 : memref<1x250xi32, #tpu.memory_space<vmem>> -> memref<250xi32, #tpu.memory_space<vmem>>
        %dma_start3A_357 = arith.constant 0 : i32
        %dma_start3A_358 = arith.constant 0 : i32
        %dma_start3A_359 = tpu.memref_slice %arg9[%dma_start3A_357, %dma_start3A_358] : memref<10240x128xbf16, #tpu.memory_space<vmem_shared>> -> memref<10240x128xbf16, #tpu.memory_space<vmem_shared>>
        tpu.enqueue_indirect_dma source(%arg14 : memref<250x128xbf16, #tpu.memory_space<vmem>>) target(%dma_start3A_359 : memref<10240x128xbf16, #tpu.memory_space<vmem_shared>>) offsets(%dma_start3A_356 : memref<250xi32, #tpu.memory_space<vmem>>) semaphore(%run_scoped3A_353 : memref<!tpu.dma_semaphore, #tpu.memory_space<semaphore_mem>>) {add = true}
        %dma_wait3A_360 = arith.constant 0 : i32
        %dma_wait3A_361 = tpu.memref_slice %arg11[%add3A_352, %dma_wait3A_360] : memref<20x250xi32, #tpu.memory_space<vmem>> -> memref<1x250xi32, #tpu.memory_space<vmem>>
        %dma_wait3A_362 = tpu.memref_squeeze %dma_wait3A_361 : memref<1x250xi32, #tpu.memory_space<vmem>> -> memref<250xi32, #tpu.memory_space<vmem>>
        %dma_wait3A_363 = arith.constant 0 : i32
        %dma_wait3A_364 = arith.constant 0 : i32
        %dma_wait3A_365 = tpu.memref_slice %arg9[%dma_wait3A_363, %dma_wait3A_364] : memref<10240x128xbf16, #tpu.memory_space<vmem_shared>> -> memref<10240x128xbf16, #tpu.memory_space<vmem_shared>>
        tpu.wait_indirect_dma semaphore(%run_scoped3A_353 : memref<!tpu.dma_semaphore, #tpu.memory_space<semaphore_mem>>) src(%arg14 : memref<250x128xbf16, #tpu.memory_space<vmem>>) dst(%dma_wait3A_365 : memref<10240x128xbf16, #tpu.memory_space<vmem_shared>>)
        tpu.yield
      }) : () -> ()
    }
    %scan3A_31 = arith.constant 6 : i32
    %dma_wait3A = arith.constant 18 : i32
    %dma_wait3A_32 = arith.constant 0 : i32
    %dma_wait3A_33 = tpu.memref_slice %arg10[%dma_wait3A, %dma_wait3A_32] : memref<20x250xi32, #tpu.memory_space<vmem>> -> memref<1x250xi32, #tpu.memory_space<vmem>>
    %dma_wait3A_34 = tpu.memref_squeeze %dma_wait3A_33 : memref<1x250xi32, #tpu.memory_space<vmem>> -> memref<250xi32, #tpu.memory_space<vmem>>
    %dma_wait3A_35 = arith.constant 0 : i32
    %dma_wait3A_36 = arith.constant 0 : i32
    %dma_wait3A_37 = tpu.memref_slice %arg2[%dma_wait3A_35, %dma_wait3A_36] : memref<10000x128xbf16, #tpu.memory_space<hbm>> -> memref<10000x128xbf16, #tpu.memory_space<hbm>>
    tpu.wait_indirect_dma semaphore(%arg15 : memref<!tpu.dma_semaphore, #tpu.memory_space<semaphore_mem>>) src(%dma_wait3A_37 : memref<10000x128xbf16, #tpu.memory_space<hbm>>) dst(%arg12 : memref<250x128xbf16, #tpu.memory_space<vmem>>)
    %run_scoped3A_38 = arith.constant 18 : i32
    "tpu.region"() ({
      %run_scoped3A_284 = tpu.sem_alloc : memref<!tpu.dma_semaphore, #tpu.memory_space<semaphore_mem>>
      %dma_start3A_285 = arith.constant 0 : i32
      %dma_start3A_286 = tpu.memref_slice %arg11[%run_scoped3A_38, %dma_start3A_285] : memref<20x250xi32, #tpu.memory_space<vmem>> -> memref<1x250xi32, #tpu.memory_space<vmem>>
      %dma_start3A_287 = tpu.memref_squeeze %dma_start3A_286 : memref<1x250xi32, #tpu.memory_space<vmem>> -> memref<250xi32, #tpu.memory_space<vmem>>
      %dma_start3A_288 = arith.constant 0 : i32
      %dma_start3A_289 = arith.constant 0 : i32
      %dma_start3A_290 = tpu.memref_slice %arg9[%dma_start3A_288, %dma_start3A_289] : memref<10240x128xbf16, #tpu.memory_space<vmem_shared>> -> memref<10240x128xbf16, #tpu.memory_space<vmem_shared>>
      tpu.enqueue_indirect_dma source(%arg12 : memref<250x128xbf16, #tpu.memory_space<vmem>>) target(%dma_start3A_290 : memref<10240x128xbf16, #tpu.memory_space<vmem_shared>>) offsets(%dma_start3A_287 : memref<250xi32, #tpu.memory_space<vmem>>) semaphore(%run_scoped3A_284 : memref<!tpu.dma_semaphore, #tpu.memory_space<semaphore_mem>>) {add = true}
      %dma_wait3A_291 = arith.constant 0 : i32
      %dma_wait3A_292 = tpu.memref_slice %arg11[%run_scoped3A_38, %dma_wait3A_291] : memref<20x250xi32, #tpu.memory_space<vmem>> -> memref<1x250xi32, #tpu.memory_space<vmem>>
      %dma_wait3A_293 = tpu.memref_squeeze %dma_wait3A_292 : memref<1x250xi32, #tpu.memory_space<vmem>> -> memref<250xi32, #tpu.memory_space<vmem>>
      %dma_wait3A_294 = arith.constant 0 : i32
      %dma_wait3A_295 = arith.constant 0 : i32
      %dma_wait3A_296 = tpu.memref_slice %arg9[%dma_wait3A_294, %dma_wait3A_295] : memref<10240x128xbf16, #tpu.memory_space<vmem_shared>> -> memref<10240x128xbf16, #tpu.memory_space<vmem_shared>>
      tpu.wait_indirect_dma semaphore(%run_scoped3A_284 : memref<!tpu.dma_semaphore, #tpu.memory_space<semaphore_mem>>) src(%arg12 : memref<250x128xbf16, #tpu.memory_space<vmem>>) dst(%dma_wait3A_296 : memref<10240x128xbf16, #tpu.memory_space<vmem_shared>>)
      tpu.yield
    }) : () -> ()
    %dma_wait3A_39 = arith.constant 19 : i32
    %dma_wait3A_40 = arith.constant 0 : i32
    %dma_wait3A_41 = tpu.memref_slice %arg10[%dma_wait3A_39, %dma_wait3A_40] : memref<20x250xi32, #tpu.memory_space<vmem>> -> memref<1x250xi32, #tpu.memory_space<vmem>>
    %dma_wait3A_42 = tpu.memref_squeeze %dma_wait3A_41 : memref<1x250xi32, #tpu.memory_space<vmem>> -> memref<250xi32, #tpu.memory_space<vmem>>
    %dma_wait3A_43 = arith.constant 0 : i32
    %dma_wait3A_44 = arith.constant 0 : i32
    %dma_wait3A_45 = tpu.memref_slice %arg2[%dma_wait3A_43, %dma_wait3A_44] : memref<10000x128xbf16, #tpu.memory_space<hbm>> -> memref<10000x128xbf16, #tpu.memory_space<hbm>>
    tpu.wait_indirect_dma semaphore(%arg16 : memref<!tpu.dma_semaphore, #tpu.memory_space<semaphore_mem>>) src(%dma_wait3A_45 : memref<10000x128xbf16, #tpu.memory_space<hbm>>) dst(%arg13 : memref<250x128xbf16, #tpu.memory_space<vmem>>)
    %run_scoped3A_46 = arith.constant 19 : i32
    "tpu.region"() ({
      %run_scoped3A_284 = tpu.sem_alloc : memref<!tpu.dma_semaphore, #tpu.memory_space<semaphore_mem>>
      %dma_start3A_285 = arith.constant 0 : i32
      %dma_start3A_286 = tpu.memref_slice %arg11[%run_scoped3A_46, %dma_start3A_285] : memref<20x250xi32, #tpu.memory_space<vmem>> -> memref<1x250xi32, #tpu.memory_space<vmem>>
      %dma_start3A_287 = tpu.memref_squeeze %dma_start3A_286 : memref<1x250xi32, #tpu.memory_space<vmem>> -> memref<250xi32, #tpu.memory_space<vmem>>
      %dma_start3A_288 = arith.constant 0 : i32
      %dma_start3A_289 = arith.constant 0 : i32
      %dma_start3A_290 = tpu.memref_slice %arg9[%dma_start3A_288, %dma_start3A_289] : memref<10240x128xbf16, #tpu.memory_space<vmem_shared>> -> memref<10240x128xbf16, #tpu.memory_space<vmem_shared>>
      tpu.enqueue_indirect_dma source(%arg13 : memref<250x128xbf16, #tpu.memory_space<vmem>>) target(%dma_start3A_290 : memref<10240x128xbf16, #tpu.memory_space<vmem_shared>>) offsets(%dma_start3A_287 : memref<250xi32, #tpu.memory_space<vmem>>) semaphore(%run_scoped3A_284 : memref<!tpu.dma_semaphore, #tpu.memory_space<semaphore_mem>>) {add = true}
      %dma_wait3A_291 = arith.constant 0 : i32
      %dma_wait3A_292 = tpu.memref_slice %arg11[%run_scoped3A_46, %dma_wait3A_291] : memref<20x250xi32, #tpu.memory_space<vmem>> -> memref<1x250xi32, #tpu.memory_space<vmem>>
      %dma_wait3A_293 = tpu.memref_squeeze %dma_wait3A_292 : memref<1x250xi32, #tpu.memory_space<vmem>> -> memref<250xi32, #tpu.memory_space<vmem>>
      %dma_wait3A_294 = arith.constant 0 : i32
      %dma_wait3A_295 = arith.constant 0 : i32
      %dma_wait3A_296 = tpu.memref_slice %arg9[%dma_wait3A_294, %dma_wait3A_295] : memref<10240x128xbf16, #tpu.memory_space<vmem_shared>> -> memref<10240x128xbf16, #tpu.memory_space<vmem_shared>>
      tpu.wait_indirect_dma semaphore(%run_scoped3A_284 : memref<!tpu.dma_semaphore, #tpu.memory_space<semaphore_mem>>) src(%arg13 : memref<250x128xbf16, #tpu.memory_space<vmem>>) dst(%dma_wait3A_296 : memref<10240x128xbf16, #tpu.memory_space<vmem_shared>>)
      tpu.yield
    }) : () -> ()
    %run_scoped3A_47 = arith.constant 0 : i32
    "tpu.region"() ({
      %run_scoped3A_284 = tpu.sem_alloc : memref<!tpu.dma_semaphore, #tpu.memory_space<semaphore_mem>>
      %dma_start3A_285 = arith.constant 20 : i32
      %dma_start3A_286 = arith.constant 0 : i32
      %dma_start3A_287 = tpu.memref_slice %arg5[%run_scoped3A_47, %add3A, %dma_start3A_285, %dma_start3A_286] : memref<2x32x40x250xi32, #tpu.memory_space<hbm>> -> memref<1x1x20x250xi32, #tpu.memory_space<hbm>>
      %dma_start3A_288 = tpu.memref_squeeze %dma_start3A_287 : memref<1x1x20x250xi32, #tpu.memory_space<hbm>> -> memref<20x250xi32, #tpu.memory_space<hbm>>
      %dma_start3A_289 = arith.constant 20 : i32
      %dma_start3A_290 = arith.constant 0 : i32
      %dma_start3A_291 = tpu.memref_slice %arg5[%run_scoped3A_47, %add3A, %dma_start3A_289, %dma_start3A_290] : memref<2x32x40x250xi32, #tpu.memory_space<hbm>> -> memref<1x1x20x250xi32, #tpu.memory_space<hbm>>
      %dma_start3A_292 = tpu.memref_squeeze %dma_start3A_291 : memref<1x1x20x250xi32, #tpu.memory_space<hbm>> -> memref<20x250xi32, #tpu.memory_space<hbm>>
      tpu.enqueue_dma source(%dma_start3A_292 : memref<20x250xi32, #tpu.memory_space<hbm>>) target(%arg10 : memref<20x250xi32, #tpu.memory_space<vmem>>) target_semaphore(%run_scoped3A_284 : memref<!tpu.dma_semaphore, #tpu.memory_space<semaphore_mem>>)
      %dma_wait3A_293 = arith.constant 20 : i32
      %dma_wait3A_294 = arith.constant 0 : i32
      %dma_wait3A_295 = tpu.memref_slice %arg5[%run_scoped3A_47, %add3A, %dma_wait3A_293, %dma_wait3A_294] : memref<2x32x40x250xi32, #tpu.memory_space<hbm>> -> memref<1x1x20x250xi32, #tpu.memory_space<hbm>>
      %dma_wait3A_296 = tpu.memref_squeeze %dma_wait3A_295 : memref<1x1x20x250xi32, #tpu.memory_space<hbm>> -> memref<20x250xi32, #tpu.memory_space<hbm>>
      %dma_wait3A_297 = arith.constant 20 : i32
      %dma_wait3A_298 = arith.constant 0 : i32
      %dma_wait3A_299 = tpu.memref_slice %arg5[%run_scoped3A_47, %add3A, %dma_wait3A_297, %dma_wait3A_298] : memref<2x32x40x250xi32, #tpu.memory_space<hbm>> -> memref<1x1x20x250xi32, #tpu.memory_space<hbm>>
      %dma_wait3A_300 = tpu.memref_squeeze %dma_wait3A_299 : memref<1x1x20x250xi32, #tpu.memory_space<hbm>> -> memref<20x250xi32, #tpu.memory_space<hbm>>
      tpu.wait_dma2 semaphore(%run_scoped3A_284 : memref<!tpu.dma_semaphore, #tpu.memory_space<semaphore_mem>>) src(%dma_wait3A_300 : memref<20x250xi32, #tpu.memory_space<hbm>>) dst(%arg10 : memref<20x250xi32, #tpu.memory_space<vmem>>)
      tpu.yield
    }) : () -> ()
    %run_scoped3A_48 = arith.constant 1 : i32
    "tpu.region"() ({
      %run_scoped3A_284 = tpu.sem_alloc : memref<!tpu.dma_semaphore, #tpu.memory_space<semaphore_mem>>
      %dma_start3A_285 = arith.constant 20 : i32
      %dma_start3A_286 = arith.constant 0 : i32
      %dma_start3A_287 = tpu.memref_slice %arg5[%run_scoped3A_48, %add3A, %dma_start3A_285, %dma_start3A_286] : memref<2x32x40x250xi32, #tpu.memory_space<hbm>> -> memref<1x1x20x250xi32, #tpu.memory_space<hbm>>
      %dma_start3A_288 = tpu.memref_squeeze %dma_start3A_287 : memref<1x1x20x250xi32, #tpu.memory_space<hbm>> -> memref<20x250xi32, #tpu.memory_space<hbm>>
      %dma_start3A_289 = arith.constant 20 : i32
      %dma_start3A_290 = arith.constant 0 : i32
      %dma_start3A_291 = tpu.memref_slice %arg5[%run_scoped3A_48, %add3A, %dma_start3A_289, %dma_start3A_290] : memref<2x32x40x250xi32, #tpu.memory_space<hbm>> -> memref<1x1x20x250xi32, #tpu.memory_space<hbm>>
      %dma_start3A_292 = tpu.memref_squeeze %dma_start3A_291 : memref<1x1x20x250xi32, #tpu.memory_space<hbm>> -> memref<20x250xi32, #tpu.memory_space<hbm>>
      tpu.enqueue_dma source(%dma_start3A_292 : memref<20x250xi32, #tpu.memory_space<hbm>>) target(%arg11 : memref<20x250xi32, #tpu.memory_space<vmem>>) target_semaphore(%run_scoped3A_284 : memref<!tpu.dma_semaphore, #tpu.memory_space<semaphore_mem>>)
      %dma_wait3A_293 = arith.constant 20 : i32
      %dma_wait3A_294 = arith.constant 0 : i32
      %dma_wait3A_295 = tpu.memref_slice %arg5[%run_scoped3A_48, %add3A, %dma_wait3A_293, %dma_wait3A_294] : memref<2x32x40x250xi32, #tpu.memory_space<hbm>> -> memref<1x1x20x250xi32, #tpu.memory_space<hbm>>
      %dma_wait3A_296 = tpu.memref_squeeze %dma_wait3A_295 : memref<1x1x20x250xi32, #tpu.memory_space<hbm>> -> memref<20x250xi32, #tpu.memory_space<hbm>>
      %dma_wait3A_297 = arith.constant 20 : i32
      %dma_wait3A_298 = arith.constant 0 : i32
      %dma_wait3A_299 = tpu.memref_slice %arg5[%run_scoped3A_48, %add3A, %dma_wait3A_297, %dma_wait3A_298] : memref<2x32x40x250xi32, #tpu.memory_space<hbm>> -> memref<1x1x20x250xi32, #tpu.memory_space<hbm>>
      %dma_wait3A_300 = tpu.memref_squeeze %dma_wait3A_299 : memref<1x1x20x250xi32, #tpu.memory_space<hbm>> -> memref<20x250xi32, #tpu.memory_space<hbm>>
      tpu.wait_dma2 semaphore(%run_scoped3A_284 : memref<!tpu.dma_semaphore, #tpu.memory_space<semaphore_mem>>) src(%dma_wait3A_300 : memref<20x250xi32, #tpu.memory_space<hbm>>) dst(%arg11 : memref<20x250xi32, #tpu.memory_space<vmem>>)
      tpu.yield
    }) : () -> ()
    %dma_start3A_49 = arith.constant 0 : i32
    %dma_start3A_50 = arith.constant 0 : i32
    %dma_start3A_51 = tpu.memref_slice %arg10[%dma_start3A_49, %dma_start3A_50] : memref<20x250xi32, #tpu.memory_space<vmem>> -> memref<1x250xi32, #tpu.memory_space<vmem>>
    %dma_start3A_52 = tpu.memref_squeeze %dma_start3A_51 : memref<1x250xi32, #tpu.memory_space<vmem>> -> memref<250xi32, #tpu.memory_space<vmem>>
    %dma_start3A_53 = arith.constant 0 : i32
    %dma_start3A_54 = arith.constant 0 : i32
    %dma_start3A_55 = tpu.memref_slice %arg2[%dma_start3A_53, %dma_start3A_54] : memref<10000x128xbf16, #tpu.memory_space<hbm>> -> memref<10000x128xbf16, #tpu.memory_space<hbm>>
    tpu.enqueue_indirect_dma source(%dma_start3A_55 : memref<10000x128xbf16, #tpu.memory_space<hbm>>) target(%arg12 : memref<250x128xbf16, #tpu.memory_space<vmem>>) offsets(%dma_start3A_52 : memref<250xi32, #tpu.memory_space<vmem>>) semaphore(%arg15 : memref<!tpu.dma_semaphore, #tpu.memory_space<semaphore_mem>>)
    %dma_start3A_56 = arith.constant 1 : i32
    %dma_start3A_57 = arith.constant 0 : i32
    %dma_start3A_58 = tpu.memref_slice %arg10[%dma_start3A_56, %dma_start3A_57] : memref<20x250xi32, #tpu.memory_space<vmem>> -> memref<1x250xi32, #tpu.memory_space<vmem>>
    %dma_start3A_59 = tpu.memref_squeeze %dma_start3A_58 : memref<1x250xi32, #tpu.memory_space<vmem>> -> memref<250xi32, #tpu.memory_space<vmem>>
    %dma_start3A_60 = arith.constant 0 : i32
    %dma_start3A_61 = arith.constant 0 : i32
    %dma_start3A_62 = tpu.memref_slice %arg2[%dma_start3A_60, %dma_start3A_61] : memref<10000x128xbf16, #tpu.memory_space<hbm>> -> memref<10000x128xbf16, #tpu.memory_space<hbm>>
    tpu.enqueue_indirect_dma source(%dma_start3A_62 : memref<10000x128xbf16, #tpu.memory_space<hbm>>) target(%arg13 : memref<250x128xbf16, #tpu.memory_space<vmem>>) offsets(%dma_start3A_59 : memref<250xi32, #tpu.memory_space<vmem>>) semaphore(%arg16 : memref<!tpu.dma_semaphore, #tpu.memory_space<semaphore_mem>>)
    %scan3A_63 = arith.constant 0 : i32
    %scan3A_64 = arith.constant 0 : i32
    %scan3A_65 = arith.constant 6 : i32
    %scan3A_66 = arith.addi %scan3A_64, %scan3A_65 : i32
    %scan3A_67 = arith.constant 1 : i32
    scf.for %scan3A_284 = %scan3A_64 to %scan3A_66 step %scan3A_67  : i32 {
      %mul3A_285 = arith.constant 3 : i32
      %mul3A_286 = arith.muli %mul3A_285, %scan3A_284 : i32
      %add3A_287 = arith.constant 2 : i32
      %add3A_288 = arith.addi %mul3A_286, %add3A_287 : i32
      %dma_start3A_289 = arith.constant 0 : i32
      %dma_start3A_290 = tpu.memref_slice %arg10[%add3A_288, %dma_start3A_289] : memref<20x250xi32, #tpu.memory_space<vmem>> -> memref<1x250xi32, #tpu.memory_space<vmem>>
      %dma_start3A_291 = tpu.memref_squeeze %dma_start3A_290 : memref<1x250xi32, #tpu.memory_space<vmem>> -> memref<250xi32, #tpu.memory_space<vmem>>
      %dma_start3A_292 = arith.constant 0 : i32
      %dma_start3A_293 = arith.constant 0 : i32
      %dma_start3A_294 = tpu.memref_slice %arg2[%dma_start3A_292, %dma_start3A_293] : memref<10000x128xbf16, #tpu.memory_space<hbm>> -> memref<10000x128xbf16, #tpu.memory_space<hbm>>
      tpu.enqueue_indirect_dma source(%dma_start3A_294 : memref<10000x128xbf16, #tpu.memory_space<hbm>>) target(%arg14 : memref<250x128xbf16, #tpu.memory_space<vmem>>) offsets(%dma_start3A_291 : memref<250xi32, #tpu.memory_space<vmem>>) semaphore(%arg17 : memref<!tpu.dma_semaphore, #tpu.memory_space<semaphore_mem>>)
      %mul3A_295 = arith.constant 3 : i32
      %mul3A_296 = arith.muli %mul3A_295, %scan3A_284 : i32
      %dma_wait3A_297 = arith.constant 0 : i32
      %dma_wait3A_298 = tpu.memref_slice %arg10[%mul3A_296, %dma_wait3A_297] : memref<20x250xi32, #tpu.memory_space<vmem>> -> memref<1x250xi32, #tpu.memory_space<vmem>>
      %dma_wait3A_299 = tpu.memref_squeeze %dma_wait3A_298 : memref<1x250xi32, #tpu.memory_space<vmem>> -> memref<250xi32, #tpu.memory_space<vmem>>
      %dma_wait3A_300 = arith.constant 0 : i32
      %dma_wait3A_301 = arith.constant 0 : i32
      %dma_wait3A_302 = tpu.memref_slice %arg2[%dma_wait3A_300, %dma_wait3A_301] : memref<10000x128xbf16, #tpu.memory_space<hbm>> -> memref<10000x128xbf16, #tpu.memory_space<hbm>>
      tpu.wait_indirect_dma semaphore(%arg15 : memref<!tpu.dma_semaphore, #tpu.memory_space<semaphore_mem>>) src(%dma_wait3A_302 : memref<10000x128xbf16, #tpu.memory_space<hbm>>) dst(%arg12 : memref<250x128xbf16, #tpu.memory_space<vmem>>)
      %mul3A_303 = arith.constant 3 : i32
      %mul3A_304 = arith.muli %mul3A_303, %scan3A_284 : i32
      "tpu.region"() ({
        %run_scoped3A_353 = tpu.sem_alloc : memref<!tpu.dma_semaphore, #tpu.memory_space<semaphore_mem>>
        %dma_start3A_354 = arith.constant 0 : i32
        %dma_start3A_355 = tpu.memref_slice %arg11[%mul3A_304, %dma_start3A_354] : memref<20x250xi32, #tpu.memory_space<vmem>> -> memref<1x250xi32, #tpu.memory_space<vmem>>
        %dma_start3A_356 = tpu.memref_squeeze %dma_start3A_355 : memref<1x250xi32, #tpu.memory_space<vmem>> -> memref<250xi32, #tpu.memory_space<vmem>>
        %dma_start3A_357 = arith.constant 0 : i32
        %dma_start3A_358 = arith.constant 0 : i32
        %dma_start3A_359 = tpu.memref_slice %arg9[%dma_start3A_357, %dma_start3A_358] : memref<10240x128xbf16, #tpu.memory_space<vmem_shared>> -> memref<10240x128xbf16, #tpu.memory_space<vmem_shared>>
        tpu.enqueue_indirect_dma source(%arg12 : memref<250x128xbf16, #tpu.memory_space<vmem>>) target(%dma_start3A_359 : memref<10240x128xbf16, #tpu.memory_space<vmem_shared>>) offsets(%dma_start3A_356 : memref<250xi32, #tpu.memory_space<vmem>>) semaphore(%run_scoped3A_353 : memref<!tpu.dma_semaphore, #tpu.memory_space<semaphore_mem>>) {add = true}
        %dma_wait3A_360 = arith.constant 0 : i32
        %dma_wait3A_361 = tpu.memref_slice %arg11[%mul3A_304, %dma_wait3A_360] : memref<20x250xi32, #tpu.memory_space<vmem>> -> memref<1x250xi32, #tpu.memory_space<vmem>>
        %dma_wait3A_362 = tpu.memref_squeeze %dma_wait3A_361 : memref<1x250xi32, #tpu.memory_space<vmem>> -> memref<250xi32, #tpu.memory_space<vmem>>
        %dma_wait3A_363 = arith.constant 0 : i32
        %dma_wait3A_364 = arith.constant 0 : i32
        %dma_wait3A_365 = tpu.memref_slice %arg9[%dma_wait3A_363, %dma_wait3A_364] : memref<10240x128xbf16, #tpu.memory_space<vmem_shared>> -> memref<10240x128xbf16, #tpu.memory_space<vmem_shared>>
        tpu.wait_indirect_dma semaphore(%run_scoped3A_353 : memref<!tpu.dma_semaphore, #tpu.memory_space<semaphore_mem>>) src(%arg12 : memref<250x128xbf16, #tpu.memory_space<vmem>>) dst(%dma_wait3A_365 : memref<10240x128xbf16, #tpu.memory_space<vmem_shared>>)
        tpu.yield
      }) : () -> ()
      %mul3A_305 = arith.constant 3 : i32
      %mul3A_306 = arith.muli %mul3A_305, %scan3A_284 : i32
      %add3A_307 = arith.constant 3 : i32
      %add3A_308 = arith.addi %mul3A_306, %add3A_307 : i32
      %dma_start3A_309 = arith.constant 0 : i32
      %dma_start3A_310 = tpu.memref_slice %arg10[%add3A_308, %dma_start3A_309] : memref<20x250xi32, #tpu.memory_space<vmem>> -> memref<1x250xi32, #tpu.memory_space<vmem>>
      %dma_start3A_311 = tpu.memref_squeeze %dma_start3A_310 : memref<1x250xi32, #tpu.memory_space<vmem>> -> memref<250xi32, #tpu.memory_space<vmem>>
      %dma_start3A_312 = arith.constant 0 : i32
      %dma_start3A_313 = arith.constant 0 : i32
      %dma_start3A_314 = tpu.memref_slice %arg2[%dma_start3A_312, %dma_start3A_313] : memref<10000x128xbf16, #tpu.memory_space<hbm>> -> memref<10000x128xbf16, #tpu.memory_space<hbm>>
      tpu.enqueue_indirect_dma source(%dma_start3A_314 : memref<10000x128xbf16, #tpu.memory_space<hbm>>) target(%arg12 : memref<250x128xbf16, #tpu.memory_space<vmem>>) offsets(%dma_start3A_311 : memref<250xi32, #tpu.memory_space<vmem>>) semaphore(%arg15 : memref<!tpu.dma_semaphore, #tpu.memory_space<semaphore_mem>>)
      %mul3A_315 = arith.constant 3 : i32
      %mul3A_316 = arith.muli %mul3A_315, %scan3A_284 : i32
      %add3A_317 = arith.constant 1 : i32
      %add3A_318 = arith.addi %mul3A_316, %add3A_317 : i32
      %dma_wait3A_319 = arith.constant 0 : i32
      %dma_wait3A_320 = tpu.memref_slice %arg10[%add3A_318, %dma_wait3A_319] : memref<20x250xi32, #tpu.memory_space<vmem>> -> memref<1x250xi32, #tpu.memory_space<vmem>>
      %dma_wait3A_321 = tpu.memref_squeeze %dma_wait3A_320 : memref<1x250xi32, #tpu.memory_space<vmem>> -> memref<250xi32, #tpu.memory_space<vmem>>
      %dma_wait3A_322 = arith.constant 0 : i32
      %dma_wait3A_323 = arith.constant 0 : i32
      %dma_wait3A_324 = tpu.memref_slice %arg2[%dma_wait3A_322, %dma_wait3A_323] : memref<10000x128xbf16, #tpu.memory_space<hbm>> -> memref<10000x128xbf16, #tpu.memory_space<hbm>>
      tpu.wait_indirect_dma semaphore(%arg16 : memref<!tpu.dma_semaphore, #tpu.memory_space<semaphore_mem>>) src(%dma_wait3A_324 : memref<10000x128xbf16, #tpu.memory_space<hbm>>) dst(%arg13 : memref<250x128xbf16, #tpu.memory_space<vmem>>)
      %mul3A_325 = arith.constant 3 : i32
      %mul3A_326 = arith.muli %mul3A_325, %scan3A_284 : i32
      %add3A_327 = arith.constant 1 : i32
      %add3A_328 = arith.addi %mul3A_326, %add3A_327 : i32
      "tpu.region"() ({
        %run_scoped3A_353 = tpu.sem_alloc : memref<!tpu.dma_semaphore, #tpu.memory_space<semaphore_mem>>
        %dma_start3A_354 = arith.constant 0 : i32
        %dma_start3A_355 = tpu.memref_slice %arg11[%add3A_328, %dma_start3A_354] : memref<20x250xi32, #tpu.memory_space<vmem>> -> memref<1x250xi32, #tpu.memory_space<vmem>>
        %dma_start3A_356 = tpu.memref_squeeze %dma_start3A_355 : memref<1x250xi32, #tpu.memory_space<vmem>> -> memref<250xi32, #tpu.memory_space<vmem>>
        %dma_start3A_357 = arith.constant 0 : i32
        %dma_start3A_358 = arith.constant 0 : i32
        %dma_start3A_359 = tpu.memref_slice %arg9[%dma_start3A_357, %dma_start3A_358] : memref<10240x128xbf16, #tpu.memory_space<vmem_shared>> -> memref<10240x128xbf16, #tpu.memory_space<vmem_shared>>
        tpu.enqueue_indirect_dma source(%arg13 : memref<250x128xbf16, #tpu.memory_space<vmem>>) target(%dma_start3A_359 : memref<10240x128xbf16, #tpu.memory_space<vmem_shared>>) offsets(%dma_start3A_356 : memref<250xi32, #tpu.memory_space<vmem>>) semaphore(%run_scoped3A_353 : memref<!tpu.dma_semaphore, #tpu.memory_space<semaphore_mem>>) {add = true}
        %dma_wait3A_360 = arith.constant 0 : i32
        %dma_wait3A_361 = tpu.memref_slice %arg11[%add3A_328, %dma_wait3A_360] : memref<20x250xi32, #tpu.memory_space<vmem>> -> memref<1x250xi32, #tpu.memory_space<vmem>>
        %dma_wait3A_362 = tpu.memref_squeeze %dma_wait3A_361 : memref<1x250xi32, #tpu.memory_space<vmem>> -> memref<250xi32, #tpu.memory_space<vmem>>
        %dma_wait3A_363 = arith.constant 0 : i32
        %dma_wait3A_364 = arith.constant 0 : i32
        %dma_wait3A_365 = tpu.memref_slice %arg9[%dma_wait3A_363, %dma_wait3A_364] : memref<10240x128xbf16, #tpu.memory_space<vmem_shared>> -> memref<10240x128xbf16, #tpu.memory_space<vmem_shared>>
        tpu.wait_indirect_dma semaphore(%run_scoped3A_353 : memref<!tpu.dma_semaphore, #tpu.memory_space<semaphore_mem>>) src(%arg13 : memref<250x128xbf16, #tpu.memory_space<vmem>>) dst(%dma_wait3A_365 : memref<10240x128xbf16, #tpu.memory_space<vmem_shared>>)
        tpu.yield
      }) : () -> ()
      %mul3A_329 = arith.constant 3 : i32
      %mul3A_330 = arith.muli %mul3A_329, %scan3A_284 : i32
      %add3A_331 = arith.constant 4 : i32
      %add3A_332 = arith.addi %mul3A_330, %add3A_331 : i32
      %dma_start3A_333 = arith.constant 0 : i32
      %dma_start3A_334 = tpu.memref_slice %arg10[%add3A_332, %dma_start3A_333] : memref<20x250xi32, #tpu.memory_space<vmem>> -> memref<1x250xi32, #tpu.memory_space<vmem>>
      %dma_start3A_335 = tpu.memref_squeeze %dma_start3A_334 : memref<1x250xi32, #tpu.memory_space<vmem>> -> memref<250xi32, #tpu.memory_space<vmem>>
      %dma_start3A_336 = arith.constant 0 : i32
      %dma_start3A_337 = arith.constant 0 : i32
      %dma_start3A_338 = tpu.memref_slice %arg2[%dma_start3A_336, %dma_start3A_337] : memref<10000x128xbf16, #tpu.memory_space<hbm>> -> memref<10000x128xbf16, #tpu.memory_space<hbm>>
      tpu.enqueue_indirect_dma source(%dma_start3A_338 : memref<10000x128xbf16, #tpu.memory_space<hbm>>) target(%arg13 : memref<250x128xbf16, #tpu.memory_space<vmem>>) offsets(%dma_start3A_335 : memref<250xi32, #tpu.memory_space<vmem>>) semaphore(%arg16 : memref<!tpu.dma_semaphore, #tpu.memory_space<semaphore_mem>>)
      %mul3A_339 = arith.constant 3 : i32
      %mul3A_340 = arith.muli %mul3A_339, %scan3A_284 : i32
      %add3A_341 = arith.constant 2 : i32
      %add3A_342 = arith.addi %mul3A_340, %add3A_341 : i32
      %dma_wait3A_343 = arith.constant 0 : i32
      %dma_wait3A_344 = tpu.memref_slice %arg10[%add3A_342, %dma_wait3A_343] : memref<20x250xi32, #tpu.memory_space<vmem>> -> memref<1x250xi32, #tpu.memory_space<vmem>>
      %dma_wait3A_345 = tpu.memref_squeeze %dma_wait3A_344 : memref<1x250xi32, #tpu.memory_space<vmem>> -> memref<250xi32, #tpu.memory_space<vmem>>
      %dma_wait3A_346 = arith.constant 0 : i32
      %dma_wait3A_347 = arith.constant 0 : i32
      %dma_wait3A_348 = tpu.memref_slice %arg2[%dma_wait3A_346, %dma_wait3A_347] : memref<10000x128xbf16, #tpu.memory_space<hbm>> -> memref<10000x128xbf16, #tpu.memory_space<hbm>>
      tpu.wait_indirect_dma semaphore(%arg17 : memref<!tpu.dma_semaphore, #tpu.memory_space<semaphore_mem>>) src(%dma_wait3A_348 : memref<10000x128xbf16, #tpu.memory_space<hbm>>) dst(%arg14 : memref<250x128xbf16, #tpu.memory_space<vmem>>)
      %mul3A_349 = arith.constant 3 : i32
      %mul3A_350 = arith.muli %mul3A_349, %scan3A_284 : i32
      %add3A_351 = arith.constant 2 : i32
      %add3A_352 = arith.addi %mul3A_350, %add3A_351 : i32
      "tpu.region"() ({
        %run_scoped3A_353 = tpu.sem_alloc : memref<!tpu.dma_semaphore, #tpu.memory_space<semaphore_mem>>
        %dma_start3A_354 = arith.constant 0 : i32
        %dma_start3A_355 = tpu.memref_slice %arg11[%add3A_352, %dma_start3A_354] : memref<20x250xi32, #tpu.memory_space<vmem>> -> memref<1x250xi32, #tpu.memory_space<vmem>>
        %dma_start3A_356 = tpu.memref_squeeze %dma_start3A_355 : memref<1x250xi32, #tpu.memory_space<vmem>> -> memref<250xi32, #tpu.memory_space<vmem>>
        %dma_start3A_357 = arith.constant 0 : i32
        %dma_start3A_358 = arith.constant 0 : i32
        %dma_start3A_359 = tpu.memref_slice %arg9[%dma_start3A_357, %dma_start3A_358] : memref<10240x128xbf16, #tpu.memory_space<vmem_shared>> -> memref<10240x128xbf16, #tpu.memory_space<vmem_shared>>
        tpu.enqueue_indirect_dma source(%arg14 : memref<250x128xbf16, #tpu.memory_space<vmem>>) target(%dma_start3A_359 : memref<10240x128xbf16, #tpu.memory_space<vmem_shared>>) offsets(%dma_start3A_356 : memref<250xi32, #tpu.memory_space<vmem>>) semaphore(%run_scoped3A_353 : memref<!tpu.dma_semaphore, #tpu.memory_space<semaphore_mem>>) {add = true}
        %dma_wait3A_360 = arith.constant 0 : i32
        %dma_wait3A_361 = tpu.memref_slice %arg11[%add3A_352, %dma_wait3A_360] : memref<20x250xi32, #tpu.memory_space<vmem>> -> memref<1x250xi32, #tpu.memory_space<vmem>>
        %dma_wait3A_362 = tpu.memref_squeeze %dma_wait3A_361 : memref<1x250xi32, #tpu.memory_space<vmem>> -> memref<250xi32, #tpu.memory_space<vmem>>
        %dma_wait3A_363 = arith.constant 0 : i32
        %dma_wait3A_364 = arith.constant 0 : i32
        %dma_wait3A_365 = tpu.memref_slice %arg9[%dma_wait3A_363, %dma_wait3A_364] : memref<10240x128xbf16, #tpu.memory_space<vmem_shared>> -> memref<10240x128xbf16, #tpu.memory_space<vmem_shared>>
        tpu.wait_indirect_dma semaphore(%run_scoped3A_353 : memref<!tpu.dma_semaphore, #tpu.memory_space<semaphore_mem>>) src(%arg14 : memref<250x128xbf16, #tpu.memory_space<vmem>>) dst(%dma_wait3A_365 : memref<10240x128xbf16, #tpu.memory_space<vmem_shared>>)
        tpu.yield
      }) : () -> ()
    }
    %scan3A_68 = arith.constant 6 : i32
    %dma_wait3A_69 = arith.constant 18 : i32
    %dma_wait3A_70 = arith.constant 0 : i32
    %dma_wait3A_71 = tpu.memref_slice %arg10[%dma_wait3A_69, %dma_wait3A_70] : memref<20x250xi32, #tpu.memory_space<vmem>> -> memref<1x250xi32, #tpu.memory_space<vmem>>
    %dma_wait3A_72 = tpu.memref_squeeze %dma_wait3A_71 : memref<1x250xi32, #tpu.memory_space<vmem>> -> memref<250xi32, #tpu.memory_space<vmem>>
    %dma_wait3A_73 = arith.constant 0 : i32
    %dma_wait3A_74 = arith.constant 0 : i32
    %dma_wait3A_75 = tpu.memref_slice %arg2[%dma_wait3A_73, %dma_wait3A_74] : memref<10000x128xbf16, #tpu.memory_space<hbm>> -> memref<10000x128xbf16, #tpu.memory_space<hbm>>
    tpu.wait_indirect_dma semaphore(%arg15 : memref<!tpu.dma_semaphore, #tpu.memory_space<semaphore_mem>>) src(%dma_wait3A_75 : memref<10000x128xbf16, #tpu.memory_space<hbm>>) dst(%arg12 : memref<250x128xbf16, #tpu.memory_space<vmem>>)
    %run_scoped3A_76 = arith.constant 18 : i32
    "tpu.region"() ({
      %run_scoped3A_284 = tpu.sem_alloc : memref<!tpu.dma_semaphore, #tpu.memory_space<semaphore_mem>>
      %dma_start3A_285 = arith.constant 0 : i32
      %dma_start3A_286 = tpu.memref_slice %arg11[%run_scoped3A_76, %dma_start3A_285] : memref<20x250xi32, #tpu.memory_space<vmem>> -> memref<1x250xi32, #tpu.memory_space<vmem>>
      %dma_start3A_287 = tpu.memref_squeeze %dma_start3A_286 : memref<1x250xi32, #tpu.memory_space<vmem>> -> memref<250xi32, #tpu.memory_space<vmem>>
      %dma_start3A_288 = arith.constant 0 : i32
      %dma_start3A_289 = arith.constant 0 : i32
      %dma_start3A_290 = tpu.memref_slice %arg9[%dma_start3A_288, %dma_start3A_289] : memref<10240x128xbf16, #tpu.memory_space<vmem_shared>> -> memref<10240x128xbf16, #tpu.memory_space<vmem_shared>>
      tpu.enqueue_indirect_dma source(%arg12 : memref<250x128xbf16, #tpu.memory_space<vmem>>) target(%dma_start3A_290 : memref<10240x128xbf16, #tpu.memory_space<vmem_shared>>) offsets(%dma_start3A_287 : memref<250xi32, #tpu.memory_space<vmem>>) semaphore(%run_scoped3A_284 : memref<!tpu.dma_semaphore, #tpu.memory_space<semaphore_mem>>) {add = true}
      %dma_wait3A_291 = arith.constant 0 : i32
      %dma_wait3A_292 = tpu.memref_slice %arg11[%run_scoped3A_76, %dma_wait3A_291] : memref<20x250xi32, #tpu.memory_space<vmem>> -> memref<1x250xi32, #tpu.memory_space<vmem>>
      %dma_wait3A_293 = tpu.memref_squeeze %dma_wait3A_292 : memref<1x250xi32, #tpu.memory_space<vmem>> -> memref<250xi32, #tpu.memory_space<vmem>>
      %dma_wait3A_294 = arith.constant 0 : i32
      %dma_wait3A_295 = arith.constant 0 : i32
      %dma_wait3A_296 = tpu.memref_slice %arg9[%dma_wait3A_294, %dma_wait3A_295] : memref<10240x128xbf16, #tpu.memory_space<vmem_shared>> -> memref<10240x128xbf16, #tpu.memory_space<vmem_shared>>
      tpu.wait_indirect_dma semaphore(%run_scoped3A_284 : memref<!tpu.dma_semaphore, #tpu.memory_space<semaphore_mem>>) src(%arg12 : memref<250x128xbf16, #tpu.memory_space<vmem>>) dst(%dma_wait3A_296 : memref<10240x128xbf16, #tpu.memory_space<vmem_shared>>)
      tpu.yield
    }) : () -> ()
    %dma_wait3A_77 = arith.constant 19 : i32
    %dma_wait3A_78 = arith.constant 0 : i32
    %dma_wait3A_79 = tpu.memref_slice %arg10[%dma_wait3A_77, %dma_wait3A_78] : memref<20x250xi32, #tpu.memory_space<vmem>> -> memref<1x250xi32, #tpu.memory_space<vmem>>
    %dma_wait3A_80 = tpu.memref_squeeze %dma_wait3A_79 : memref<1x250xi32, #tpu.memory_space<vmem>> -> memref<250xi32, #tpu.memory_space<vmem>>
    %dma_wait3A_81 = arith.constant 0 : i32
    %dma_wait3A_82 = arith.constant 0 : i32
    %dma_wait3A_83 = tpu.memref_slice %arg2[%dma_wait3A_81, %dma_wait3A_82] : memref<10000x128xbf16, #tpu.memory_space<hbm>> -> memref<10000x128xbf16, #tpu.memory_space<hbm>>
    tpu.wait_indirect_dma semaphore(%arg16 : memref<!tpu.dma_semaphore, #tpu.memory_space<semaphore_mem>>) src(%dma_wait3A_83 : memref<10000x128xbf16, #tpu.memory_space<hbm>>) dst(%arg13 : memref<250x128xbf16, #tpu.memory_space<vmem>>)
    %run_scoped3A_84 = arith.constant 19 : i32
    "tpu.region"() ({
      %run_scoped3A_284 = tpu.sem_alloc : memref<!tpu.dma_semaphore, #tpu.memory_space<semaphore_mem>>
      %dma_start3A_285 = arith.constant 0 : i32
      %dma_start3A_286 = tpu.memref_slice %arg11[%run_scoped3A_84, %dma_start3A_285] : memref<20x250xi32, #tpu.memory_space<vmem>> -> memref<1x250xi32, #tpu.memory_space<vmem>>
      %dma_start3A_287 = tpu.memref_squeeze %dma_start3A_286 : memref<1x250xi32, #tpu.memory_space<vmem>> -> memref<250xi32, #tpu.memory_space<vmem>>
      %dma_start3A_288 = arith.constant 0 : i32
      %dma_start3A_289 = arith.constant 0 : i32
      %dma_start3A_290 = tpu.memref_slice %arg9[%dma_start3A_288, %dma_start3A_289] : memref<10240x128xbf16, #tpu.memory_space<vmem_shared>> -> memref<10240x128xbf16, #tpu.memory_space<vmem_shared>>
      tpu.enqueue_indirect_dma source(%arg13 : memref<250x128xbf16, #tpu.memory_space<vmem>>) target(%dma_start3A_290 : memref<10240x128xbf16, #tpu.memory_space<vmem_shared>>) offsets(%dma_start3A_287 : memref<250xi32, #tpu.memory_space<vmem>>) semaphore(%run_scoped3A_284 : memref<!tpu.dma_semaphore, #tpu.memory_space<semaphore_mem>>) {add = true}
      %dma_wait3A_291 = arith.constant 0 : i32
      %dma_wait3A_292 = tpu.memref_slice %arg11[%run_scoped3A_84, %dma_wait3A_291] : memref<20x250xi32, #tpu.memory_space<vmem>> -> memref<1x250xi32, #tpu.memory_space<vmem>>
      %dma_wait3A_293 = tpu.memref_squeeze %dma_wait3A_292 : memref<1x250xi32, #tpu.memory_space<vmem>> -> memref<250xi32, #tpu.memory_space<vmem>>
      %dma_wait3A_294 = arith.constant 0 : i32
      %dma_wait3A_295 = arith.constant 0 : i32
      %dma_wait3A_296 = tpu.memref_slice %arg9[%dma_wait3A_294, %dma_wait3A_295] : memref<10240x128xbf16, #tpu.memory_space<vmem_shared>> -> memref<10240x128xbf16, #tpu.memory_space<vmem_shared>>
      tpu.wait_indirect_dma semaphore(%run_scoped3A_284 : memref<!tpu.dma_semaphore, #tpu.memory_space<semaphore_mem>>) src(%arg13 : memref<250x128xbf16, #tpu.memory_space<vmem>>) dst(%dma_wait3A_296 : memref<10240x128xbf16, #tpu.memory_space<vmem_shared>>)
      tpu.yield
    }) : () -> ()
    %barrier3A_85 = arith.constant 0 : index
    tpu.barrier barrier_id(%barrier3A_85)
    %scan3A_86 = arith.constant 0 : i32
    %scan3A_87 = arith.constant 0 : i32
    %scan3A_88 = arith.constant 4 : i32
    %scan3A_89 = arith.addi %scan3A_87, %scan3A_88 : i32
    %scan3A_90 = arith.constant 1 : i32
    scf.for %scan3A_284 = %scan3A_87 to %scan3A_89 step %scan3A_90  : i32 {
      %mul3A_285 = arith.constant 640 : i32
      %mul3A_286 = arith.muli %arg1, %mul3A_285 : i32
      %mul3A_287 = arith.constant 2 : i32
      %mul3A_288 = arith.muli %mul3A_287, %scan3A_284 : i32
      %mul3A_289 = arith.constant 80 : i32
      %mul3A_290 = arith.muli %mul3A_288, %mul3A_289 : i32
      %add3A_291 = arith.addi %mul3A_286, %mul3A_290 : i32
      %add3A_292 = arith.constant 80 : i32
      %add3A_293 = arith.addi %add3A_291, %add3A_292 : i32
      "tpu.region"() ({
        %run_scoped3A_346 = tpu.sem_alloc : memref<!tpu.dma_semaphore, #tpu.memory_space<semaphore_mem>>
        %dma_start3A_347 = arith.constant 0 : i32
        %dma_start3A_348 = arith.constant 0 : i32
        %dma_start3A_349 = tpu.memref_slice %arg12[%dma_start3A_347, %dma_start3A_348] : memref<250x128xbf16, #tpu.memory_space<vmem>> -> memref<80x128xbf16, #tpu.memory_space<vmem>>
        %dma_start3A_350 = arith.constant 0 : i32
        %dma_start3A_351 = tpu.memref_slice %arg9[%add3A_291, %dma_start3A_350] : memref<10240x128xbf16, #tpu.memory_space<vmem_shared>> -> memref<80x128xbf16, #tpu.memory_space<vmem_shared>>
        %dma_start3A_352 = arith.constant 0 : i32
        %dma_start3A_353 = arith.constant 0 : i32
        %dma_start3A_354 = tpu.memref_slice %arg12[%dma_start3A_352, %dma_start3A_353] : memref<250x128xbf16, #tpu.memory_space<vmem>> -> memref<80x128xbf16, #tpu.memory_space<vmem>>
        %dma_start3A_355 = arith.constant 0 : i32
        %dma_start3A_356 = tpu.memref_slice %arg9[%add3A_291, %dma_start3A_355] : memref<10240x128xbf16, #tpu.memory_space<vmem_shared>> -> memref<80x128xbf16, #tpu.memory_space<vmem_shared>>
        tpu.enqueue_dma source(%dma_start3A_356 : memref<80x128xbf16, #tpu.memory_space<vmem_shared>>) target(%dma_start3A_354 : memref<80x128xbf16, #tpu.memory_space<vmem>>) target_semaphore(%run_scoped3A_346 : memref<!tpu.dma_semaphore, #tpu.memory_space<semaphore_mem>>)
        %dma_wait3A_357 = arith.constant 0 : i32
        %dma_wait3A_358 = arith.constant 0 : i32
        %dma_wait3A_359 = tpu.memref_slice %arg12[%dma_wait3A_357, %dma_wait3A_358] : memref<250x128xbf16, #tpu.memory_space<vmem>> -> memref<80x128xbf16, #tpu.memory_space<vmem>>
        %dma_wait3A_360 = arith.constant 0 : i32
        %dma_wait3A_361 = tpu.memref_slice %arg9[%add3A_291, %dma_wait3A_360] : memref<10240x128xbf16, #tpu.memory_space<vmem_shared>> -> memref<80x128xbf16, #tpu.memory_space<vmem_shared>>
        %dma_wait3A_362 = arith.constant 0 : i32
        %dma_wait3A_363 = arith.constant 0 : i32
        %dma_wait3A_364 = tpu.memref_slice %arg12[%dma_wait3A_362, %dma_wait3A_363] : memref<250x128xbf16, #tpu.memory_space<vmem>> -> memref<80x128xbf16, #tpu.memory_space<vmem>>
        %dma_wait3A_365 = arith.constant 0 : i32
        %dma_wait3A_366 = tpu.memref_slice %arg9[%add3A_291, %dma_wait3A_365] : memref<10240x128xbf16, #tpu.memory_space<vmem_shared>> -> memref<80x128xbf16, #tpu.memory_space<vmem_shared>>
        tpu.wait_dma2 semaphore(%run_scoped3A_346 : memref<!tpu.dma_semaphore, #tpu.memory_space<semaphore_mem>>) src(%dma_wait3A_366 : memref<80x128xbf16, #tpu.memory_space<vmem_shared>>) dst(%dma_wait3A_364 : memref<80x128xbf16, #tpu.memory_space<vmem>>)
        tpu.yield
      }) : () -> ()
      %dma_start3A_294 = arith.constant 0 : i32
      %dma_start3A_295 = arith.constant 0 : i32
      %dma_start3A_296 = arith.constant 0 : i32
      %dma_start3A_297 = tpu.memref_slice %arg12[%dma_start3A_295, %dma_start3A_296] : memref<250x128xbf16, #tpu.memory_space<vmem>> -> memref<80x128xbf16, #tpu.memory_space<vmem>>
      %dma_start3A_298 = arith.constant 0 : i32
      %dma_start3A_299 = tpu.memref_slice %arg8[%dma_start3A_294, %arg0, %add3A_291, %dma_start3A_298] : memref<3x2x10240x128xbf16, #tpu.memory_space<hbm>> -> memref<1x1x80x128xbf16, #tpu.memory_space<hbm>>
      %dma_start3A_300 = tpu.memref_squeeze %dma_start3A_299 : memref<1x1x80x128xbf16, #tpu.memory_space<hbm>> -> memref<80x128xbf16, #tpu.memory_space<hbm>>
      %dma_start3A_301 = arith.constant 0 : i32
      %dma_start3A_302 = tpu.memref_slice %arg8[%dma_start3A_294, %arg0, %add3A_291, %dma_start3A_301] : memref<3x2x10240x128xbf16, #tpu.memory_space<hbm>> -> memref<1x1x80x128xbf16, #tpu.memory_space<hbm>>
      %dma_start3A_303 = tpu.memref_squeeze %dma_start3A_302 : memref<1x1x80x128xbf16, #tpu.memory_space<hbm>> -> memref<80x128xbf16, #tpu.memory_space<hbm>>
      %dma_start3A_304 = arith.constant 0 : i32
      %dma_start3A_305 = arith.constant 0 : i32
      %dma_start3A_306 = tpu.memref_slice %arg12[%dma_start3A_304, %dma_start3A_305] : memref<250x128xbf16, #tpu.memory_space<vmem>> -> memref<80x128xbf16, #tpu.memory_space<vmem>>
      tpu.enqueue_dma source(%dma_start3A_306 : memref<80x128xbf16, #tpu.memory_space<vmem>>) target(%dma_start3A_303 : memref<80x128xbf16, #tpu.memory_space<hbm>>) target_semaphore(%arg15 : memref<!tpu.dma_semaphore, #tpu.memory_space<semaphore_mem>>)
      "tpu.region"() ({
        %run_scoped3A_346 = tpu.sem_alloc : memref<!tpu.dma_semaphore, #tpu.memory_space<semaphore_mem>>
        %dma_start3A_347 = arith.constant 0 : i32
        %dma_start3A_348 = arith.constant 0 : i32
        %dma_start3A_349 = tpu.memref_slice %arg13[%dma_start3A_347, %dma_start3A_348] : memref<250x128xbf16, #tpu.memory_space<vmem>> -> memref<80x128xbf16, #tpu.memory_space<vmem>>
        %dma_start3A_350 = arith.constant 0 : i32
        %dma_start3A_351 = tpu.memref_slice %arg9[%add3A_293, %dma_start3A_350] : memref<10240x128xbf16, #tpu.memory_space<vmem_shared>> -> memref<80x128xbf16, #tpu.memory_space<vmem_shared>>
        %dma_start3A_352 = arith.constant 0 : i32
        %dma_start3A_353 = arith.constant 0 : i32
        %dma_start3A_354 = tpu.memref_slice %arg13[%dma_start3A_352, %dma_start3A_353] : memref<250x128xbf16, #tpu.memory_space<vmem>> -> memref<80x128xbf16, #tpu.memory_space<vmem>>
        %dma_start3A_355 = arith.constant 0 : i32
        %dma_start3A_356 = tpu.memref_slice %arg9[%add3A_293, %dma_start3A_355] : memref<10240x128xbf16, #tpu.memory_space<vmem_shared>> -> memref<80x128xbf16, #tpu.memory_space<vmem_shared>>
        tpu.enqueue_dma source(%dma_start3A_356 : memref<80x128xbf16, #tpu.memory_space<vmem_shared>>) target(%dma_start3A_354 : memref<80x128xbf16, #tpu.memory_space<vmem>>) target_semaphore(%run_scoped3A_346 : memref<!tpu.dma_semaphore, #tpu.memory_space<semaphore_mem>>)
        %dma_wait3A_357 = arith.constant 0 : i32
        %dma_wait3A_358 = arith.constant 0 : i32
        %dma_wait3A_359 = tpu.memref_slice %arg13[%dma_wait3A_357, %dma_wait3A_358] : memref<250x128xbf16, #tpu.memory_space<vmem>> -> memref<80x128xbf16, #tpu.memory_space<vmem>>
        %dma_wait3A_360 = arith.constant 0 : i32
        %dma_wait3A_361 = tpu.memref_slice %arg9[%add3A_293, %dma_wait3A_360] : memref<10240x128xbf16, #tpu.memory_space<vmem_shared>> -> memref<80x128xbf16, #tpu.memory_space<vmem_shared>>
        %dma_wait3A_362 = arith.constant 0 : i32
        %dma_wait3A_363 = arith.constant 0 : i32
        %dma_wait3A_364 = tpu.memref_slice %arg13[%dma_wait3A_362, %dma_wait3A_363] : memref<250x128xbf16, #tpu.memory_space<vmem>> -> memref<80x128xbf16, #tpu.memory_space<vmem>>
        %dma_wait3A_365 = arith.constant 0 : i32
        %dma_wait3A_366 = tpu.memref_slice %arg9[%add3A_293, %dma_wait3A_365] : memref<10240x128xbf16, #tpu.memory_space<vmem_shared>> -> memref<80x128xbf16, #tpu.memory_space<vmem_shared>>
        tpu.wait_dma2 semaphore(%run_scoped3A_346 : memref<!tpu.dma_semaphore, #tpu.memory_space<semaphore_mem>>) src(%dma_wait3A_366 : memref<80x128xbf16, #tpu.memory_space<vmem_shared>>) dst(%dma_wait3A_364 : memref<80x128xbf16, #tpu.memory_space<vmem>>)
        tpu.yield
      }) : () -> ()
      %dma_start3A_307 = arith.constant 0 : i32
      %dma_start3A_308 = arith.constant 0 : i32
      %dma_start3A_309 = arith.constant 0 : i32
      %dma_start3A_310 = tpu.memref_slice %arg13[%dma_start3A_308, %dma_start3A_309] : memref<250x128xbf16, #tpu.memory_space<vmem>> -> memref<80x128xbf16, #tpu.memory_space<vmem>>
      %dma_start3A_311 = arith.constant 0 : i32
      %dma_start3A_312 = tpu.memref_slice %arg8[%dma_start3A_307, %arg0, %add3A_293, %dma_start3A_311] : memref<3x2x10240x128xbf16, #tpu.memory_space<hbm>> -> memref<1x1x80x128xbf16, #tpu.memory_space<hbm>>
      %dma_start3A_313 = tpu.memref_squeeze %dma_start3A_312 : memref<1x1x80x128xbf16, #tpu.memory_space<hbm>> -> memref<80x128xbf16, #tpu.memory_space<hbm>>
      %dma_start3A_314 = arith.constant 0 : i32
      %dma_start3A_315 = tpu.memref_slice %arg8[%dma_start3A_307, %arg0, %add3A_293, %dma_start3A_314] : memref<3x2x10240x128xbf16, #tpu.memory_space<hbm>> -> memref<1x1x80x128xbf16, #tpu.memory_space<hbm>>
      %dma_start3A_316 = tpu.memref_squeeze %dma_start3A_315 : memref<1x1x80x128xbf16, #tpu.memory_space<hbm>> -> memref<80x128xbf16, #tpu.memory_space<hbm>>
      %dma_start3A_317 = arith.constant 0 : i32
      %dma_start3A_318 = arith.constant 0 : i32
      %dma_start3A_319 = tpu.memref_slice %arg13[%dma_start3A_317, %dma_start3A_318] : memref<250x128xbf16, #tpu.memory_space<vmem>> -> memref<80x128xbf16, #tpu.memory_space<vmem>>
      tpu.enqueue_dma source(%dma_start3A_319 : memref<80x128xbf16, #tpu.memory_space<vmem>>) target(%dma_start3A_316 : memref<80x128xbf16, #tpu.memory_space<hbm>>) target_semaphore(%arg16 : memref<!tpu.dma_semaphore, #tpu.memory_space<semaphore_mem>>)
      %dma_wait3A_320 = arith.constant 0 : i32
      %dma_wait3A_321 = arith.constant 0 : i32
      %dma_wait3A_322 = arith.constant 0 : i32
      %dma_wait3A_323 = tpu.memref_slice %arg12[%dma_wait3A_321, %dma_wait3A_322] : memref<250x128xbf16, #tpu.memory_space<vmem>> -> memref<80x128xbf16, #tpu.memory_space<vmem>>
      %dma_wait3A_324 = arith.constant 0 : i32
      %dma_wait3A_325 = tpu.memref_slice %arg8[%dma_wait3A_320, %arg0, %add3A_291, %dma_wait3A_324] : memref<3x2x10240x128xbf16, #tpu.memory_space<hbm>> -> memref<1x1x80x128xbf16, #tpu.memory_space<hbm>>
      %dma_wait3A_326 = tpu.memref_squeeze %dma_wait3A_325 : memref<1x1x80x128xbf16, #tpu.memory_space<hbm>> -> memref<80x128xbf16, #tpu.memory_space<hbm>>
      %dma_wait3A_327 = arith.constant 0 : i32
      %dma_wait3A_328 = tpu.memref_slice %arg8[%dma_wait3A_320, %arg0, %add3A_291, %dma_wait3A_327] : memref<3x2x10240x128xbf16, #tpu.memory_space<hbm>> -> memref<1x1x80x128xbf16, #tpu.memory_space<hbm>>
      %dma_wait3A_329 = tpu.memref_squeeze %dma_wait3A_328 : memref<1x1x80x128xbf16, #tpu.memory_space<hbm>> -> memref<80x128xbf16, #tpu.memory_space<hbm>>
      %dma_wait3A_330 = arith.constant 0 : i32
      %dma_wait3A_331 = arith.constant 0 : i32
      %dma_wait3A_332 = tpu.memref_slice %arg12[%dma_wait3A_330, %dma_wait3A_331] : memref<250x128xbf16, #tpu.memory_space<vmem>> -> memref<80x128xbf16, #tpu.memory_space<vmem>>
      tpu.wait_dma2 semaphore(%arg15 : memref<!tpu.dma_semaphore, #tpu.memory_space<semaphore_mem>>) src(%dma_wait3A_332 : memref<80x128xbf16, #tpu.memory_space<vmem>>) dst(%dma_wait3A_329 : memref<80x128xbf16, #tpu.memory_space<hbm>>)
      %dma_wait3A_333 = arith.constant 0 : i32
      %dma_wait3A_334 = arith.constant 0 : i32
      %dma_wait3A_335 = arith.constant 0 : i32
      %dma_wait3A_336 = tpu.memref_slice %arg13[%dma_wait3A_334, %dma_wait3A_335] : memref<250x128xbf16, #tpu.memory_space<vmem>> -> memref<80x128xbf16, #tpu.memory_space<vmem>>
      %dma_wait3A_337 = arith.constant 0 : i32
      %dma_wait3A_338 = tpu.memref_slice %arg8[%dma_wait3A_333, %arg0, %add3A_293, %dma_wait3A_337] : memref<3x2x10240x128xbf16, #tpu.memory_space<hbm>> -> memref<1x1x80x128xbf16, #tpu.memory_space<hbm>>
      %dma_wait3A_339 = tpu.memref_squeeze %dma_wait3A_338 : memref<1x1x80x128xbf16, #tpu.memory_space<hbm>> -> memref<80x128xbf16, #tpu.memory_space<hbm>>
      %dma_wait3A_340 = arith.constant 0 : i32
      %dma_wait3A_341 = tpu.memref_slice %arg8[%dma_wait3A_333, %arg0, %add3A_293, %dma_wait3A_340] : memref<3x2x10240x128xbf16, #tpu.memory_space<hbm>> -> memref<1x1x80x128xbf16, #tpu.memory_space<hbm>>
      %dma_wait3A_342 = tpu.memref_squeeze %dma_wait3A_341 : memref<1x1x80x128xbf16, #tpu.memory_space<hbm>> -> memref<80x128xbf16, #tpu.memory_space<hbm>>
      %dma_wait3A_343 = arith.constant 0 : i32
      %dma_wait3A_344 = arith.constant 0 : i32
      %dma_wait3A_345 = tpu.memref_slice %arg13[%dma_wait3A_343, %dma_wait3A_344] : memref<250x128xbf16, #tpu.memory_space<vmem>> -> memref<80x128xbf16, #tpu.memory_space<vmem>>
      tpu.wait_dma2 semaphore(%arg16 : memref<!tpu.dma_semaphore, #tpu.memory_space<semaphore_mem>>) src(%dma_wait3A_345 : memref<80x128xbf16, #tpu.memory_space<vmem>>) dst(%dma_wait3A_342 : memref<80x128xbf16, #tpu.memory_space<hbm>>)
    }
    %scan3A_91 = arith.constant 4 : i32
    %scan3A_92 = arith.constant 0 : i32
    %scan3A_93 = arith.constant 0 : i32
    %scan3A_94 = arith.constant 320 : i32
    %scan3A_95 = arith.addi %scan3A_93, %scan3A_94 : i32
    %scan3A_96 = arith.constant 1 : i32
    scf.for %scan3A_284 = %scan3A_93 to %scan3A_95 step %scan3A_96  : i32 {
      %broadcast_in_dim3A = arith.constant 0.000000e+00 : bf16
      %broadcast_in_dim3A_285 = vector.broadcast %broadcast_in_dim3A : bf16 to vector<32xbf16>
      %jit3A = arith.constant 4 : i32
      %div3A = arith.divsi %scan3A_284, %jit3A : i32
      %sign3A = arith.constant 0 : i32
      %sign3A_286 = arith.cmpi sgt, %scan3A_284, %sign3A : i32
      %sign3A_287 = arith.extui %sign3A_286 : i1 to i32
      %sign3A_288 = arith.constant 0 : i32
      %sign3A_289 = arith.cmpi slt, %scan3A_284, %sign3A_288 : i32
      %sign3A_290 = arith.extui %sign3A_289 : i1 to i32
      %sign3A_291 = arith.subi %sign3A_287, %sign3A_290 : i32
      %sign3A_292 = arith.constant 0 : i32
      %sign3A_293 = arith.cmpi sgt, %jit3A, %sign3A_292 : i32
      %sign3A_294 = arith.extui %sign3A_293 : i1 to i32
      %sign3A_295 = arith.constant 0 : i32
      %sign3A_296 = arith.cmpi slt, %jit3A, %sign3A_295 : i32
      %sign3A_297 = arith.extui %sign3A_296 : i1 to i32
      %sign3A_298 = arith.subi %sign3A_294, %sign3A_297 : i32
      %ne3A = arith.cmpi ne, %sign3A_291, %sign3A_298 : i32
      %rem3A = arith.remsi %scan3A_284, %jit3A : i32
      %ne3A_299 = arith.constant 0 : i32
      %ne3A_300 = arith.cmpi ne, %rem3A, %ne3A_299 : i32
      %and3A = arith.andi %ne3A, %ne3A_300 : i1
      %sub3A = arith.constant 1 : i32
      %sub3A_301 = arith.subi %div3A, %sub3A : i32
      %select_n3A = arith.select %and3A, %sub3A_301, %div3A : i32
      %jit3A_302 = arith.constant 4 : i32
      %eq3A = arith.constant 0 : i32
      %eq3A_303 = arith.cmpi eq, %jit3A_302, %eq3A : i32
      %jit3A_304 = arith.constant 1 : i32
      %select_n3A_305 = arith.select %eq3A_303, %jit3A_304, %jit3A_302 : i32
      %rem3A_306 = arith.remsi %scan3A_284, %select_n3A_305 : i32
      %ne3A_307 = arith.constant 0 : i32
      %ne3A_308 = arith.cmpi ne, %rem3A_306, %ne3A_307 : i32
      %lt3A = arith.constant 0 : i32
      %lt3A_309 = arith.cmpi slt, %rem3A_306, %lt3A : i32
      %lt3A_310 = arith.constant 0 : i32
      %lt3A_311 = arith.cmpi slt, %select_n3A_305, %lt3A_310 : i32
      %ne3A_312 = arith.xori %lt3A_309, %lt3A_311 : i1
      %and3A_313 = arith.andi %ne3A_312, %ne3A_308 : i1
      %add3A_314 = arith.addi %rem3A_306, %select_n3A_305 : i32
      %select_n3A_315 = arith.select %and3A_313, %add3A_314, %rem3A_306 : i32
      %mul3A_316 = arith.constant 32 : i32
      %mul3A_317 = arith.muli %select_n3A_315, %mul3A_316 : i32
      %swap3A = arith.index_cast %select_n3A : i32 to index
      %swap3A_318 = arith.index_cast %mul3A_317 : i32 to index
      %swap3A_319 = tpu.vector_load %arg12[%swap3A, %swap3A_318] {strides = array<i32>} : memref<250x128xbf16, #tpu.memory_space<vmem>>, vector<1x32xbf16>,
      %swap3A_320 = vector.shape_cast %swap3A_319 : vector<1x32xbf16> to vector<32xbf16>
      %swap3A_321 = vector.shape_cast %broadcast_in_dim3A_285 : vector<32xbf16> to vector<1x32xbf16>
      tpu.vector_store %arg12[%swap3A, %swap3A_318], %swap3A_321 {strides = array<i32>} : memref<250x128xbf16, #tpu.memory_space<vmem>>, vector<1x32xbf16>,
    }
    %scan3A_97 = arith.constant 320 : i32
    %scan3A_98 = arith.constant 0 : i32
    %scan3A_99 = arith.constant 0 : i32
    %scan3A_100 = arith.constant 8 : i32
    %scan3A_101 = arith.addi %scan3A_99, %scan3A_100 : i32
    %scan3A_102 = arith.constant 1 : i32
    scf.for %scan3A_284 = %scan3A_99 to %scan3A_101 step %scan3A_102  : i32 {
      %mul3A_285 = arith.constant 640 : i32
      %mul3A_286 = arith.muli %arg1, %mul3A_285 : i32
      %mul3A_287 = arith.constant 80 : i32
      %mul3A_288 = arith.muli %scan3A_284, %mul3A_287 : i32
      %add3A_289 = arith.addi %mul3A_286, %mul3A_288 : i32
      "tpu.region"() ({
        %run_scoped3A_290 = tpu.sem_alloc : memref<!tpu.dma_semaphore, #tpu.memory_space<semaphore_mem>>
        %dma_start3A_291 = arith.constant 0 : i32
        %dma_start3A_292 = arith.constant 0 : i32
        %dma_start3A_293 = tpu.memref_slice %arg12[%dma_start3A_291, %dma_start3A_292] : memref<250x128xbf16, #tpu.memory_space<vmem>> -> memref<80x128xbf16, #tpu.memory_space<vmem>>
        %dma_start3A_294 = arith.constant 0 : i32
        %dma_start3A_295 = tpu.memref_slice %arg9[%add3A_289, %dma_start3A_294] : memref<10240x128xbf16, #tpu.memory_space<vmem_shared>> -> memref<80x128xbf16, #tpu.memory_space<vmem_shared>>
        %dma_start3A_296 = arith.constant 0 : i32
        %dma_start3A_297 = tpu.memref_slice %arg9[%add3A_289, %dma_start3A_296] : memref<10240x128xbf16, #tpu.memory_space<vmem_shared>> -> memref<80x128xbf16, #tpu.memory_space<vmem_shared>>
        %dma_start3A_298 = arith.constant 0 : i32
        %dma_start3A_299 = arith.constant 0 : i32
        %dma_start3A_300 = tpu.memref_slice %arg12[%dma_start3A_298, %dma_start3A_299] : memref<250x128xbf16, #tpu.memory_space<vmem>> -> memref<80x128xbf16, #tpu.memory_space<vmem>>
        tpu.enqueue_dma source(%dma_start3A_300 : memref<80x128xbf16, #tpu.memory_space<vmem>>) target(%dma_start3A_297 : memref<80x128xbf16, #tpu.memory_space<vmem_shared>>) target_semaphore(%run_scoped3A_290 : memref<!tpu.dma_semaphore, #tpu.memory_space<semaphore_mem>>)
        %dma_wait3A_301 = arith.constant 0 : i32
        %dma_wait3A_302 = arith.constant 0 : i32
        %dma_wait3A_303 = tpu.memref_slice %arg12[%dma_wait3A_301, %dma_wait3A_302] : memref<250x128xbf16, #tpu.memory_space<vmem>> -> memref<80x128xbf16, #tpu.memory_space<vmem>>
        %dma_wait3A_304 = arith.constant 0 : i32
        %dma_wait3A_305 = tpu.memref_slice %arg9[%add3A_289, %dma_wait3A_304] : memref<10240x128xbf16, #tpu.memory_space<vmem_shared>> -> memref<80x128xbf16, #tpu.memory_space<vmem_shared>>
        %dma_wait3A_306 = arith.constant 0 : i32
        %dma_wait3A_307 = tpu.memref_slice %arg9[%add3A_289, %dma_wait3A_306] : memref<10240x128xbf16, #tpu.memory_space<vmem_shared>> -> memref<80x128xbf16, #tpu.memory_space<vmem_shared>>
        %dma_wait3A_308 = arith.constant 0 : i32
        %dma_wait3A_309 = arith.constant 0 : i32
        %dma_wait3A_310 = tpu.memref_slice %arg12[%dma_wait3A_308, %dma_wait3A_309] : memref<250x128xbf16, #tpu.memory_space<vmem>> -> memref<80x128xbf16, #tpu.memory_space<vmem>>
        tpu.wait_dma2 semaphore(%run_scoped3A_290 : memref<!tpu.dma_semaphore, #tpu.memory_space<semaphore_mem>>) src(%dma_wait3A_310 : memref<80x128xbf16, #tpu.memory_space<vmem>>) dst(%dma_wait3A_307 : memref<80x128xbf16, #tpu.memory_space<vmem_shared>>)
        tpu.yield
      }) : () -> ()
    }
    %scan3A_103 = arith.constant 8 : i32
    %barrier3A_104 = arith.constant 0 : index
    tpu.barrier barrier_id(%barrier3A_104)
    %run_scoped3A_105 = arith.constant 0 : i32
    "tpu.region"() ({
      %run_scoped3A_284 = tpu.sem_alloc : memref<!tpu.dma_semaphore, #tpu.memory_space<semaphore_mem>>
      %dma_start3A_285 = arith.constant 0 : i32
      %dma_start3A_286 = arith.constant 0 : i32
      %dma_start3A_287 = tpu.memref_slice %arg6[%run_scoped3A_105, %add3A, %dma_start3A_285, %dma_start3A_286] : memref<2x32x40x250xi32, #tpu.memory_space<hbm>> -> memref<1x1x20x250xi32, #tpu.memory_space<hbm>>
      %dma_start3A_288 = tpu.memref_squeeze %dma_start3A_287 : memref<1x1x20x250xi32, #tpu.memory_space<hbm>> -> memref<20x250xi32, #tpu.memory_space<hbm>>
      %dma_start3A_289 = arith.constant 0 : i32
      %dma_start3A_290 = arith.constant 0 : i32
      %dma_start3A_291 = tpu.memref_slice %arg6[%run_scoped3A_105, %add3A, %dma_start3A_289, %dma_start3A_290] : memref<2x32x40x250xi32, #tpu.memory_space<hbm>> -> memref<1x1x20x250xi32, #tpu.memory_space<hbm>>
      %dma_start3A_292 = tpu.memref_squeeze %dma_start3A_291 : memref<1x1x20x250xi32, #tpu.memory_space<hbm>> -> memref<20x250xi32, #tpu.memory_space<hbm>>
      tpu.enqueue_dma source(%dma_start3A_292 : memref<20x250xi32, #tpu.memory_space<hbm>>) target(%arg10 : memref<20x250xi32, #tpu.memory_space<vmem>>) target_semaphore(%run_scoped3A_284 : memref<!tpu.dma_semaphore, #tpu.memory_space<semaphore_mem>>)
      %dma_wait3A_293 = arith.constant 0 : i32
      %dma_wait3A_294 = arith.constant 0 : i32
      %dma_wait3A_295 = tpu.memref_slice %arg6[%run_scoped3A_105, %add3A, %dma_wait3A_293, %dma_wait3A_294] : memref<2x32x40x250xi32, #tpu.memory_space<hbm>> -> memref<1x1x20x250xi32, #tpu.memory_space<hbm>>
      %dma_wait3A_296 = tpu.memref_squeeze %dma_wait3A_295 : memref<1x1x20x250xi32, #tpu.memory_space<hbm>> -> memref<20x250xi32, #tpu.memory_space<hbm>>
      %dma_wait3A_297 = arith.constant 0 : i32
      %dma_wait3A_298 = arith.constant 0 : i32
      %dma_wait3A_299 = tpu.memref_slice %arg6[%run_scoped3A_105, %add3A, %dma_wait3A_297, %dma_wait3A_298] : memref<2x32x40x250xi32, #tpu.memory_space<hbm>> -> memref<1x1x20x250xi32, #tpu.memory_space<hbm>>
      %dma_wait3A_300 = tpu.memref_squeeze %dma_wait3A_299 : memref<1x1x20x250xi32, #tpu.memory_space<hbm>> -> memref<20x250xi32, #tpu.memory_space<hbm>>
      tpu.wait_dma2 semaphore(%run_scoped3A_284 : memref<!tpu.dma_semaphore, #tpu.memory_space<semaphore_mem>>) src(%dma_wait3A_300 : memref<20x250xi32, #tpu.memory_space<hbm>>) dst(%arg10 : memref<20x250xi32, #tpu.memory_space<vmem>>)
      tpu.yield
    }) : () -> ()
    %run_scoped3A_106 = arith.constant 1 : i32
    "tpu.region"() ({
      %run_scoped3A_284 = tpu.sem_alloc : memref<!tpu.dma_semaphore, #tpu.memory_space<semaphore_mem>>
      %dma_start3A_285 = arith.constant 0 : i32
      %dma_start3A_286 = arith.constant 0 : i32
      %dma_start3A_287 = tpu.memref_slice %arg6[%run_scoped3A_106, %add3A, %dma_start3A_285, %dma_start3A_286] : memref<2x32x40x250xi32, #tpu.memory_space<hbm>> -> memref<1x1x20x250xi32, #tpu.memory_space<hbm>>
      %dma_start3A_288 = tpu.memref_squeeze %dma_start3A_287 : memref<1x1x20x250xi32, #tpu.memory_space<hbm>> -> memref<20x250xi32, #tpu.memory_space<hbm>>
      %dma_start3A_289 = arith.constant 0 : i32
      %dma_start3A_290 = arith.constant 0 : i32
      %dma_start3A_291 = tpu.memref_slice %arg6[%run_scoped3A_106, %add3A, %dma_start3A_289, %dma_start3A_290] : memref<2x32x40x250xi32, #tpu.memory_space<hbm>> -> memref<1x1x20x250xi32, #tpu.memory_space<hbm>>
      %dma_start3A_292 = tpu.memref_squeeze %dma_start3A_291 : memref<1x1x20x250xi32, #tpu.memory_space<hbm>> -> memref<20x250xi32, #tpu.memory_space<hbm>>
      tpu.enqueue_dma source(%dma_start3A_292 : memref<20x250xi32, #tpu.memory_space<hbm>>) target(%arg11 : memref<20x250xi32, #tpu.memory_space<vmem>>) target_semaphore(%run_scoped3A_284 : memref<!tpu.dma_semaphore, #tpu.memory_space<semaphore_mem>>)
      %dma_wait3A_293 = arith.constant 0 : i32
      %dma_wait3A_294 = arith.constant 0 : i32
      %dma_wait3A_295 = tpu.memref_slice %arg6[%run_scoped3A_106, %add3A, %dma_wait3A_293, %dma_wait3A_294] : memref<2x32x40x250xi32, #tpu.memory_space<hbm>> -> memref<1x1x20x250xi32, #tpu.memory_space<hbm>>
      %dma_wait3A_296 = tpu.memref_squeeze %dma_wait3A_295 : memref<1x1x20x250xi32, #tpu.memory_space<hbm>> -> memref<20x250xi32, #tpu.memory_space<hbm>>
      %dma_wait3A_297 = arith.constant 0 : i32
      %dma_wait3A_298 = arith.constant 0 : i32
      %dma_wait3A_299 = tpu.memref_slice %arg6[%run_scoped3A_106, %add3A, %dma_wait3A_297, %dma_wait3A_298] : memref<2x32x40x250xi32, #tpu.memory_space<hbm>> -> memref<1x1x20x250xi32, #tpu.memory_space<hbm>>
      %dma_wait3A_300 = tpu.memref_squeeze %dma_wait3A_299 : memref<1x1x20x250xi32, #tpu.memory_space<hbm>> -> memref<20x250xi32, #tpu.memory_space<hbm>>
      tpu.wait_dma2 semaphore(%run_scoped3A_284 : memref<!tpu.dma_semaphore, #tpu.memory_space<semaphore_mem>>) src(%dma_wait3A_300 : memref<20x250xi32, #tpu.memory_space<hbm>>) dst(%arg11 : memref<20x250xi32, #tpu.memory_space<vmem>>)
      tpu.yield
    }) : () -> ()
    %dma_start3A_107 = arith.constant 0 : i32
    %dma_start3A_108 = arith.constant 0 : i32
    %dma_start3A_109 = tpu.memref_slice %arg10[%dma_start3A_107, %dma_start3A_108] : memref<20x250xi32, #tpu.memory_space<vmem>> -> memref<1x250xi32, #tpu.memory_space<vmem>>
    %dma_start3A_110 = tpu.memref_squeeze %dma_start3A_109 : memref<1x250xi32, #tpu.memory_space<vmem>> -> memref<250xi32, #tpu.memory_space<vmem>>
    %dma_start3A_111 = arith.constant 0 : i32
    %dma_start3A_112 = arith.constant 0 : i32
    %dma_start3A_113 = tpu.memref_slice %arg3[%dma_start3A_111, %dma_start3A_112] : memref<10000x128xbf16, #tpu.memory_space<hbm>> -> memref<10000x128xbf16, #tpu.memory_space<hbm>>
    tpu.enqueue_indirect_dma source(%dma_start3A_113 : memref<10000x128xbf16, #tpu.memory_space<hbm>>) target(%arg12 : memref<250x128xbf16, #tpu.memory_space<vmem>>) offsets(%dma_start3A_110 : memref<250xi32, #tpu.memory_space<vmem>>) semaphore(%arg15 : memref<!tpu.dma_semaphore, #tpu.memory_space<semaphore_mem>>)
    %dma_start3A_114 = arith.constant 1 : i32
    %dma_start3A_115 = arith.constant 0 : i32
    %dma_start3A_116 = tpu.memref_slice %arg10[%dma_start3A_114, %dma_start3A_115] : memref<20x250xi32, #tpu.memory_space<vmem>> -> memref<1x250xi32, #tpu.memory_space<vmem>>
    %dma_start3A_117 = tpu.memref_squeeze %dma_start3A_116 : memref<1x250xi32, #tpu.memory_space<vmem>> -> memref<250xi32, #tpu.memory_space<vmem>>
    %dma_start3A_118 = arith.constant 0 : i32
    %dma_start3A_119 = arith.constant 0 : i32
    %dma_start3A_120 = tpu.memref_slice %arg3[%dma_start3A_118, %dma_start3A_119] : memref<10000x128xbf16, #tpu.memory_space<hbm>> -> memref<10000x128xbf16, #tpu.memory_space<hbm>>
    tpu.enqueue_indirect_dma source(%dma_start3A_120 : memref<10000x128xbf16, #tpu.memory_space<hbm>>) target(%arg13 : memref<250x128xbf16, #tpu.memory_space<vmem>>) offsets(%dma_start3A_117 : memref<250xi32, #tpu.memory_space<vmem>>) semaphore(%arg16 : memref<!tpu.dma_semaphore, #tpu.memory_space<semaphore_mem>>)
    %scan3A_121 = arith.constant 0 : i32
    %scan3A_122 = arith.constant 0 : i32
    %scan3A_123 = arith.constant 6 : i32
    %scan3A_124 = arith.addi %scan3A_122, %scan3A_123 : i32
    %scan3A_125 = arith.constant 1 : i32
    scf.for %scan3A_284 = %scan3A_122 to %scan3A_124 step %scan3A_125  : i32 {
      %mul3A_285 = arith.constant 3 : i32
      %mul3A_286 = arith.muli %mul3A_285, %scan3A_284 : i32
      %add3A_287 = arith.constant 2 : i32
      %add3A_288 = arith.addi %mul3A_286, %add3A_287 : i32
      %dma_start3A_289 = arith.constant 0 : i32
      %dma_start3A_290 = tpu.memref_slice %arg10[%add3A_288, %dma_start3A_289] : memref<20x250xi32, #tpu.memory_space<vmem>> -> memref<1x250xi32, #tpu.memory_space<vmem>>
      %dma_start3A_291 = tpu.memref_squeeze %dma_start3A_290 : memref<1x250xi32, #tpu.memory_space<vmem>> -> memref<250xi32, #tpu.memory_space<vmem>>
      %dma_start3A_292 = arith.constant 0 : i32
      %dma_start3A_293 = arith.constant 0 : i32
      %dma_start3A_294 = tpu.memref_slice %arg3[%dma_start3A_292, %dma_start3A_293] : memref<10000x128xbf16, #tpu.memory_space<hbm>> -> memref<10000x128xbf16, #tpu.memory_space<hbm>>
      tpu.enqueue_indirect_dma source(%dma_start3A_294 : memref<10000x128xbf16, #tpu.memory_space<hbm>>) target(%arg14 : memref<250x128xbf16, #tpu.memory_space<vmem>>) offsets(%dma_start3A_291 : memref<250xi32, #tpu.memory_space<vmem>>) semaphore(%arg17 : memref<!tpu.dma_semaphore, #tpu.memory_space<semaphore_mem>>)
      %mul3A_295 = arith.constant 3 : i32
      %mul3A_296 = arith.muli %mul3A_295, %scan3A_284 : i32
      %dma_wait3A_297 = arith.constant 0 : i32
      %dma_wait3A_298 = tpu.memref_slice %arg10[%mul3A_296, %dma_wait3A_297] : memref<20x250xi32, #tpu.memory_space<vmem>> -> memref<1x250xi32, #tpu.memory_space<vmem>>
      %dma_wait3A_299 = tpu.memref_squeeze %dma_wait3A_298 : memref<1x250xi32, #tpu.memory_space<vmem>> -> memref<250xi32, #tpu.memory_space<vmem>>
      %dma_wait3A_300 = arith.constant 0 : i32
      %dma_wait3A_301 = arith.constant 0 : i32
      %dma_wait3A_302 = tpu.memref_slice %arg3[%dma_wait3A_300, %dma_wait3A_301] : memref<10000x128xbf16, #tpu.memory_space<hbm>> -> memref<10000x128xbf16, #tpu.memory_space<hbm>>
      tpu.wait_indirect_dma semaphore(%arg15 : memref<!tpu.dma_semaphore, #tpu.memory_space<semaphore_mem>>) src(%dma_wait3A_302 : memref<10000x128xbf16, #tpu.memory_space<hbm>>) dst(%arg12 : memref<250x128xbf16, #tpu.memory_space<vmem>>)
      %mul3A_303 = arith.constant 3 : i32
      %mul3A_304 = arith.muli %mul3A_303, %scan3A_284 : i32
      "tpu.region"() ({
        %run_scoped3A_353 = tpu.sem_alloc : memref<!tpu.dma_semaphore, #tpu.memory_space<semaphore_mem>>
        %dma_start3A_354 = arith.constant 0 : i32
        %dma_start3A_355 = tpu.memref_slice %arg11[%mul3A_304, %dma_start3A_354] : memref<20x250xi32, #tpu.memory_space<vmem>> -> memref<1x250xi32, #tpu.memory_space<vmem>>
        %dma_start3A_356 = tpu.memref_squeeze %dma_start3A_355 : memref<1x250xi32, #tpu.memory_space<vmem>> -> memref<250xi32, #tpu.memory_space<vmem>>
        %dma_start3A_357 = arith.constant 0 : i32
        %dma_start3A_358 = arith.constant 0 : i32
        %dma_start3A_359 = tpu.memref_slice %arg9[%dma_start3A_357, %dma_start3A_358] : memref<10240x128xbf16, #tpu.memory_space<vmem_shared>> -> memref<10240x128xbf16, #tpu.memory_space<vmem_shared>>
        tpu.enqueue_indirect_dma source(%arg12 : memref<250x128xbf16, #tpu.memory_space<vmem>>) target(%dma_start3A_359 : memref<10240x128xbf16, #tpu.memory_space<vmem_shared>>) offsets(%dma_start3A_356 : memref<250xi32, #tpu.memory_space<vmem>>) semaphore(%run_scoped3A_353 : memref<!tpu.dma_semaphore, #tpu.memory_space<semaphore_mem>>) {add = true}
        %dma_wait3A_360 = arith.constant 0 : i32
        %dma_wait3A_361 = tpu.memref_slice %arg11[%mul3A_304, %dma_wait3A_360] : memref<20x250xi32, #tpu.memory_space<vmem>> -> memref<1x250xi32, #tpu.memory_space<vmem>>
        %dma_wait3A_362 = tpu.memref_squeeze %dma_wait3A_361 : memref<1x250xi32, #tpu.memory_space<vmem>> -> memref<250xi32, #tpu.memory_space<vmem>>
        %dma_wait3A_363 = arith.constant 0 : i32
        %dma_wait3A_364 = arith.constant 0 : i32
        %dma_wait3A_365 = tpu.memref_slice %arg9[%dma_wait3A_363, %dma_wait3A_364] : memref<10240x128xbf16, #tpu.memory_space<vmem_shared>> -> memref<10240x128xbf16, #tpu.memory_space<vmem_shared>>
        tpu.wait_indirect_dma semaphore(%run_scoped3A_353 : memref<!tpu.dma_semaphore, #tpu.memory_space<semaphore_mem>>) src(%arg12 : memref<250x128xbf16, #tpu.memory_space<vmem>>) dst(%dma_wait3A_365 : memref<10240x128xbf16, #tpu.memory_space<vmem_shared>>)
        tpu.yield
      }) : () -> ()
      %mul3A_305 = arith.constant 3 : i32
      %mul3A_306 = arith.muli %mul3A_305, %scan3A_284 : i32
      %add3A_307 = arith.constant 3 : i32
      %add3A_308 = arith.addi %mul3A_306, %add3A_307 : i32
      %dma_start3A_309 = arith.constant 0 : i32
      %dma_start3A_310 = tpu.memref_slice %arg10[%add3A_308, %dma_start3A_309] : memref<20x250xi32, #tpu.memory_space<vmem>> -> memref<1x250xi32, #tpu.memory_space<vmem>>
      %dma_start3A_311 = tpu.memref_squeeze %dma_start3A_310 : memref<1x250xi32, #tpu.memory_space<vmem>> -> memref<250xi32, #tpu.memory_space<vmem>>
      %dma_start3A_312 = arith.constant 0 : i32
      %dma_start3A_313 = arith.constant 0 : i32
      %dma_start3A_314 = tpu.memref_slice %arg3[%dma_start3A_312, %dma_start3A_313] : memref<10000x128xbf16, #tpu.memory_space<hbm>> -> memref<10000x128xbf16, #tpu.memory_space<hbm>>
      tpu.enqueue_indirect_dma source(%dma_start3A_314 : memref<10000x128xbf16, #tpu.memory_space<hbm>>) target(%arg12 : memref<250x128xbf16, #tpu.memory_space<vmem>>) offsets(%dma_start3A_311 : memref<250xi32, #tpu.memory_space<vmem>>) semaphore(%arg15 : memref<!tpu.dma_semaphore, #tpu.memory_space<semaphore_mem>>)
      %mul3A_315 = arith.constant 3 : i32
      %mul3A_316 = arith.muli %mul3A_315, %scan3A_284 : i32
      %add3A_317 = arith.constant 1 : i32
      %add3A_318 = arith.addi %mul3A_316, %add3A_317 : i32
      %dma_wait3A_319 = arith.constant 0 : i32
      %dma_wait3A_320 = tpu.memref_slice %arg10[%add3A_318, %dma_wait3A_319] : memref<20x250xi32, #tpu.memory_space<vmem>> -> memref<1x250xi32, #tpu.memory_space<vmem>>
      %dma_wait3A_321 = tpu.memref_squeeze %dma_wait3A_320 : memref<1x250xi32, #tpu.memory_space<vmem>> -> memref<250xi32, #tpu.memory_space<vmem>>
      %dma_wait3A_322 = arith.constant 0 : i32
      %dma_wait3A_323 = arith.constant 0 : i32
      %dma_wait3A_324 = tpu.memref_slice %arg3[%dma_wait3A_322, %dma_wait3A_323] : memref<10000x128xbf16, #tpu.memory_space<hbm>> -> memref<10000x128xbf16, #tpu.memory_space<hbm>>
      tpu.wait_indirect_dma semaphore(%arg16 : memref<!tpu.dma_semaphore, #tpu.memory_space<semaphore_mem>>) src(%dma_wait3A_324 : memref<10000x128xbf16, #tpu.memory_space<hbm>>) dst(%arg13 : memref<250x128xbf16, #tpu.memory_space<vmem>>)
      %mul3A_325 = arith.constant 3 : i32
      %mul3A_326 = arith.muli %mul3A_325, %scan3A_284 : i32
      %add3A_327 = arith.constant 1 : i32
      %add3A_328 = arith.addi %mul3A_326, %add3A_327 : i32
      "tpu.region"() ({
        %run_scoped3A_353 = tpu.sem_alloc : memref<!tpu.dma_semaphore, #tpu.memory_space<semaphore_mem>>
        %dma_start3A_354 = arith.constant 0 : i32
        %dma_start3A_355 = tpu.memref_slice %arg11[%add3A_328, %dma_start3A_354] : memref<20x250xi32, #tpu.memory_space<vmem>> -> memref<1x250xi32, #tpu.memory_space<vmem>>
        %dma_start3A_356 = tpu.memref_squeeze %dma_start3A_355 : memref<1x250xi32, #tpu.memory_space<vmem>> -> memref<250xi32, #tpu.memory_space<vmem>>
        %dma_start3A_357 = arith.constant 0 : i32
        %dma_start3A_358 = arith.constant 0 : i32
        %dma_start3A_359 = tpu.memref_slice %arg9[%dma_start3A_357, %dma_start3A_358] : memref<10240x128xbf16, #tpu.memory_space<vmem_shared>> -> memref<10240x128xbf16, #tpu.memory_space<vmem_shared>>
        tpu.enqueue_indirect_dma source(%arg13 : memref<250x128xbf16, #tpu.memory_space<vmem>>) target(%dma_start3A_359 : memref<10240x128xbf16, #tpu.memory_space<vmem_shared>>) offsets(%dma_start3A_356 : memref<250xi32, #tpu.memory_space<vmem>>) semaphore(%run_scoped3A_353 : memref<!tpu.dma_semaphore, #tpu.memory_space<semaphore_mem>>) {add = true}
        %dma_wait3A_360 = arith.constant 0 : i32
        %dma_wait3A_361 = tpu.memref_slice %arg11[%add3A_328, %dma_wait3A_360] : memref<20x250xi32, #tpu.memory_space<vmem>> -> memref<1x250xi32, #tpu.memory_space<vmem>>
        %dma_wait3A_362 = tpu.memref_squeeze %dma_wait3A_361 : memref<1x250xi32, #tpu.memory_space<vmem>> -> memref<250xi32, #tpu.memory_space<vmem>>
        %dma_wait3A_363 = arith.constant 0 : i32
        %dma_wait3A_364 = arith.constant 0 : i32
        %dma_wait3A_365 = tpu.memref_slice %arg9[%dma_wait3A_363, %dma_wait3A_364] : memref<10240x128xbf16, #tpu.memory_space<vmem_shared>> -> memref<10240x128xbf16, #tpu.memory_space<vmem_shared>>
        tpu.wait_indirect_dma semaphore(%run_scoped3A_353 : memref<!tpu.dma_semaphore, #tpu.memory_space<semaphore_mem>>) src(%arg13 : memref<250x128xbf16, #tpu.memory_space<vmem>>) dst(%dma_wait3A_365 : memref<10240x128xbf16, #tpu.memory_space<vmem_shared>>)
        tpu.yield
      }) : () -> ()
      %mul3A_329 = arith.constant 3 : i32
      %mul3A_330 = arith.muli %mul3A_329, %scan3A_284 : i32
      %add3A_331 = arith.constant 4 : i32
      %add3A_332 = arith.addi %mul3A_330, %add3A_331 : i32
      %dma_start3A_333 = arith.constant 0 : i32
      %dma_start3A_334 = tpu.memref_slice %arg10[%add3A_332, %dma_start3A_333] : memref<20x250xi32, #tpu.memory_space<vmem>> -> memref<1x250xi32, #tpu.memory_space<vmem>>
      %dma_start3A_335 = tpu.memref_squeeze %dma_start3A_334 : memref<1x250xi32, #tpu.memory_space<vmem>> -> memref<250xi32, #tpu.memory_space<vmem>>
      %dma_start3A_336 = arith.constant 0 : i32
      %dma_start3A_337 = arith.constant 0 : i32
      %dma_start3A_338 = tpu.memref_slice %arg3[%dma_start3A_336, %dma_start3A_337] : memref<10000x128xbf16, #tpu.memory_space<hbm>> -> memref<10000x128xbf16, #tpu.memory_space<hbm>>
      tpu.enqueue_indirect_dma source(%dma_start3A_338 : memref<10000x128xbf16, #tpu.memory_space<hbm>>) target(%arg13 : memref<250x128xbf16, #tpu.memory_space<vmem>>) offsets(%dma_start3A_335 : memref<250xi32, #tpu.memory_space<vmem>>) semaphore(%arg16 : memref<!tpu.dma_semaphore, #tpu.memory_space<semaphore_mem>>)
      %mul3A_339 = arith.constant 3 : i32
      %mul3A_340 = arith.muli %mul3A_339, %scan3A_284 : i32
      %add3A_341 = arith.constant 2 : i32
      %add3A_342 = arith.addi %mul3A_340, %add3A_341 : i32
      %dma_wait3A_343 = arith.constant 0 : i32
      %dma_wait3A_344 = tpu.memref_slice %arg10[%add3A_342, %dma_wait3A_343] : memref<20x250xi32, #tpu.memory_space<vmem>> -> memref<1x250xi32, #tpu.memory_space<vmem>>
      %dma_wait3A_345 = tpu.memref_squeeze %dma_wait3A_344 : memref<1x250xi32, #tpu.memory_space<vmem>> -> memref<250xi32, #tpu.memory_space<vmem>>
      %dma_wait3A_346 = arith.constant 0 : i32
      %dma_wait3A_347 = arith.constant 0 : i32
      %dma_wait3A_348 = tpu.memref_slice %arg3[%dma_wait3A_346, %dma_wait3A_347] : memref<10000x128xbf16, #tpu.memory_space<hbm>> -> memref<10000x128xbf16, #tpu.memory_space<hbm>>
      tpu.wait_indirect_dma semaphore(%arg17 : memref<!tpu.dma_semaphore, #tpu.memory_space<semaphore_mem>>) src(%dma_wait3A_348 : memref<10000x128xbf16, #tpu.memory_space<hbm>>) dst(%arg14 : memref<250x128xbf16, #tpu.memory_space<vmem>>)
      %mul3A_349 = arith.constant 3 : i32
      %mul3A_350 = arith.muli %mul3A_349, %scan3A_284 : i32
      %add3A_351 = arith.constant 2 : i32
      %add3A_352 = arith.addi %mul3A_350, %add3A_351 : i32
      "tpu.region"() ({
        %run_scoped3A_353 = tpu.sem_alloc : memref<!tpu.dma_semaphore, #tpu.memory_space<semaphore_mem>>
        %dma_start3A_354 = arith.constant 0 : i32
        %dma_start3A_355 = tpu.memref_slice %arg11[%add3A_352, %dma_start3A_354] : memref<20x250xi32, #tpu.memory_space<vmem>> -> memref<1x250xi32, #tpu.memory_space<vmem>>
        %dma_start3A_356 = tpu.memref_squeeze %dma_start3A_355 : memref<1x250xi32, #tpu.memory_space<vmem>> -> memref<250xi32, #tpu.memory_space<vmem>>
        %dma_start3A_357 = arith.constant 0 : i32
        %dma_start3A_358 = arith.constant 0 : i32
        %dma_start3A_359 = tpu.memref_slice %arg9[%dma_start3A_357, %dma_start3A_358] : memref<10240x128xbf16, #tpu.memory_space<vmem_shared>> -> memref<10240x128xbf16, #tpu.memory_space<vmem_shared>>
        tpu.enqueue_indirect_dma source(%arg14 : memref<250x128xbf16, #tpu.memory_space<vmem>>) target(%dma_start3A_359 : memref<10240x128xbf16, #tpu.memory_space<vmem_shared>>) offsets(%dma_start3A_356 : memref<250xi32, #tpu.memory_space<vmem>>) semaphore(%run_scoped3A_353 : memref<!tpu.dma_semaphore, #tpu.memory_space<semaphore_mem>>) {add = true}
        %dma_wait3A_360 = arith.constant 0 : i32
        %dma_wait3A_361 = tpu.memref_slice %arg11[%add3A_352, %dma_wait3A_360] : memref<20x250xi32, #tpu.memory_space<vmem>> -> memref<1x250xi32, #tpu.memory_space<vmem>>
        %dma_wait3A_362 = tpu.memref_squeeze %dma_wait3A_361 : memref<1x250xi32, #tpu.memory_space<vmem>> -> memref<250xi32, #tpu.memory_space<vmem>>
        %dma_wait3A_363 = arith.constant 0 : i32
        %dma_wait3A_364 = arith.constant 0 : i32
        %dma_wait3A_365 = tpu.memref_slice %arg9[%dma_wait3A_363, %dma_wait3A_364] : memref<10240x128xbf16, #tpu.memory_space<vmem_shared>> -> memref<10240x128xbf16, #tpu.memory_space<vmem_shared>>
        tpu.wait_indirect_dma semaphore(%run_scoped3A_353 : memref<!tpu.dma_semaphore, #tpu.memory_space<semaphore_mem>>) src(%arg14 : memref<250x128xbf16, #tpu.memory_space<vmem>>) dst(%dma_wait3A_365 : memref<10240x128xbf16, #tpu.memory_space<vmem_shared>>)
        tpu.yield
      }) : () -> ()
    }
    %scan3A_126 = arith.constant 6 : i32
    %dma_wait3A_127 = arith.constant 18 : i32
    %dma_wait3A_128 = arith.constant 0 : i32
    %dma_wait3A_129 = tpu.memref_slice %arg10[%dma_wait3A_127, %dma_wait3A_128] : memref<20x250xi32, #tpu.memory_space<vmem>> -> memref<1x250xi32, #tpu.memory_space<vmem>>
    %dma_wait3A_130 = tpu.memref_squeeze %dma_wait3A_129 : memref<1x250xi32, #tpu.memory_space<vmem>> -> memref<250xi32, #tpu.memory_space<vmem>>
    %dma_wait3A_131 = arith.constant 0 : i32
    %dma_wait3A_132 = arith.constant 0 : i32
    %dma_wait3A_133 = tpu.memref_slice %arg3[%dma_wait3A_131, %dma_wait3A_132] : memref<10000x128xbf16, #tpu.memory_space<hbm>> -> memref<10000x128xbf16, #tpu.memory_space<hbm>>
    tpu.wait_indirect_dma semaphore(%arg15 : memref<!tpu.dma_semaphore, #tpu.memory_space<semaphore_mem>>) src(%dma_wait3A_133 : memref<10000x128xbf16, #tpu.memory_space<hbm>>) dst(%arg12 : memref<250x128xbf16, #tpu.memory_space<vmem>>)
    %run_scoped3A_134 = arith.constant 18 : i32
    "tpu.region"() ({
      %run_scoped3A_284 = tpu.sem_alloc : memref<!tpu.dma_semaphore, #tpu.memory_space<semaphore_mem>>
      %dma_start3A_285 = arith.constant 0 : i32
      %dma_start3A_286 = tpu.memref_slice %arg11[%run_scoped3A_134, %dma_start3A_285] : memref<20x250xi32, #tpu.memory_space<vmem>> -> memref<1x250xi32, #tpu.memory_space<vmem>>
      %dma_start3A_287 = tpu.memref_squeeze %dma_start3A_286 : memref<1x250xi32, #tpu.memory_space<vmem>> -> memref<250xi32, #tpu.memory_space<vmem>>
      %dma_start3A_288 = arith.constant 0 : i32
      %dma_start3A_289 = arith.constant 0 : i32
      %dma_start3A_290 = tpu.memref_slice %arg9[%dma_start3A_288, %dma_start3A_289] : memref<10240x128xbf16, #tpu.memory_space<vmem_shared>> -> memref<10240x128xbf16, #tpu.memory_space<vmem_shared>>
      tpu.enqueue_indirect_dma source(%arg12 : memref<250x128xbf16, #tpu.memory_space<vmem>>) target(%dma_start3A_290 : memref<10240x128xbf16, #tpu.memory_space<vmem_shared>>) offsets(%dma_start3A_287 : memref<250xi32, #tpu.memory_space<vmem>>) semaphore(%run_scoped3A_284 : memref<!tpu.dma_semaphore, #tpu.memory_space<semaphore_mem>>) {add = true}
      %dma_wait3A_291 = arith.constant 0 : i32
      %dma_wait3A_292 = tpu.memref_slice %arg11[%run_scoped3A_134, %dma_wait3A_291] : memref<20x250xi32, #tpu.memory_space<vmem>> -> memref<1x250xi32, #tpu.memory_space<vmem>>
      %dma_wait3A_293 = tpu.memref_squeeze %dma_wait3A_292 : memref<1x250xi32, #tpu.memory_space<vmem>> -> memref<250xi32, #tpu.memory_space<vmem>>
      %dma_wait3A_294 = arith.constant 0 : i32
      %dma_wait3A_295 = arith.constant 0 : i32
      %dma_wait3A_296 = tpu.memref_slice %arg9[%dma_wait3A_294, %dma_wait3A_295] : memref<10240x128xbf16, #tpu.memory_space<vmem_shared>> -> memref<10240x128xbf16, #tpu.memory_space<vmem_shared>>
      tpu.wait_indirect_dma semaphore(%run_scoped3A_284 : memref<!tpu.dma_semaphore, #tpu.memory_space<semaphore_mem>>) src(%arg12 : memref<250x128xbf16, #tpu.memory_space<vmem>>) dst(%dma_wait3A_296 : memref<10240x128xbf16, #tpu.memory_space<vmem_shared>>)
      tpu.yield
    }) : () -> ()
    %dma_wait3A_135 = arith.constant 19 : i32
    %dma_wait3A_136 = arith.constant 0 : i32
    %dma_wait3A_137 = tpu.memref_slice %arg10[%dma_wait3A_135, %dma_wait3A_136] : memref<20x250xi32, #tpu.memory_space<vmem>> -> memref<1x250xi32, #tpu.memory_space<vmem>>
    %dma_wait3A_138 = tpu.memref_squeeze %dma_wait3A_137 : memref<1x250xi32, #tpu.memory_space<vmem>> -> memref<250xi32, #tpu.memory_space<vmem>>
    %dma_wait3A_139 = arith.constant 0 : i32
    %dma_wait3A_140 = arith.constant 0 : i32
    %dma_wait3A_141 = tpu.memref_slice %arg3[%dma_wait3A_139, %dma_wait3A_140] : memref<10000x128xbf16, #tpu.memory_space<hbm>> -> memref<10000x128xbf16, #tpu.memory_space<hbm>>
    tpu.wait_indirect_dma semaphore(%arg16 : memref<!tpu.dma_semaphore, #tpu.memory_space<semaphore_mem>>) src(%dma_wait3A_141 : memref<10000x128xbf16, #tpu.memory_space<hbm>>) dst(%arg13 : memref<250x128xbf16, #tpu.memory_space<vmem>>)
    %run_scoped3A_142 = arith.constant 19 : i32
    "tpu.region"() ({
      %run_scoped3A_284 = tpu.sem_alloc : memref<!tpu.dma_semaphore, #tpu.memory_space<semaphore_mem>>
      %dma_start3A_285 = arith.constant 0 : i32
      %dma_start3A_286 = tpu.memref_slice %arg11[%run_scoped3A_142, %dma_start3A_285] : memref<20x250xi32, #tpu.memory_space<vmem>> -> memref<1x250xi32, #tpu.memory_space<vmem>>
      %dma_start3A_287 = tpu.memref_squeeze %dma_start3A_286 : memref<1x250xi32, #tpu.memory_space<vmem>> -> memref<250xi32, #tpu.memory_space<vmem>>
      %dma_start3A_288 = arith.constant 0 : i32
      %dma_start3A_289 = arith.constant 0 : i32
      %dma_start3A_290 = tpu.memref_slice %arg9[%dma_start3A_288, %dma_start3A_289] : memref<10240x128xbf16, #tpu.memory_space<vmem_shared>> -> memref<10240x128xbf16, #tpu.memory_space<vmem_shared>>
      tpu.enqueue_indirect_dma source(%arg13 : memref<250x128xbf16, #tpu.memory_space<vmem>>) target(%dma_start3A_290 : memref<10240x128xbf16, #tpu.memory_space<vmem_shared>>) offsets(%dma_start3A_287 : memref<250xi32, #tpu.memory_space<vmem>>) semaphore(%run_scoped3A_284 : memref<!tpu.dma_semaphore, #tpu.memory_space<semaphore_mem>>) {add = true}
      %dma_wait3A_291 = arith.constant 0 : i32
      %dma_wait3A_292 = tpu.memref_slice %arg11[%run_scoped3A_142, %dma_wait3A_291] : memref<20x250xi32, #tpu.memory_space<vmem>> -> memref<1x250xi32, #tpu.memory_space<vmem>>
      %dma_wait3A_293 = tpu.memref_squeeze %dma_wait3A_292 : memref<1x250xi32, #tpu.memory_space<vmem>> -> memref<250xi32, #tpu.memory_space<vmem>>
      %dma_wait3A_294 = arith.constant 0 : i32
      %dma_wait3A_295 = arith.constant 0 : i32
      %dma_wait3A_296 = tpu.memref_slice %arg9[%dma_wait3A_294, %dma_wait3A_295] : memref<10240x128xbf16, #tpu.memory_space<vmem_shared>> -> memref<10240x128xbf16, #tpu.memory_space<vmem_shared>>
      tpu.wait_indirect_dma semaphore(%run_scoped3A_284 : memref<!tpu.dma_semaphore, #tpu.memory_space<semaphore_mem>>) src(%arg13 : memref<250x128xbf16, #tpu.memory_space<vmem>>) dst(%dma_wait3A_296 : memref<10240x128xbf16, #tpu.memory_space<vmem_shared>>)
      tpu.yield
    }) : () -> ()
    %run_scoped3A_143 = arith.constant 0 : i32
    "tpu.region"() ({
      %run_scoped3A_284 = tpu.sem_alloc : memref<!tpu.dma_semaphore, #tpu.memory_space<semaphore_mem>>
      %dma_start3A_285 = arith.constant 20 : i32
      %dma_start3A_286 = arith.constant 0 : i32
      %dma_start3A_287 = tpu.memref_slice %arg6[%run_scoped3A_143, %add3A, %dma_start3A_285, %dma_start3A_286] : memref<2x32x40x250xi32, #tpu.memory_space<hbm>> -> memref<1x1x20x250xi32, #tpu.memory_space<hbm>>
      %dma_start3A_288 = tpu.memref_squeeze %dma_start3A_287 : memref<1x1x20x250xi32, #tpu.memory_space<hbm>> -> memref<20x250xi32, #tpu.memory_space<hbm>>
      %dma_start3A_289 = arith.constant 20 : i32
      %dma_start3A_290 = arith.constant 0 : i32
      %dma_start3A_291 = tpu.memref_slice %arg6[%run_scoped3A_143, %add3A, %dma_start3A_289, %dma_start3A_290] : memref<2x32x40x250xi32, #tpu.memory_space<hbm>> -> memref<1x1x20x250xi32, #tpu.memory_space<hbm>>
      %dma_start3A_292 = tpu.memref_squeeze %dma_start3A_291 : memref<1x1x20x250xi32, #tpu.memory_space<hbm>> -> memref<20x250xi32, #tpu.memory_space<hbm>>
      tpu.enqueue_dma source(%dma_start3A_292 : memref<20x250xi32, #tpu.memory_space<hbm>>) target(%arg10 : memref<20x250xi32, #tpu.memory_space<vmem>>) target_semaphore(%run_scoped3A_284 : memref<!tpu.dma_semaphore, #tpu.memory_space<semaphore_mem>>)
      %dma_wait3A_293 = arith.constant 20 : i32
      %dma_wait3A_294 = arith.constant 0 : i32
      %dma_wait3A_295 = tpu.memref_slice %arg6[%run_scoped3A_143, %add3A, %dma_wait3A_293, %dma_wait3A_294] : memref<2x32x40x250xi32, #tpu.memory_space<hbm>> -> memref<1x1x20x250xi32, #tpu.memory_space<hbm>>
      %dma_wait3A_296 = tpu.memref_squeeze %dma_wait3A_295 : memref<1x1x20x250xi32, #tpu.memory_space<hbm>> -> memref<20x250xi32, #tpu.memory_space<hbm>>
      %dma_wait3A_297 = arith.constant 20 : i32
      %dma_wait3A_298 = arith.constant 0 : i32
      %dma_wait3A_299 = tpu.memref_slice %arg6[%run_scoped3A_143, %add3A, %dma_wait3A_297, %dma_wait3A_298] : memref<2x32x40x250xi32, #tpu.memory_space<hbm>> -> memref<1x1x20x250xi32, #tpu.memory_space<hbm>>
      %dma_wait3A_300 = tpu.memref_squeeze %dma_wait3A_299 : memref<1x1x20x250xi32, #tpu.memory_space<hbm>> -> memref<20x250xi32, #tpu.memory_space<hbm>>
      tpu.wait_dma2 semaphore(%run_scoped3A_284 : memref<!tpu.dma_semaphore, #tpu.memory_space<semaphore_mem>>) src(%dma_wait3A_300 : memref<20x250xi32, #tpu.memory_space<hbm>>) dst(%arg10 : memref<20x250xi32, #tpu.memory_space<vmem>>)
      tpu.yield
    }) : () -> ()
    %run_scoped3A_144 = arith.constant 1 : i32
    "tpu.region"() ({
      %run_scoped3A_284 = tpu.sem_alloc : memref<!tpu.dma_semaphore, #tpu.memory_space<semaphore_mem>>
      %dma_start3A_285 = arith.constant 20 : i32
      %dma_start3A_286 = arith.constant 0 : i32
      %dma_start3A_287 = tpu.memref_slice %arg6[%run_scoped3A_144, %add3A, %dma_start3A_285, %dma_start3A_286] : memref<2x32x40x250xi32, #tpu.memory_space<hbm>> -> memref<1x1x20x250xi32, #tpu.memory_space<hbm>>
      %dma_start3A_288 = tpu.memref_squeeze %dma_start3A_287 : memref<1x1x20x250xi32, #tpu.memory_space<hbm>> -> memref<20x250xi32, #tpu.memory_space<hbm>>
      %dma_start3A_289 = arith.constant 20 : i32
      %dma_start3A_290 = arith.constant 0 : i32
      %dma_start3A_291 = tpu.memref_slice %arg6[%run_scoped3A_144, %add3A, %dma_start3A_289, %dma_start3A_290] : memref<2x32x40x250xi32, #tpu.memory_space<hbm>> -> memref<1x1x20x250xi32, #tpu.memory_space<hbm>>
      %dma_start3A_292 = tpu.memref_squeeze %dma_start3A_291 : memref<1x1x20x250xi32, #tpu.memory_space<hbm>> -> memref<20x250xi32, #tpu.memory_space<hbm>>
      tpu.enqueue_dma source(%dma_start3A_292 : memref<20x250xi32, #tpu.memory_space<hbm>>) target(%arg11 : memref<20x250xi32, #tpu.memory_space<vmem>>) target_semaphore(%run_scoped3A_284 : memref<!tpu.dma_semaphore, #tpu.memory_space<semaphore_mem>>)
      %dma_wait3A_293 = arith.constant 20 : i32
      %dma_wait3A_294 = arith.constant 0 : i32
      %dma_wait3A_295 = tpu.memref_slice %arg6[%run_scoped3A_144, %add3A, %dma_wait3A_293, %dma_wait3A_294] : memref<2x32x40x250xi32, #tpu.memory_space<hbm>> -> memref<1x1x20x250xi32, #tpu.memory_space<hbm>>
      %dma_wait3A_296 = tpu.memref_squeeze %dma_wait3A_295 : memref<1x1x20x250xi32, #tpu.memory_space<hbm>> -> memref<20x250xi32, #tpu.memory_space<hbm>>
      %dma_wait3A_297 = arith.constant 20 : i32
      %dma_wait3A_298 = arith.constant 0 : i32
      %dma_wait3A_299 = tpu.memref_slice %arg6[%run_scoped3A_144, %add3A, %dma_wait3A_297, %dma_wait3A_298] : memref<2x32x40x250xi32, #tpu.memory_space<hbm>> -> memref<1x1x20x250xi32, #tpu.memory_space<hbm>>
      %dma_wait3A_300 = tpu.memref_squeeze %dma_wait3A_299 : memref<1x1x20x250xi32, #tpu.memory_space<hbm>> -> memref<20x250xi32, #tpu.memory_space<hbm>>
      tpu.wait_dma2 semaphore(%run_scoped3A_284 : memref<!tpu.dma_semaphore, #tpu.memory_space<semaphore_mem>>) src(%dma_wait3A_300 : memref<20x250xi32, #tpu.memory_space<hbm>>) dst(%arg11 : memref<20x250xi32, #tpu.memory_space<vmem>>)
      tpu.yield
    }) : () -> ()
    %dma_start3A_145 = arith.constant 0 : i32
    %dma_start3A_146 = arith.constant 0 : i32
    %dma_start3A_147 = tpu.memref_slice %arg10[%dma_start3A_145, %dma_start3A_146] : memref<20x250xi32, #tpu.memory_space<vmem>> -> memref<1x250xi32, #tpu.memory_space<vmem>>
    %dma_start3A_148 = tpu.memref_squeeze %dma_start3A_147 : memref<1x250xi32, #tpu.memory_space<vmem>> -> memref<250xi32, #tpu.memory_space<vmem>>
    %dma_start3A_149 = arith.constant 0 : i32
    %dma_start3A_150 = arith.constant 0 : i32
    %dma_start3A_151 = tpu.memref_slice %arg3[%dma_start3A_149, %dma_start3A_150] : memref<10000x128xbf16, #tpu.memory_space<hbm>> -> memref<10000x128xbf16, #tpu.memory_space<hbm>>
    tpu.enqueue_indirect_dma source(%dma_start3A_151 : memref<10000x128xbf16, #tpu.memory_space<hbm>>) target(%arg12 : memref<250x128xbf16, #tpu.memory_space<vmem>>) offsets(%dma_start3A_148 : memref<250xi32, #tpu.memory_space<vmem>>) semaphore(%arg15 : memref<!tpu.dma_semaphore, #tpu.memory_space<semaphore_mem>>)
    %dma_start3A_152 = arith.constant 1 : i32
    %dma_start3A_153 = arith.constant 0 : i32
    %dma_start3A_154 = tpu.memref_slice %arg10[%dma_start3A_152, %dma_start3A_153] : memref<20x250xi32, #tpu.memory_space<vmem>> -> memref<1x250xi32, #tpu.memory_space<vmem>>
    %dma_start3A_155 = tpu.memref_squeeze %dma_start3A_154 : memref<1x250xi32, #tpu.memory_space<vmem>> -> memref<250xi32, #tpu.memory_space<vmem>>
    %dma_start3A_156 = arith.constant 0 : i32
    %dma_start3A_157 = arith.constant 0 : i32
    %dma_start3A_158 = tpu.memref_slice %arg3[%dma_start3A_156, %dma_start3A_157] : memref<10000x128xbf16, #tpu.memory_space<hbm>> -> memref<10000x128xbf16, #tpu.memory_space<hbm>>
    tpu.enqueue_indirect_dma source(%dma_start3A_158 : memref<10000x128xbf16, #tpu.memory_space<hbm>>) target(%arg13 : memref<250x128xbf16, #tpu.memory_space<vmem>>) offsets(%dma_start3A_155 : memref<250xi32, #tpu.memory_space<vmem>>) semaphore(%arg16 : memref<!tpu.dma_semaphore, #tpu.memory_space<semaphore_mem>>)
    %scan3A_159 = arith.constant 0 : i32
    %scan3A_160 = arith.constant 0 : i32
    %scan3A_161 = arith.constant 6 : i32
    %scan3A_162 = arith.addi %scan3A_160, %scan3A_161 : i32
    %scan3A_163 = arith.constant 1 : i32
    scf.for %scan3A_284 = %scan3A_160 to %scan3A_162 step %scan3A_163  : i32 {
      %mul3A_285 = arith.constant 3 : i32
      %mul3A_286 = arith.muli %mul3A_285, %scan3A_284 : i32
      %add3A_287 = arith.constant 2 : i32
      %add3A_288 = arith.addi %mul3A_286, %add3A_287 : i32
      %dma_start3A_289 = arith.constant 0 : i32
      %dma_start3A_290 = tpu.memref_slice %arg10[%add3A_288, %dma_start3A_289] : memref<20x250xi32, #tpu.memory_space<vmem>> -> memref<1x250xi32, #tpu.memory_space<vmem>>
      %dma_start3A_291 = tpu.memref_squeeze %dma_start3A_290 : memref<1x250xi32, #tpu.memory_space<vmem>> -> memref<250xi32, #tpu.memory_space<vmem>>
      %dma_start3A_292 = arith.constant 0 : i32
      %dma_start3A_293 = arith.constant 0 : i32
      %dma_start3A_294 = tpu.memref_slice %arg3[%dma_start3A_292, %dma_start3A_293] : memref<10000x128xbf16, #tpu.memory_space<hbm>> -> memref<10000x128xbf16, #tpu.memory_space<hbm>>
      tpu.enqueue_indirect_dma source(%dma_start3A_294 : memref<10000x128xbf16, #tpu.memory_space<hbm>>) target(%arg14 : memref<250x128xbf16, #tpu.memory_space<vmem>>) offsets(%dma_start3A_291 : memref<250xi32, #tpu.memory_space<vmem>>) semaphore(%arg17 : memref<!tpu.dma_semaphore, #tpu.memory_space<semaphore_mem>>)
      %mul3A_295 = arith.constant 3 : i32
      %mul3A_296 = arith.muli %mul3A_295, %scan3A_284 : i32
      %dma_wait3A_297 = arith.constant 0 : i32
      %dma_wait3A_298 = tpu.memref_slice %arg10[%mul3A_296, %dma_wait3A_297] : memref<20x250xi32, #tpu.memory_space<vmem>> -> memref<1x250xi32, #tpu.memory_space<vmem>>
      %dma_wait3A_299 = tpu.memref_squeeze %dma_wait3A_298 : memref<1x250xi32, #tpu.memory_space<vmem>> -> memref<250xi32, #tpu.memory_space<vmem>>
      %dma_wait3A_300 = arith.constant 0 : i32
      %dma_wait3A_301 = arith.constant 0 : i32
      %dma_wait3A_302 = tpu.memref_slice %arg3[%dma_wait3A_300, %dma_wait3A_301] : memref<10000x128xbf16, #tpu.memory_space<hbm>> -> memref<10000x128xbf16, #tpu.memory_space<hbm>>
      tpu.wait_indirect_dma semaphore(%arg15 : memref<!tpu.dma_semaphore, #tpu.memory_space<semaphore_mem>>) src(%dma_wait3A_302 : memref<10000x128xbf16, #tpu.memory_space<hbm>>) dst(%arg12 : memref<250x128xbf16, #tpu.memory_space<vmem>>)
      %mul3A_303 = arith.constant 3 : i32
      %mul3A_304 = arith.muli %mul3A_303, %scan3A_284 : i32
      "tpu.region"() ({
        %run_scoped3A_353 = tpu.sem_alloc : memref<!tpu.dma_semaphore, #tpu.memory_space<semaphore_mem>>
        %dma_start3A_354 = arith.constant 0 : i32
        %dma_start3A_355 = tpu.memref_slice %arg11[%mul3A_304, %dma_start3A_354] : memref<20x250xi32, #tpu.memory_space<vmem>> -> memref<1x250xi32, #tpu.memory_space<vmem>>
        %dma_start3A_356 = tpu.memref_squeeze %dma_start3A_355 : memref<1x250xi32, #tpu.memory_space<vmem>> -> memref<250xi32, #tpu.memory_space<vmem>>
        %dma_start3A_357 = arith.constant 0 : i32
        %dma_start3A_358 = arith.constant 0 : i32
        %dma_start3A_359 = tpu.memref_slice %arg9[%dma_start3A_357, %dma_start3A_358] : memref<10240x128xbf16, #tpu.memory_space<vmem_shared>> -> memref<10240x128xbf16, #tpu.memory_space<vmem_shared>>
        tpu.enqueue_indirect_dma source(%arg12 : memref<250x128xbf16, #tpu.memory_space<vmem>>) target(%dma_start3A_359 : memref<10240x128xbf16, #tpu.memory_space<vmem_shared>>) offsets(%dma_start3A_356 : memref<250xi32, #tpu.memory_space<vmem>>) semaphore(%run_scoped3A_353 : memref<!tpu.dma_semaphore, #tpu.memory_space<semaphore_mem>>) {add = true}
        %dma_wait3A_360 = arith.constant 0 : i32
        %dma_wait3A_361 = tpu.memref_slice %arg11[%mul3A_304, %dma_wait3A_360] : memref<20x250xi32, #tpu.memory_space<vmem>> -> memref<1x250xi32, #tpu.memory_space<vmem>>
        %dma_wait3A_362 = tpu.memref_squeeze %dma_wait3A_361 : memref<1x250xi32, #tpu.memory_space<vmem>> -> memref<250xi32, #tpu.memory_space<vmem>>
        %dma_wait3A_363 = arith.constant 0 : i32
        %dma_wait3A_364 = arith.constant 0 : i32
        %dma_wait3A_365 = tpu.memref_slice %arg9[%dma_wait3A_363, %dma_wait3A_364] : memref<10240x128xbf16, #tpu.memory_space<vmem_shared>> -> memref<10240x128xbf16, #tpu.memory_space<vmem_shared>>
        tpu.wait_indirect_dma semaphore(%run_scoped3A_353 : memref<!tpu.dma_semaphore, #tpu.memory_space<semaphore_mem>>) src(%arg12 : memref<250x128xbf16, #tpu.memory_space<vmem>>) dst(%dma_wait3A_365 : memref<10240x128xbf16, #tpu.memory_space<vmem_shared>>)
        tpu.yield
      }) : () -> ()
      %mul3A_305 = arith.constant 3 : i32
      %mul3A_306 = arith.muli %mul3A_305, %scan3A_284 : i32
      %add3A_307 = arith.constant 3 : i32
      %add3A_308 = arith.addi %mul3A_306, %add3A_307 : i32
      %dma_start3A_309 = arith.constant 0 : i32
      %dma_start3A_310 = tpu.memref_slice %arg10[%add3A_308, %dma_start3A_309] : memref<20x250xi32, #tpu.memory_space<vmem>> -> memref<1x250xi32, #tpu.memory_space<vmem>>
      %dma_start3A_311 = tpu.memref_squeeze %dma_start3A_310 : memref<1x250xi32, #tpu.memory_space<vmem>> -> memref<250xi32, #tpu.memory_space<vmem>>
      %dma_start3A_312 = arith.constant 0 : i32
      %dma_start3A_313 = arith.constant 0 : i32
      %dma_start3A_314 = tpu.memref_slice %arg3[%dma_start3A_312, %dma_start3A_313] : memref<10000x128xbf16, #tpu.memory_space<hbm>> -> memref<10000x128xbf16, #tpu.memory_space<hbm>>
      tpu.enqueue_indirect_dma source(%dma_start3A_314 : memref<10000x128xbf16, #tpu.memory_space<hbm>>) target(%arg12 : memref<250x128xbf16, #tpu.memory_space<vmem>>) offsets(%dma_start3A_311 : memref<250xi32, #tpu.memory_space<vmem>>) semaphore(%arg15 : memref<!tpu.dma_semaphore, #tpu.memory_space<semaphore_mem>>)
      %mul3A_315 = arith.constant 3 : i32
      %mul3A_316 = arith.muli %mul3A_315, %scan3A_284 : i32
      %add3A_317 = arith.constant 1 : i32
      %add3A_318 = arith.addi %mul3A_316, %add3A_317 : i32
      %dma_wait3A_319 = arith.constant 0 : i32
      %dma_wait3A_320 = tpu.memref_slice %arg10[%add3A_318, %dma_wait3A_319] : memref<20x250xi32, #tpu.memory_space<vmem>> -> memref<1x250xi32, #tpu.memory_space<vmem>>
      %dma_wait3A_321 = tpu.memref_squeeze %dma_wait3A_320 : memref<1x250xi32, #tpu.memory_space<vmem>> -> memref<250xi32, #tpu.memory_space<vmem>>
      %dma_wait3A_322 = arith.constant 0 : i32
      %dma_wait3A_323 = arith.constant 0 : i32
      %dma_wait3A_324 = tpu.memref_slice %arg3[%dma_wait3A_322, %dma_wait3A_323] : memref<10000x128xbf16, #tpu.memory_space<hbm>> -> memref<10000x128xbf16, #tpu.memory_space<hbm>>
      tpu.wait_indirect_dma semaphore(%arg16 : memref<!tpu.dma_semaphore, #tpu.memory_space<semaphore_mem>>) src(%dma_wait3A_324 : memref<10000x128xbf16, #tpu.memory_space<hbm>>) dst(%arg13 : memref<250x128xbf16, #tpu.memory_space<vmem>>)
      %mul3A_325 = arith.constant 3 : i32
      %mul3A_326 = arith.muli %mul3A_325, %scan3A_284 : i32
      %add3A_327 = arith.constant 1 : i32
      %add3A_328 = arith.addi %mul3A_326, %add3A_327 : i32
      "tpu.region"() ({
        %run_scoped3A_353 = tpu.sem_alloc : memref<!tpu.dma_semaphore, #tpu.memory_space<semaphore_mem>>
        %dma_start3A_354 = arith.constant 0 : i32
        %dma_start3A_355 = tpu.memref_slice %arg11[%add3A_328, %dma_start3A_354] : memref<20x250xi32, #tpu.memory_space<vmem>> -> memref<1x250xi32, #tpu.memory_space<vmem>>
        %dma_start3A_356 = tpu.memref_squeeze %dma_start3A_355 : memref<1x250xi32, #tpu.memory_space<vmem>> -> memref<250xi32, #tpu.memory_space<vmem>>
        %dma_start3A_357 = arith.constant 0 : i32
        %dma_start3A_358 = arith.constant 0 : i32
        %dma_start3A_359 = tpu.memref_slice %arg9[%dma_start3A_357, %dma_start3A_358] : memref<10240x128xbf16, #tpu.memory_space<vmem_shared>> -> memref<10240x128xbf16, #tpu.memory_space<vmem_shared>>
        tpu.enqueue_indirect_dma source(%arg13 : memref<250x128xbf16, #tpu.memory_space<vmem>>) target(%dma_start3A_359 : memref<10240x128xbf16, #tpu.memory_space<vmem_shared>>) offsets(%dma_start3A_356 : memref<250xi32, #tpu.memory_space<vmem>>) semaphore(%run_scoped3A_353 : memref<!tpu.dma_semaphore, #tpu.memory_space<semaphore_mem>>) {add = true}
        %dma_wait3A_360 = arith.constant 0 : i32
        %dma_wait3A_361 = tpu.memref_slice %arg11[%add3A_328, %dma_wait3A_360] : memref<20x250xi32, #tpu.memory_space<vmem>> -> memref<1x250xi32, #tpu.memory_space<vmem>>
        %dma_wait3A_362 = tpu.memref_squeeze %dma_wait3A_361 : memref<1x250xi32, #tpu.memory_space<vmem>> -> memref<250xi32, #tpu.memory_space<vmem>>
        %dma_wait3A_363 = arith.constant 0 : i32
        %dma_wait3A_364 = arith.constant 0 : i32
        %dma_wait3A_365 = tpu.memref_slice %arg9[%dma_wait3A_363, %dma_wait3A_364] : memref<10240x128xbf16, #tpu.memory_space<vmem_shared>> -> memref<10240x128xbf16, #tpu.memory_space<vmem_shared>>
        tpu.wait_indirect_dma semaphore(%run_scoped3A_353 : memref<!tpu.dma_semaphore, #tpu.memory_space<semaphore_mem>>) src(%arg13 : memref<250x128xbf16, #tpu.memory_space<vmem>>) dst(%dma_wait3A_365 : memref<10240x128xbf16, #tpu.memory_space<vmem_shared>>)
        tpu.yield
      }) : () -> ()
      %mul3A_329 = arith.constant 3 : i32
      %mul3A_330 = arith.muli %mul3A_329, %scan3A_284 : i32
      %add3A_331 = arith.constant 4 : i32
      %add3A_332 = arith.addi %mul3A_330, %add3A_331 : i32
      %dma_start3A_333 = arith.constant 0 : i32
      %dma_start3A_334 = tpu.memref_slice %arg10[%add3A_332, %dma_start3A_333] : memref<20x250xi32, #tpu.memory_space<vmem>> -> memref<1x250xi32, #tpu.memory_space<vmem>>
      %dma_start3A_335 = tpu.memref_squeeze %dma_start3A_334 : memref<1x250xi32, #tpu.memory_space<vmem>> -> memref<250xi32, #tpu.memory_space<vmem>>
      %dma_start3A_336 = arith.constant 0 : i32
      %dma_start3A_337 = arith.constant 0 : i32
      %dma_start3A_338 = tpu.memref_slice %arg3[%dma_start3A_336, %dma_start3A_337] : memref<10000x128xbf16, #tpu.memory_space<hbm>> -> memref<10000x128xbf16, #tpu.memory_space<hbm>>
      tpu.enqueue_indirect_dma source(%dma_start3A_338 : memref<10000x128xbf16, #tpu.memory_space<hbm>>) target(%arg13 : memref<250x128xbf16, #tpu.memory_space<vmem>>) offsets(%dma_start3A_335 : memref<250xi32, #tpu.memory_space<vmem>>) semaphore(%arg16 : memref<!tpu.dma_semaphore, #tpu.memory_space<semaphore_mem>>)
      %mul3A_339 = arith.constant 3 : i32
      %mul3A_340 = arith.muli %mul3A_339, %scan3A_284 : i32
      %add3A_341 = arith.constant 2 : i32
      %add3A_342 = arith.addi %mul3A_340, %add3A_341 : i32
      %dma_wait3A_343 = arith.constant 0 : i32
      %dma_wait3A_344 = tpu.memref_slice %arg10[%add3A_342, %dma_wait3A_343] : memref<20x250xi32, #tpu.memory_space<vmem>> -> memref<1x250xi32, #tpu.memory_space<vmem>>
      %dma_wait3A_345 = tpu.memref_squeeze %dma_wait3A_344 : memref<1x250xi32, #tpu.memory_space<vmem>> -> memref<250xi32, #tpu.memory_space<vmem>>
      %dma_wait3A_346 = arith.constant 0 : i32
      %dma_wait3A_347 = arith.constant 0 : i32
      %dma_wait3A_348 = tpu.memref_slice %arg3[%dma_wait3A_346, %dma_wait3A_347] : memref<10000x128xbf16, #tpu.memory_space<hbm>> -> memref<10000x128xbf16, #tpu.memory_space<hbm>>
      tpu.wait_indirect_dma semaphore(%arg17 : memref<!tpu.dma_semaphore, #tpu.memory_space<semaphore_mem>>) src(%dma_wait3A_348 : memref<10000x128xbf16, #tpu.memory_space<hbm>>) dst(%arg14 : memref<250x128xbf16, #tpu.memory_space<vmem>>)
      %mul3A_349 = arith.constant 3 : i32
      %mul3A_350 = arith.muli %mul3A_349, %scan3A_284 : i32
      %add3A_351 = arith.constant 2 : i32
      %add3A_352 = arith.addi %mul3A_350, %add3A_351 : i32
      "tpu.region"() ({
        %run_scoped3A_353 = tpu.sem_alloc : memref<!tpu.dma_semaphore, #tpu.memory_space<semaphore_mem>>
        %dma_start3A_354 = arith.constant 0 : i32
        %dma_start3A_355 = tpu.memref_slice %arg11[%add3A_352, %dma_start3A_354] : memref<20x250xi32, #tpu.memory_space<vmem>> -> memref<1x250xi32, #tpu.memory_space<vmem>>
        %dma_start3A_356 = tpu.memref_squeeze %dma_start3A_355 : memref<1x250xi32, #tpu.memory_space<vmem>> -> memref<250xi32, #tpu.memory_space<vmem>>
        %dma_start3A_357 = arith.constant 0 : i32
        %dma_start3A_358 = arith.constant 0 : i32
        %dma_start3A_359 = tpu.memref_slice %arg9[%dma_start3A_357, %dma_start3A_358] : memref<10240x128xbf16, #tpu.memory_space<vmem_shared>> -> memref<10240x128xbf16, #tpu.memory_space<vmem_shared>>
        tpu.enqueue_indirect_dma source(%arg14 : memref<250x128xbf16, #tpu.memory_space<vmem>>) target(%dma_start3A_359 : memref<10240x128xbf16, #tpu.memory_space<vmem_shared>>) offsets(%dma_start3A_356 : memref<250xi32, #tpu.memory_space<vmem>>) semaphore(%run_scoped3A_353 : memref<!tpu.dma_semaphore, #tpu.memory_space<semaphore_mem>>) {add = true}
        %dma_wait3A_360 = arith.constant 0 : i32
        %dma_wait3A_361 = tpu.memref_slice %arg11[%add3A_352, %dma_wait3A_360] : memref<20x250xi32, #tpu.memory_space<vmem>> -> memref<1x250xi32, #tpu.memory_space<vmem>>
        %dma_wait3A_362 = tpu.memref_squeeze %dma_wait3A_361 : memref<1x250xi32, #tpu.memory_space<vmem>> -> memref<250xi32, #tpu.memory_space<vmem>>
        %dma_wait3A_363 = arith.constant 0 : i32
        %dma_wait3A_364 = arith.constant 0 : i32
        %dma_wait3A_365 = tpu.memref_slice %arg9[%dma_wait3A_363, %dma_wait3A_364] : memref<10240x128xbf16, #tpu.memory_space<vmem_shared>> -> memref<10240x128xbf16, #tpu.memory_space<vmem_shared>>
        tpu.wait_indirect_dma semaphore(%run_scoped3A_353 : memref<!tpu.dma_semaphore, #tpu.memory_space<semaphore_mem>>) src(%arg14 : memref<250x128xbf16, #tpu.memory_space<vmem>>) dst(%dma_wait3A_365 : memref<10240x128xbf16, #tpu.memory_space<vmem_shared>>)
        tpu.yield
      }) : () -> ()
    }
    %scan3A_164 = arith.constant 6 : i32
    %dma_wait3A_165 = arith.constant 18 : i32
    %dma_wait3A_166 = arith.constant 0 : i32
    %dma_wait3A_167 = tpu.memref_slice %arg10[%dma_wait3A_165, %dma_wait3A_166] : memref<20x250xi32, #tpu.memory_space<vmem>> -> memref<1x250xi32, #tpu.memory_space<vmem>>
    %dma_wait3A_168 = tpu.memref_squeeze %dma_wait3A_167 : memref<1x250xi32, #tpu.memory_space<vmem>> -> memref<250xi32, #tpu.memory_space<vmem>>
    %dma_wait3A_169 = arith.constant 0 : i32
    %dma_wait3A_170 = arith.constant 0 : i32
    %dma_wait3A_171 = tpu.memref_slice %arg3[%dma_wait3A_169, %dma_wait3A_170] : memref<10000x128xbf16, #tpu.memory_space<hbm>> -> memref<10000x128xbf16, #tpu.memory_space<hbm>>
    tpu.wait_indirect_dma semaphore(%arg15 : memref<!tpu.dma_semaphore, #tpu.memory_space<semaphore_mem>>) src(%dma_wait3A_171 : memref<10000x128xbf16, #tpu.memory_space<hbm>>) dst(%arg12 : memref<250x128xbf16, #tpu.memory_space<vmem>>)
    %run_scoped3A_172 = arith.constant 18 : i32
    "tpu.region"() ({
      %run_scoped3A_284 = tpu.sem_alloc : memref<!tpu.dma_semaphore, #tpu.memory_space<semaphore_mem>>
      %dma_start3A_285 = arith.constant 0 : i32
      %dma_start3A_286 = tpu.memref_slice %arg11[%run_scoped3A_172, %dma_start3A_285] : memref<20x250xi32, #tpu.memory_space<vmem>> -> memref<1x250xi32, #tpu.memory_space<vmem>>
      %dma_start3A_287 = tpu.memref_squeeze %dma_start3A_286 : memref<1x250xi32, #tpu.memory_space<vmem>> -> memref<250xi32, #tpu.memory_space<vmem>>
      %dma_start3A_288 = arith.constant 0 : i32
      %dma_start3A_289 = arith.constant 0 : i32
      %dma_start3A_290 = tpu.memref_slice %arg9[%dma_start3A_288, %dma_start3A_289] : memref<10240x128xbf16, #tpu.memory_space<vmem_shared>> -> memref<10240x128xbf16, #tpu.memory_space<vmem_shared>>
      tpu.enqueue_indirect_dma source(%arg12 : memref<250x128xbf16, #tpu.memory_space<vmem>>) target(%dma_start3A_290 : memref<10240x128xbf16, #tpu.memory_space<vmem_shared>>) offsets(%dma_start3A_287 : memref<250xi32, #tpu.memory_space<vmem>>) semaphore(%run_scoped3A_284 : memref<!tpu.dma_semaphore, #tpu.memory_space<semaphore_mem>>) {add = true}
      %dma_wait3A_291 = arith.constant 0 : i32
      %dma_wait3A_292 = tpu.memref_slice %arg11[%run_scoped3A_172, %dma_wait3A_291] : memref<20x250xi32, #tpu.memory_space<vmem>> -> memref<1x250xi32, #tpu.memory_space<vmem>>
      %dma_wait3A_293 = tpu.memref_squeeze %dma_wait3A_292 : memref<1x250xi32, #tpu.memory_space<vmem>> -> memref<250xi32, #tpu.memory_space<vmem>>
      %dma_wait3A_294 = arith.constant 0 : i32
      %dma_wait3A_295 = arith.constant 0 : i32
      %dma_wait3A_296 = tpu.memref_slice %arg9[%dma_wait3A_294, %dma_wait3A_295] : memref<10240x128xbf16, #tpu.memory_space<vmem_shared>> -> memref<10240x128xbf16, #tpu.memory_space<vmem_shared>>
      tpu.wait_indirect_dma semaphore(%run_scoped3A_284 : memref<!tpu.dma_semaphore, #tpu.memory_space<semaphore_mem>>) src(%arg12 : memref<250x128xbf16, #tpu.memory_space<vmem>>) dst(%dma_wait3A_296 : memref<10240x128xbf16, #tpu.memory_space<vmem_shared>>)
      tpu.yield
    }) : () -> ()
    %dma_wait3A_173 = arith.constant 19 : i32
    %dma_wait3A_174 = arith.constant 0 : i32
    %dma_wait3A_175 = tpu.memref_slice %arg10[%dma_wait3A_173, %dma_wait3A_174] : memref<20x250xi32, #tpu.memory_space<vmem>> -> memref<1x250xi32, #tpu.memory_space<vmem>>
    %dma_wait3A_176 = tpu.memref_squeeze %dma_wait3A_175 : memref<1x250xi32, #tpu.memory_space<vmem>> -> memref<250xi32, #tpu.memory_space<vmem>>
    %dma_wait3A_177 = arith.constant 0 : i32
    %dma_wait3A_178 = arith.constant 0 : i32
    %dma_wait3A_179 = tpu.memref_slice %arg3[%dma_wait3A_177, %dma_wait3A_178] : memref<10000x128xbf16, #tpu.memory_space<hbm>> -> memref<10000x128xbf16, #tpu.memory_space<hbm>>
    tpu.wait_indirect_dma semaphore(%arg16 : memref<!tpu.dma_semaphore, #tpu.memory_space<semaphore_mem>>) src(%dma_wait3A_179 : memref<10000x128xbf16, #tpu.memory_space<hbm>>) dst(%arg13 : memref<250x128xbf16, #tpu.memory_space<vmem>>)
    %run_scoped3A_180 = arith.constant 19 : i32
    "tpu.region"() ({
      %run_scoped3A_284 = tpu.sem_alloc : memref<!tpu.dma_semaphore, #tpu.memory_space<semaphore_mem>>
      %dma_start3A_285 = arith.constant 0 : i32
      %dma_start3A_286 = tpu.memref_slice %arg11[%run_scoped3A_180, %dma_start3A_285] : memref<20x250xi32, #tpu.memory_space<vmem>> -> memref<1x250xi32, #tpu.memory_space<vmem>>
      %dma_start3A_287 = tpu.memref_squeeze %dma_start3A_286 : memref<1x250xi32, #tpu.memory_space<vmem>> -> memref<250xi32, #tpu.memory_space<vmem>>
      %dma_start3A_288 = arith.constant 0 : i32
      %dma_start3A_289 = arith.constant 0 : i32
      %dma_start3A_290 = tpu.memref_slice %arg9[%dma_start3A_288, %dma_start3A_289] : memref<10240x128xbf16, #tpu.memory_space<vmem_shared>> -> memref<10240x128xbf16, #tpu.memory_space<vmem_shared>>
      tpu.enqueue_indirect_dma source(%arg13 : memref<250x128xbf16, #tpu.memory_space<vmem>>) target(%dma_start3A_290 : memref<10240x128xbf16, #tpu.memory_space<vmem_shared>>) offsets(%dma_start3A_287 : memref<250xi32, #tpu.memory_space<vmem>>) semaphore(%run_scoped3A_284 : memref<!tpu.dma_semaphore, #tpu.memory_space<semaphore_mem>>) {add = true}
      %dma_wait3A_291 = arith.constant 0 : i32
      %dma_wait3A_292 = tpu.memref_slice %arg11[%run_scoped3A_180, %dma_wait3A_291] : memref<20x250xi32, #tpu.memory_space<vmem>> -> memref<1x250xi32, #tpu.memory_space<vmem>>
      %dma_wait3A_293 = tpu.memref_squeeze %dma_wait3A_292 : memref<1x250xi32, #tpu.memory_space<vmem>> -> memref<250xi32, #tpu.memory_space<vmem>>
      %dma_wait3A_294 = arith.constant 0 : i32
      %dma_wait3A_295 = arith.constant 0 : i32
      %dma_wait3A_296 = tpu.memref_slice %arg9[%dma_wait3A_294, %dma_wait3A_295] : memref<10240x128xbf16, #tpu.memory_space<vmem_shared>> -> memref<10240x128xbf16, #tpu.memory_space<vmem_shared>>
      tpu.wait_indirect_dma semaphore(%run_scoped3A_284 : memref<!tpu.dma_semaphore, #tpu.memory_space<semaphore_mem>>) src(%arg13 : memref<250x128xbf16, #tpu.memory_space<vmem>>) dst(%dma_wait3A_296 : memref<10240x128xbf16, #tpu.memory_space<vmem_shared>>)
      tpu.yield
    }) : () -> ()
    %barrier3A_181 = arith.constant 0 : index
    tpu.barrier barrier_id(%barrier3A_181)
    %scan3A_182 = arith.constant 0 : i32
    %scan3A_183 = arith.constant 0 : i32
    %scan3A_184 = arith.constant 4 : i32
    %scan3A_185 = arith.addi %scan3A_183, %scan3A_184 : i32
    %scan3A_186 = arith.constant 1 : i32
    scf.for %scan3A_284 = %scan3A_183 to %scan3A_185 step %scan3A_186  : i32 {
      %mul3A_285 = arith.constant 640 : i32
      %mul3A_286 = arith.muli %arg1, %mul3A_285 : i32
      %mul3A_287 = arith.constant 2 : i32
      %mul3A_288 = arith.muli %mul3A_287, %scan3A_284 : i32
      %mul3A_289 = arith.constant 80 : i32
      %mul3A_290 = arith.muli %mul3A_288, %mul3A_289 : i32
      %add3A_291 = arith.addi %mul3A_286, %mul3A_290 : i32
      %add3A_292 = arith.constant 80 : i32
      %add3A_293 = arith.addi %add3A_291, %add3A_292 : i32
      "tpu.region"() ({
        %run_scoped3A_346 = tpu.sem_alloc : memref<!tpu.dma_semaphore, #tpu.memory_space<semaphore_mem>>
        %dma_start3A_347 = arith.constant 0 : i32
        %dma_start3A_348 = arith.constant 0 : i32
        %dma_start3A_349 = tpu.memref_slice %arg12[%dma_start3A_347, %dma_start3A_348] : memref<250x128xbf16, #tpu.memory_space<vmem>> -> memref<80x128xbf16, #tpu.memory_space<vmem>>
        %dma_start3A_350 = arith.constant 0 : i32
        %dma_start3A_351 = tpu.memref_slice %arg9[%add3A_291, %dma_start3A_350] : memref<10240x128xbf16, #tpu.memory_space<vmem_shared>> -> memref<80x128xbf16, #tpu.memory_space<vmem_shared>>
        %dma_start3A_352 = arith.constant 0 : i32
        %dma_start3A_353 = arith.constant 0 : i32
        %dma_start3A_354 = tpu.memref_slice %arg12[%dma_start3A_352, %dma_start3A_353] : memref<250x128xbf16, #tpu.memory_space<vmem>> -> memref<80x128xbf16, #tpu.memory_space<vmem>>
        %dma_start3A_355 = arith.constant 0 : i32
        %dma_start3A_356 = tpu.memref_slice %arg9[%add3A_291, %dma_start3A_355] : memref<10240x128xbf16, #tpu.memory_space<vmem_shared>> -> memref<80x128xbf16, #tpu.memory_space<vmem_shared>>
        tpu.enqueue_dma source(%dma_start3A_356 : memref<80x128xbf16, #tpu.memory_space<vmem_shared>>) target(%dma_start3A_354 : memref<80x128xbf16, #tpu.memory_space<vmem>>) target_semaphore(%run_scoped3A_346 : memref<!tpu.dma_semaphore, #tpu.memory_space<semaphore_mem>>)
        %dma_wait3A_357 = arith.constant 0 : i32
        %dma_wait3A_358 = arith.constant 0 : i32
        %dma_wait3A_359 = tpu.memref_slice %arg12[%dma_wait3A_357, %dma_wait3A_358] : memref<250x128xbf16, #tpu.memory_space<vmem>> -> memref<80x128xbf16, #tpu.memory_space<vmem>>
        %dma_wait3A_360 = arith.constant 0 : i32
        %dma_wait3A_361 = tpu.memref_slice %arg9[%add3A_291, %dma_wait3A_360] : memref<10240x128xbf16, #tpu.memory_space<vmem_shared>> -> memref<80x128xbf16, #tpu.memory_space<vmem_shared>>
        %dma_wait3A_362 = arith.constant 0 : i32
        %dma_wait3A_363 = arith.constant 0 : i32
        %dma_wait3A_364 = tpu.memref_slice %arg12[%dma_wait3A_362, %dma_wait3A_363] : memref<250x128xbf16, #tpu.memory_space<vmem>> -> memref<80x128xbf16, #tpu.memory_space<vmem>>
        %dma_wait3A_365 = arith.constant 0 : i32
        %dma_wait3A_366 = tpu.memref_slice %arg9[%add3A_291, %dma_wait3A_365] : memref<10240x128xbf16, #tpu.memory_space<vmem_shared>> -> memref<80x128xbf16, #tpu.memory_space<vmem_shared>>
        tpu.wait_dma2 semaphore(%run_scoped3A_346 : memref<!tpu.dma_semaphore, #tpu.memory_space<semaphore_mem>>) src(%dma_wait3A_366 : memref<80x128xbf16, #tpu.memory_space<vmem_shared>>) dst(%dma_wait3A_364 : memref<80x128xbf16, #tpu.memory_space<vmem>>)
        tpu.yield
      }) : () -> ()
      %dma_start3A_294 = arith.constant 1 : i32
      %dma_start3A_295 = arith.constant 0 : i32
      %dma_start3A_296 = arith.constant 0 : i32
      %dma_start3A_297 = tpu.memref_slice %arg12[%dma_start3A_295, %dma_start3A_296] : memref<250x128xbf16, #tpu.memory_space<vmem>> -> memref<80x128xbf16, #tpu.memory_space<vmem>>
      %dma_start3A_298 = arith.constant 0 : i32
      %dma_start3A_299 = tpu.memref_slice %arg8[%dma_start3A_294, %arg0, %add3A_291, %dma_start3A_298] : memref<3x2x10240x128xbf16, #tpu.memory_space<hbm>> -> memref<1x1x80x128xbf16, #tpu.memory_space<hbm>>
      %dma_start3A_300 = tpu.memref_squeeze %dma_start3A_299 : memref<1x1x80x128xbf16, #tpu.memory_space<hbm>> -> memref<80x128xbf16, #tpu.memory_space<hbm>>
      %dma_start3A_301 = arith.constant 0 : i32
      %dma_start3A_302 = tpu.memref_slice %arg8[%dma_start3A_294, %arg0, %add3A_291, %dma_start3A_301] : memref<3x2x10240x128xbf16, #tpu.memory_space<hbm>> -> memref<1x1x80x128xbf16, #tpu.memory_space<hbm>>
      %dma_start3A_303 = tpu.memref_squeeze %dma_start3A_302 : memref<1x1x80x128xbf16, #tpu.memory_space<hbm>> -> memref<80x128xbf16, #tpu.memory_space<hbm>>
      %dma_start3A_304 = arith.constant 0 : i32
      %dma_start3A_305 = arith.constant 0 : i32
      %dma_start3A_306 = tpu.memref_slice %arg12[%dma_start3A_304, %dma_start3A_305] : memref<250x128xbf16, #tpu.memory_space<vmem>> -> memref<80x128xbf16, #tpu.memory_space<vmem>>
      tpu.enqueue_dma source(%dma_start3A_306 : memref<80x128xbf16, #tpu.memory_space<vmem>>) target(%dma_start3A_303 : memref<80x128xbf16, #tpu.memory_space<hbm>>) target_semaphore(%arg15 : memref<!tpu.dma_semaphore, #tpu.memory_space<semaphore_mem>>)
      "tpu.region"() ({
        %run_scoped3A_346 = tpu.sem_alloc : memref<!tpu.dma_semaphore, #tpu.memory_space<semaphore_mem>>
        %dma_start3A_347 = arith.constant 0 : i32
        %dma_start3A_348 = arith.constant 0 : i32
        %dma_start3A_349 = tpu.memref_slice %arg13[%dma_start3A_347, %dma_start3A_348] : memref<250x128xbf16, #tpu.memory_space<vmem>> -> memref<80x128xbf16, #tpu.memory_space<vmem>>
        %dma_start3A_350 = arith.constant 0 : i32
        %dma_start3A_351 = tpu.memref_slice %arg9[%add3A_293, %dma_start3A_350] : memref<10240x128xbf16, #tpu.memory_space<vmem_shared>> -> memref<80x128xbf16, #tpu.memory_space<vmem_shared>>
        %dma_start3A_352 = arith.constant 0 : i32
        %dma_start3A_353 = arith.constant 0 : i32
        %dma_start3A_354 = tpu.memref_slice %arg13[%dma_start3A_352, %dma_start3A_353] : memref<250x128xbf16, #tpu.memory_space<vmem>> -> memref<80x128xbf16, #tpu.memory_space<vmem>>
        %dma_start3A_355 = arith.constant 0 : i32
        %dma_start3A_356 = tpu.memref_slice %arg9[%add3A_293, %dma_start3A_355] : memref<10240x128xbf16, #tpu.memory_space<vmem_shared>> -> memref<80x128xbf16, #tpu.memory_space<vmem_shared>>
        tpu.enqueue_dma source(%dma_start3A_356 : memref<80x128xbf16, #tpu.memory_space<vmem_shared>>) target(%dma_start3A_354 : memref<80x128xbf16, #tpu.memory_space<vmem>>) target_semaphore(%run_scoped3A_346 : memref<!tpu.dma_semaphore, #tpu.memory_space<semaphore_mem>>)
        %dma_wait3A_357 = arith.constant 0 : i32
        %dma_wait3A_358 = arith.constant 0 : i32
        %dma_wait3A_359 = tpu.memref_slice %arg13[%dma_wait3A_357, %dma_wait3A_358] : memref<250x128xbf16, #tpu.memory_space<vmem>> -> memref<80x128xbf16, #tpu.memory_space<vmem>>
        %dma_wait3A_360 = arith.constant 0 : i32
        %dma_wait3A_361 = tpu.memref_slice %arg9[%add3A_293, %dma_wait3A_360] : memref<10240x128xbf16, #tpu.memory_space<vmem_shared>> -> memref<80x128xbf16, #tpu.memory_space<vmem_shared>>
        %dma_wait3A_362 = arith.constant 0 : i32
        %dma_wait3A_363 = arith.constant 0 : i32
        %dma_wait3A_364 = tpu.memref_slice %arg13[%dma_wait3A_362, %dma_wait3A_363] : memref<250x128xbf16, #tpu.memory_space<vmem>> -> memref<80x128xbf16, #tpu.memory_space<vmem>>
        %dma_wait3A_365 = arith.constant 0 : i32
        %dma_wait3A_366 = tpu.memref_slice %arg9[%add3A_293, %dma_wait3A_365] : memref<10240x128xbf16, #tpu.memory_space<vmem_shared>> -> memref<80x128xbf16, #tpu.memory_space<vmem_shared>>
        tpu.wait_dma2 semaphore(%run_scoped3A_346 : memref<!tpu.dma_semaphore, #tpu.memory_space<semaphore_mem>>) src(%dma_wait3A_366 : memref<80x128xbf16, #tpu.memory_space<vmem_shared>>) dst(%dma_wait3A_364 : memref<80x128xbf16, #tpu.memory_space<vmem>>)
        tpu.yield
      }) : () -> ()
      %dma_start3A_307 = arith.constant 1 : i32
      %dma_start3A_308 = arith.constant 0 : i32
      %dma_start3A_309 = arith.constant 0 : i32
      %dma_start3A_310 = tpu.memref_slice %arg13[%dma_start3A_308, %dma_start3A_309] : memref<250x128xbf16, #tpu.memory_space<vmem>> -> memref<80x128xbf16, #tpu.memory_space<vmem>>
      %dma_start3A_311 = arith.constant 0 : i32
      %dma_start3A_312 = tpu.memref_slice %arg8[%dma_start3A_307, %arg0, %add3A_293, %dma_start3A_311] : memref<3x2x10240x128xbf16, #tpu.memory_space<hbm>> -> memref<1x1x80x128xbf16, #tpu.memory_space<hbm>>
      %dma_start3A_313 = tpu.memref_squeeze %dma_start3A_312 : memref<1x1x80x128xbf16, #tpu.memory_space<hbm>> -> memref<80x128xbf16, #tpu.memory_space<hbm>>
      %dma_start3A_314 = arith.constant 0 : i32
      %dma_start3A_315 = tpu.memref_slice %arg8[%dma_start3A_307, %arg0, %add3A_293, %dma_start3A_314] : memref<3x2x10240x128xbf16, #tpu.memory_space<hbm>> -> memref<1x1x80x128xbf16, #tpu.memory_space<hbm>>
      %dma_start3A_316 = tpu.memref_squeeze %dma_start3A_315 : memref<1x1x80x128xbf16, #tpu.memory_space<hbm>> -> memref<80x128xbf16, #tpu.memory_space<hbm>>
      %dma_start3A_317 = arith.constant 0 : i32
      %dma_start3A_318 = arith.constant 0 : i32
      %dma_start3A_319 = tpu.memref_slice %arg13[%dma_start3A_317, %dma_start3A_318] : memref<250x128xbf16, #tpu.memory_space<vmem>> -> memref<80x128xbf16, #tpu.memory_space<vmem>>
      tpu.enqueue_dma source(%dma_start3A_319 : memref<80x128xbf16, #tpu.memory_space<vmem>>) target(%dma_start3A_316 : memref<80x128xbf16, #tpu.memory_space<hbm>>) target_semaphore(%arg16 : memref<!tpu.dma_semaphore, #tpu.memory_space<semaphore_mem>>)
      %dma_wait3A_320 = arith.constant 1 : i32
      %dma_wait3A_321 = arith.constant 0 : i32
      %dma_wait3A_322 = arith.constant 0 : i32
      %dma_wait3A_323 = tpu.memref_slice %arg12[%dma_wait3A_321, %dma_wait3A_322] : memref<250x128xbf16, #tpu.memory_space<vmem>> -> memref<80x128xbf16, #tpu.memory_space<vmem>>
      %dma_wait3A_324 = arith.constant 0 : i32
      %dma_wait3A_325 = tpu.memref_slice %arg8[%dma_wait3A_320, %arg0, %add3A_291, %dma_wait3A_324] : memref<3x2x10240x128xbf16, #tpu.memory_space<hbm>> -> memref<1x1x80x128xbf16, #tpu.memory_space<hbm>>
      %dma_wait3A_326 = tpu.memref_squeeze %dma_wait3A_325 : memref<1x1x80x128xbf16, #tpu.memory_space<hbm>> -> memref<80x128xbf16, #tpu.memory_space<hbm>>
      %dma_wait3A_327 = arith.constant 0 : i32
      %dma_wait3A_328 = tpu.memref_slice %arg8[%dma_wait3A_320, %arg0, %add3A_291, %dma_wait3A_327] : memref<3x2x10240x128xbf16, #tpu.memory_space<hbm>> -> memref<1x1x80x128xbf16, #tpu.memory_space<hbm>>
      %dma_wait3A_329 = tpu.memref_squeeze %dma_wait3A_328 : memref<1x1x80x128xbf16, #tpu.memory_space<hbm>> -> memref<80x128xbf16, #tpu.memory_space<hbm>>
      %dma_wait3A_330 = arith.constant 0 : i32
      %dma_wait3A_331 = arith.constant 0 : i32
      %dma_wait3A_332 = tpu.memref_slice %arg12[%dma_wait3A_330, %dma_wait3A_331] : memref<250x128xbf16, #tpu.memory_space<vmem>> -> memref<80x128xbf16, #tpu.memory_space<vmem>>
      tpu.wait_dma2 semaphore(%arg15 : memref<!tpu.dma_semaphore, #tpu.memory_space<semaphore_mem>>) src(%dma_wait3A_332 : memref<80x128xbf16, #tpu.memory_space<vmem>>) dst(%dma_wait3A_329 : memref<80x128xbf16, #tpu.memory_space<hbm>>)
      %dma_wait3A_333 = arith.constant 1 : i32
      %dma_wait3A_334 = arith.constant 0 : i32
      %dma_wait3A_335 = arith.constant 0 : i32
      %dma_wait3A_336 = tpu.memref_slice %arg13[%dma_wait3A_334, %dma_wait3A_335] : memref<250x128xbf16, #tpu.memory_space<vmem>> -> memref<80x128xbf16, #tpu.memory_space<vmem>>
      %dma_wait3A_337 = arith.constant 0 : i32
      %dma_wait3A_338 = tpu.memref_slice %arg8[%dma_wait3A_333, %arg0, %add3A_293, %dma_wait3A_337] : memref<3x2x10240x128xbf16, #tpu.memory_space<hbm>> -> memref<1x1x80x128xbf16, #tpu.memory_space<hbm>>
      %dma_wait3A_339 = tpu.memref_squeeze %dma_wait3A_338 : memref<1x1x80x128xbf16, #tpu.memory_space<hbm>> -> memref<80x128xbf16, #tpu.memory_space<hbm>>
      %dma_wait3A_340 = arith.constant 0 : i32
      %dma_wait3A_341 = tpu.memref_slice %arg8[%dma_wait3A_333, %arg0, %add3A_293, %dma_wait3A_340] : memref<3x2x10240x128xbf16, #tpu.memory_space<hbm>> -> memref<1x1x80x128xbf16, #tpu.memory_space<hbm>>
      %dma_wait3A_342 = tpu.memref_squeeze %dma_wait3A_341 : memref<1x1x80x128xbf16, #tpu.memory_space<hbm>> -> memref<80x128xbf16, #tpu.memory_space<hbm>>
      %dma_wait3A_343 = arith.constant 0 : i32
      %dma_wait3A_344 = arith.constant 0 : i32
      %dma_wait3A_345 = tpu.memref_slice %arg13[%dma_wait3A_343, %dma_wait3A_344] : memref<250x128xbf16, #tpu.memory_space<vmem>> -> memref<80x128xbf16, #tpu.memory_space<vmem>>
      tpu.wait_dma2 semaphore(%arg16 : memref<!tpu.dma_semaphore, #tpu.memory_space<semaphore_mem>>) src(%dma_wait3A_345 : memref<80x128xbf16, #tpu.memory_space<vmem>>) dst(%dma_wait3A_342 : memref<80x128xbf16, #tpu.memory_space<hbm>>)
    }
    %scan3A_187 = arith.constant 4 : i32
    %scan3A_188 = arith.constant 0 : i32
    %scan3A_189 = arith.constant 0 : i32
    %scan3A_190 = arith.constant 320 : i32
    %scan3A_191 = arith.addi %scan3A_189, %scan3A_190 : i32
    %scan3A_192 = arith.constant 1 : i32
    scf.for %scan3A_284 = %scan3A_189 to %scan3A_191 step %scan3A_192  : i32 {
      %broadcast_in_dim3A = arith.constant 0.000000e+00 : bf16
      %broadcast_in_dim3A_285 = vector.broadcast %broadcast_in_dim3A : bf16 to vector<32xbf16>
      %jit3A = arith.constant 4 : i32
      %div3A = arith.divsi %scan3A_284, %jit3A : i32
      %sign3A = arith.constant 0 : i32
      %sign3A_286 = arith.cmpi sgt, %scan3A_284, %sign3A : i32
      %sign3A_287 = arith.extui %sign3A_286 : i1 to i32
      %sign3A_288 = arith.constant 0 : i32
      %sign3A_289 = arith.cmpi slt, %scan3A_284, %sign3A_288 : i32
      %sign3A_290 = arith.extui %sign3A_289 : i1 to i32
      %sign3A_291 = arith.subi %sign3A_287, %sign3A_290 : i32
      %sign3A_292 = arith.constant 0 : i32
      %sign3A_293 = arith.cmpi sgt, %jit3A, %sign3A_292 : i32
      %sign3A_294 = arith.extui %sign3A_293 : i1 to i32
      %sign3A_295 = arith.constant 0 : i32
      %sign3A_296 = arith.cmpi slt, %jit3A, %sign3A_295 : i32
      %sign3A_297 = arith.extui %sign3A_296 : i1 to i32
      %sign3A_298 = arith.subi %sign3A_294, %sign3A_297 : i32
      %ne3A = arith.cmpi ne, %sign3A_291, %sign3A_298 : i32
      %rem3A = arith.remsi %scan3A_284, %jit3A : i32
      %ne3A_299 = arith.constant 0 : i32
      %ne3A_300 = arith.cmpi ne, %rem3A, %ne3A_299 : i32
      %and3A = arith.andi %ne3A, %ne3A_300 : i1
      %sub3A = arith.constant 1 : i32
      %sub3A_301 = arith.subi %div3A, %sub3A : i32
      %select_n3A = arith.select %and3A, %sub3A_301, %div3A : i32
      %jit3A_302 = arith.constant 4 : i32
      %eq3A = arith.constant 0 : i32
      %eq3A_303 = arith.cmpi eq, %jit3A_302, %eq3A : i32
      %jit3A_304 = arith.constant 1 : i32
      %select_n3A_305 = arith.select %eq3A_303, %jit3A_304, %jit3A_302 : i32
      %rem3A_306 = arith.remsi %scan3A_284, %select_n3A_305 : i32
      %ne3A_307 = arith.constant 0 : i32
      %ne3A_308 = arith.cmpi ne, %rem3A_306, %ne3A_307 : i32
      %lt3A = arith.constant 0 : i32
      %lt3A_309 = arith.cmpi slt, %rem3A_306, %lt3A : i32
      %lt3A_310 = arith.constant 0 : i32
      %lt3A_311 = arith.cmpi slt, %select_n3A_305, %lt3A_310 : i32
      %ne3A_312 = arith.xori %lt3A_309, %lt3A_311 : i1
      %and3A_313 = arith.andi %ne3A_312, %ne3A_308 : i1
      %add3A_314 = arith.addi %rem3A_306, %select_n3A_305 : i32
      %select_n3A_315 = arith.select %and3A_313, %add3A_314, %rem3A_306 : i32
      %mul3A_316 = arith.constant 32 : i32
      %mul3A_317 = arith.muli %select_n3A_315, %mul3A_316 : i32
      %swap3A = arith.index_cast %select_n3A : i32 to index
      %swap3A_318 = arith.index_cast %mul3A_317 : i32 to index
      %swap3A_319 = tpu.vector_load %arg12[%swap3A, %swap3A_318] {strides = array<i32>} : memref<250x128xbf16, #tpu.memory_space<vmem>>, vector<1x32xbf16>,
      %swap3A_320 = vector.shape_cast %swap3A_319 : vector<1x32xbf16> to vector<32xbf16>
      %swap3A_321 = vector.shape_cast %broadcast_in_dim3A_285 : vector<32xbf16> to vector<1x32xbf16>
      tpu.vector_store %arg12[%swap3A, %swap3A_318], %swap3A_321 {strides = array<i32>} : memref<250x128xbf16, #tpu.memory_space<vmem>>, vector<1x32xbf16>,
    }
    %scan3A_193 = arith.constant 320 : i32
    %scan3A_194 = arith.constant 0 : i32
    %scan3A_195 = arith.constant 0 : i32
    %scan3A_196 = arith.constant 8 : i32
    %scan3A_197 = arith.addi %scan3A_195, %scan3A_196 : i32
    %scan3A_198 = arith.constant 1 : i32
    scf.for %scan3A_284 = %scan3A_195 to %scan3A_197 step %scan3A_198  : i32 {
      %mul3A_285 = arith.constant 640 : i32
      %mul3A_286 = arith.muli %arg1, %mul3A_285 : i32
      %mul3A_287 = arith.constant 80 : i32
      %mul3A_288 = arith.muli %scan3A_284, %mul3A_287 : i32
      %add3A_289 = arith.addi %mul3A_286, %mul3A_288 : i32
      "tpu.region"() ({
        %run_scoped3A_290 = tpu.sem_alloc : memref<!tpu.dma_semaphore, #tpu.memory_space<semaphore_mem>>
        %dma_start3A_291 = arith.constant 0 : i32
        %dma_start3A_292 = arith.constant 0 : i32
        %dma_start3A_293 = tpu.memref_slice %arg12[%dma_start3A_291, %dma_start3A_292] : memref<250x128xbf16, #tpu.memory_space<vmem>> -> memref<80x128xbf16, #tpu.memory_space<vmem>>
        %dma_start3A_294 = arith.constant 0 : i32
        %dma_start3A_295 = tpu.memref_slice %arg9[%add3A_289, %dma_start3A_294] : memref<10240x128xbf16, #tpu.memory_space<vmem_shared>> -> memref<80x128xbf16, #tpu.memory_space<vmem_shared>>
        %dma_start3A_296 = arith.constant 0 : i32
        %dma_start3A_297 = tpu.memref_slice %arg9[%add3A_289, %dma_start3A_296] : memref<10240x128xbf16, #tpu.memory_space<vmem_shared>> -> memref<80x128xbf16, #tpu.memory_space<vmem_shared>>
        %dma_start3A_298 = arith.constant 0 : i32
        %dma_start3A_299 = arith.constant 0 : i32
        %dma_start3A_300 = tpu.memref_slice %arg12[%dma_start3A_298, %dma_start3A_299] : memref<250x128xbf16, #tpu.memory_space<vmem>> -> memref<80x128xbf16, #tpu.memory_space<vmem>>
        tpu.enqueue_dma source(%dma_start3A_300 : memref<80x128xbf16, #tpu.memory_space<vmem>>) target(%dma_start3A_297 : memref<80x128xbf16, #tpu.memory_space<vmem_shared>>) target_semaphore(%run_scoped3A_290 : memref<!tpu.dma_semaphore, #tpu.memory_space<semaphore_mem>>)
        %dma_wait3A_301 = arith.constant 0 : i32
        %dma_wait3A_302 = arith.constant 0 : i32
        %dma_wait3A_303 = tpu.memref_slice %arg12[%dma_wait3A_301, %dma_wait3A_302] : memref<250x128xbf16, #tpu.memory_space<vmem>> -> memref<80x128xbf16, #tpu.memory_space<vmem>>
        %dma_wait3A_304 = arith.constant 0 : i32
        %dma_wait3A_305 = tpu.memref_slice %arg9[%add3A_289, %dma_wait3A_304] : memref<10240x128xbf16, #tpu.memory_space<vmem_shared>> -> memref<80x128xbf16, #tpu.memory_space<vmem_shared>>
        %dma_wait3A_306 = arith.constant 0 : i32
        %dma_wait3A_307 = tpu.memref_slice %arg9[%add3A_289, %dma_wait3A_306] : memref<10240x128xbf16, #tpu.memory_space<vmem_shared>> -> memref<80x128xbf16, #tpu.memory_space<vmem_shared>>
        %dma_wait3A_308 = arith.constant 0 : i32
        %dma_wait3A_309 = arith.constant 0 : i32
        %dma_wait3A_310 = tpu.memref_slice %arg12[%dma_wait3A_308, %dma_wait3A_309] : memref<250x128xbf16, #tpu.memory_space<vmem>> -> memref<80x128xbf16, #tpu.memory_space<vmem>>
        tpu.wait_dma2 semaphore(%run_scoped3A_290 : memref<!tpu.dma_semaphore, #tpu.memory_space<semaphore_mem>>) src(%dma_wait3A_310 : memref<80x128xbf16, #tpu.memory_space<vmem>>) dst(%dma_wait3A_307 : memref<80x128xbf16, #tpu.memory_space<vmem_shared>>)
        tpu.yield
      }) : () -> ()
    }
    %scan3A_199 = arith.constant 8 : i32
    %barrier3A_200 = arith.constant 0 : index
    tpu.barrier barrier_id(%barrier3A_200)
    %run_scoped3A_201 = arith.constant 0 : i32
    "tpu.region"() ({
      %run_scoped3A_284 = tpu.sem_alloc : memref<!tpu.dma_semaphore, #tpu.memory_space<semaphore_mem>>
      %dma_start3A_285 = arith.constant 0 : i32
      %dma_start3A_286 = arith.constant 0 : i32
      %dma_start3A_287 = tpu.memref_slice %arg7[%run_scoped3A_201, %add3A, %dma_start3A_285, %dma_start3A_286] : memref<2x32x40x250xi32, #tpu.memory_space<hbm>> -> memref<1x1x20x250xi32, #tpu.memory_space<hbm>>
      %dma_start3A_288 = tpu.memref_squeeze %dma_start3A_287 : memref<1x1x20x250xi32, #tpu.memory_space<hbm>> -> memref<20x250xi32, #tpu.memory_space<hbm>>
      %dma_start3A_289 = arith.constant 0 : i32
      %dma_start3A_290 = arith.constant 0 : i32
      %dma_start3A_291 = tpu.memref_slice %arg7[%run_scoped3A_201, %add3A, %dma_start3A_289, %dma_start3A_290] : memref<2x32x40x250xi32, #tpu.memory_space<hbm>> -> memref<1x1x20x250xi32, #tpu.memory_space<hbm>>
      %dma_start3A_292 = tpu.memref_squeeze %dma_start3A_291 : memref<1x1x20x250xi32, #tpu.memory_space<hbm>> -> memref<20x250xi32, #tpu.memory_space<hbm>>
      tpu.enqueue_dma source(%dma_start3A_292 : memref<20x250xi32, #tpu.memory_space<hbm>>) target(%arg10 : memref<20x250xi32, #tpu.memory_space<vmem>>) target_semaphore(%run_scoped3A_284 : memref<!tpu.dma_semaphore, #tpu.memory_space<semaphore_mem>>)
      %dma_wait3A_293 = arith.constant 0 : i32
      %dma_wait3A_294 = arith.constant 0 : i32
      %dma_wait3A_295 = tpu.memref_slice %arg7[%run_scoped3A_201, %add3A, %dma_wait3A_293, %dma_wait3A_294] : memref<2x32x40x250xi32, #tpu.memory_space<hbm>> -> memref<1x1x20x250xi32, #tpu.memory_space<hbm>>
      %dma_wait3A_296 = tpu.memref_squeeze %dma_wait3A_295 : memref<1x1x20x250xi32, #tpu.memory_space<hbm>> -> memref<20x250xi32, #tpu.memory_space<hbm>>
      %dma_wait3A_297 = arith.constant 0 : i32
      %dma_wait3A_298 = arith.constant 0 : i32
      %dma_wait3A_299 = tpu.memref_slice %arg7[%run_scoped3A_201, %add3A, %dma_wait3A_297, %dma_wait3A_298] : memref<2x32x40x250xi32, #tpu.memory_space<hbm>> -> memref<1x1x20x250xi32, #tpu.memory_space<hbm>>
      %dma_wait3A_300 = tpu.memref_squeeze %dma_wait3A_299 : memref<1x1x20x250xi32, #tpu.memory_space<hbm>> -> memref<20x250xi32, #tpu.memory_space<hbm>>
      tpu.wait_dma2 semaphore(%run_scoped3A_284 : memref<!tpu.dma_semaphore, #tpu.memory_space<semaphore_mem>>) src(%dma_wait3A_300 : memref<20x250xi32, #tpu.memory_space<hbm>>) dst(%arg10 : memref<20x250xi32, #tpu.memory_space<vmem>>)
      tpu.yield
    }) : () -> ()
    %run_scoped3A_202 = arith.constant 1 : i32
    "tpu.region"() ({
      %run_scoped3A_284 = tpu.sem_alloc : memref<!tpu.dma_semaphore, #tpu.memory_space<semaphore_mem>>
      %dma_start3A_285 = arith.constant 0 : i32
      %dma_start3A_286 = arith.constant 0 : i32
      %dma_start3A_287 = tpu.memref_slice %arg7[%run_scoped3A_202, %add3A, %dma_start3A_285, %dma_start3A_286] : memref<2x32x40x250xi32, #tpu.memory_space<hbm>> -> memref<1x1x20x250xi32, #tpu.memory_space<hbm>>
      %dma_start3A_288 = tpu.memref_squeeze %dma_start3A_287 : memref<1x1x20x250xi32, #tpu.memory_space<hbm>> -> memref<20x250xi32, #tpu.memory_space<hbm>>
      %dma_start3A_289 = arith.constant 0 : i32
      %dma_start3A_290 = arith.constant 0 : i32
      %dma_start3A_291 = tpu.memref_slice %arg7[%run_scoped3A_202, %add3A, %dma_start3A_289, %dma_start3A_290] : memref<2x32x40x250xi32, #tpu.memory_space<hbm>> -> memref<1x1x20x250xi32, #tpu.memory_space<hbm>>
      %dma_start3A_292 = tpu.memref_squeeze %dma_start3A_291 : memref<1x1x20x250xi32, #tpu.memory_space<hbm>> -> memref<20x250xi32, #tpu.memory_space<hbm>>
      tpu.enqueue_dma source(%dma_start3A_292 : memref<20x250xi32, #tpu.memory_space<hbm>>) target(%arg11 : memref<20x250xi32, #tpu.memory_space<vmem>>) target_semaphore(%run_scoped3A_284 : memref<!tpu.dma_semaphore, #tpu.memory_space<semaphore_mem>>)
      %dma_wait3A_293 = arith.constant 0 : i32
      %dma_wait3A_294 = arith.constant 0 : i32
      %dma_wait3A_295 = tpu.memref_slice %arg7[%run_scoped3A_202, %add3A, %dma_wait3A_293, %dma_wait3A_294] : memref<2x32x40x250xi32, #tpu.memory_space<hbm>> -> memref<1x1x20x250xi32, #tpu.memory_space<hbm>>
      %dma_wait3A_296 = tpu.memref_squeeze %dma_wait3A_295 : memref<1x1x20x250xi32, #tpu.memory_space<hbm>> -> memref<20x250xi32, #tpu.memory_space<hbm>>
      %dma_wait3A_297 = arith.constant 0 : i32
      %dma_wait3A_298 = arith.constant 0 : i32
      %dma_wait3A_299 = tpu.memref_slice %arg7[%run_scoped3A_202, %add3A, %dma_wait3A_297, %dma_wait3A_298] : memref<2x32x40x250xi32, #tpu.memory_space<hbm>> -> memref<1x1x20x250xi32, #tpu.memory_space<hbm>>
      %dma_wait3A_300 = tpu.memref_squeeze %dma_wait3A_299 : memref<1x1x20x250xi32, #tpu.memory_space<hbm>> -> memref<20x250xi32, #tpu.memory_space<hbm>>
      tpu.wait_dma2 semaphore(%run_scoped3A_284 : memref<!tpu.dma_semaphore, #tpu.memory_space<semaphore_mem>>) src(%dma_wait3A_300 : memref<20x250xi32, #tpu.memory_space<hbm>>) dst(%arg11 : memref<20x250xi32, #tpu.memory_space<vmem>>)
      tpu.yield
    }) : () -> ()
    %dma_start3A_203 = arith.constant 0 : i32
    %dma_start3A_204 = arith.constant 0 : i32
    %dma_start3A_205 = tpu.memref_slice %arg10[%dma_start3A_203, %dma_start3A_204] : memref<20x250xi32, #tpu.memory_space<vmem>> -> memref<1x250xi32, #tpu.memory_space<vmem>>
    %dma_start3A_206 = tpu.memref_squeeze %dma_start3A_205 : memref<1x250xi32, #tpu.memory_space<vmem>> -> memref<250xi32, #tpu.memory_space<vmem>>
    %dma_start3A_207 = arith.constant 0 : i32
    %dma_start3A_208 = arith.constant 0 : i32
    %dma_start3A_209 = tpu.memref_slice %arg4[%dma_start3A_207, %dma_start3A_208] : memref<10000x128xbf16, #tpu.memory_space<hbm>> -> memref<10000x128xbf16, #tpu.memory_space<hbm>>
    tpu.enqueue_indirect_dma source(%dma_start3A_209 : memref<10000x128xbf16, #tpu.memory_space<hbm>>) target(%arg12 : memref<250x128xbf16, #tpu.memory_space<vmem>>) offsets(%dma_start3A_206 : memref<250xi32, #tpu.memory_space<vmem>>) semaphore(%arg15 : memref<!tpu.dma_semaphore, #tpu.memory_space<semaphore_mem>>)
    %dma_start3A_210 = arith.constant 1 : i32
    %dma_start3A_211 = arith.constant 0 : i32
    %dma_start3A_212 = tpu.memref_slice %arg10[%dma_start3A_210, %dma_start3A_211] : memref<20x250xi32, #tpu.memory_space<vmem>> -> memref<1x250xi32, #tpu.memory_space<vmem>>
    %dma_start3A_213 = tpu.memref_squeeze %dma_start3A_212 : memref<1x250xi32, #tpu.memory_space<vmem>> -> memref<250xi32, #tpu.memory_space<vmem>>
    %dma_start3A_214 = arith.constant 0 : i32
    %dma_start3A_215 = arith.constant 0 : i32
    %dma_start3A_216 = tpu.memref_slice %arg4[%dma_start3A_214, %dma_start3A_215] : memref<10000x128xbf16, #tpu.memory_space<hbm>> -> memref<10000x128xbf16, #tpu.memory_space<hbm>>
    tpu.enqueue_indirect_dma source(%dma_start3A_216 : memref<10000x128xbf16, #tpu.memory_space<hbm>>) target(%arg13 : memref<250x128xbf16, #tpu.memory_space<vmem>>) offsets(%dma_start3A_213 : memref<250xi32, #tpu.memory_space<vmem>>) semaphore(%arg16 : memref<!tpu.dma_semaphore, #tpu.memory_space<semaphore_mem>>)
    %scan3A_217 = arith.constant 0 : i32
    %scan3A_218 = arith.constant 0 : i32
    %scan3A_219 = arith.constant 6 : i32
    %scan3A_220 = arith.addi %scan3A_218, %scan3A_219 : i32
    %scan3A_221 = arith.constant 1 : i32
    scf.for %scan3A_284 = %scan3A_218 to %scan3A_220 step %scan3A_221  : i32 {
      %mul3A_285 = arith.constant 3 : i32
      %mul3A_286 = arith.muli %mul3A_285, %scan3A_284 : i32
      %add3A_287 = arith.constant 2 : i32
      %add3A_288 = arith.addi %mul3A_286, %add3A_287 : i32
      %dma_start3A_289 = arith.constant 0 : i32
      %dma_start3A_290 = tpu.memref_slice %arg10[%add3A_288, %dma_start3A_289] : memref<20x250xi32, #tpu.memory_space<vmem>> -> memref<1x250xi32, #tpu.memory_space<vmem>>
      %dma_start3A_291 = tpu.memref_squeeze %dma_start3A_290 : memref<1x250xi32, #tpu.memory_space<vmem>> -> memref<250xi32, #tpu.memory_space<vmem>>
      %dma_start3A_292 = arith.constant 0 : i32
      %dma_start3A_293 = arith.constant 0 : i32
      %dma_start3A_294 = tpu.memref_slice %arg4[%dma_start3A_292, %dma_start3A_293] : memref<10000x128xbf16, #tpu.memory_space<hbm>> -> memref<10000x128xbf16, #tpu.memory_space<hbm>>
      tpu.enqueue_indirect_dma source(%dma_start3A_294 : memref<10000x128xbf16, #tpu.memory_space<hbm>>) target(%arg14 : memref<250x128xbf16, #tpu.memory_space<vmem>>) offsets(%dma_start3A_291 : memref<250xi32, #tpu.memory_space<vmem>>) semaphore(%arg17 : memref<!tpu.dma_semaphore, #tpu.memory_space<semaphore_mem>>)
      %mul3A_295 = arith.constant 3 : i32
      %mul3A_296 = arith.muli %mul3A_295, %scan3A_284 : i32
      %dma_wait3A_297 = arith.constant 0 : i32
      %dma_wait3A_298 = tpu.memref_slice %arg10[%mul3A_296, %dma_wait3A_297] : memref<20x250xi32, #tpu.memory_space<vmem>> -> memref<1x250xi32, #tpu.memory_space<vmem>>
      %dma_wait3A_299 = tpu.memref_squeeze %dma_wait3A_298 : memref<1x250xi32, #tpu.memory_space<vmem>> -> memref<250xi32, #tpu.memory_space<vmem>>
      %dma_wait3A_300 = arith.constant 0 : i32
      %dma_wait3A_301 = arith.constant 0 : i32
      %dma_wait3A_302 = tpu.memref_slice %arg4[%dma_wait3A_300, %dma_wait3A_301] : memref<10000x128xbf16, #tpu.memory_space<hbm>> -> memref<10000x128xbf16, #tpu.memory_space<hbm>>
      tpu.wait_indirect_dma semaphore(%arg15 : memref<!tpu.dma_semaphore, #tpu.memory_space<semaphore_mem>>) src(%dma_wait3A_302 : memref<10000x128xbf16, #tpu.memory_space<hbm>>) dst(%arg12 : memref<250x128xbf16, #tpu.memory_space<vmem>>)
      %mul3A_303 = arith.constant 3 : i32
      %mul3A_304 = arith.muli %mul3A_303, %scan3A_284 : i32
      "tpu.region"() ({
        %run_scoped3A_353 = tpu.sem_alloc : memref<!tpu.dma_semaphore, #tpu.memory_space<semaphore_mem>>
        %dma_start3A_354 = arith.constant 0 : i32
        %dma_start3A_355 = tpu.memref_slice %arg11[%mul3A_304, %dma_start3A_354] : memref<20x250xi32, #tpu.memory_space<vmem>> -> memref<1x250xi32, #tpu.memory_space<vmem>>
        %dma_start3A_356 = tpu.memref_squeeze %dma_start3A_355 : memref<1x250xi32, #tpu.memory_space<vmem>> -> memref<250xi32, #tpu.memory_space<vmem>>
        %dma_start3A_357 = arith.constant 0 : i32
        %dma_start3A_358 = arith.constant 0 : i32
        %dma_start3A_359 = tpu.memref_slice %arg9[%dma_start3A_357, %dma_start3A_358] : memref<10240x128xbf16, #tpu.memory_space<vmem_shared>> -> memref<10240x128xbf16, #tpu.memory_space<vmem_shared>>
        tpu.enqueue_indirect_dma source(%arg12 : memref<250x128xbf16, #tpu.memory_space<vmem>>) target(%dma_start3A_359 : memref<10240x128xbf16, #tpu.memory_space<vmem_shared>>) offsets(%dma_start3A_356 : memref<250xi32, #tpu.memory_space<vmem>>) semaphore(%run_scoped3A_353 : memref<!tpu.dma_semaphore, #tpu.memory_space<semaphore_mem>>) {add = true}
        %dma_wait3A_360 = arith.constant 0 : i32
        %dma_wait3A_361 = tpu.memref_slice %arg11[%mul3A_304, %dma_wait3A_360] : memref<20x250xi32, #tpu.memory_space<vmem>> -> memref<1x250xi32, #tpu.memory_space<vmem>>
        %dma_wait3A_362 = tpu.memref_squeeze %dma_wait3A_361 : memref<1x250xi32, #tpu.memory_space<vmem>> -> memref<250xi32, #tpu.memory_space<vmem>>
        %dma_wait3A_363 = arith.constant 0 : i32
        %dma_wait3A_364 = arith.constant 0 : i32
        %dma_wait3A_365 = tpu.memref_slice %arg9[%dma_wait3A_363, %dma_wait3A_364] : memref<10240x128xbf16, #tpu.memory_space<vmem_shared>> -> memref<10240x128xbf16, #tpu.memory_space<vmem_shared>>
        tpu.wait_indirect_dma semaphore(%run_scoped3A_353 : memref<!tpu.dma_semaphore, #tpu.memory_space<semaphore_mem>>) src(%arg12 : memref<250x128xbf16, #tpu.memory_space<vmem>>) dst(%dma_wait3A_365 : memref<10240x128xbf16, #tpu.memory_space<vmem_shared>>)
        tpu.yield
      }) : () -> ()
      %mul3A_305 = arith.constant 3 : i32
      %mul3A_306 = arith.muli %mul3A_305, %scan3A_284 : i32
      %add3A_307 = arith.constant 3 : i32
      %add3A_308 = arith.addi %mul3A_306, %add3A_307 : i32
      %dma_start3A_309 = arith.constant 0 : i32
      %dma_start3A_310 = tpu.memref_slice %arg10[%add3A_308, %dma_start3A_309] : memref<20x250xi32, #tpu.memory_space<vmem>> -> memref<1x250xi32, #tpu.memory_space<vmem>>
      %dma_start3A_311 = tpu.memref_squeeze %dma_start3A_310 : memref<1x250xi32, #tpu.memory_space<vmem>> -> memref<250xi32, #tpu.memory_space<vmem>>
      %dma_start3A_312 = arith.constant 0 : i32
      %dma_start3A_313 = arith.constant 0 : i32
      %dma_start3A_314 = tpu.memref_slice %arg4[%dma_start3A_312, %dma_start3A_313] : memref<10000x128xbf16, #tpu.memory_space<hbm>> -> memref<10000x128xbf16, #tpu.memory_space<hbm>>
      tpu.enqueue_indirect_dma source(%dma_start3A_314 : memref<10000x128xbf16, #tpu.memory_space<hbm>>) target(%arg12 : memref<250x128xbf16, #tpu.memory_space<vmem>>) offsets(%dma_start3A_311 : memref<250xi32, #tpu.memory_space<vmem>>) semaphore(%arg15 : memref<!tpu.dma_semaphore, #tpu.memory_space<semaphore_mem>>)
      %mul3A_315 = arith.constant 3 : i32
      %mul3A_316 = arith.muli %mul3A_315, %scan3A_284 : i32
      %add3A_317 = arith.constant 1 : i32
      %add3A_318 = arith.addi %mul3A_316, %add3A_317 : i32
      %dma_wait3A_319 = arith.constant 0 : i32
      %dma_wait3A_320 = tpu.memref_slice %arg10[%add3A_318, %dma_wait3A_319] : memref<20x250xi32, #tpu.memory_space<vmem>> -> memref<1x250xi32, #tpu.memory_space<vmem>>
      %dma_wait3A_321 = tpu.memref_squeeze %dma_wait3A_320 : memref<1x250xi32, #tpu.memory_space<vmem>> -> memref<250xi32, #tpu.memory_space<vmem>>
      %dma_wait3A_322 = arith.constant 0 : i32
      %dma_wait3A_323 = arith.constant 0 : i32
      %dma_wait3A_324 = tpu.memref_slice %arg4[%dma_wait3A_322, %dma_wait3A_323] : memref<10000x128xbf16, #tpu.memory_space<hbm>> -> memref<10000x128xbf16, #tpu.memory_space<hbm>>
      tpu.wait_indirect_dma semaphore(%arg16 : memref<!tpu.dma_semaphore, #tpu.memory_space<semaphore_mem>>) src(%dma_wait3A_324 : memref<10000x128xbf16, #tpu.memory_space<hbm>>) dst(%arg13 : memref<250x128xbf16, #tpu.memory_space<vmem>>)
      %mul3A_325 = arith.constant 3 : i32
      %mul3A_326 = arith.muli %mul3A_325, %scan3A_284 : i32
      %add3A_327 = arith.constant 1 : i32
      %add3A_328 = arith.addi %mul3A_326, %add3A_327 : i32
      "tpu.region"() ({
        %run_scoped3A_353 = tpu.sem_alloc : memref<!tpu.dma_semaphore, #tpu.memory_space<semaphore_mem>>
        %dma_start3A_354 = arith.constant 0 : i32
        %dma_start3A_355 = tpu.memref_slice %arg11[%add3A_328, %dma_start3A_354] : memref<20x250xi32, #tpu.memory_space<vmem>> -> memref<1x250xi32, #tpu.memory_space<vmem>>
        %dma_start3A_356 = tpu.memref_squeeze %dma_start3A_355 : memref<1x250xi32, #tpu.memory_space<vmem>> -> memref<250xi32, #tpu.memory_space<vmem>>
        %dma_start3A_357 = arith.constant 0 : i32
        %dma_start3A_358 = arith.constant 0 : i32
        %dma_start3A_359 = tpu.memref_slice %arg9[%dma_start3A_357, %dma_start3A_358] : memref<10240x128xbf16, #tpu.memory_space<vmem_shared>> -> memref<10240x128xbf16, #tpu.memory_space<vmem_shared>>
        tpu.enqueue_indirect_dma source(%arg13 : memref<250x128xbf16, #tpu.memory_space<vmem>>) target(%dma_start3A_359 : memref<10240x128xbf16, #tpu.memory_space<vmem_shared>>) offsets(%dma_start3A_356 : memref<250xi32, #tpu.memory_space<vmem>>) semaphore(%run_scoped3A_353 : memref<!tpu.dma_semaphore, #tpu.memory_space<semaphore_mem>>) {add = true}
        %dma_wait3A_360 = arith.constant 0 : i32
        %dma_wait3A_361 = tpu.memref_slice %arg11[%add3A_328, %dma_wait3A_360] : memref<20x250xi32, #tpu.memory_space<vmem>> -> memref<1x250xi32, #tpu.memory_space<vmem>>
        %dma_wait3A_362 = tpu.memref_squeeze %dma_wait3A_361 : memref<1x250xi32, #tpu.memory_space<vmem>> -> memref<250xi32, #tpu.memory_space<vmem>>
        %dma_wait3A_363 = arith.constant 0 : i32
        %dma_wait3A_364 = arith.constant 0 : i32
        %dma_wait3A_365 = tpu.memref_slice %arg9[%dma_wait3A_363, %dma_wait3A_364] : memref<10240x128xbf16, #tpu.memory_space<vmem_shared>> -> memref<10240x128xbf16, #tpu.memory_space<vmem_shared>>
        tpu.wait_indirect_dma semaphore(%run_scoped3A_353 : memref<!tpu.dma_semaphore, #tpu.memory_space<semaphore_mem>>) src(%arg13 : memref<250x128xbf16, #tpu.memory_space<vmem>>) dst(%dma_wait3A_365 : memref<10240x128xbf16, #tpu.memory_space<vmem_shared>>)
        tpu.yield
      }) : () -> ()
      %mul3A_329 = arith.constant 3 : i32
      %mul3A_330 = arith.muli %mul3A_329, %scan3A_284 : i32
      %add3A_331 = arith.constant 4 : i32
      %add3A_332 = arith.addi %mul3A_330, %add3A_331 : i32
      %dma_start3A_333 = arith.constant 0 : i32
      %dma_start3A_334 = tpu.memref_slice %arg10[%add3A_332, %dma_start3A_333] : memref<20x250xi32, #tpu.memory_space<vmem>> -> memref<1x250xi32, #tpu.memory_space<vmem>>
      %dma_start3A_335 = tpu.memref_squeeze %dma_start3A_334 : memref<1x250xi32, #tpu.memory_space<vmem>> -> memref<250xi32, #tpu.memory_space<vmem>>
      %dma_start3A_336 = arith.constant 0 : i32
      %dma_start3A_337 = arith.constant 0 : i32
      %dma_start3A_338 = tpu.memref_slice %arg4[%dma_start3A_336, %dma_start3A_337] : memref<10000x128xbf16, #tpu.memory_space<hbm>> -> memref<10000x128xbf16, #tpu.memory_space<hbm>>
      tpu.enqueue_indirect_dma source(%dma_start3A_338 : memref<10000x128xbf16, #tpu.memory_space<hbm>>) target(%arg13 : memref<250x128xbf16, #tpu.memory_space<vmem>>) offsets(%dma_start3A_335 : memref<250xi32, #tpu.memory_space<vmem>>) semaphore(%arg16 : memref<!tpu.dma_semaphore, #tpu.memory_space<semaphore_mem>>)
      %mul3A_339 = arith.constant 3 : i32
      %mul3A_340 = arith.muli %mul3A_339, %scan3A_284 : i32
      %add3A_341 = arith.constant 2 : i32
      %add3A_342 = arith.addi %mul3A_340, %add3A_341 : i32
      %dma_wait3A_343 = arith.constant 0 : i32
      %dma_wait3A_344 = tpu.memref_slice %arg10[%add3A_342, %dma_wait3A_343] : memref<20x250xi32, #tpu.memory_space<vmem>> -> memref<1x250xi32, #tpu.memory_space<vmem>>
      %dma_wait3A_345 = tpu.memref_squeeze %dma_wait3A_344 : memref<1x250xi32, #tpu.memory_space<vmem>> -> memref<250xi32, #tpu.memory_space<vmem>>
      %dma_wait3A_346 = arith.constant 0 : i32
      %dma_wait3A_347 = arith.constant 0 : i32
      %dma_wait3A_348 = tpu.memref_slice %arg4[%dma_wait3A_346, %dma_wait3A_347] : memref<10000x128xbf16, #tpu.memory_space<hbm>> -> memref<10000x128xbf16, #tpu.memory_space<hbm>>
      tpu.wait_indirect_dma semaphore(%arg17 : memref<!tpu.dma_semaphore, #tpu.memory_space<semaphore_mem>>) src(%dma_wait3A_348 : memref<10000x128xbf16, #tpu.memory_space<hbm>>) dst(%arg14 : memref<250x128xbf16, #tpu.memory_space<vmem>>)
      %mul3A_349 = arith.constant 3 : i32
      %mul3A_350 = arith.muli %mul3A_349, %scan3A_284 : i32
      %add3A_351 = arith.constant 2 : i32
      %add3A_352 = arith.addi %mul3A_350, %add3A_351 : i32
      "tpu.region"() ({
        %run_scoped3A_353 = tpu.sem_alloc : memref<!tpu.dma_semaphore, #tpu.memory_space<semaphore_mem>>
        %dma_start3A_354 = arith.constant 0 : i32
        %dma_start3A_355 = tpu.memref_slice %arg11[%add3A_352, %dma_start3A_354] : memref<20x250xi32, #tpu.memory_space<vmem>> -> memref<1x250xi32, #tpu.memory_space<vmem>>
        %dma_start3A_356 = tpu.memref_squeeze %dma_start3A_355 : memref<1x250xi32, #tpu.memory_space<vmem>> -> memref<250xi32, #tpu.memory_space<vmem>>
        %dma_start3A_357 = arith.constant 0 : i32
        %dma_start3A_358 = arith.constant 0 : i32
        %dma_start3A_359 = tpu.memref_slice %arg9[%dma_start3A_357, %dma_start3A_358] : memref<10240x128xbf16, #tpu.memory_space<vmem_shared>> -> memref<10240x128xbf16, #tpu.memory_space<vmem_shared>>
        tpu.enqueue_indirect_dma source(%arg14 : memref<250x128xbf16, #tpu.memory_space<vmem>>) target(%dma_start3A_359 : memref<10240x128xbf16, #tpu.memory_space<vmem_shared>>) offsets(%dma_start3A_356 : memref<250xi32, #tpu.memory_space<vmem>>) semaphore(%run_scoped3A_353 : memref<!tpu.dma_semaphore, #tpu.memory_space<semaphore_mem>>) {add = true}
        %dma_wait3A_360 = arith.constant 0 : i32
        %dma_wait3A_361 = tpu.memref_slice %arg11[%add3A_352, %dma_wait3A_360] : memref<20x250xi32, #tpu.memory_space<vmem>> -> memref<1x250xi32, #tpu.memory_space<vmem>>
        %dma_wait3A_362 = tpu.memref_squeeze %dma_wait3A_361 : memref<1x250xi32, #tpu.memory_space<vmem>> -> memref<250xi32, #tpu.memory_space<vmem>>
        %dma_wait3A_363 = arith.constant 0 : i32
        %dma_wait3A_364 = arith.constant 0 : i32
        %dma_wait3A_365 = tpu.memref_slice %arg9[%dma_wait3A_363, %dma_wait3A_364] : memref<10240x128xbf16, #tpu.memory_space<vmem_shared>> -> memref<10240x128xbf16, #tpu.memory_space<vmem_shared>>
        tpu.wait_indirect_dma semaphore(%run_scoped3A_353 : memref<!tpu.dma_semaphore, #tpu.memory_space<semaphore_mem>>) src(%arg14 : memref<250x128xbf16, #tpu.memory_space<vmem>>) dst(%dma_wait3A_365 : memref<10240x128xbf16, #tpu.memory_space<vmem_shared>>)
        tpu.yield
      }) : () -> ()
    }
    %scan3A_222 = arith.constant 6 : i32
    %dma_wait3A_223 = arith.constant 18 : i32
    %dma_wait3A_224 = arith.constant 0 : i32
    %dma_wait3A_225 = tpu.memref_slice %arg10[%dma_wait3A_223, %dma_wait3A_224] : memref<20x250xi32, #tpu.memory_space<vmem>> -> memref<1x250xi32, #tpu.memory_space<vmem>>
    %dma_wait3A_226 = tpu.memref_squeeze %dma_wait3A_225 : memref<1x250xi32, #tpu.memory_space<vmem>> -> memref<250xi32, #tpu.memory_space<vmem>>
    %dma_wait3A_227 = arith.constant 0 : i32
    %dma_wait3A_228 = arith.constant 0 : i32
    %dma_wait3A_229 = tpu.memref_slice %arg4[%dma_wait3A_227, %dma_wait3A_228] : memref<10000x128xbf16, #tpu.memory_space<hbm>> -> memref<10000x128xbf16, #tpu.memory_space<hbm>>
    tpu.wait_indirect_dma semaphore(%arg15 : memref<!tpu.dma_semaphore, #tpu.memory_space<semaphore_mem>>) src(%dma_wait3A_229 : memref<10000x128xbf16, #tpu.memory_space<hbm>>) dst(%arg12 : memref<250x128xbf16, #tpu.memory_space<vmem>>)
    %run_scoped3A_230 = arith.constant 18 : i32
    "tpu.region"() ({
      %run_scoped3A_284 = tpu.sem_alloc : memref<!tpu.dma_semaphore, #tpu.memory_space<semaphore_mem>>
      %dma_start3A_285 = arith.constant 0 : i32
      %dma_start3A_286 = tpu.memref_slice %arg11[%run_scoped3A_230, %dma_start3A_285] : memref<20x250xi32, #tpu.memory_space<vmem>> -> memref<1x250xi32, #tpu.memory_space<vmem>>
      %dma_start3A_287 = tpu.memref_squeeze %dma_start3A_286 : memref<1x250xi32, #tpu.memory_space<vmem>> -> memref<250xi32, #tpu.memory_space<vmem>>
      %dma_start3A_288 = arith.constant 0 : i32
      %dma_start3A_289 = arith.constant 0 : i32
      %dma_start3A_290 = tpu.memref_slice %arg9[%dma_start3A_288, %dma_start3A_289] : memref<10240x128xbf16, #tpu.memory_space<vmem_shared>> -> memref<10240x128xbf16, #tpu.memory_space<vmem_shared>>
      tpu.enqueue_indirect_dma source(%arg12 : memref<250x128xbf16, #tpu.memory_space<vmem>>) target(%dma_start3A_290 : memref<10240x128xbf16, #tpu.memory_space<vmem_shared>>) offsets(%dma_start3A_287 : memref<250xi32, #tpu.memory_space<vmem>>) semaphore(%run_scoped3A_284 : memref<!tpu.dma_semaphore, #tpu.memory_space<semaphore_mem>>) {add = true}
      %dma_wait3A_291 = arith.constant 0 : i32
      %dma_wait3A_292 = tpu.memref_slice %arg11[%run_scoped3A_230, %dma_wait3A_291] : memref<20x250xi32, #tpu.memory_space<vmem>> -> memref<1x250xi32, #tpu.memory_space<vmem>>
      %dma_wait3A_293 = tpu.memref_squeeze %dma_wait3A_292 : memref<1x250xi32, #tpu.memory_space<vmem>> -> memref<250xi32, #tpu.memory_space<vmem>>
      %dma_wait3A_294 = arith.constant 0 : i32
      %dma_wait3A_295 = arith.constant 0 : i32
      %dma_wait3A_296 = tpu.memref_slice %arg9[%dma_wait3A_294, %dma_wait3A_295] : memref<10240x128xbf16, #tpu.memory_space<vmem_shared>> -> memref<10240x128xbf16, #tpu.memory_space<vmem_shared>>
      tpu.wait_indirect_dma semaphore(%run_scoped3A_284 : memref<!tpu.dma_semaphore, #tpu.memory_space<semaphore_mem>>) src(%arg12 : memref<250x128xbf16, #tpu.memory_space<vmem>>) dst(%dma_wait3A_296 : memref<10240x128xbf16, #tpu.memory_space<vmem_shared>>)
      tpu.yield
    }) : () -> ()
    %dma_wait3A_231 = arith.constant 19 : i32
    %dma_wait3A_232 = arith.constant 0 : i32
    %dma_wait3A_233 = tpu.memref_slice %arg10[%dma_wait3A_231, %dma_wait3A_232] : memref<20x250xi32, #tpu.memory_space<vmem>> -> memref<1x250xi32, #tpu.memory_space<vmem>>
    %dma_wait3A_234 = tpu.memref_squeeze %dma_wait3A_233 : memref<1x250xi32, #tpu.memory_space<vmem>> -> memref<250xi32, #tpu.memory_space<vmem>>
    %dma_wait3A_235 = arith.constant 0 : i32
    %dma_wait3A_236 = arith.constant 0 : i32
    %dma_wait3A_237 = tpu.memref_slice %arg4[%dma_wait3A_235, %dma_wait3A_236] : memref<10000x128xbf16, #tpu.memory_space<hbm>> -> memref<10000x128xbf16, #tpu.memory_space<hbm>>
    tpu.wait_indirect_dma semaphore(%arg16 : memref<!tpu.dma_semaphore, #tpu.memory_space<semaphore_mem>>) src(%dma_wait3A_237 : memref<10000x128xbf16, #tpu.memory_space<hbm>>) dst(%arg13 : memref<250x128xbf16, #tpu.memory_space<vmem>>)
    %run_scoped3A_238 = arith.constant 19 : i32
    "tpu.region"() ({
      %run_scoped3A_284 = tpu.sem_alloc : memref<!tpu.dma_semaphore, #tpu.memory_space<semaphore_mem>>
      %dma_start3A_285 = arith.constant 0 : i32
      %dma_start3A_286 = tpu.memref_slice %arg11[%run_scoped3A_238, %dma_start3A_285] : memref<20x250xi32, #tpu.memory_space<vmem>> -> memref<1x250xi32, #tpu.memory_space<vmem>>
      %dma_start3A_287 = tpu.memref_squeeze %dma_start3A_286 : memref<1x250xi32, #tpu.memory_space<vmem>> -> memref<250xi32, #tpu.memory_space<vmem>>
      %dma_start3A_288 = arith.constant 0 : i32
      %dma_start3A_289 = arith.constant 0 : i32
      %dma_start3A_290 = tpu.memref_slice %arg9[%dma_start3A_288, %dma_start3A_289] : memref<10240x128xbf16, #tpu.memory_space<vmem_shared>> -> memref<10240x128xbf16, #tpu.memory_space<vmem_shared>>
      tpu.enqueue_indirect_dma source(%arg13 : memref<250x128xbf16, #tpu.memory_space<vmem>>) target(%dma_start3A_290 : memref<10240x128xbf16, #tpu.memory_space<vmem_shared>>) offsets(%dma_start3A_287 : memref<250xi32, #tpu.memory_space<vmem>>) semaphore(%run_scoped3A_284 : memref<!tpu.dma_semaphore, #tpu.memory_space<semaphore_mem>>) {add = true}
      %dma_wait3A_291 = arith.constant 0 : i32
      %dma_wait3A_292 = tpu.memref_slice %arg11[%run_scoped3A_238, %dma_wait3A_291] : memref<20x250xi32, #tpu.memory_space<vmem>> -> memref<1x250xi32, #tpu.memory_space<vmem>>
      %dma_wait3A_293 = tpu.memref_squeeze %dma_wait3A_292 : memref<1x250xi32, #tpu.memory_space<vmem>> -> memref<250xi32, #tpu.memory_space<vmem>>
      %dma_wait3A_294 = arith.constant 0 : i32
      %dma_wait3A_295 = arith.constant 0 : i32
      %dma_wait3A_296 = tpu.memref_slice %arg9[%dma_wait3A_294, %dma_wait3A_295] : memref<10240x128xbf16, #tpu.memory_space<vmem_shared>> -> memref<10240x128xbf16, #tpu.memory_space<vmem_shared>>
      tpu.wait_indirect_dma semaphore(%run_scoped3A_284 : memref<!tpu.dma_semaphore, #tpu.memory_space<semaphore_mem>>) src(%arg13 : memref<250x128xbf16, #tpu.memory_space<vmem>>) dst(%dma_wait3A_296 : memref<10240x128xbf16, #tpu.memory_space<vmem_shared>>)
      tpu.yield
    }) : () -> ()
    %run_scoped3A_239 = arith.constant 0 : i32
    "tpu.region"() ({
      %run_scoped3A_284 = tpu.sem_alloc : memref<!tpu.dma_semaphore, #tpu.memory_space<semaphore_mem>>
      %dma_start3A_285 = arith.constant 20 : i32
      %dma_start3A_286 = arith.constant 0 : i32
      %dma_start3A_287 = tpu.memref_slice %arg7[%run_scoped3A_239, %add3A, %dma_start3A_285, %dma_start3A_286] : memref<2x32x40x250xi32, #tpu.memory_space<hbm>> -> memref<1x1x20x250xi32, #tpu.memory_space<hbm>>
      %dma_start3A_288 = tpu.memref_squeeze %dma_start3A_287 : memref<1x1x20x250xi32, #tpu.memory_space<hbm>> -> memref<20x250xi32, #tpu.memory_space<hbm>>
      %dma_start3A_289 = arith.constant 20 : i32
      %dma_start3A_290 = arith.constant 0 : i32
      %dma_start3A_291 = tpu.memref_slice %arg7[%run_scoped3A_239, %add3A, %dma_start3A_289, %dma_start3A_290] : memref<2x32x40x250xi32, #tpu.memory_space<hbm>> -> memref<1x1x20x250xi32, #tpu.memory_space<hbm>>
      %dma_start3A_292 = tpu.memref_squeeze %dma_start3A_291 : memref<1x1x20x250xi32, #tpu.memory_space<hbm>> -> memref<20x250xi32, #tpu.memory_space<hbm>>
      tpu.enqueue_dma source(%dma_start3A_292 : memref<20x250xi32, #tpu.memory_space<hbm>>) target(%arg10 : memref<20x250xi32, #tpu.memory_space<vmem>>) target_semaphore(%run_scoped3A_284 : memref<!tpu.dma_semaphore, #tpu.memory_space<semaphore_mem>>)
      %dma_wait3A_293 = arith.constant 20 : i32
      %dma_wait3A_294 = arith.constant 0 : i32
      %dma_wait3A_295 = tpu.memref_slice %arg7[%run_scoped3A_239, %add3A, %dma_wait3A_293, %dma_wait3A_294] : memref<2x32x40x250xi32, #tpu.memory_space<hbm>> -> memref<1x1x20x250xi32, #tpu.memory_space<hbm>>
      %dma_wait3A_296 = tpu.memref_squeeze %dma_wait3A_295 : memref<1x1x20x250xi32, #tpu.memory_space<hbm>> -> memref<20x250xi32, #tpu.memory_space<hbm>>
      %dma_wait3A_297 = arith.constant 20 : i32
      %dma_wait3A_298 = arith.constant 0 : i32
      %dma_wait3A_299 = tpu.memref_slice %arg7[%run_scoped3A_239, %add3A, %dma_wait3A_297, %dma_wait3A_298] : memref<2x32x40x250xi32, #tpu.memory_space<hbm>> -> memref<1x1x20x250xi32, #tpu.memory_space<hbm>>
      %dma_wait3A_300 = tpu.memref_squeeze %dma_wait3A_299 : memref<1x1x20x250xi32, #tpu.memory_space<hbm>> -> memref<20x250xi32, #tpu.memory_space<hbm>>
      tpu.wait_dma2 semaphore(%run_scoped3A_284 : memref<!tpu.dma_semaphore, #tpu.memory_space<semaphore_mem>>) src(%dma_wait3A_300 : memref<20x250xi32, #tpu.memory_space<hbm>>) dst(%arg10 : memref<20x250xi32, #tpu.memory_space<vmem>>)
      tpu.yield
    }) : () -> ()
    %run_scoped3A_240 = arith.constant 1 : i32
    "tpu.region"() ({
      %run_scoped3A_284 = tpu.sem_alloc : memref<!tpu.dma_semaphore, #tpu.memory_space<semaphore_mem>>
      %dma_start3A_285 = arith.constant 20 : i32
      %dma_start3A_286 = arith.constant 0 : i32
      %dma_start3A_287 = tpu.memref_slice %arg7[%run_scoped3A_240, %add3A, %dma_start3A_285, %dma_start3A_286] : memref<2x32x40x250xi32, #tpu.memory_space<hbm>> -> memref<1x1x20x250xi32, #tpu.memory_space<hbm>>
      %dma_start3A_288 = tpu.memref_squeeze %dma_start3A_287 : memref<1x1x20x250xi32, #tpu.memory_space<hbm>> -> memref<20x250xi32, #tpu.memory_space<hbm>>
      %dma_start3A_289 = arith.constant 20 : i32
      %dma_start3A_290 = arith.constant 0 : i32
      %dma_start3A_291 = tpu.memref_slice %arg7[%run_scoped3A_240, %add3A, %dma_start3A_289, %dma_start3A_290] : memref<2x32x40x250xi32, #tpu.memory_space<hbm>> -> memref<1x1x20x250xi32, #tpu.memory_space<hbm>>
      %dma_start3A_292 = tpu.memref_squeeze %dma_start3A_291 : memref<1x1x20x250xi32, #tpu.memory_space<hbm>> -> memref<20x250xi32, #tpu.memory_space<hbm>>
      tpu.enqueue_dma source(%dma_start3A_292 : memref<20x250xi32, #tpu.memory_space<hbm>>) target(%arg11 : memref<20x250xi32, #tpu.memory_space<vmem>>) target_semaphore(%run_scoped3A_284 : memref<!tpu.dma_semaphore, #tpu.memory_space<semaphore_mem>>)
      %dma_wait3A_293 = arith.constant 20 : i32
      %dma_wait3A_294 = arith.constant 0 : i32
      %dma_wait3A_295 = tpu.memref_slice %arg7[%run_scoped3A_240, %add3A, %dma_wait3A_293, %dma_wait3A_294] : memref<2x32x40x250xi32, #tpu.memory_space<hbm>> -> memref<1x1x20x250xi32, #tpu.memory_space<hbm>>
      %dma_wait3A_296 = tpu.memref_squeeze %dma_wait3A_295 : memref<1x1x20x250xi32, #tpu.memory_space<hbm>> -> memref<20x250xi32, #tpu.memory_space<hbm>>
      %dma_wait3A_297 = arith.constant 20 : i32
      %dma_wait3A_298 = arith.constant 0 : i32
      %dma_wait3A_299 = tpu.memref_slice %arg7[%run_scoped3A_240, %add3A, %dma_wait3A_297, %dma_wait3A_298] : memref<2x32x40x250xi32, #tpu.memory_space<hbm>> -> memref<1x1x20x250xi32, #tpu.memory_space<hbm>>
      %dma_wait3A_300 = tpu.memref_squeeze %dma_wait3A_299 : memref<1x1x20x250xi32, #tpu.memory_space<hbm>> -> memref<20x250xi32, #tpu.memory_space<hbm>>
      tpu.wait_dma2 semaphore(%run_scoped3A_284 : memref<!tpu.dma_semaphore, #tpu.memory_space<semaphore_mem>>) src(%dma_wait3A_300 : memref<20x250xi32, #tpu.memory_space<hbm>>) dst(%arg11 : memref<20x250xi32, #tpu.memory_space<vmem>>)
      tpu.yield
    }) : () -> ()
    %dma_start3A_241 = arith.constant 0 : i32
    %dma_start3A_242 = arith.constant 0 : i32
    %dma_start3A_243 = tpu.memref_slice %arg10[%dma_start3A_241, %dma_start3A_242] : memref<20x250xi32, #tpu.memory_space<vmem>> -> memref<1x250xi32, #tpu.memory_space<vmem>>
    %dma_start3A_244 = tpu.memref_squeeze %dma_start3A_243 : memref<1x250xi32, #tpu.memory_space<vmem>> -> memref<250xi32, #tpu.memory_space<vmem>>
    %dma_start3A_245 = arith.constant 0 : i32
    %dma_start3A_246 = arith.constant 0 : i32
    %dma_start3A_247 = tpu.memref_slice %arg4[%dma_start3A_245, %dma_start3A_246] : memref<10000x128xbf16, #tpu.memory_space<hbm>> -> memref<10000x128xbf16, #tpu.memory_space<hbm>>
    tpu.enqueue_indirect_dma source(%dma_start3A_247 : memref<10000x128xbf16, #tpu.memory_space<hbm>>) target(%arg12 : memref<250x128xbf16, #tpu.memory_space<vmem>>) offsets(%dma_start3A_244 : memref<250xi32, #tpu.memory_space<vmem>>) semaphore(%arg15 : memref<!tpu.dma_semaphore, #tpu.memory_space<semaphore_mem>>)
    %dma_start3A_248 = arith.constant 1 : i32
    %dma_start3A_249 = arith.constant 0 : i32
    %dma_start3A_250 = tpu.memref_slice %arg10[%dma_start3A_248, %dma_start3A_249] : memref<20x250xi32, #tpu.memory_space<vmem>> -> memref<1x250xi32, #tpu.memory_space<vmem>>
    %dma_start3A_251 = tpu.memref_squeeze %dma_start3A_250 : memref<1x250xi32, #tpu.memory_space<vmem>> -> memref<250xi32, #tpu.memory_space<vmem>>
    %dma_start3A_252 = arith.constant 0 : i32
    %dma_start3A_253 = arith.constant 0 : i32
    %dma_start3A_254 = tpu.memref_slice %arg4[%dma_start3A_252, %dma_start3A_253] : memref<10000x128xbf16, #tpu.memory_space<hbm>> -> memref<10000x128xbf16, #tpu.memory_space<hbm>>
    tpu.enqueue_indirect_dma source(%dma_start3A_254 : memref<10000x128xbf16, #tpu.memory_space<hbm>>) target(%arg13 : memref<250x128xbf16, #tpu.memory_space<vmem>>) offsets(%dma_start3A_251 : memref<250xi32, #tpu.memory_space<vmem>>) semaphore(%arg16 : memref<!tpu.dma_semaphore, #tpu.memory_space<semaphore_mem>>)
    %scan3A_255 = arith.constant 0 : i32
    %scan3A_256 = arith.constant 0 : i32
    %scan3A_257 = arith.constant 6 : i32
    %scan3A_258 = arith.addi %scan3A_256, %scan3A_257 : i32
    %scan3A_259 = arith.constant 1 : i32
    scf.for %scan3A_284 = %scan3A_256 to %scan3A_258 step %scan3A_259  : i32 {
      %mul3A_285 = arith.constant 3 : i32
      %mul3A_286 = arith.muli %mul3A_285, %scan3A_284 : i32
      %add3A_287 = arith.constant 2 : i32
      %add3A_288 = arith.addi %mul3A_286, %add3A_287 : i32
      %dma_start3A_289 = arith.constant 0 : i32
      %dma_start3A_290 = tpu.memref_slice %arg10[%add3A_288, %dma_start3A_289] : memref<20x250xi32, #tpu.memory_space<vmem>> -> memref<1x250xi32, #tpu.memory_space<vmem>>
      %dma_start3A_291 = tpu.memref_squeeze %dma_start3A_290 : memref<1x250xi32, #tpu.memory_space<vmem>> -> memref<250xi32, #tpu.memory_space<vmem>>
      %dma_start3A_292 = arith.constant 0 : i32
      %dma_start3A_293 = arith.constant 0 : i32
      %dma_start3A_294 = tpu.memref_slice %arg4[%dma_start3A_292, %dma_start3A_293] : memref<10000x128xbf16, #tpu.memory_space<hbm>> -> memref<10000x128xbf16, #tpu.memory_space<hbm>>
      tpu.enqueue_indirect_dma source(%dma_start3A_294 : memref<10000x128xbf16, #tpu.memory_space<hbm>>) target(%arg14 : memref<250x128xbf16, #tpu.memory_space<vmem>>) offsets(%dma_start3A_291 : memref<250xi32, #tpu.memory_space<vmem>>) semaphore(%arg17 : memref<!tpu.dma_semaphore, #tpu.memory_space<semaphore_mem>>)
      %mul3A_295 = arith.constant 3 : i32
      %mul3A_296 = arith.muli %mul3A_295, %scan3A_284 : i32
      %dma_wait3A_297 = arith.constant 0 : i32
      %dma_wait3A_298 = tpu.memref_slice %arg10[%mul3A_296, %dma_wait3A_297] : memref<20x250xi32, #tpu.memory_space<vmem>> -> memref<1x250xi32, #tpu.memory_space<vmem>>
      %dma_wait3A_299 = tpu.memref_squeeze %dma_wait3A_298 : memref<1x250xi32, #tpu.memory_space<vmem>> -> memref<250xi32, #tpu.memory_space<vmem>>
      %dma_wait3A_300 = arith.constant 0 : i32
      %dma_wait3A_301 = arith.constant 0 : i32
      %dma_wait3A_302 = tpu.memref_slice %arg4[%dma_wait3A_300, %dma_wait3A_301] : memref<10000x128xbf16, #tpu.memory_space<hbm>> -> memref<10000x128xbf16, #tpu.memory_space<hbm>>
      tpu.wait_indirect_dma semaphore(%arg15 : memref<!tpu.dma_semaphore, #tpu.memory_space<semaphore_mem>>) src(%dma_wait3A_302 : memref<10000x128xbf16, #tpu.memory_space<hbm>>) dst(%arg12 : memref<250x128xbf16, #tpu.memory_space<vmem>>)
      %mul3A_303 = arith.constant 3 : i32
      %mul3A_304 = arith.muli %mul3A_303, %scan3A_284 : i32
      "tpu.region"() ({
        %run_scoped3A_353 = tpu.sem_alloc : memref<!tpu.dma_semaphore, #tpu.memory_space<semaphore_mem>>
        %dma_start3A_354 = arith.constant 0 : i32
        %dma_start3A_355 = tpu.memref_slice %arg11[%mul3A_304, %dma_start3A_354] : memref<20x250xi32, #tpu.memory_space<vmem>> -> memref<1x250xi32, #tpu.memory_space<vmem>>
        %dma_start3A_356 = tpu.memref_squeeze %dma_start3A_355 : memref<1x250xi32, #tpu.memory_space<vmem>> -> memref<250xi32, #tpu.memory_space<vmem>>
        %dma_start3A_357 = arith.constant 0 : i32
        %dma_start3A_358 = arith.constant 0 : i32
        %dma_start3A_359 = tpu.memref_slice %arg9[%dma_start3A_357, %dma_start3A_358] : memref<10240x128xbf16, #tpu.memory_space<vmem_shared>> -> memref<10240x128xbf16, #tpu.memory_space<vmem_shared>>
        tpu.enqueue_indirect_dma source(%arg12 : memref<250x128xbf16, #tpu.memory_space<vmem>>) target(%dma_start3A_359 : memref<10240x128xbf16, #tpu.memory_space<vmem_shared>>) offsets(%dma_start3A_356 : memref<250xi32, #tpu.memory_space<vmem>>) semaphore(%run_scoped3A_353 : memref<!tpu.dma_semaphore, #tpu.memory_space<semaphore_mem>>) {add = true}
        %dma_wait3A_360 = arith.constant 0 : i32
        %dma_wait3A_361 = tpu.memref_slice %arg11[%mul3A_304, %dma_wait3A_360] : memref<20x250xi32, #tpu.memory_space<vmem>> -> memref<1x250xi32, #tpu.memory_space<vmem>>
        %dma_wait3A_362 = tpu.memref_squeeze %dma_wait3A_361 : memref<1x250xi32, #tpu.memory_space<vmem>> -> memref<250xi32, #tpu.memory_space<vmem>>
        %dma_wait3A_363 = arith.constant 0 : i32
        %dma_wait3A_364 = arith.constant 0 : i32
        %dma_wait3A_365 = tpu.memref_slice %arg9[%dma_wait3A_363, %dma_wait3A_364] : memref<10240x128xbf16, #tpu.memory_space<vmem_shared>> -> memref<10240x128xbf16, #tpu.memory_space<vmem_shared>>
        tpu.wait_indirect_dma semaphore(%run_scoped3A_353 : memref<!tpu.dma_semaphore, #tpu.memory_space<semaphore_mem>>) src(%arg12 : memref<250x128xbf16, #tpu.memory_space<vmem>>) dst(%dma_wait3A_365 : memref<10240x128xbf16, #tpu.memory_space<vmem_shared>>)
        tpu.yield
      }) : () -> ()
      %mul3A_305 = arith.constant 3 : i32
      %mul3A_306 = arith.muli %mul3A_305, %scan3A_284 : i32
      %add3A_307 = arith.constant 3 : i32
      %add3A_308 = arith.addi %mul3A_306, %add3A_307 : i32
      %dma_start3A_309 = arith.constant 0 : i32
      %dma_start3A_310 = tpu.memref_slice %arg10[%add3A_308, %dma_start3A_309] : memref<20x250xi32, #tpu.memory_space<vmem>> -> memref<1x250xi32, #tpu.memory_space<vmem>>
      %dma_start3A_311 = tpu.memref_squeeze %dma_start3A_310 : memref<1x250xi32, #tpu.memory_space<vmem>> -> memref<250xi32, #tpu.memory_space<vmem>>
      %dma_start3A_312 = arith.constant 0 : i32
      %dma_start3A_313 = arith.constant 0 : i32
      %dma_start3A_314 = tpu.memref_slice %arg4[%dma_start3A_312, %dma_start3A_313] : memref<10000x128xbf16, #tpu.memory_space<hbm>> -> memref<10000x128xbf16, #tpu.memory_space<hbm>>
      tpu.enqueue_indirect_dma source(%dma_start3A_314 : memref<10000x128xbf16, #tpu.memory_space<hbm>>) target(%arg12 : memref<250x128xbf16, #tpu.memory_space<vmem>>) offsets(%dma_start3A_311 : memref<250xi32, #tpu.memory_space<vmem>>) semaphore(%arg15 : memref<!tpu.dma_semaphore, #tpu.memory_space<semaphore_mem>>)
      %mul3A_315 = arith.constant 3 : i32
      %mul3A_316 = arith.muli %mul3A_315, %scan3A_284 : i32
      %add3A_317 = arith.constant 1 : i32
      %add3A_318 = arith.addi %mul3A_316, %add3A_317 : i32
      %dma_wait3A_319 = arith.constant 0 : i32
      %dma_wait3A_320 = tpu.memref_slice %arg10[%add3A_318, %dma_wait3A_319] : memref<20x250xi32, #tpu.memory_space<vmem>> -> memref<1x250xi32, #tpu.memory_space<vmem>>
      %dma_wait3A_321 = tpu.memref_squeeze %dma_wait3A_320 : memref<1x250xi32, #tpu.memory_space<vmem>> -> memref<250xi32, #tpu.memory_space<vmem>>
      %dma_wait3A_322 = arith.constant 0 : i32
      %dma_wait3A_323 = arith.constant 0 : i32
      %dma_wait3A_324 = tpu.memref_slice %arg4[%dma_wait3A_322, %dma_wait3A_323] : memref<10000x128xbf16, #tpu.memory_space<hbm>> -> memref<10000x128xbf16, #tpu.memory_space<hbm>>
      tpu.wait_indirect_dma semaphore(%arg16 : memref<!tpu.dma_semaphore, #tpu.memory_space<semaphore_mem>>) src(%dma_wait3A_324 : memref<10000x128xbf16, #tpu.memory_space<hbm>>) dst(%arg13 : memref<250x128xbf16, #tpu.memory_space<vmem>>)
      %mul3A_325 = arith.constant 3 : i32
      %mul3A_326 = arith.muli %mul3A_325, %scan3A_284 : i32
      %add3A_327 = arith.constant 1 : i32
      %add3A_328 = arith.addi %mul3A_326, %add3A_327 : i32
      "tpu.region"() ({
        %run_scoped3A_353 = tpu.sem_alloc : memref<!tpu.dma_semaphore, #tpu.memory_space<semaphore_mem>>
        %dma_start3A_354 = arith.constant 0 : i32
        %dma_start3A_355 = tpu.memref_slice %arg11[%add3A_328, %dma_start3A_354] : memref<20x250xi32, #tpu.memory_space<vmem>> -> memref<1x250xi32, #tpu.memory_space<vmem>>
        %dma_start3A_356 = tpu.memref_squeeze %dma_start3A_355 : memref<1x250xi32, #tpu.memory_space<vmem>> -> memref<250xi32, #tpu.memory_space<vmem>>
        %dma_start3A_357 = arith.constant 0 : i32
        %dma_start3A_358 = arith.constant 0 : i32
        %dma_start3A_359 = tpu.memref_slice %arg9[%dma_start3A_357, %dma_start3A_358] : memref<10240x128xbf16, #tpu.memory_space<vmem_shared>> -> memref<10240x128xbf16, #tpu.memory_space<vmem_shared>>
        tpu.enqueue_indirect_dma source(%arg13 : memref<250x128xbf16, #tpu.memory_space<vmem>>) target(%dma_start3A_359 : memref<10240x128xbf16, #tpu.memory_space<vmem_shared>>) offsets(%dma_start3A_356 : memref<250xi32, #tpu.memory_space<vmem>>) semaphore(%run_scoped3A_353 : memref<!tpu.dma_semaphore, #tpu.memory_space<semaphore_mem>>) {add = true}
        %dma_wait3A_360 = arith.constant 0 : i32
        %dma_wait3A_361 = tpu.memref_slice %arg11[%add3A_328, %dma_wait3A_360] : memref<20x250xi32, #tpu.memory_space<vmem>> -> memref<1x250xi32, #tpu.memory_space<vmem>>
        %dma_wait3A_362 = tpu.memref_squeeze %dma_wait3A_361 : memref<1x250xi32, #tpu.memory_space<vmem>> -> memref<250xi32, #tpu.memory_space<vmem>>
        %dma_wait3A_363 = arith.constant 0 : i32
        %dma_wait3A_364 = arith.constant 0 : i32
        %dma_wait3A_365 = tpu.memref_slice %arg9[%dma_wait3A_363, %dma_wait3A_364] : memref<10240x128xbf16, #tpu.memory_space<vmem_shared>> -> memref<10240x128xbf16, #tpu.memory_space<vmem_shared>>
        tpu.wait_indirect_dma semaphore(%run_scoped3A_353 : memref<!tpu.dma_semaphore, #tpu.memory_space<semaphore_mem>>) src(%arg13 : memref<250x128xbf16, #tpu.memory_space<vmem>>) dst(%dma_wait3A_365 : memref<10240x128xbf16, #tpu.memory_space<vmem_shared>>)
        tpu.yield
      }) : () -> ()
      %mul3A_329 = arith.constant 3 : i32
      %mul3A_330 = arith.muli %mul3A_329, %scan3A_284 : i32
      %add3A_331 = arith.constant 4 : i32
      %add3A_332 = arith.addi %mul3A_330, %add3A_331 : i32
      %dma_start3A_333 = arith.constant 0 : i32
      %dma_start3A_334 = tpu.memref_slice %arg10[%add3A_332, %dma_start3A_333] : memref<20x250xi32, #tpu.memory_space<vmem>> -> memref<1x250xi32, #tpu.memory_space<vmem>>
      %dma_start3A_335 = tpu.memref_squeeze %dma_start3A_334 : memref<1x250xi32, #tpu.memory_space<vmem>> -> memref<250xi32, #tpu.memory_space<vmem>>
      %dma_start3A_336 = arith.constant 0 : i32
      %dma_start3A_337 = arith.constant 0 : i32
      %dma_start3A_338 = tpu.memref_slice %arg4[%dma_start3A_336, %dma_start3A_337] : memref<10000x128xbf16, #tpu.memory_space<hbm>> -> memref<10000x128xbf16, #tpu.memory_space<hbm>>
      tpu.enqueue_indirect_dma source(%dma_start3A_338 : memref<10000x128xbf16, #tpu.memory_space<hbm>>) target(%arg13 : memref<250x128xbf16, #tpu.memory_space<vmem>>) offsets(%dma_start3A_335 : memref<250xi32, #tpu.memory_space<vmem>>) semaphore(%arg16 : memref<!tpu.dma_semaphore, #tpu.memory_space<semaphore_mem>>)
      %mul3A_339 = arith.constant 3 : i32
      %mul3A_340 = arith.muli %mul3A_339, %scan3A_284 : i32
      %add3A_341 = arith.constant 2 : i32
      %add3A_342 = arith.addi %mul3A_340, %add3A_341 : i32
      %dma_wait3A_343 = arith.constant 0 : i32
      %dma_wait3A_344 = tpu.memref_slice %arg10[%add3A_342, %dma_wait3A_343] : memref<20x250xi32, #tpu.memory_space<vmem>> -> memref<1x250xi32, #tpu.memory_space<vmem>>
      %dma_wait3A_345 = tpu.memref_squeeze %dma_wait3A_344 : memref<1x250xi32, #tpu.memory_space<vmem>> -> memref<250xi32, #tpu.memory_space<vmem>>
      %dma_wait3A_346 = arith.constant 0 : i32
      %dma_wait3A_347 = arith.constant 0 : i32
      %dma_wait3A_348 = tpu.memref_slice %arg4[%dma_wait3A_346, %dma_wait3A_347] : memref<10000x128xbf16, #tpu.memory_space<hbm>> -> memref<10000x128xbf16, #tpu.memory_space<hbm>>
      tpu.wait_indirect_dma semaphore(%arg17 : memref<!tpu.dma_semaphore, #tpu.memory_space<semaphore_mem>>) src(%dma_wait3A_348 : memref<10000x128xbf16, #tpu.memory_space<hbm>>) dst(%arg14 : memref<250x128xbf16, #tpu.memory_space<vmem>>)
      %mul3A_349 = arith.constant 3 : i32
      %mul3A_350 = arith.muli %mul3A_349, %scan3A_284 : i32
      %add3A_351 = arith.constant 2 : i32
      %add3A_352 = arith.addi %mul3A_350, %add3A_351 : i32
      "tpu.region"() ({
        %run_scoped3A_353 = tpu.sem_alloc : memref<!tpu.dma_semaphore, #tpu.memory_space<semaphore_mem>>
        %dma_start3A_354 = arith.constant 0 : i32
        %dma_start3A_355 = tpu.memref_slice %arg11[%add3A_352, %dma_start3A_354] : memref<20x250xi32, #tpu.memory_space<vmem>> -> memref<1x250xi32, #tpu.memory_space<vmem>>
        %dma_start3A_356 = tpu.memref_squeeze %dma_start3A_355 : memref<1x250xi32, #tpu.memory_space<vmem>> -> memref<250xi32, #tpu.memory_space<vmem>>
        %dma_start3A_357 = arith.constant 0 : i32
        %dma_start3A_358 = arith.constant 0 : i32
        %dma_start3A_359 = tpu.memref_slice %arg9[%dma_start3A_357, %dma_start3A_358] : memref<10240x128xbf16, #tpu.memory_space<vmem_shared>> -> memref<10240x128xbf16, #tpu.memory_space<vmem_shared>>
        tpu.enqueue_indirect_dma source(%arg14 : memref<250x128xbf16, #tpu.memory_space<vmem>>) target(%dma_start3A_359 : memref<10240x128xbf16, #tpu.memory_space<vmem_shared>>) offsets(%dma_start3A_356 : memref<250xi32, #tpu.memory_space<vmem>>) semaphore(%run_scoped3A_353 : memref<!tpu.dma_semaphore, #tpu.memory_space<semaphore_mem>>) {add = true}
        %dma_wait3A_360 = arith.constant 0 : i32
        %dma_wait3A_361 = tpu.memref_slice %arg11[%add3A_352, %dma_wait3A_360] : memref<20x250xi32, #tpu.memory_space<vmem>> -> memref<1x250xi32, #tpu.memory_space<vmem>>
        %dma_wait3A_362 = tpu.memref_squeeze %dma_wait3A_361 : memref<1x250xi32, #tpu.memory_space<vmem>> -> memref<250xi32, #tpu.memory_space<vmem>>
        %dma_wait3A_363 = arith.constant 0 : i32
        %dma_wait3A_364 = arith.constant 0 : i32
        %dma_wait3A_365 = tpu.memref_slice %arg9[%dma_wait3A_363, %dma_wait3A_364] : memref<10240x128xbf16, #tpu.memory_space<vmem_shared>> -> memref<10240x128xbf16, #tpu.memory_space<vmem_shared>>
        tpu.wait_indirect_dma semaphore(%run_scoped3A_353 : memref<!tpu.dma_semaphore, #tpu.memory_space<semaphore_mem>>) src(%arg14 : memref<250x128xbf16, #tpu.memory_space<vmem>>) dst(%dma_wait3A_365 : memref<10240x128xbf16, #tpu.memory_space<vmem_shared>>)
        tpu.yield
      }) : () -> ()
    }
    %scan3A_260 = arith.constant 6 : i32
    %dma_wait3A_261 = arith.constant 18 : i32
    %dma_wait3A_262 = arith.constant 0 : i32
    %dma_wait3A_263 = tpu.memref_slice %arg10[%dma_wait3A_261, %dma_wait3A_262] : memref<20x250xi32, #tpu.memory_space<vmem>> -> memref<1x250xi32, #tpu.memory_space<vmem>>
    %dma_wait3A_264 = tpu.memref_squeeze %dma_wait3A_263 : memref<1x250xi32, #tpu.memory_space<vmem>> -> memref<250xi32, #tpu.memory_space<vmem>>
    %dma_wait3A_265 = arith.constant 0 : i32
    %dma_wait3A_266 = arith.constant 0 : i32
    %dma_wait3A_267 = tpu.memref_slice %arg4[%dma_wait3A_265, %dma_wait3A_266] : memref<10000x128xbf16, #tpu.memory_space<hbm>> -> memref<10000x128xbf16, #tpu.memory_space<hbm>>
    tpu.wait_indirect_dma semaphore(%arg15 : memref<!tpu.dma_semaphore, #tpu.memory_space<semaphore_mem>>) src(%dma_wait3A_267 : memref<10000x128xbf16, #tpu.memory_space<hbm>>) dst(%arg12 : memref<250x128xbf16, #tpu.memory_space<vmem>>)
    %run_scoped3A_268 = arith.constant 18 : i32
    "tpu.region"() ({
      %run_scoped3A_284 = tpu.sem_alloc : memref<!tpu.dma_semaphore, #tpu.memory_space<semaphore_mem>>
      %dma_start3A_285 = arith.constant 0 : i32
      %dma_start3A_286 = tpu.memref_slice %arg11[%run_scoped3A_268, %dma_start3A_285] : memref<20x250xi32, #tpu.memory_space<vmem>> -> memref<1x250xi32, #tpu.memory_space<vmem>>
      %dma_start3A_287 = tpu.memref_squeeze %dma_start3A_286 : memref<1x250xi32, #tpu.memory_space<vmem>> -> memref<250xi32, #tpu.memory_space<vmem>>
      %dma_start3A_288 = arith.constant 0 : i32
      %dma_start3A_289 = arith.constant 0 : i32
      %dma_start3A_290 = tpu.memref_slice %arg9[%dma_start3A_288, %dma_start3A_289] : memref<10240x128xbf16, #tpu.memory_space<vmem_shared>> -> memref<10240x128xbf16, #tpu.memory_space<vmem_shared>>
      tpu.enqueue_indirect_dma source(%arg12 : memref<250x128xbf16, #tpu.memory_space<vmem>>) target(%dma_start3A_290 : memref<10240x128xbf16, #tpu.memory_space<vmem_shared>>) offsets(%dma_start3A_287 : memref<250xi32, #tpu.memory_space<vmem>>) semaphore(%run_scoped3A_284 : memref<!tpu.dma_semaphore, #tpu.memory_space<semaphore_mem>>) {add = true}
      %dma_wait3A_291 = arith.constant 0 : i32
      %dma_wait3A_292 = tpu.memref_slice %arg11[%run_scoped3A_268, %dma_wait3A_291] : memref<20x250xi32, #tpu.memory_space<vmem>> -> memref<1x250xi32, #tpu.memory_space<vmem>>
      %dma_wait3A_293 = tpu.memref_squeeze %dma_wait3A_292 : memref<1x250xi32, #tpu.memory_space<vmem>> -> memref<250xi32, #tpu.memory_space<vmem>>
      %dma_wait3A_294 = arith.constant 0 : i32
      %dma_wait3A_295 = arith.constant 0 : i32
      %dma_wait3A_296 = tpu.memref_slice %arg9[%dma_wait3A_294, %dma_wait3A_295] : memref<10240x128xbf16, #tpu.memory_space<vmem_shared>> -> memref<10240x128xbf16, #tpu.memory_space<vmem_shared>>
      tpu.wait_indirect_dma semaphore(%run_scoped3A_284 : memref<!tpu.dma_semaphore, #tpu.memory_space<semaphore_mem>>) src(%arg12 : memref<250x128xbf16, #tpu.memory_space<vmem>>) dst(%dma_wait3A_296 : memref<10240x128xbf16, #tpu.memory_space<vmem_shared>>)
      tpu.yield
    }) : () -> ()
    %dma_wait3A_269 = arith.constant 19 : i32
    %dma_wait3A_270 = arith.constant 0 : i32
    %dma_wait3A_271 = tpu.memref_slice %arg10[%dma_wait3A_269, %dma_wait3A_270] : memref<20x250xi32, #tpu.memory_space<vmem>> -> memref<1x250xi32, #tpu.memory_space<vmem>>
    %dma_wait3A_272 = tpu.memref_squeeze %dma_wait3A_271 : memref<1x250xi32, #tpu.memory_space<vmem>> -> memref<250xi32, #tpu.memory_space<vmem>>
    %dma_wait3A_273 = arith.constant 0 : i32
    %dma_wait3A_274 = arith.constant 0 : i32
    %dma_wait3A_275 = tpu.memref_slice %arg4[%dma_wait3A_273, %dma_wait3A_274] : memref<10000x128xbf16, #tpu.memory_space<hbm>> -> memref<10000x128xbf16, #tpu.memory_space<hbm>>
    tpu.wait_indirect_dma semaphore(%arg16 : memref<!tpu.dma_semaphore, #tpu.memory_space<semaphore_mem>>) src(%dma_wait3A_275 : memref<10000x128xbf16, #tpu.memory_space<hbm>>) dst(%arg13 : memref<250x128xbf16, #tpu.memory_space<vmem>>)
    %run_scoped3A_276 = arith.constant 19 : i32
    "tpu.region"() ({
      %run_scoped3A_284 = tpu.sem_alloc : memref<!tpu.dma_semaphore, #tpu.memory_space<semaphore_mem>>
      %dma_start3A_285 = arith.constant 0 : i32
      %dma_start3A_286 = tpu.memref_slice %arg11[%run_scoped3A_276, %dma_start3A_285] : memref<20x250xi32, #tpu.memory_space<vmem>> -> memref<1x250xi32, #tpu.memory_space<vmem>>
      %dma_start3A_287 = tpu.memref_squeeze %dma_start3A_286 : memref<1x250xi32, #tpu.memory_space<vmem>> -> memref<250xi32, #tpu.memory_space<vmem>>
      %dma_start3A_288 = arith.constant 0 : i32
      %dma_start3A_289 = arith.constant 0 : i32
      %dma_start3A_290 = tpu.memref_slice %arg9[%dma_start3A_288, %dma_start3A_289] : memref<10240x128xbf16, #tpu.memory_space<vmem_shared>> -> memref<10240x128xbf16, #tpu.memory_space<vmem_shared>>
      tpu.enqueue_indirect_dma source(%arg13 : memref<250x128xbf16, #tpu.memory_space<vmem>>) target(%dma_start3A_290 : memref<10240x128xbf16, #tpu.memory_space<vmem_shared>>) offsets(%dma_start3A_287 : memref<250xi32, #tpu.memory_space<vmem>>) semaphore(%run_scoped3A_284 : memref<!tpu.dma_semaphore, #tpu.memory_space<semaphore_mem>>) {add = true}
      %dma_wait3A_291 = arith.constant 0 : i32
      %dma_wait3A_292 = tpu.memref_slice %arg11[%run_scoped3A_276, %dma_wait3A_291] : memref<20x250xi32, #tpu.memory_space<vmem>> -> memref<1x250xi32, #tpu.memory_space<vmem>>
      %dma_wait3A_293 = tpu.memref_squeeze %dma_wait3A_292 : memref<1x250xi32, #tpu.memory_space<vmem>> -> memref<250xi32, #tpu.memory_space<vmem>>
      %dma_wait3A_294 = arith.constant 0 : i32
      %dma_wait3A_295 = arith.constant 0 : i32
      %dma_wait3A_296 = tpu.memref_slice %arg9[%dma_wait3A_294, %dma_wait3A_295] : memref<10240x128xbf16, #tpu.memory_space<vmem_shared>> -> memref<10240x128xbf16, #tpu.memory_space<vmem_shared>>
      tpu.wait_indirect_dma semaphore(%run_scoped3A_284 : memref<!tpu.dma_semaphore, #tpu.memory_space<semaphore_mem>>) src(%arg13 : memref<250x128xbf16, #tpu.memory_space<vmem>>) dst(%dma_wait3A_296 : memref<10240x128xbf16, #tpu.memory_space<vmem_shared>>)
      tpu.yield
    }) : () -> ()
    %barrier3A_277 = arith.constant 0 : index
    tpu.barrier barrier_id(%barrier3A_277)
    %scan3A_278 = arith.constant 0 : i32
    %scan3A_279 = arith.constant 0 : i32
    %scan3A_280 = arith.constant 4 : i32
    %scan3A_281 = arith.addi %scan3A_279, %scan3A_280 : i32
    %scan3A_282 = arith.constant 1 : i32
    scf.for %scan3A_284 = %scan3A_279 to %scan3A_281 step %scan3A_282  : i32 {
      %mul3A_285 = arith.constant 640 : i32
      %mul3A_286 = arith.muli %arg1, %mul3A_285 : i32
      %mul3A_287 = arith.constant 2 : i32
      %mul3A_288 = arith.muli %mul3A_287, %scan3A_284 : i32
      %mul3A_289 = arith.constant 80 : i32
      %mul3A_290 = arith.muli %mul3A_288, %mul3A_289 : i32
      %add3A_291 = arith.addi %mul3A_286, %mul3A_290 : i32
      %add3A_292 = arith.constant 80 : i32
      %add3A_293 = arith.addi %add3A_291, %add3A_292 : i32
      "tpu.region"() ({
        %run_scoped3A_346 = tpu.sem_alloc : memref<!tpu.dma_semaphore, #tpu.memory_space<semaphore_mem>>
        %dma_start3A_347 = arith.constant 0 : i32
        %dma_start3A_348 = arith.constant 0 : i32
        %dma_start3A_349 = tpu.memref_slice %arg12[%dma_start3A_347, %dma_start3A_348] : memref<250x128xbf16, #tpu.memory_space<vmem>> -> memref<80x128xbf16, #tpu.memory_space<vmem>>
        %dma_start3A_350 = arith.constant 0 : i32
        %dma_start3A_351 = tpu.memref_slice %arg9[%add3A_291, %dma_start3A_350] : memref<10240x128xbf16, #tpu.memory_space<vmem_shared>> -> memref<80x128xbf16, #tpu.memory_space<vmem_shared>>
        %dma_start3A_352 = arith.constant 0 : i32
        %dma_start3A_353 = arith.constant 0 : i32
        %dma_start3A_354 = tpu.memref_slice %arg12[%dma_start3A_352, %dma_start3A_353] : memref<250x128xbf16, #tpu.memory_space<vmem>> -> memref<80x128xbf16, #tpu.memory_space<vmem>>
        %dma_start3A_355 = arith.constant 0 : i32
        %dma_start3A_356 = tpu.memref_slice %arg9[%add3A_291, %dma_start3A_355] : memref<10240x128xbf16, #tpu.memory_space<vmem_shared>> -> memref<80x128xbf16, #tpu.memory_space<vmem_shared>>
        tpu.enqueue_dma source(%dma_start3A_356 : memref<80x128xbf16, #tpu.memory_space<vmem_shared>>) target(%dma_start3A_354 : memref<80x128xbf16, #tpu.memory_space<vmem>>) target_semaphore(%run_scoped3A_346 : memref<!tpu.dma_semaphore, #tpu.memory_space<semaphore_mem>>)
        %dma_wait3A_357 = arith.constant 0 : i32
        %dma_wait3A_358 = arith.constant 0 : i32
        %dma_wait3A_359 = tpu.memref_slice %arg12[%dma_wait3A_357, %dma_wait3A_358] : memref<250x128xbf16, #tpu.memory_space<vmem>> -> memref<80x128xbf16, #tpu.memory_space<vmem>>
        %dma_wait3A_360 = arith.constant 0 : i32
        %dma_wait3A_361 = tpu.memref_slice %arg9[%add3A_291, %dma_wait3A_360] : memref<10240x128xbf16, #tpu.memory_space<vmem_shared>> -> memref<80x128xbf16, #tpu.memory_space<vmem_shared>>
        %dma_wait3A_362 = arith.constant 0 : i32
        %dma_wait3A_363 = arith.constant 0 : i32
        %dma_wait3A_364 = tpu.memref_slice %arg12[%dma_wait3A_362, %dma_wait3A_363] : memref<250x128xbf16, #tpu.memory_space<vmem>> -> memref<80x128xbf16, #tpu.memory_space<vmem>>
        %dma_wait3A_365 = arith.constant 0 : i32
        %dma_wait3A_366 = tpu.memref_slice %arg9[%add3A_291, %dma_wait3A_365] : memref<10240x128xbf16, #tpu.memory_space<vmem_shared>> -> memref<80x128xbf16, #tpu.memory_space<vmem_shared>>
        tpu.wait_dma2 semaphore(%run_scoped3A_346 : memref<!tpu.dma_semaphore, #tpu.memory_space<semaphore_mem>>) src(%dma_wait3A_366 : memref<80x128xbf16, #tpu.memory_space<vmem_shared>>) dst(%dma_wait3A_364 : memref<80x128xbf16, #tpu.memory_space<vmem>>)
        tpu.yield
      }) : () -> ()
      %dma_start3A_294 = arith.constant 2 : i32
      %dma_start3A_295 = arith.constant 0 : i32
      %dma_start3A_296 = arith.constant 0 : i32
      %dma_start3A_297 = tpu.memref_slice %arg12[%dma_start3A_295, %dma_start3A_296] : memref<250x128xbf16, #tpu.memory_space<vmem>> -> memref<80x128xbf16, #tpu.memory_space<vmem>>
      %dma_start3A_298 = arith.constant 0 : i32
      %dma_start3A_299 = tpu.memref_slice %arg8[%dma_start3A_294, %arg0, %add3A_291, %dma_start3A_298] : memref<3x2x10240x128xbf16, #tpu.memory_space<hbm>> -> memref<1x1x80x128xbf16, #tpu.memory_space<hbm>>
      %dma_start3A_300 = tpu.memref_squeeze %dma_start3A_299 : memref<1x1x80x128xbf16, #tpu.memory_space<hbm>> -> memref<80x128xbf16, #tpu.memory_space<hbm>>
      %dma_start3A_301 = arith.constant 0 : i32
      %dma_start3A_302 = tpu.memref_slice %arg8[%dma_start3A_294, %arg0, %add3A_291, %dma_start3A_301] : memref<3x2x10240x128xbf16, #tpu.memory_space<hbm>> -> memref<1x1x80x128xbf16, #tpu.memory_space<hbm>>
      %dma_start3A_303 = tpu.memref_squeeze %dma_start3A_302 : memref<1x1x80x128xbf16, #tpu.memory_space<hbm>> -> memref<80x128xbf16, #tpu.memory_space<hbm>>
      %dma_start3A_304 = arith.constant 0 : i32
      %dma_start3A_305 = arith.constant 0 : i32
      %dma_start3A_306 = tpu.memref_slice %arg12[%dma_start3A_304, %dma_start3A_305] : memref<250x128xbf16, #tpu.memory_space<vmem>> -> memref<80x128xbf16, #tpu.memory_space<vmem>>
      tpu.enqueue_dma source(%dma_start3A_306 : memref<80x128xbf16, #tpu.memory_space<vmem>>) target(%dma_start3A_303 : memref<80x128xbf16, #tpu.memory_space<hbm>>) target_semaphore(%arg15 : memref<!tpu.dma_semaphore, #tpu.memory_space<semaphore_mem>>)
      "tpu.region"() ({
        %run_scoped3A_346 = tpu.sem_alloc : memref<!tpu.dma_semaphore, #tpu.memory_space<semaphore_mem>>
        %dma_start3A_347 = arith.constant 0 : i32
        %dma_start3A_348 = arith.constant 0 : i32
        %dma_start3A_349 = tpu.memref_slice %arg13[%dma_start3A_347, %dma_start3A_348] : memref<250x128xbf16, #tpu.memory_space<vmem>> -> memref<80x128xbf16, #tpu.memory_space<vmem>>
        %dma_start3A_350 = arith.constant 0 : i32
        %dma_start3A_351 = tpu.memref_slice %arg9[%add3A_293, %dma_start3A_350] : memref<10240x128xbf16, #tpu.memory_space<vmem_shared>> -> memref<80x128xbf16, #tpu.memory_space<vmem_shared>>
        %dma_start3A_352 = arith.constant 0 : i32
        %dma_start3A_353 = arith.constant 0 : i32
        %dma_start3A_354 = tpu.memref_slice %arg13[%dma_start3A_352, %dma_start3A_353] : memref<250x128xbf16, #tpu.memory_space<vmem>> -> memref<80x128xbf16, #tpu.memory_space<vmem>>
        %dma_start3A_355 = arith.constant 0 : i32
        %dma_start3A_356 = tpu.memref_slice %arg9[%add3A_293, %dma_start3A_355] : memref<10240x128xbf16, #tpu.memory_space<vmem_shared>> -> memref<80x128xbf16, #tpu.memory_space<vmem_shared>>
        tpu.enqueue_dma source(%dma_start3A_356 : memref<80x128xbf16, #tpu.memory_space<vmem_shared>>) target(%dma_start3A_354 : memref<80x128xbf16, #tpu.memory_space<vmem>>) target_semaphore(%run_scoped3A_346 : memref<!tpu.dma_semaphore, #tpu.memory_space<semaphore_mem>>)
        %dma_wait3A_357 = arith.constant 0 : i32
        %dma_wait3A_358 = arith.constant 0 : i32
        %dma_wait3A_359 = tpu.memref_slice %arg13[%dma_wait3A_357, %dma_wait3A_358] : memref<250x128xbf16, #tpu.memory_space<vmem>> -> memref<80x128xbf16, #tpu.memory_space<vmem>>
        %dma_wait3A_360 = arith.constant 0 : i32
        %dma_wait3A_361 = tpu.memref_slice %arg9[%add3A_293, %dma_wait3A_360] : memref<10240x128xbf16, #tpu.memory_space<vmem_shared>> -> memref<80x128xbf16, #tpu.memory_space<vmem_shared>>
        %dma_wait3A_362 = arith.constant 0 : i32
        %dma_wait3A_363 = arith.constant 0 : i32
        %dma_wait3A_364 = tpu.memref_slice %arg13[%dma_wait3A_362, %dma_wait3A_363] : memref<250x128xbf16, #tpu.memory_space<vmem>> -> memref<80x128xbf16, #tpu.memory_space<vmem>>
        %dma_wait3A_365 = arith.constant 0 : i32
        %dma_wait3A_366 = tpu.memref_slice %arg9[%add3A_293, %dma_wait3A_365] : memref<10240x128xbf16, #tpu.memory_space<vmem_shared>> -> memref<80x128xbf16, #tpu.memory_space<vmem_shared>>
        tpu.wait_dma2 semaphore(%run_scoped3A_346 : memref<!tpu.dma_semaphore, #tpu.memory_space<semaphore_mem>>) src(%dma_wait3A_366 : memref<80x128xbf16, #tpu.memory_space<vmem_shared>>) dst(%dma_wait3A_364 : memref<80x128xbf16, #tpu.memory_space<vmem>>)
        tpu.yield
      }) : () -> ()
      %dma_start3A_307 = arith.constant 2 : i32
      %dma_start3A_308 = arith.constant 0 : i32
      %dma_start3A_309 = arith.constant 0 : i32
      %dma_start3A_310 = tpu.memref_slice %arg13[%dma_start3A_308, %dma_start3A_309] : memref<250x128xbf16, #tpu.memory_space<vmem>> -> memref<80x128xbf16, #tpu.memory_space<vmem>>
      %dma_start3A_311 = arith.constant 0 : i32
      %dma_start3A_312 = tpu.memref_slice %arg8[%dma_start3A_307, %arg0, %add3A_293, %dma_start3A_311] : memref<3x2x10240x128xbf16, #tpu.memory_space<hbm>> -> memref<1x1x80x128xbf16, #tpu.memory_space<hbm>>
      %dma_start3A_313 = tpu.memref_squeeze %dma_start3A_312 : memref<1x1x80x128xbf16, #tpu.memory_space<hbm>> -> memref<80x128xbf16, #tpu.memory_space<hbm>>
      %dma_start3A_314 = arith.constant 0 : i32
      %dma_start3A_315 = tpu.memref_slice %arg8[%dma_start3A_307, %arg0, %add3A_293, %dma_start3A_314] : memref<3x2x10240x128xbf16, #tpu.memory_space<hbm>> -> memref<1x1x80x128xbf16, #tpu.memory_space<hbm>>
      %dma_start3A_316 = tpu.memref_squeeze %dma_start3A_315 : memref<1x1x80x128xbf16, #tpu.memory_space<hbm>> -> memref<80x128xbf16, #tpu.memory_space<hbm>>
      %dma_start3A_317 = arith.constant 0 : i32
      %dma_start3A_318 = arith.constant 0 : i32
      %dma_start3A_319 = tpu.memref_slice %arg13[%dma_start3A_317, %dma_start3A_318] : memref<250x128xbf16, #tpu.memory_space<vmem>> -> memref<80x128xbf16, #tpu.memory_space<vmem>>
      tpu.enqueue_dma source(%dma_start3A_319 : memref<80x128xbf16, #tpu.memory_space<vmem>>) target(%dma_start3A_316 : memref<80x128xbf16, #tpu.memory_space<hbm>>) target_semaphore(%arg16 : memref<!tpu.dma_semaphore, #tpu.memory_space<semaphore_mem>>)
      %dma_wait3A_320 = arith.constant 2 : i32
      %dma_wait3A_321 = arith.constant 0 : i32
      %dma_wait3A_322 = arith.constant 0 : i32
      %dma_wait3A_323 = tpu.memref_slice %arg12[%dma_wait3A_321, %dma_wait3A_322] : memref<250x128xbf16, #tpu.memory_space<vmem>> -> memref<80x128xbf16, #tpu.memory_space<vmem>>
      %dma_wait3A_324 = arith.constant 0 : i32
      %dma_wait3A_325 = tpu.memref_slice %arg8[%dma_wait3A_320, %arg0, %add3A_291, %dma_wait3A_324] : memref<3x2x10240x128xbf16, #tpu.memory_space<hbm>> -> memref<1x1x80x128xbf16, #tpu.memory_space<hbm>>
      %dma_wait3A_326 = tpu.memref_squeeze %dma_wait3A_325 : memref<1x1x80x128xbf16, #tpu.memory_space<hbm>> -> memref<80x128xbf16, #tpu.memory_space<hbm>>
      %dma_wait3A_327 = arith.constant 0 : i32
      %dma_wait3A_328 = tpu.memref_slice %arg8[%dma_wait3A_320, %arg0, %add3A_291, %dma_wait3A_327] : memref<3x2x10240x128xbf16, #tpu.memory_space<hbm>> -> memref<1x1x80x128xbf16, #tpu.memory_space<hbm>>
      %dma_wait3A_329 = tpu.memref_squeeze %dma_wait3A_328 : memref<1x1x80x128xbf16, #tpu.memory_space<hbm>> -> memref<80x128xbf16, #tpu.memory_space<hbm>>
      %dma_wait3A_330 = arith.constant 0 : i32
      %dma_wait3A_331 = arith.constant 0 : i32
      %dma_wait3A_332 = tpu.memref_slice %arg12[%dma_wait3A_330, %dma_wait3A_331] : memref<250x128xbf16, #tpu.memory_space<vmem>> -> memref<80x128xbf16, #tpu.memory_space<vmem>>
      tpu.wait_dma2 semaphore(%arg15 : memref<!tpu.dma_semaphore, #tpu.memory_space<semaphore_mem>>) src(%dma_wait3A_332 : memref<80x128xbf16, #tpu.memory_space<vmem>>) dst(%dma_wait3A_329 : memref<80x128xbf16, #tpu.memory_space<hbm>>)
      %dma_wait3A_333 = arith.constant 2 : i32
      %dma_wait3A_334 = arith.constant 0 : i32
      %dma_wait3A_335 = arith.constant 0 : i32
      %dma_wait3A_336 = tpu.memref_slice %arg13[%dma_wait3A_334, %dma_wait3A_335] : memref<250x128xbf16, #tpu.memory_space<vmem>> -> memref<80x128xbf16, #tpu.memory_space<vmem>>
      %dma_wait3A_337 = arith.constant 0 : i32
      %dma_wait3A_338 = tpu.memref_slice %arg8[%dma_wait3A_333, %arg0, %add3A_293, %dma_wait3A_337] : memref<3x2x10240x128xbf16, #tpu.memory_space<hbm>> -> memref<1x1x80x128xbf16, #tpu.memory_space<hbm>>
      %dma_wait3A_339 = tpu.memref_squeeze %dma_wait3A_338 : memref<1x1x80x128xbf16, #tpu.memory_space<hbm>> -> memref<80x128xbf16, #tpu.memory_space<hbm>>
      %dma_wait3A_340 = arith.constant 0 : i32
      %dma_wait3A_341 = tpu.memref_slice %arg8[%dma_wait3A_333, %arg0, %add3A_293, %dma_wait3A_340] : memref<3x2x10240x128xbf16, #tpu.memory_space<hbm>> -> memref<1x1x80x128xbf16, #tpu.memory_space<hbm>>
      %dma_wait3A_342 = tpu.memref_squeeze %dma_wait3A_341 : memref<1x1x80x128xbf16, #tpu.memory_space<hbm>> -> memref<80x128xbf16, #tpu.memory_space<hbm>>
      %dma_wait3A_343 = arith.constant 0 : i32
      %dma_wait3A_344 = arith.constant 0 : i32
      %dma_wait3A_345 = tpu.memref_slice %arg13[%dma_wait3A_343, %dma_wait3A_344] : memref<250x128xbf16, #tpu.memory_space<vmem>> -> memref<80x128xbf16, #tpu.memory_space<vmem>>
      tpu.wait_dma2 semaphore(%arg16 : memref<!tpu.dma_semaphore, #tpu.memory_space<semaphore_mem>>) src(%dma_wait3A_345 : memref<80x128xbf16, #tpu.memory_space<vmem>>) dst(%dma_wait3A_342 : memref<80x128xbf16, #tpu.memory_space<hbm>>)
    }
    %scan3A_283 = arith.constant 4 : i32
    return
  }
}

module attributes {stable_mosaic.version = 14 : i64} {
  func.func @_matmul_body(%arg0: i32, %arg1: memref<1000x128xf32, #tpu.memory_space<vmem>>, %arg2: memref<1000x128xf32, #tpu.memory_space<vmem>>, %arg3: memref<1000x128xf32, #tpu.memory_space<vmem>>, %arg4: memref<128x128xf32, #tpu.memory_space<vmem>>, %arg5: memref<128x128xf32, #tpu.memory_space<vmem>>, %arg6: memref<128x128xf32, #tpu.memory_space<vmem>>, %arg7: memref<3x1000x128xbf16, #tpu.memory_space<vmem>>) attributes {dimension_semantics = [#tpu.dimension_semantics<arbitrary>], iteration_bounds = array<i64: 10>, scalar_prefetch = 0 : i64, scratch_operands = 0 : i64, tpu.core_type = #tpu.core_type<tc>, window_params = [{transform_indices = @transform_0, window_bounds = array<i64: 1000, 128>}, {transform_indices = @transform_1, window_bounds = array<i64: 1000, 128>}, {transform_indices = @transform_2, window_bounds = array<i64: 1000, 128>}, {pipeline_mode = #tpu.pipeline_mode<synchronous>, transform_indices = @transform_3, window_bounds = array<i64: 128, 128>}, {pipeline_mode = #tpu.pipeline_mode<synchronous>, transform_indices = @transform_4, window_bounds = array<i64: 128, 128>}, {pipeline_mode = #tpu.pipeline_mode<synchronous>, transform_indices = @transform_5, window_bounds = array<i64: 128, 128>}, {transform_indices = @transform_6, window_bounds = array<i64: 3, 1000, 128>}]} {
    %get3A = arith.constant 0 : index
    %get3A_0 = arith.constant 0 : index
    %get3A_1 = vector.load %arg1[%get3A, %get3A_0] : memref<1000x128xf32, #tpu.memory_space<vmem>>, vector<1000x128xf32>
    %get3A_2 = arith.constant 0 : index
    %get3A_3 = arith.constant 0 : index
    %get3A_4 = vector.load %arg4[%get3A_2, %get3A_3] : memref<128x128xf32, #tpu.memory_space<vmem>>, vector<128x128xf32>
    %dot_general3A = arith.constant dense<0.000000e+00> : vector<1000x128xf32>
    %dot_general3A_5 = tpu.matmul %get3A_1, %get3A_4, %dot_general3A {dimension_numbers = #tpu.dot_dimension_numbers<[1], [0], [0], [1], [0, 0, 1, 1], [], []>, transpose_lhs_hint = false} : vector<1000x128xf32>, vector<128x128xf32>, vector<1000x128xf32> -> vector<1000x128xf32>
    %convert_element_type3A = arith.truncf %dot_general3A_5 : vector<1000x128xf32> to vector<1000x128xbf16>
    %swap3A = arith.constant 0 : index
    %swap3A_6 = arith.constant 0 : index
    %swap3A_7 = arith.constant 0 : index
    %swap3A_8 = vector.load %arg7[%swap3A, %swap3A_6, %swap3A_7] : memref<3x1000x128xbf16, #tpu.memory_space<vmem>>, vector<1x1000x128xbf16>
    %swap3A_9 = vector.shape_cast %swap3A_8 : vector<1x1000x128xbf16> to vector<1000x128xbf16>
    %swap3A_10 = vector.shape_cast %convert_element_type3A : vector<1000x128xbf16> to vector<1x1000x128xbf16>
    tpu.vector_store %arg7[%swap3A, %swap3A_6, %swap3A_7], %swap3A_10 {strides = array<i32>} : memref<3x1000x128xbf16, #tpu.memory_space<vmem>>, vector<1x1000x128xbf16>,
    %get3A_11 = arith.constant 0 : index
    %get3A_12 = arith.constant 0 : index
    %get3A_13 = vector.load %arg2[%get3A_11, %get3A_12] : memref<1000x128xf32, #tpu.memory_space<vmem>>, vector<1000x128xf32>
    %get3A_14 = arith.constant 0 : index
    %get3A_15 = arith.constant 0 : index
    %get3A_16 = vector.load %arg5[%get3A_14, %get3A_15] : memref<128x128xf32, #tpu.memory_space<vmem>>, vector<128x128xf32>
    %dot_general3A_17 = arith.constant dense<0.000000e+00> : vector<1000x128xf32>
    %dot_general3A_18 = tpu.matmul %get3A_13, %get3A_16, %dot_general3A_17 {dimension_numbers = #tpu.dot_dimension_numbers<[1], [0], [0], [1], [0, 0, 1, 1], [], []>, transpose_lhs_hint = false} : vector<1000x128xf32>, vector<128x128xf32>, vector<1000x128xf32> -> vector<1000x128xf32>
    %convert_element_type3A_19 = arith.truncf %dot_general3A_18 : vector<1000x128xf32> to vector<1000x128xbf16>
    %swap3A_20 = arith.constant 1 : index
    %swap3A_21 = arith.constant 0 : index
    %swap3A_22 = arith.constant 0 : index
    %swap3A_23 = vector.load %arg7[%swap3A_20, %swap3A_21, %swap3A_22] : memref<3x1000x128xbf16, #tpu.memory_space<vmem>>, vector<1x1000x128xbf16>
    %swap3A_24 = vector.shape_cast %swap3A_23 : vector<1x1000x128xbf16> to vector<1000x128xbf16>
    %swap3A_25 = vector.shape_cast %convert_element_type3A_19 : vector<1000x128xbf16> to vector<1x1000x128xbf16>
    tpu.vector_store %arg7[%swap3A_20, %swap3A_21, %swap3A_22], %swap3A_25 {strides = array<i32>} : memref<3x1000x128xbf16, #tpu.memory_space<vmem>>, vector<1x1000x128xbf16>,
    %get3A_26 = arith.constant 0 : index
    %get3A_27 = arith.constant 0 : index
    %get3A_28 = vector.load %arg3[%get3A_26, %get3A_27] : memref<1000x128xf32, #tpu.memory_space<vmem>>, vector<1000x128xf32>
    %get3A_29 = arith.constant 0 : index
    %get3A_30 = arith.constant 0 : index
    %get3A_31 = vector.load %arg6[%get3A_29, %get3A_30] : memref<128x128xf32, #tpu.memory_space<vmem>>, vector<128x128xf32>
    %dot_general3A_32 = arith.constant dense<0.000000e+00> : vector<1000x128xf32>
    %dot_general3A_33 = tpu.matmul %get3A_28, %get3A_31, %dot_general3A_32 {dimension_numbers = #tpu.dot_dimension_numbers<[1], [0], [0], [1], [0, 0, 1, 1], [], []>, transpose_lhs_hint = false} : vector<1000x128xf32>, vector<128x128xf32>, vector<1000x128xf32> -> vector<1000x128xf32>
    %convert_element_type3A_34 = arith.truncf %dot_general3A_33 : vector<1000x128xf32> to vector<1000x128xbf16>
    %swap3A_35 = arith.constant 2 : index
    %swap3A_36 = arith.constant 0 : index
    %swap3A_37 = arith.constant 0 : index
    %swap3A_38 = vector.load %arg7[%swap3A_35, %swap3A_36, %swap3A_37] : memref<3x1000x128xbf16, #tpu.memory_space<vmem>>, vector<1x1000x128xbf16>
    %swap3A_39 = vector.shape_cast %swap3A_38 : vector<1x1000x128xbf16> to vector<1000x128xbf16>
    %swap3A_40 = vector.shape_cast %convert_element_type3A_34 : vector<1000x128xbf16> to vector<1x1000x128xbf16>
    tpu.vector_store %arg7[%swap3A_35, %swap3A_36, %swap3A_37], %swap3A_40 {strides = array<i32>} : memref<3x1000x128xbf16, #tpu.memory_space<vmem>>, vector<1x1000x128xbf16>,
    return
  }
  func.func @transform_0(%arg0: i32) -> (i32, i32) {
    %c0_i32 = arith.constant 0 : i32
    %c0_i32_0 = arith.constant 0 : i32
    return %arg0, %c0_i32 : i32, i32
  }
  func.func @transform_1(%arg0: i32) -> (i32, i32) {
    %c0_i32 = arith.constant 0 : i32
    %c0_i32_0 = arith.constant 0 : i32
    return %arg0, %c0_i32 : i32, i32
  }
  func.func @transform_2(%arg0: i32) -> (i32, i32) {
    %c0_i32 = arith.constant 0 : i32
    %c0_i32_0 = arith.constant 0 : i32
    return %arg0, %c0_i32 : i32, i32
  }
  func.func @transform_3(%arg0: i32) -> (i32, i32) {
    %c0_i32 = arith.constant 0 : i32
    %c0_i32_0 = arith.constant 0 : i32
    %c0_i32_1 = arith.constant 0 : i32
    return %c0_i32, %c0_i32_0 : i32, i32
  }
  func.func @transform_4(%arg0: i32) -> (i32, i32) {
    %c0_i32 = arith.constant 0 : i32
    %c0_i32_0 = arith.constant 0 : i32
    %c0_i32_1 = arith.constant 0 : i32
    return %c0_i32, %c0_i32_0 : i32, i32
  }
  func.func @transform_5(%arg0: i32) -> (i32, i32) {
    %c0_i32 = arith.constant 0 : i32
    %c0_i32_0 = arith.constant 0 : i32
    %c0_i32_1 = arith.constant 0 : i32
    return %c0_i32, %c0_i32_0 : i32, i32
  }
  func.func @transform_6(%arg0: i32) -> (i32, i32, i32) {
    %c0_i32 = arith.constant 0 : i32
    %c0_i32_0 = arith.constant 0 : i32
    %c0_i32_1 = arith.constant 0 : i32
    return %c0_i32, %arg0, %c0_i32_0 : i32, i32, i32
  }
}

module attributes {stable_mosaic.version = 14 : i64} {
  func.func @_finalize_body(%arg0: i32, %arg1: memref<3x2x1000x128xbf16, #tpu.memory_space<vmem>>, %arg2: memref<1000x128xf32, #tpu.memory_space<vmem>>, %arg3: memref<1000x128xf32, #tpu.memory_space<vmem>>, %arg4: memref<1000x128xf32, #tpu.memory_space<vmem>>, %arg5: memref<3x1x128xf32, #tpu.memory_space<vmem>>, %arg6: memref<1000x128xf32, #tpu.memory_space<vmem>>, %arg7: memref<1000x128xf32, #tpu.memory_space<vmem>>, %arg8: memref<1000x128xf32, #tpu.memory_space<vmem>>) attributes {dimension_semantics = [#tpu.dimension_semantics<arbitrary>], iteration_bounds = array<i64: 10>, scalar_prefetch = 0 : i64, scratch_operands = 0 : i64, tpu.core_type = #tpu.core_type<tc>, window_params = [{transform_indices = @transform_0, window_bounds = array<i64: 3, 2, 1000, 128>}, {transform_indices = @transform_1, window_bounds = array<i64: 1000, 128>}, {transform_indices = @transform_2, window_bounds = array<i64: 1000, 128>}, {transform_indices = @transform_3, window_bounds = array<i64: 1000, 128>}, {pipeline_mode = #tpu.pipeline_mode<synchronous>, transform_indices = @transform_4, window_bounds = array<i64: 3, 1, 128>}, {transform_indices = @transform_5, window_bounds = array<i64: 1000, 128>}, {transform_indices = @transform_6, window_bounds = array<i64: 1000, 128>}, {transform_indices = @transform_7, window_bounds = array<i64: 1000, 128>}]} {
    %get3A = arith.constant 0 : index
    %get3A_0 = arith.constant 0 : index
    %get3A_1 = arith.constant 0 : index
    %get3A_2 = arith.constant 0 : index
    %get3A_3 = vector.load %arg1[%get3A, %get3A_0, %get3A_1, %get3A_2] : memref<3x2x1000x128xbf16, #tpu.memory_space<vmem>>, vector<1x1x1000x128xbf16>
    %get3A_4 = vector.shape_cast %get3A_3 : vector<1x1x1000x128xbf16> to vector<1000x128xbf16>
    %convert_element_type3A = arith.extf %get3A_4 : vector<1000x128xbf16> to vector<1000x128xf32>
    %get3A_5 = arith.constant 0 : index
    %get3A_6 = arith.constant 1 : index
    %get3A_7 = arith.constant 0 : index
    %get3A_8 = arith.constant 0 : index
    %get3A_9 = vector.load %arg1[%get3A_5, %get3A_6, %get3A_7, %get3A_8] : memref<3x2x1000x128xbf16, #tpu.memory_space<vmem>>, vector<1x1x1000x128xbf16>
    %get3A_10 = vector.shape_cast %get3A_9 : vector<1x1x1000x128xbf16> to vector<1000x128xbf16>
    %convert_element_type3A_11 = arith.extf %get3A_10 : vector<1000x128xbf16> to vector<1000x128xf32>
    %add3A = arith.addf %convert_element_type3A, %convert_element_type3A_11 : vector<1000x128xf32>
    %get3A_12 = arith.constant 0 : index
    %get3A_13 = arith.constant 0 : index
    %get3A_14 = arith.constant 0 : index
    %get3A_15 = vector.load %arg5[%get3A_12, %get3A_13, %get3A_14] : memref<3x1x128xf32, #tpu.memory_space<vmem>>, vector<1x1x128xf32>
    %get3A_16 = vector.shape_cast %get3A_15 : vector<1x1x128xf32> to vector<128xf32>
    %broadcast_in_dim3A = vector.shape_cast %get3A_16 : vector<128xf32> to vector<1x128xf32>
    %add3A_17 = vector.broadcast %broadcast_in_dim3A : vector<1x128xf32> to vector<1000x128xf32>
    %add3A_18 = arith.addf %add3A, %add3A_17 : vector<1000x128xf32>
    %max3A = arith.constant 0.000000e+00 : f32
    %max3A_19 = vector.broadcast %max3A : f32 to vector<1000x128xf32>
    %max3A_20 = arith.maximumf %add3A_18, %max3A_19 : vector<1000x128xf32>
    %get3A_21 = arith.constant 0 : index
    %get3A_22 = arith.constant 0 : index
    %get3A_23 = vector.load %arg2[%get3A_21, %get3A_22] : memref<1000x128xf32, #tpu.memory_space<vmem>>, vector<1000x128xf32>
    %add3A_24 = arith.addf %max3A_20, %get3A_23 : vector<1000x128xf32>
    %swap3A = arith.constant 0 : index
    %swap3A_25 = arith.constant 0 : index
    %swap3A_26 = vector.load %arg6[%swap3A, %swap3A_25] : memref<1000x128xf32, #tpu.memory_space<vmem>>, vector<1000x128xf32>
    tpu.vector_store %arg6[%swap3A, %swap3A_25], %add3A_24 {strides = array<i32>} : memref<1000x128xf32, #tpu.memory_space<vmem>>, vector<1000x128xf32>,
    %get3A_27 = arith.constant 1 : index
    %get3A_28 = arith.constant 0 : index
    %get3A_29 = arith.constant 0 : index
    %get3A_30 = arith.constant 0 : index
    %get3A_31 = vector.load %arg1[%get3A_27, %get3A_28, %get3A_29, %get3A_30] : memref<3x2x1000x128xbf16, #tpu.memory_space<vmem>>, vector<1x1x1000x128xbf16>
    %get3A_32 = vector.shape_cast %get3A_31 : vector<1x1x1000x128xbf16> to vector<1000x128xbf16>
    %convert_element_type3A_33 = arith.extf %get3A_32 : vector<1000x128xbf16> to vector<1000x128xf32>
    %get3A_34 = arith.constant 1 : index
    %get3A_35 = arith.constant 1 : index
    %get3A_36 = arith.constant 0 : index
    %get3A_37 = arith.constant 0 : index
    %get3A_38 = vector.load %arg1[%get3A_34, %get3A_35, %get3A_36, %get3A_37] : memref<3x2x1000x128xbf16, #tpu.memory_space<vmem>>, vector<1x1x1000x128xbf16>
    %get3A_39 = vector.shape_cast %get3A_38 : vector<1x1x1000x128xbf16> to vector<1000x128xbf16>
    %convert_element_type3A_40 = arith.extf %get3A_39 : vector<1000x128xbf16> to vector<1000x128xf32>
    %add3A_41 = arith.addf %convert_element_type3A_33, %convert_element_type3A_40 : vector<1000x128xf32>
    %get3A_42 = arith.constant 1 : index
    %get3A_43 = arith.constant 0 : index
    %get3A_44 = arith.constant 0 : index
    %get3A_45 = vector.load %arg5[%get3A_42, %get3A_43, %get3A_44] : memref<3x1x128xf32, #tpu.memory_space<vmem>>, vector<1x1x128xf32>
    %get3A_46 = vector.shape_cast %get3A_45 : vector<1x1x128xf32> to vector<128xf32>
    %broadcast_in_dim3A_47 = vector.shape_cast %get3A_46 : vector<128xf32> to vector<1x128xf32>
    %add3A_48 = vector.broadcast %broadcast_in_dim3A_47 : vector<1x128xf32> to vector<1000x128xf32>
    %add3A_49 = arith.addf %add3A_41, %add3A_48 : vector<1000x128xf32>
    %max3A_50 = arith.constant 0.000000e+00 : f32
    %max3A_51 = vector.broadcast %max3A_50 : f32 to vector<1000x128xf32>
    %max3A_52 = arith.maximumf %add3A_49, %max3A_51 : vector<1000x128xf32>
    %get3A_53 = arith.constant 0 : index
    %get3A_54 = arith.constant 0 : index
    %get3A_55 = vector.load %arg3[%get3A_53, %get3A_54] : memref<1000x128xf32, #tpu.memory_space<vmem>>, vector<1000x128xf32>
    %add3A_56 = arith.addf %max3A_52, %get3A_55 : vector<1000x128xf32>
    %swap3A_57 = arith.constant 0 : index
    %swap3A_58 = arith.constant 0 : index
    %swap3A_59 = vector.load %arg7[%swap3A_57, %swap3A_58] : memref<1000x128xf32, #tpu.memory_space<vmem>>, vector<1000x128xf32>
    tpu.vector_store %arg7[%swap3A_57, %swap3A_58], %add3A_56 {strides = array<i32>} : memref<1000x128xf32, #tpu.memory_space<vmem>>, vector<1000x128xf32>,
    %get3A_60 = arith.constant 2 : index
    %get3A_61 = arith.constant 0 : index
    %get3A_62 = arith.constant 0 : index
    %get3A_63 = arith.constant 0 : index
    %get3A_64 = vector.load %arg1[%get3A_60, %get3A_61, %get3A_62, %get3A_63] : memref<3x2x1000x128xbf16, #tpu.memory_space<vmem>>, vector<1x1x1000x128xbf16>
    %get3A_65 = vector.shape_cast %get3A_64 : vector<1x1x1000x128xbf16> to vector<1000x128xbf16>
    %convert_element_type3A_66 = arith.extf %get3A_65 : vector<1000x128xbf16> to vector<1000x128xf32>
    %get3A_67 = arith.constant 2 : index
    %get3A_68 = arith.constant 1 : index
    %get3A_69 = arith.constant 0 : index
    %get3A_70 = arith.constant 0 : index
    %get3A_71 = vector.load %arg1[%get3A_67, %get3A_68, %get3A_69, %get3A_70] : memref<3x2x1000x128xbf16, #tpu.memory_space<vmem>>, vector<1x1x1000x128xbf16>
    %get3A_72 = vector.shape_cast %get3A_71 : vector<1x1x1000x128xbf16> to vector<1000x128xbf16>
    %convert_element_type3A_73 = arith.extf %get3A_72 : vector<1000x128xbf16> to vector<1000x128xf32>
    %add3A_74 = arith.addf %convert_element_type3A_66, %convert_element_type3A_73 : vector<1000x128xf32>
    %get3A_75 = arith.constant 2 : index
    %get3A_76 = arith.constant 0 : index
    %get3A_77 = arith.constant 0 : index
    %get3A_78 = vector.load %arg5[%get3A_75, %get3A_76, %get3A_77] : memref<3x1x128xf32, #tpu.memory_space<vmem>>, vector<1x1x128xf32>
    %get3A_79 = vector.shape_cast %get3A_78 : vector<1x1x128xf32> to vector<128xf32>
    %broadcast_in_dim3A_80 = vector.shape_cast %get3A_79 : vector<128xf32> to vector<1x128xf32>
    %add3A_81 = vector.broadcast %broadcast_in_dim3A_80 : vector<1x128xf32> to vector<1000x128xf32>
    %add3A_82 = arith.addf %add3A_74, %add3A_81 : vector<1000x128xf32>
    %max3A_83 = arith.constant 0.000000e+00 : f32
    %max3A_84 = vector.broadcast %max3A_83 : f32 to vector<1000x128xf32>
    %max3A_85 = arith.maximumf %add3A_82, %max3A_84 : vector<1000x128xf32>
    %get3A_86 = arith.constant 0 : index
    %get3A_87 = arith.constant 0 : index
    %get3A_88 = vector.load %arg4[%get3A_86, %get3A_87] : memref<1000x128xf32, #tpu.memory_space<vmem>>, vector<1000x128xf32>
    %add3A_89 = arith.addf %max3A_85, %get3A_88 : vector<1000x128xf32>
    %swap3A_90 = arith.constant 0 : index
    %swap3A_91 = arith.constant 0 : index
    %swap3A_92 = vector.load %arg8[%swap3A_90, %swap3A_91] : memref<1000x128xf32, #tpu.memory_space<vmem>>, vector<1000x128xf32>
    tpu.vector_store %arg8[%swap3A_90, %swap3A_91], %add3A_89 {strides = array<i32>} : memref<1000x128xf32, #tpu.memory_space<vmem>>, vector<1000x128xf32>,
    return
  }
  func.func @transform_0(%arg0: i32) -> (i32, i32, i32, i32) {
    %c0_i32 = arith.constant 0 : i32
    %c0_i32_0 = arith.constant 0 : i32
    %c0_i32_1 = arith.constant 0 : i32
    %c0_i32_2 = arith.constant 0 : i32
    return %c0_i32, %c0_i32_0, %arg0, %c0_i32_1 : i32, i32, i32, i32
  }
  func.func @transform_1(%arg0: i32) -> (i32, i32) {
    %c0_i32 = arith.constant 0 : i32
    %c0_i32_0 = arith.constant 0 : i32
    return %arg0, %c0_i32 : i32, i32
  }
  func.func @transform_2(%arg0: i32) -> (i32, i32) {
    %c0_i32 = arith.constant 0 : i32
    %c0_i32_0 = arith.constant 0 : i32
    return %arg0, %c0_i32 : i32, i32
  }
  func.func @transform_3(%arg0: i32) -> (i32, i32) {
    %c0_i32 = arith.constant 0 : i32
    %c0_i32_0 = arith.constant 0 : i32
    return %arg0, %c0_i32 : i32, i32
  }
  func.func @transform_4(%arg0: i32) -> (i32, i32, i32) {
    %c0_i32 = arith.constant 0 : i32
    %c0_i32_0 = arith.constant 0 : i32
    %c0_i32_1 = arith.constant 0 : i32
    %c0_i32_2 = arith.constant 0 : i32
    return %c0_i32, %c0_i32_0, %c0_i32_1 : i32, i32, i32
  }
  func.func @transform_5(%arg0: i32) -> (i32, i32) {
    %c0_i32 = arith.constant 0 : i32
    %c0_i32_0 = arith.constant 0 : i32
    return %arg0, %c0_i32 : i32, i32
  }
  func.func @transform_6(%arg0: i32) -> (i32, i32) {
    %c0_i32 = arith.constant 0 : i32
    %c0_i32_0 = arith.constant 0 : i32
    return %arg0, %c0_i32 : i32, i32
  }
  func.func @transform_7(%arg0: i32) -> (i32, i32) {
    %c0_i32 = arith.constant 0 : i32
    %c0_i32_0 = arith.constant 0 : i32
    return %arg0, %c0_i32 : i32, i32
  }
}

</mosaic_0001>

<sc_bundles>
// kernel: kernel.5.cloned.1.call-start
scs
__scs_entry_jumppad:
0x0: {  	(pc) =	sbr.rel $0x88, $3  }
0x1: {  	(tag) =	ssettag $0x0;
	lr =	simm.s32 $0x1  }
0x2: {  	[smem:$0x3F95] =	sst lr;
	_ =	strace $0xD0000000  }
0x3: {  	_ = 	snop  }
0x4: {  	_ = 	snop  }
0x5: {  	_ = 	snop  }
0x6: {  	_ = 	snop  }
0x7: {  	_ = 	snop  }
__scs_overlays_trampoline_lowered:
0x8: {  	[smem:$0x3FA4] =	sst s0  }
0x9: {  	[smem:$0x3FA5] =	sst s1  }
0xa: {  	[smem:$0x3FA6] =	sst s2  }
0xb: {  	[smem:$0x3FA7] =	sst s3  }
0xc: {  	[smem:$0x3FA8] =	sst s4  }
0xd: {  	[smem:$0x3FA9] =	sst s5  }
0xe: {  	[smem:$0x3FAA] =	sst s6  }
0xf: {  	[smem:$0x3FAB] =	sst s7  }
0x10: {  	[smem:$0x3FAC] =	sst s8  }
0x11: {  	[smem:$0x3FAD] =	sst s9;
	s0 =	simm.s32 @!p0 $0x0  }
0x12: {  	s1 =	sld [smem:$0x3F93];
	s0 =	simm.s32 @p0 $0x1  }
0x13: {  	[smem:$0x3FAE] =	sst s0;
	s0 =	simm.s32 @!p1 $0x0  }
0x14: {  	s2 =	sld [smem:$0x3F92];
	s0 =	simm.s32 @p1 $0x1  }
0x15: {  	[smem:$0x3FAF] =	sst s0;
	s0 =	simm.s32 @!p2 $0x0  }
0x16: {  	s3 =	sld [smem:$0x3FDB];
	s0 =	simm.s32 @p2 $0x1  }
0x17: {  	s4 =	simm.s32 $0x1BF5;
	[smem:$0x3FB1] =	sst s0  }
0x18: {  	s0 =	sld [smem:$0x3F94];
	_ =	swait.ge [sflag:s4], $0x0  }
0x19: {  	s7 =	sld [smem:$0x3F95]  }
0x1a: {  	s8 =	sadd.s32 $0xFFFFE003, lr  }
0x1b: {  	s9 =	sadd.s32 $0xFFFFFEF7, lr;
	s5 =	simm.s32 $0xFFFFFFFF;
	p2 =	slt.u32 s8, $0xFFFFF086  }
0x1c: {  	p1 =	slt.u32 s9, $0xF7A;
	s5 =	simm.s32 @!p2 $0x0  }
0x1d: {  	s5 =	simm.s32 @p1 $0x1;
	p0 =	seq.s32 s7, s2  }
0x1e: {  	s7 =	smul.u32 @!p0 $0xF7A, s2;
	p2 =	seq.s32 @!p0 s5, $0x0  }
0x1f: {  	s9 =	smul.u32 $0xF7A, s1;
	s8 =	simm.s32 @!p0 $0x1BF5;
	p2 =	por !p2, p0  }
0x20: {  	[sflag:s8] =	ssyncset.s32 @!p0 $0xFFFFF086;
	s6 =	sadd.s32 @!p0 s3, s7;
	s7 =	simm.s32 @!p0 $0x108  }
0x21: {  	s3 =	sadd.s32 s3, s9;
	s6 =	sadd.s32 @!p0 $0x88, s6;
	s7 =	simm.s32 @p2 $0x1082  }
0x22: {  	[simem:s7], [sflag:s8] =	dma.local @!p0 [hbm:s6], $0xF7A  }
0x23: {  	s9 =	sor.u32 $0xD0000000, s2;
	s6 =	simm.s32 $0x108;
	_ =	swait.ge @!p0 [sflag:s8], $0x0  }
0x24: {  	s3 =	sadd.s32 $0x88, s3;
	s6 =	simm.s32 @!p1 $0x1082;
	[sflag:s4] =	ssyncset.s32 $0xFFFFF086  }
0x25: {  	[simem:s6], [sflag:s4] =	dma.local [hbm:s3], $0xF7A  }
0x26: {  	[smem:$0x3F95] =	sst s1;
	(tag) =	ssettag s2;
	_ =	strace s9  }
0x27: {  	s1 =	sld [smem:$0x3FA5]  }
0x28: {  	s2 =	sld [smem:$0x3FA6]  }
0x29: {  	s4 =	sld [smem:$0x3FA8]  }
0x2a: {  	p0 =	seq.s32 s5, $0x0;
	s5 =	sld [smem:$0x3FA9]  }
0x2b: {  	s6 =	sld [smem:$0x3FAA]  }
0x2c: {  	s7 =	sld [smem:$0x3FAB]  }
0x2d: {  	s3 =	simm.s32 $0x108;
	s8 =	sld [smem:$0x3FAC]  }
0x2e: {  	s3 =	simm.s32 @!p0 $0x1082;
	s9 =	sld [smem:$0x3FAD]  }
0x2f: {  	lr =	sadd.s32 s0, s3;
	s0 =	sld [smem:$0x3FA4]  }
0x30: {  	s3 =	sld [smem:$0x3FA7]  }
0x31: {  	[smem:$0x3FB0] =	sst s10  }
0x32: {  	s10 =	sld [smem:$0x3FAE];
	_ =	sdelay $0x3  }
0x33: {  	p0 =	seq.s32 s10, $0x1;
	s10 =	sld [smem:$0x3FB0];
	_ =	sdelay $0x3  }
0x34: {  	[smem:$0x3FB0] =	sst s10  }
0x35: {  	s10 =	sld [smem:$0x3FAF];
	_ =	sdelay $0x3  }
0x36: {  	p1 =	seq.s32 s10, $0x1;
	s10 =	sld [smem:$0x3FB0];
	_ =	sdelay $0x3  }
0x37: {  	[smem:$0x3FB0] =	sst s10  }
0x38: {  	s10 =	sld [smem:$0x3FB1]  }
0x39: {  	_ = 	snop;
	(pc) =	sbr.ind lr, $3  }
0x3a: {  	_ = 	snop  }
0x3b: {  	_ = 	snop  }
0x3c: {  	p2 =	seq.s32 s10, $0x1;
	s10 =	sld [smem:$0x3FB0]  }
0x3d: {  	_ =	shalt  }
0x3e: {  	_ =	shalt  }
0x3f: {  	_ =	shalt  }
0x40: {  	_ =	shalt  }
0x41: {  	_ =	shalt  }
0x42: {  	_ =	shalt  }
0x43: {  	_ =	shalt  }
0x44: {  	_ =	shalt  }
0x45: {  	_ =	shalt  }
0x46: {  	_ =	shalt  }
0x47: {  	_ =	shalt  }
0x48: {  	_ =	shalt  }
0x49: {  	_ =	shalt  }
0x4a: {  	_ =	shalt  }
0x4b: {  	_ =	shalt  }
0x4c: {  	_ =	shalt  }
0x4d: {  	_ =	shalt  }
0x4e: {  	_ =	shalt  }
0x4f: {  	_ =	shalt  }
0x50: {  	_ =	shalt  }
0x51: {  	_ =	shalt  }
0x52: {  	_ =	shalt  }
0x53: {  	_ =	shalt  }
0x54: {  	_ =	shalt  }
0x55: {  	_ =	shalt  }
0x56: {  	_ =	shalt  }
0x57: {  	_ =	shalt  }
0x58: {  	_ =	shalt  }
0x59: {  	_ =	shalt  }
0x5a: {  	_ =	shalt  }
0x5b: {  	_ =	shalt  }
0x5c: {  	_ =	shalt  }
0x5d: {  	_ =	shalt  }
0x5e: {  	_ =	shalt  }
0x5f: {  	_ =	shalt  }
0x60: {  	_ =	shalt  }
0x61: {  	_ =	shalt  }
0x62: {  	_ =	shalt  }
0x63: {  	_ =	shalt  }
0x64: {  	_ =	shalt  }
0x65: {  	_ =	shalt  }
0x66: {  	_ =	shalt  }
0x67: {  	_ =	shalt  }
0x68: {  	_ =	shalt  }
0x69: {  	_ =	shalt  }
0x6a: {  	_ =	shalt  }
0x6b: {  	_ =	shalt  }
0x6c: {  	_ =	shalt  }
0x6d: {  	_ =	shalt  }
0x6e: {  	_ =	shalt  }
0x6f: {  	_ =	shalt  }
0x70: {  	_ =	shalt  }
0x71: {  	_ =	shalt  }
0x72: {  	_ =	shalt  }
0x73: {  	_ =	shalt  }
0x74: {  	_ =	shalt  }
0x75: {  	_ =	shalt  }
0x76: {  	_ =	shalt  }
0x77: {  	_ =	shalt  }
0x78: {  	_ =	shalt  }
0x79: {  	_ =	shalt  }
0x7a: {  	_ =	shalt  }
0x7b: {  	_ =	shalt  }
0x7c: {  	_ =	shalt  }
0x7d: {  	_ =	shalt  }
0x7e: {  	_ =	shalt  }
0x7f: {  	_ =	shalt  }
0x80: {  	_ =	shalt  }
0x81: {  	_ =	shalt  }
0x82: {  	_ =	shalt  }
0x83: {  	_ =	shalt  }
0x84: {  	_ =	shalt  }
0x85: {  	_ =	shalt  }
0x86: {  	_ =	shalt  }
0x87: {  	_ =	shalt  }
.Lfunc_end0:
.L_simem_size_0:
called_computation_lowered:
.L_overlay_start_0:
0x88: {  	s2 =	sld [smem:$0x3FD9]  }
0x89: {  	s3 =	sld [smem:$0x3FFE];
	_ =	sdelay $0x1  }
0x8a: {  	s1 =	srdreg.scid  }
0x8b: {  	s0 =	sand.u32 $0x1, s1  }
0x8c: {  	s14 =	sshll.u32 s0, $0xA;
	s2 =	sadd.s32 s3, s2  }
0x8d: {  	s2 =	sadd.s32 s2, s14  }
0x8e: {  	[smem:$0x3FBC] =	sst s2  }
0x8f: {  	_ = 	snop  }
0x90: {  	s2 =	sld [smem:$0x3FD0];
	_ =	sdelay $0x2  }
0x91: {  	s15 =	simm.s32 $0xA;
	s4 =	simm.s32 $0x10  }
0x92: {  	[smem:s4], [sflag:s15] =	dma.local [hbm:s2], $0x1  }
0x93: {  	_ =	swait.eq [sflag:s15], $0x1  }
0x94: {  	s16 =	sld [smem:$0x10];
	[sflag:s15] =	ssyncset.done $0x0  }
0x95: {  	s17 =	sld [smem:$0x11];
	[sflag:s15] =	ssyncadd.s32 $0xFFFFFFFF  }
0x96: {  	s18 =	sld [smem:$0x12];
	(tm) =	ssettm $0x1  }
0x97: {  	s5 =	sld [smem:$0x3FFB];
	_ =	sdelay $0x3  }
0x98: {  	_ =	strace s5  }
0x99: {  	s5 =	sld [smem:$0x3FFC];
	_ =	sdelay $0x3  }
0x9a: {  	_ =	strace s5  }
0x9b: {  	s5 =	sld [smem:$0x3FFD];
	_ =	sdelay $0x3  }
0x9c: {  	_ =	strace s5  }
0x9d: {  	_ =	strace $0x8FFFFFFF  }
0x9e: {  	s19 =	sld [smem:$0x3FDB];
	_ =	sdelay $0x1  }
0x9f: {  	s6 =	simm.s32 $_scs_section_size  }
0xa0: {  	s7 =	simm.s32 $_size__tile_overlayer_lowered;
	s8 =	simm.s32 $_tile_overlayer_lowered  }
0xa1: {  	s22 =	simm.s32 $0x1BFF;
	s21 =	sshll.u32 s8, $0x1;
	s5 =	sadd.s32 s6, s19  }
0xa2: {  	s9 =	simm.s32 $0x0;
	s20 =	sshll.u32 s7, $0x1;
	s7 =	sadd.s32 s21, s5  }
0xa3: {  	[timem:s9], [sflag:s22] =	dma.local [hbm:s7], s20  }
0xa4: {  	_ =	swait.ge [sflag:s22], s20  }
0xa5: {  	s6 =	ssub.s32 $0x0, s20;
	[sflag:s22] =	ssyncset.done $0x0  }
0xa6: {  	[sflag:s22] =	ssyncadd.s32 s6;
	_ =	sdelay $0x1  }
0xa7: {  	s23 =	simm.s32 $0x1B8B  }
0xa8: {  	_ =	swait.ge [sflag:s23], $0x1  }
0xa9: {  	[sflag:s23] =	ssyncset.done $0x0  }
0xaa: {  	s25 =	simm.s32 $0x1B8E;
	s24 =	sld [smem:$0x3FFE];
	[sflag:s23] =	ssyncadd.s32 $0xFFFFFFFF  }
0xab: {  	s26 =	simm.s32 $execute0_lowered;
	[smem:$0x3FD2] =	sst s25  }
0xac: {  	s7 =	sshll.u32 s26, $0x1;
	_ =	strace $0x80000046;
	[dreg:$0x1] =	wrdreg $0xFFFFFFFF  }
0xad: {  	s28 =	simm.s32 $_size_execute0_lowered;
	s5 =	sadd.s32 s5, s7;
	[dreg:$0x0] =	wrdreg $0x0  }
0xae: {  	s7 =	sshll.u32 s28, $0x1;
	[dreg:$0x2] =	wrdreg s5  }
0xaf: {  	[dreg:$0x3] =	wrdreg s7  }
0xb0: {  	[dreg:$0x4] =	wrdreg $0xC0  }
0xb1: {  	_ =	task [dreg:s9], $0x5FFFF  }
0xb2: {  	[dreg:$0x1] =	wrdreg $0xFFFFFFFF  }
0xb3: {  	[dreg:$0x0] =	wrdreg $0x60  }
0xb4: {  	[dreg:$0x2] =	wrdreg s24  }
0xb5: {  	[dreg:$0x3] =	wrdreg s18  }
0xb6: {  	[dreg:$0x4] =	wrdreg s17  }
0xb7: {  	[dreg:$0x5] =	wrdreg s16  }
0xb8: {  	[dreg:$0x6] =	wrdreg $0x0  }
0xb9: {  	[dreg:$0x7] =	wrdreg $0x9  }
0xba: {  	_ =	task.clear_ibuf [dreg:s9], $0x8FFFF;
	_ =	strace $0x90000046  }
0xbb: {  	s29 =	simm.s32 $0x9;
	_ =	strace $0x80000048  }
0xbc: {  	_ =	swait.ge [sflag:s29], $0x1  }
0xbd: {  	[sflag:s29] =	ssyncadd.s32 $0xFFFFFFFF  }
0xbe: {  	_ =	strace $0x90000048  }
0xbf: {  	_ =	sfence  }
0xc0: {  	s30 =	sld [smem:$0x0];
	_ =	sdelay $0x2  }
0xc1: {  	s31 =	sshll.u32 s1, $0xD;
	s1 =	sshrl.u32 s1, $0x2  }
0xc2: {  	s3 =	sand.u32 $0x4000, s31;
	s1 =	sadd.s32 s1, s30  }
0xc3: {  	s0 =	sor.u32 s3, s0;
	s1 =	sshll.u32 s1, $0x11  }
0xc4: {  	s0 =	sor.u32 s1, s0  }
0xc5: {  	s0 =	sadd.s32 $0x8F2B, s0  }
0xc6: {  	[sflag:s0] =	ssyncadd.remote.s32 $0x1  }
0xc7: {  	_ =	sfence.sel $0xFFFF  }
0xc8: {  	[dreg:$0x0] =	wrdreg $0xFFFFFFFF;
	(pc) =	sbr.abs _section_cstart, $3  }
0xc9: {  	[dreg:$0x1] =	wrdreg $0xFFFFFFFF  }
0xca: {  	_ =	task.clear_ibuf [dreg:s9], $0x2FFFF;
	_ =	strace $0x9FFFFFFF  }
0xcb: {  	(tm) =	ssettm $0x7FFFFFFF  }
tec
execute0_lowered:
.L_overlay_start_1:
0x0: {  	(tag) =	ssettag $0x1  }
0x1: {  	s1 =	srdreg.scid  }
0x2: {  	s5 =	sand.u32 $0x1, s1  }
0x3: {  	s0 =	rddreg [dreg:$0x0];
	s20 =	stileid.u32;
	s1 =	sshll.u32 s5, $0x4  }
0x4: {  	s4 =	rddreg [dreg:$0x1];
	s2 =	sor.u32 s20, s1  }
0x5: {  	s6 =	rddreg [dreg:$0x2];
	s9 =	smul.u32 $0x2800, s2  }
0x6: {  	s7 =	rddreg [dreg:$0x3];
	s29 =	simm.s32 $0x0;
	s30 =	simm.s32 $0xC800  }
0x7: {  	s31 =	simm.s32 $0x4;
	[smem:$0x7FF] =	sst s29;
	s9 =	sshrl.u32 s9, $0x3  }
0x8: {  	s3 =	sadd.s32 $0x3CC00, s0;
	s26 =	smul.u32 $0x280, s20;
	s10 =	sadd.s32 s4, s9  }
0x9: {  	s8 =	ssub.s32 $0x2, s5;
	s15 =	sadd.s32 s6, s9;
	[dreg:$0x6] =	wrdreg s10  }
0xa: {  	s28 =	sadd.s32 $0xA000, s9;
	s19 =	sadd.s32 s7, s9;
	[dreg:$0xa] =	wrdreg s15  }
0xb: {  	s11 =	sadd.s32 $0x280, s9;
	s12 =	sadd.s32 s4, s28;
	[dreg:$0xe] =	wrdreg s19  }
0xc: {  	s13 =	sadd.s32 $0xA280, s9;
	s1 =	sadd.s32 s4, s11;
	[dreg:$0x7] =	wrdreg s12  }
0xd: {  	s14 =	smul.u32 $0x140000, s5;
	s4 =	sadd.s32 s4, s13;
	[dreg:$0x8] =	wrdreg s1  }
0xe: {  	s25 =	sshrl.u32 s8, $0x1;
	s16 =	sadd.s32 s6, s28;
	[dreg:$0x9] =	wrdreg s4  }
0xf: {  	s5 =	sadd.s32 $0x140, s26;
	s17 =	sadd.s32 s6, s11;
	[dreg:$0xb] =	wrdreg s16  }
0x10: {  	s2 =	ssub.s32 s8, s25;
	s18 =	sadd.s32 s6, s13;
	[dreg:$0xc] =	wrdreg s17  }
0x11: {  	s2 =	smax.u32 s2, $0x1;
	s21 =	sadd.s32 s7, s28;
	[dreg:$0xd] =	wrdreg s18  }
0x12: {  	s9 =	smul.u32 $0x14000, s20;
	s22 =	sadd.s32 s7, s11;
	[dreg:$0xf] =	wrdreg s21  }
0x13: {  	s23 =	sadd.s32 s7, s13;
	s7 =	sadd.s32 $0x1E0, s26;
	[dreg:$0x10] =	wrdreg s22  }
0x14: {  	[dreg:$0x11] =	wrdreg s23;
	s12 =	sadd.s32 $0xA0, s26;
	s24 =	sadd.s32 s14, s9  }
0x15: {  	s8 =	sor.u32 $0x2800, s9;
	s25 =	sshrl.u32 s24, $0x4;
	s4 =	sshll.u32 s12, $0x7  }
0x16: {  	s26 =	sadd.s32 s14, s8;
	s6 =	sadd.s32 s3, s25;
	s13 =	sor.u32 $0x2800, s4  }
0x17: {  	s28 =	sadd.s32 s14, s4;
	[dreg:$0x12] =	wrdreg s6;
	s6 =	sshrl.u32 s26, $0x4  }
0x18: {  	s1 =	sadd.s32 s14, s13;
	s15 =	sshrl.u32 s28, $0x4;
	s6 =	sadd.s32 s3, s6  }
0x19: {  	s16 =	sshrl.u32 s1, $0x4;
	[dreg:$0x13] =	wrdreg s6;
	s6 =	sadd.s32 s3, s15  }
0x1a: {  	s17 =	sadd.s32 s3, s16;
	s15 =	sshll.u32 s5, $0x7;
	[dreg:$0x14] =	wrdreg s6  }
0x1b: {  	s10 =	sadd.s32 $0x500000, s14;
	[dreg:$0x15] =	wrdreg s17;
	s18 =	sadd.s32 s14, s15  }
0x1c: {  	s16 =	sadd.s32 $0x2800, s15;
	s17 =	sshll.u32 s7, $0x7;
	s6 =	sshrl.u32 s18, $0x4  }
0x1d: {  	s19 =	sadd.s32 s14, s16;
	s21 =	sadd.s32 s14, s17;
	s18 =	sadd.s32 $0x2800, s17  }
0x1e: {  	s6 =	sadd.s32 s3, s6;
	s22 =	sshrl.u32 s19, $0x4;
	s23 =	sshrl.u32 s21, $0x4  }
0x1f: {  	s25 =	sadd.s32 s14, s18;
	[dreg:$0x16] =	wrdreg s6;
	s6 =	sadd.s32 s3, s22  }
0x20: {  	s24 =	sadd.s32 s3, s23;
	s11 =	sshrl.u32 s25, $0x4;
	[dreg:$0x17] =	wrdreg s6  }
0x21: {  	[dreg:$0x18] =	wrdreg s24;
	s6 =	sadd.s32 $0x280000, s14;
	s11 =	sadd.s32 s3, s11  }
0x22: {  	s26 =	sadd.s32 s9, s6;
	s19 =	sadd.s32 s8, s6;
	[dreg:$0x19] =	wrdreg s11  }
0x23: {  	s21 =	sadd.s32 s4, s6;
	s22 =	sadd.s32 s13, s6;
	s23 =	sadd.s32 s15, s6  }
0x24: {  	s28 =	sshrl.u32 s26, $0x4;
	s1 =	sshrl.u32 s19, $0x4;
	s24 =	sshrl.u32 s22, $0x4  }
0x25: {  	s25 =	sshrl.u32 s23, $0x4;
	s22 =	sadd.s32 s4, s10;
	s11 =	sadd.s32 s3, s28  }
0x26: {  	s19 =	sadd.s32 s3, s1;
	s26 =	sadd.s32 s3, s25;
	[dreg:$0x1a] =	wrdreg s11  }
0x27: {  	s28 =	sadd.s32 s16, s6;
	s1 =	sadd.s32 s17, s6;
	[dreg:$0x1b] =	wrdreg s19  }
0x28: {  	s6 =	sadd.s32 s18, s6;
	s11 =	sshrl.u32 s21, $0x4;
	[dreg:$0x1e] =	wrdreg s26  }
0x29: {  	s14 =	sshrl.u32 s1, $0x4;
	s6 =	sshrl.u32 s6, $0x4;
	s19 =	sadd.s32 s9, s10  }
0x2a: {  	s21 =	sadd.s32 s8, s10;
	s26 =	sadd.s32 s13, s10;
	s1 =	sadd.s32 s16, s10  }
0x2b: {  	s13 =	sshrl.u32 s13, $0x1;
	s11 =	sadd.s32 s3, s11;
	s6 =	sadd.s32 s3, s6  }
0x2c: {  	s23 =	sshrl.u32 s21, $0x4;
	[dreg:$0x1c] =	wrdreg s11;
	s11 =	sadd.s32 s3, s24  }
0x2d: {  	[smem:$0x7E4] =	sst s6;
	s6 =	sshrl.u32 s19, $0x4;
	s24 =	sshrl.u32 s22, $0x4  }
0x2e: {  	s19 =	sshrl.u32 s1, $0x4;
	[dreg:$0x1d] =	wrdreg s11;
	s6 =	sadd.s32 s3, s6  }
0x2f: {  	s22 =	sadd.s32 s17, s10;
	s25 =	sadd.s32 s3, s24;
	[smem:$0x7E5] =	sst s6  }
0x30: {  	s11 =	sshrl.u32 s28, $0x4;
	s21 =	sadd.s32 s3, s19;
	[smem:$0x7E7] =	sst s25  }
0x31: {  	s1 =	sshll.u32 s12, $0x6;
	s11 =	sadd.s32 s3, s11;
	[smem:$0x7EA] =	sst s21  }
0x32: {  	s28 =	sadd.s32 s15, s10;
	s6 =	sadd.s32 s3, s23;
	[dreg:$0x1f] =	wrdreg s11  }
0x33: {  	s11 =	sadd.s32 s3, s14;
	[smem:$0x7E6] =	sst s6;
	s6 =	sshrl.u32 s26, $0x4  }
0x34: {  	[smem:$0x7E3] =	sst s11;
	s6 =	sadd.s32 s3, s6;
	s11 =	sshrl.u32 s28, $0x4  }
0x35: {  	s10 =	sadd.s32 s18, s10;
	[smem:$0x7E8] =	sst s6;
	s6 =	sadd.s32 s3, s11  }
0x36: {  	s24 =	smul.u32 $0x28000, s20;
	s23 =	sshrl.u32 s22, $0x4;
	[smem:$0x7E9] =	sst s6  }
0x37: {  	s10 =	sshrl.u32 s10, $0x4;
	s11 =	sadd.s32 s3, s23;
	s6 =	rddreg [dreg:$0x4]  }
0x38: {  	s25 =	sshrl.u32 s9, $0x1;
	s3 =	sadd.s32 s3, s10;
	[smem:$0x7EB] =	sst s11  }
0x39: {  	s9 =	sadd.s32 $0x15800, s0;
	s10 =	sadd.s32 $0x1E00, s0;
	[smem:$0x7EC] =	sst s3  }
0x3a: {  	_ =	strace $0x80000047;
	s26 =	sadd.s32 s25, s6;
	[smem:$0x7EE] =	sst s2  }
0x3b: {  	s11 =	sadd.s32 $0x29200, s0;
	s0 =	sadd.s32 s1, s6;
	[smem:$0x7ED] =	sst s26  }
0x3c: {  	s21 =	sshrl.u32 s17, $0x1;
	s14 =	sadd.s32 s13, s6;
	[smem:$0x7EF] =	sst s0  }
0x3d: {  	s28 =	sshrl.u32 s24, $0x2;
	s22 =	sadd.s32 s21, s6;
	[smem:$0x7F4] =	sst s14  }
0x3e: {  	s3 =	sadd.s32 s28, s6;
	s2 =	sshll.u32 s5, $0x6;
	[smem:$0x7F7] =	sst s22  }
0x3f: {  	s5 =	sshll.u32 s7, $0x6;
	s0 =	sadd.s32 s2, s6;
	[smem:$0x7FC] =	sst s3  }
0x40: {  	s8 =	sshrl.u32 s8, $0x1;
	s7 =	sadd.s32 s5, s6;
	[smem:$0x7F0] =	sst s0  }
0x41: {  	s12 =	sshrl.u32 s4, $0x1;
	s24 =	sadd.s32 $0x1400, s3;
	[smem:$0x7F1] =	sst s7  }
0x42: {  	s19 =	sshrl.u32 s15, $0x1;
	s25 =	sadd.s32 $0x3C00, s3;
	[smem:$0x7F9] =	sst s24  }
0x43: {  	s20 =	sshrl.u32 s16, $0x1;
	s26 =	sadd.s32 $0x6400, s3;
	[smem:$0x7FA] =	sst s25  }
0x44: {  	s15 =	simm.s32 $0x2;
	s28 =	sadd.s32 $0x8C00, s3;
	[smem:$0x7FB] =	sst s26  }
0x45: {  	s23 =	sshrl.u32 s18, $0x1;
	s0 =	sadd.s32 s8, s6;
	[smem:$0x7FD] =	sst s28  }
0x46: {  	s18 =	simm.s32 $0x3;
	[smem:$0x7F2] =	sst s0;
	s0 =	sadd.s32 s12, s6  }
0x47: {  	s13 =	simm.s32 $0x1;
	[smem:$0x7F3] =	sst s0;
	s0 =	sadd.s32 s19, s6  }
0x48: {  	s3 =	simm.s32 $0xFA;
	[smem:$0x7F5] =	sst s0;
	s0 =	sadd.s32 s20, s6  }
0x49: {  	s5 =	simm.s32 $0x10680;
	[smem:$0x7F6] =	sst s0;
	s0 =	sadd.s32 s23, s6  }
0x4a: {  	v0 =	vimm.bf16 $0.0e+00;
	s8 =	simm.s32 $0x14500;
	[smem:$0x7F8] =	sst s0;
	s0 =	simm.s32 $0x0  }
.LBB2_1:
0x4b: {  	s23 =	sand.u32 $0x7F00, s29;
	s24 =	sand.u32 $0x60, s29  }
0x4c: {  	s23 =	sshrl.u32 s23, $0x2;
	s24 =	sshrl.u32 s24, $0x1  }
0x4d: {  	s24 =	sor.u32 s24, s23  }
0x4e: {  	[smem:$0x7E2] =	sst s0;
	s23 =	simm.s32 $0x40;
	[tilespmem:s24+$0xC800] =	vst v0;
	s24 =	simm.s32 $0x0  }
.LBB2_2:
0x4f: {  	p0 =	sne.s32 s23, $0x4FC0  }
.Ltmp0:
0x50: {  	s25 =	sand.u32 $0x7F00, s23;
	s24 =	sadd.s32 $0x20, s24;
	(pc) =	sbr.rel @p0 .LBB2_2-.Ltmp0, $4  }
0x51: {  	s23 =	sadd.s32 $0x40, s23;
	s26 =	sand.u32 $0x60, s24  }
0x52: {  	s25 =	sshrl.u32 s25, $0x2;
	s26 =	sshrl.u32 s26, $0x1  }
0x53: {  	s25 =	sor.u32 s26, s25  }
0x54: {  	[tilespmem:s25+$0xC800] =	vst v0  }
0x55: {  	s4 =	sld [smem:$0x7FC];
	_ =	sdelay $0x2  }
0x56: {  	[spmem:s4] =	stream.linear.scatter [tilespmem:s30], [sflag:$0x4], $0x1400, $0x38;
	[tilespmem:$0x18380] =	vst v63  }
0x57: {  	_ =	swait.ge [sflag:s31], $0x1400  }
0x58: {  	s23 =	sld [smem:$0x7F9]  }
0x59: {  	[sflag:s31] =	ssyncset.done $0x0  }
0x5a: {  	[sflag:s31] =	ssyncadd.s32 $0xFFFFEC00  }
0x5b: {  	[spmem:s23] =	stream.linear.scatter [tilespmem:s30], [sflag:$0x4], $0x1400, $0x38;
	[tilespmem:$0x18380] =	vst v63  }
0x5c: {  	_ =	swait.ge [sflag:s31], $0x1400  }
0x5d: {  	s7 =	sld [smem:$0x7EF]  }
0x5e: {  	[sflag:s31] =	ssyncset.done $0x0  }
0x5f: {  	[sflag:s31] =	ssyncadd.s32 $0xFFFFEC00  }
0x60: {  	[spmem:s7] =	stream.linear.scatter [tilespmem:s30], [sflag:$0x4], $0x1400, $0x38;
	[tilespmem:$0x18380] =	vst v63  }
0x61: {  	_ =	swait.ge [sflag:s31], $0x1400  }
0x62: {  	s12 =	sld [smem:$0x7FA]  }
0x63: {  	[sflag:s31] =	ssyncset.done $0x0  }
0x64: {  	[sflag:s31] =	ssyncadd.s32 $0xFFFFEC00  }
0x65: {  	[spmem:s12] =	stream.linear.scatter [tilespmem:s30], [sflag:$0x4], $0x1400, $0x38;
	[tilespmem:$0x18380] =	vst v63  }
0x66: {  	_ =	swait.ge [sflag:s31], $0x1400  }
0x67: {  	s14 =	sld [smem:$0x7F0]  }
0x68: {  	[sflag:s31] =	ssyncset.done $0x0  }
0x69: {  	[sflag:s31] =	ssyncadd.s32 $0xFFFFEC00  }
0x6a: {  	[spmem:s14] =	stream.linear.scatter [tilespmem:s30], [sflag:$0x4], $0x1400, $0x38;
	[tilespmem:$0x18380] =	vst v63  }
0x6b: {  	_ =	swait.ge [sflag:s31], $0x1400  }
0x6c: {  	s16 =	sld [smem:$0x7FB]  }
0x6d: {  	[sflag:s31] =	ssyncset.done $0x0  }
0x6e: {  	[sflag:s31] =	ssyncadd.s32 $0xFFFFEC00  }
0x6f: {  	[spmem:s16] =	stream.linear.scatter [tilespmem:s30], [sflag:$0x4], $0x1400, $0x38;
	[tilespmem:$0x18380] =	vst v63  }
0x70: {  	_ =	swait.ge [sflag:s31], $0x1400  }
0x71: {  	s17 =	sld [smem:$0x7F1]  }
0x72: {  	[sflag:s31] =	ssyncset.done $0x0  }
0x73: {  	[sflag:s31] =	ssyncadd.s32 $0xFFFFEC00  }
0x74: {  	[spmem:s17] =	stream.linear.scatter [tilespmem:s30], [sflag:$0x4], $0x1400, $0x38;
	[tilespmem:$0x18380] =	vst v63  }
0x75: {  	_ =	swait.ge [sflag:s31], $0x1400  }
0x76: {  	s19 =	sld [smem:$0x7FD]  }
0x77: {  	[sflag:s31] =	ssyncset.done $0x0  }
0x78: {  	[sflag:s31] =	ssyncadd.s32 $0xFFFFEC00  }
0x79: {  	[spmem:s19] =	stream.linear.scatter [tilespmem:s30], [sflag:$0x4], $0x1400, $0x38;
	[tilespmem:$0x18380] =	vst v63  }
0x7a: {  	_ =	swait.ge [sflag:s31], $0x1400  }
0x7b: {  	[sflag:s31] =	ssyncset.done $0x0  }
0x7c: {  	[sflag:s31] =	ssyncadd.s32 $0xFFFFEC00  }
0x7d: {  	[bflag:$0x0] =	sbarrier.arrive $0xFFFF  }
0x7e: {  	s2 =	simm.s32 $0xA000;
	s23 =	simm.s32 $0x0;
	s24 =	rddreg [dreg:$0x6]  }
0x7f: {  	[tilespmem:s2], [sflag:$0x4] =	stream.linear.gather [hbm4b:s24+s23], $0x1400, $0x38;
	[tilespmem:$0x18380] =	vst v63  }
0x80: {  	_ =	swait.ge [sflag:s31], $0x1400  }
0x81: {  	[sflag:s31] =	ssyncset.done $0x0  }
0x82: {  	s1 =	simm.s32 $0xB400;
	s20 =	rddreg [dreg:$0x7];
	[sflag:s31] =	ssyncadd.s32 $0xFFFFEC00  }
0x83: {  	[tilespmem:s1], [sflag:$0x4] =	stream.linear.gather [hbm4b:s20+s23], $0x1400, $0x38;
	[tilespmem:$0x18380] =	vst v63  }
0x84: {  	_ =	swait.ge [sflag:s31], $0x1400  }
0x85: {  	[sflag:s31] =	ssyncset.done $0x0  }
0x86: {  	[sflag:s31] =	ssyncadd.s32 $0xFFFFEC00  }
0x87: {  	[tilespmem:s30], [sflag:$0x1] =	stream.indirect.gather [hbm4b:s9+s3], $0x40, s2, s3, $0xb8;
	[tilespmem:$0x18380] =	vst v63  }
0x88: {  	s25 =	simm.s32 $0xA100  }
0x89: {  	[tilespmem:s5], [sflag:$0x2] =	stream.indirect.gather [hbm4b:s9+s3], $0x40, s25, s3, $0xb8;
	[tilespmem:$0x18380] =	vst v63  }
0x8a: {  	s26 =	simm.s32 $0xA200  }
0x8b: {  	[tilespmem:s8], [sflag:$0x3] =	stream.indirect.gather [hbm4b:s9+s3], $0x40, s26, s3, $0xb8;
	[tilespmem:$0x18380] =	vst v63  }
0x8c: {  	_ =	swait.ge [sflag:s13], $0x3E80  }
0x8d: {  	[sflag:s13] =	ssyncset.done $0x0  }
0x8e: {  	[sflag:s13] =	ssyncadd.s32 $0xFFFFC180  }
0x8f: {  	[spmem:s6] =	stream.indirect.scatter.add.bf16 [tilespmem:s30], [sflag:$0x4], $0x40, s1, s3, $0xb8;
	[tilespmem:$0x18380] =	vst v63  }
0x90: {  	_ =	swait.ge [sflag:s31], $0x3E80  }
0x91: {  	[sflag:s31] =	ssyncset.done $0x0  }
0x92: {  	s4 =	simm.s32 $0xA300;
	[sflag:s31] =	ssyncadd.s32 $0xFFFFC180  }
0x93: {  	[tilespmem:s30], [sflag:$0x1] =	stream.indirect.gather [hbm4b:s9+s3], $0x40, s4, s3, $0xb8;
	[tilespmem:$0x18380] =	vst v63  }
0x94: {  	_ =	swait.ge [sflag:s15], $0x3E80  }
0x95: {  	[sflag:s15] =	ssyncset.done $0x0  }
0x96: {  	s28 =	simm.s32 $0xB500;
	[sflag:s15] =	ssyncadd.s32 $0xFFFFC180  }
0x97: {  	[spmem:s6] =	stream.indirect.scatter.add.bf16 [tilespmem:s5], [sflag:$0x4], $0x40, s28, s3, $0xb8;
	[tilespmem:$0x18380] =	vst v63  }
0x98: {  	_ =	swait.ge [sflag:s31], $0x3E80  }
0x99: {  	[sflag:s31] =	ssyncset.done $0x0  }
0x9a: {  	s29 =	simm.s32 $0xA400;
	[sflag:s31] =	ssyncadd.s32 $0xFFFFC180  }
0x9b: {  	[tilespmem:s5], [sflag:$0x2] =	stream.indirect.gather [hbm4b:s9+s3], $0x40, s29, s3, $0xb8;
	[tilespmem:$0x18380] =	vst v63  }
0x9c: {  	_ =	swait.ge [sflag:s18], $0x3E80  }
0x9d: {  	[sflag:s18] =	ssyncset.done $0x0  }
0x9e: {  	s7 =	simm.s32 $0xB600;
	[sflag:s18] =	ssyncadd.s32 $0xFFFFC180  }
0x9f: {  	[spmem:s6] =	stream.indirect.scatter.add.bf16 [tilespmem:s8], [sflag:$0x4], $0x40, s7, s3, $0xb8;
	[tilespmem:$0x18380] =	vst v63  }
0xa0: {  	_ =	swait.ge [sflag:s31], $0x3E80  }
0xa1: {  	[sflag:s31] =	ssyncset.done $0x0  }
0xa2: {  	s14 =	simm.s32 $0xA500;
	[sflag:s31] =	ssyncadd.s32 $0xFFFFC180  }
0xa3: {  	[tilespmem:s8], [sflag:$0x3] =	stream.indirect.gather [hbm4b:s9+s3], $0x40, s14, s3, $0xb8;
	[tilespmem:$0x18380] =	vst v63  }
0xa4: {  	_ =	swait.ge [sflag:s13], $0x3E80  }
0xa5: {  	[sflag:s13] =	ssyncset.done $0x0  }
0xa6: {  	s12 =	simm.s32 $0xB700;
	[sflag:s13] =	ssyncadd.s32 $0xFFFFC180  }
0xa7: {  	[spmem:s6] =	stream.indirect.scatter.add.bf16 [tilespmem:s30], [sflag:$0x4], $0x40, s12, s3, $0xb8;
	[tilespmem:$0x18380] =	vst v63  }
0xa8: {  	_ =	swait.ge [sflag:s31], $0x3E80  }
0xa9: {  	[sflag:s31] =	ssyncset.done $0x0  }
0xaa: {  	s16 =	simm.s32 $0xA600;
	[sflag:s31] =	ssyncadd.s32 $0xFFFFC180  }
0xab: {  	[tilespmem:s30], [sflag:$0x1] =	stream.indirect.gather [hbm4b:s9+s3], $0x40, s16, s3, $0xb8;
	[tilespmem:$0x18380] =	vst v63  }
0xac: {  	_ =	swait.ge [sflag:s15], $0x3E80  }
0xad: {  	[sflag:s15] =	ssyncset.done $0x0  }
0xae: {  	s17 =	simm.s32 $0xB800;
	[sflag:s15] =	ssyncadd.s32 $0xFFFFC180  }
0xaf: {  	[spmem:s6] =	stream.indirect.scatter.add.bf16 [tilespmem:s5], [sflag:$0x4], $0x40, s17, s3, $0xb8;
	[tilespmem:$0x18380] =	vst v63  }
0xb0: {  	_ =	swait.ge [sflag:s31], $0x3E80  }
0xb1: {  	[sflag:s31] =	ssyncset.done $0x0  }
0xb2: {  	s19 =	simm.s32 $0xA700;
	[sflag:s31] =	ssyncadd.s32 $0xFFFFC180  }
0xb3: {  	[tilespmem:s5], [sflag:$0x2] =	stream.indirect.gather [hbm4b:s9+s3], $0x40, s19, s3, $0xb8;
	[tilespmem:$0x18380] =	vst v63  }
0xb4: {  	_ =	swait.ge [sflag:s18], $0x3E80  }
0xb5: {  	[sflag:s18] =	ssyncset.done $0x0  }
0xb6: {  	s20 =	simm.s32 $0xB900;
	[sflag:s18] =	ssyncadd.s32 $0xFFFFC180  }
0xb7: {  	[spmem:s6] =	stream.indirect.scatter.add.bf16 [tilespmem:s8], [sflag:$0x4], $0x40, s20, s3, $0xb8;
	[tilespmem:$0x18380] =	vst v63  }
0xb8: {  	_ =	swait.ge [sflag:s31], $0x3E80  }
0xb9: {  	[sflag:s31] =	ssyncset.done $0x0  }
0xba: {  	s21 =	simm.s32 $0xA800;
	[sflag:s31] =	ssyncadd.s32 $0xFFFFC180  }
0xbb: {  	[tilespmem:s8], [sflag:$0x3] =	stream.indirect.gather [hbm4b:s9+s3], $0x40, s21, s3, $0xb8;
	[tilespmem:$0x18380] =	vst v63  }
0xbc: {  	_ =	swait.ge [sflag:s13], $0x3E80  }
0xbd: {  	[sflag:s13] =	ssyncset.done $0x0  }
0xbe: {  	s0 =	simm.s32 $0xBA00;
	[sflag:s13] =	ssyncadd.s32 $0xFFFFC180  }
0xbf: {  	[spmem:s6] =	stream.indirect.scatter.add.bf16 [tilespmem:s30], [sflag:$0x4], $0x40, s0, s3, $0xb8;
	[tilespmem:$0x18380] =	vst v63  }
0xc0: {  	_ =	swait.ge [sflag:s31], $0x3E80  }
0xc1: {  	[sflag:s31] =	ssyncset.done $0x0  }
0xc2: {  	s22 =	simm.s32 $0xA900;
	[sflag:s31] =	ssyncadd.s32 $0xFFFFC180  }
0xc3: {  	[tilespmem:s30], [sflag:$0x1] =	stream.indirect.gather [hbm4b:s9+s3], $0x40, s22, s3, $0xb8;
	[tilespmem:$0x18380] =	vst v63  }
0xc4: {  	_ =	swait.ge [sflag:s15], $0x3E80  }
0xc5: {  	[sflag:s15] =	ssyncset.done $0x0  }
0xc6: {  	s24 =	simm.s32 $0xBB00;
	[sflag:s15] =	ssyncadd.s32 $0xFFFFC180  }
0xc7: {  	[spmem:s6] =	stream.indirect.scatter.add.bf16 [tilespmem:s5], [sflag:$0x4], $0x40, s24, s3, $0xb8;
	[tilespmem:$0x18380] =	vst v63  }
0xc8: {  	_ =	swait.ge [sflag:s31], $0x3E80  }
0xc9: {  	[sflag:s31] =	ssyncset.done $0x0  }
0xca: {  	s24 =	simm.s32 $0xAA00;
	[sflag:s31] =	ssyncadd.s32 $0xFFFFC180  }
0xcb: {  	[tilespmem:s5], [sflag:$0x2] =	stream.indirect.gather [hbm4b:s9+s3], $0x40, s24, s3, $0xb8;
	[tilespmem:$0x18380] =	vst v63  }
0xcc: {  	_ =	swait.ge [sflag:s18], $0x3E80  }
0xcd: {  	[sflag:s18] =	ssyncset.done $0x0  }
0xce: {  	s24 =	simm.s32 $0xBC00;
	[sflag:s18] =	ssyncadd.s32 $0xFFFFC180  }
0xcf: {  	[spmem:s6] =	stream.indirect.scatter.add.bf16 [tilespmem:s8], [sflag:$0x4], $0x40, s24, s3, $0xb8;
	[tilespmem:$0x18380] =	vst v63  }
0xd0: {  	_ =	swait.ge [sflag:s31], $0x3E80  }
0xd1: {  	[sflag:s31] =	ssyncset.done $0x0  }
0xd2: {  	s24 =	simm.s32 $0xAB00;
	[sflag:s31] =	ssyncadd.s32 $0xFFFFC180  }
0xd3: {  	[tilespmem:s8], [sflag:$0x3] =	stream.indirect.gather [hbm4b:s9+s3], $0x40, s24, s3, $0xb8;
	[tilespmem:$0x18380] =	vst v63  }
0xd4: {  	_ =	swait.ge [sflag:s13], $0x3E80  }
0xd5: {  	[sflag:s13] =	ssyncset.done $0x0  }
0xd6: {  	s24 =	simm.s32 $0xBD00;
	[sflag:s13] =	ssyncadd.s32 $0xFFFFC180  }
0xd7: {  	[spmem:s6] =	stream.indirect.scatter.add.bf16 [tilespmem:s30], [sflag:$0x4], $0x40, s24, s3, $0xb8;
	[tilespmem:$0x18380] =	vst v63  }
0xd8: {  	_ =	swait.ge [sflag:s31], $0x3E80  }
0xd9: {  	[sflag:s31] =	ssyncset.done $0x0  }
0xda: {  	s24 =	simm.s32 $0xAC00;
	[sflag:s31] =	ssyncadd.s32 $0xFFFFC180  }
0xdb: {  	[tilespmem:s30], [sflag:$0x1] =	stream.indirect.gather [hbm4b:s9+s3], $0x40, s24, s3, $0xb8;
	[tilespmem:$0x18380] =	vst v63  }
0xdc: {  	_ =	swait.ge [sflag:s15], $0x3E80  }
0xdd: {  	[sflag:s15] =	ssyncset.done $0x0  }
0xde: {  	s24 =	simm.s32 $0xBE00;
	[sflag:s15] =	ssyncadd.s32 $0xFFFFC180  }
0xdf: {  	[spmem:s6] =	stream.indirect.scatter.add.bf16 [tilespmem:s5], [sflag:$0x4], $0x40, s24, s3, $0xb8;
	[tilespmem:$0x18380] =	vst v63  }
0xe0: {  	_ =	swait.ge [sflag:s31], $0x3E80  }
0xe1: {  	[sflag:s31] =	ssyncset.done $0x0  }
0xe2: {  	s24 =	simm.s32 $0xAD00;
	[sflag:s31] =	ssyncadd.s32 $0xFFFFC180  }
0xe3: {  	[tilespmem:s5], [sflag:$0x2] =	stream.indirect.gather [hbm4b:s9+s3], $0x40, s24, s3, $0xb8;
	[tilespmem:$0x18380] =	vst v63  }
0xe4: {  	_ =	swait.ge [sflag:s18], $0x3E80  }
0xe5: {  	[sflag:s18] =	ssyncset.done $0x0  }
0xe6: {  	s24 =	simm.s32 $0xBF00;
	[sflag:s18] =	ssyncadd.s32 $0xFFFFC180  }
0xe7: {  	[spmem:s6] =	stream.indirect.scatter.add.bf16 [tilespmem:s8], [sflag:$0x4], $0x40, s24, s3, $0xb8;
	[tilespmem:$0x18380] =	vst v63  }
0xe8: {  	_ =	swait.ge [sflag:s31], $0x3E80  }
0xe9: {  	[sflag:s31] =	ssyncset.done $0x0  }
0xea: {  	s24 =	simm.s32 $0xAE00;
	[sflag:s31] =	ssyncadd.s32 $0xFFFFC180  }
0xeb: {  	[tilespmem:s8], [sflag:$0x3] =	stream.indirect.gather [hbm4b:s9+s3], $0x40, s24, s3, $0xb8;
	[tilespmem:$0x18380] =	vst v63  }
0xec: {  	_ =	swait.ge [sflag:s13], $0x3E80  }
0xed: {  	[sflag:s13] =	ssyncset.done $0x0  }
0xee: {  	s24 =	simm.s32 $0xC000;
	[sflag:s13] =	ssyncadd.s32 $0xFFFFC180  }
0xef: {  	[spmem:s6] =	stream.indirect.scatter.add.bf16 [tilespmem:s30], [sflag:$0x4], $0x40, s24, s3, $0xb8;
	[tilespmem:$0x18380] =	vst v63  }
0xf0: {  	_ =	swait.ge [sflag:s31], $0x3E80  }
0xf1: {  	[sflag:s31] =	ssyncset.done $0x0  }
0xf2: {  	s24 =	simm.s32 $0xAF00;
	[sflag:s31] =	ssyncadd.s32 $0xFFFFC180  }
0xf3: {  	[tilespmem:s30], [sflag:$0x1] =	stream.indirect.gather [hbm4b:s9+s3], $0x40, s24, s3, $0xb8;
	[tilespmem:$0x18380] =	vst v63  }
0xf4: {  	_ =	swait.ge [sflag:s15], $0x3E80  }
0xf5: {  	[sflag:s15] =	ssyncset.done $0x0  }
0xf6: {  	s24 =	simm.s32 $0xC100;
	[sflag:s15] =	ssyncadd.s32 $0xFFFFC180  }
0xf7: {  	[spmem:s6] =	stream.indirect.scatter.add.bf16 [tilespmem:s5], [sflag:$0x4], $0x40, s24, s3, $0xb8;
	[tilespmem:$0x18380] =	vst v63  }
0xf8: {  	_ =	swait.ge [sflag:s31], $0x3E80  }
0xf9: {  	[sflag:s31] =	ssyncset.done $0x0  }
0xfa: {  	s24 =	simm.s32 $0xB000;
	[sflag:s31] =	ssyncadd.s32 $0xFFFFC180  }
0xfb: {  	[tilespmem:s5], [sflag:$0x2] =	stream.indirect.gather [hbm4b:s9+s3], $0x40, s24, s3, $0xb8;
	[tilespmem:$0x18380] =	vst v63  }
0xfc: {  	_ =	swait.ge [sflag:s18], $0x3E80  }
0xfd: {  	[sflag:s18] =	ssyncset.done $0x0  }
0xfe: {  	s24 =	simm.s32 $0xC200;
	[sflag:s18] =	ssyncadd.s32 $0xFFFFC180  }
0xff: {  	[spmem:s6] =	stream.indirect.scatter.add.bf16 [tilespmem:s8], [sflag:$0x4], $0x40, s24, s3, $0xb8;
	[tilespmem:$0x18380] =	vst v63  }
0x100: {  	_ =	swait.ge [sflag:s31], $0x3E80  }
0x101: {  	[sflag:s31] =	ssyncset.done $0x0  }
0x102: {  	s24 =	simm.s32 $0xB100;
	[sflag:s31] =	ssyncadd.s32 $0xFFFFC180  }
0x103: {  	[tilespmem:s8], [sflag:$0x3] =	stream.indirect.gather [hbm4b:s9+s3], $0x40, s24, s3, $0xb8;
	[tilespmem:$0x18380] =	vst v63  }
0x104: {  	_ =	swait.ge [sflag:s13], $0x3E80  }
0x105: {  	[sflag:s13] =	ssyncset.done $0x0  }
0x106: {  	s24 =	simm.s32 $0xC300;
	[sflag:s13] =	ssyncadd.s32 $0xFFFFC180  }
0x107: {  	[spmem:s6] =	stream.indirect.scatter.add.bf16 [tilespmem:s30], [sflag:$0x4], $0x40, s24, s3, $0xb8;
	[tilespmem:$0x18380] =	vst v63  }
0x108: {  	_ =	swait.ge [sflag:s31], $0x3E80  }
0x109: {  	[sflag:s31] =	ssyncset.done $0x0  }
0x10a: {  	s24 =	simm.s32 $0xB200;
	[sflag:s31] =	ssyncadd.s32 $0xFFFFC180  }
0x10b: {  	[tilespmem:s30], [sflag:$0x1] =	stream.indirect.gather [hbm4b:s9+s3], $0x40, s24, s3, $0xb8;
	[tilespmem:$0x18380] =	vst v63  }
0x10c: {  	_ =	swait.ge [sflag:s15], $0x3E80  }
0x10d: {  	[sflag:s15] =	ssyncset.done $0x0  }
0x10e: {  	s24 =	simm.s32 $0xC400;
	[sflag:s15] =	ssyncadd.s32 $0xFFFFC180  }
0x10f: {  	[spmem:s6] =	stream.indirect.scatter.add.bf16 [tilespmem:s5], [sflag:$0x4], $0x40, s24, s3, $0xb8;
	[tilespmem:$0x18380] =	vst v63  }
0x110: {  	_ =	swait.ge [sflag:s31], $0x3E80  }
0x111: {  	[sflag:s31] =	ssyncset.done $0x0  }
0x112: {  	s24 =	simm.s32 $0xB300;
	[sflag:s31] =	ssyncadd.s32 $0xFFFFC180  }
0x113: {  	[tilespmem:s5], [sflag:$0x2] =	stream.indirect.gather [hbm4b:s9+s3], $0x40, s24, s3, $0xb8;
	[tilespmem:$0x18380] =	vst v63  }
0x114: {  	_ =	swait.ge [sflag:s18], $0x3E80  }
0x115: {  	[sflag:s18] =	ssyncset.done $0x0  }
0x116: {  	s24 =	simm.s32 $0xC500;
	[sflag:s18] =	ssyncadd.s32 $0xFFFFC180  }
0x117: {  	[spmem:s6] =	stream.indirect.scatter.add.bf16 [tilespmem:s8], [sflag:$0x4], $0x40, s24, s3, $0xb8;
	[tilespmem:$0x18380] =	vst v63  }
0x118: {  	_ =	swait.ge [sflag:s31], $0x3E80  }
0x119: {  	[sflag:s31] =	ssyncset.done $0x0  }
0x11a: {  	[sflag:s31] =	ssyncadd.s32 $0xFFFFC180  }
0x11b: {  	_ =	swait.ge [sflag:s13], $0x3E80  }
0x11c: {  	[sflag:s13] =	ssyncset.done $0x0  }
0x11d: {  	s24 =	simm.s32 $0xC600;
	[sflag:s13] =	ssyncadd.s32 $0xFFFFC180  }
0x11e: {  	[spmem:s6] =	stream.indirect.scatter.add.bf16 [tilespmem:s30], [sflag:$0x4], $0x40, s24, s3, $0xb8;
	[tilespmem:$0x18380] =	vst v63  }
0x11f: {  	_ =	swait.ge [sflag:s31], $0x3E80  }
0x120: {  	[sflag:s31] =	ssyncset.done $0x0  }
0x121: {  	[sflag:s31] =	ssyncadd.s32 $0xFFFFC180  }
0x122: {  	_ =	swait.ge [sflag:s15], $0x3E80  }
0x123: {  	[sflag:s15] =	ssyncset.done $0x0  }
0x124: {  	s24 =	simm.s32 $0xC700;
	[sflag:s15] =	ssyncadd.s32 $0xFFFFC180  }
0x125: {  	[spmem:s6] =	stream.indirect.scatter.add.bf16 [tilespmem:s5], [sflag:$0x4], $0x40, s24, s3, $0xb8;
	[tilespmem:$0x18380] =	vst v63  }
0x126: {  	_ =	swait.ge [sflag:s31], $0x3E80  }
0x127: {  	[sflag:s31] =	ssyncset.done $0x0  }
0x128: {  	s24 =	rddreg [dreg:$0x8];
	[sflag:s31] =	ssyncadd.s32 $0xFFFFC180  }
0x129: {  	[tilespmem:s2], [sflag:$0x4] =	stream.linear.gather [hbm4b:s24+s23], $0x1400, $0x38;
	[tilespmem:$0x18380] =	vst v63  }
0x12a: {  	_ =	swait.ge [sflag:s31], $0x1400  }
0x12b: {  	[sflag:s31] =	ssyncset.done $0x0  }
0x12c: {  	s24 =	rddreg [dreg:$0x9];
	[sflag:s31] =	ssyncadd.s32 $0xFFFFEC00  }
0x12d: {  	[tilespmem:s1], [sflag:$0x4] =	stream.linear.gather [hbm4b:s24+s23], $0x1400, $0x38;
	[tilespmem:$0x18380] =	vst v63  }
0x12e: {  	_ =	swait.ge [sflag:s31], $0x1400  }
0x12f: {  	[sflag:s31] =	ssyncset.done $0x0  }
0x130: {  	[sflag:s31] =	ssyncadd.s32 $0xFFFFEC00  }
0x131: {  	[tilespmem:s30], [sflag:$0x1] =	stream.indirect.gather [hbm4b:s9+s3], $0x40, s2, s3, $0xb8;
	[tilespmem:$0x18380] =	vst v63  }
0x132: {  	_ = 	snop  }
0x133: {  	[tilespmem:s5], [sflag:$0x2] =	stream.indirect.gather [hbm4b:s9+s3], $0x40, s25, s3, $0xb8;
	[tilespmem:$0x18380] =	vst v63  }
0x134: {  	_ = 	snop  }
0x135: {  	[tilespmem:s8], [sflag:$0x3] =	stream.indirect.gather [hbm4b:s9+s3], $0x40, s26, s3, $0xb8;
	[tilespmem:$0x18380] =	vst v63  }
0x136: {  	_ =	swait.ge [sflag:s13], $0x3E80  }
0x137: {  	[sflag:s13] =	ssyncset.done $0x0  }
0x138: {  	[sflag:s13] =	ssyncadd.s32 $0xFFFFC180  }
0x139: {  	[spmem:s6] =	stream.indirect.scatter.add.bf16 [tilespmem:s30], [sflag:$0x4], $0x40, s1, s3, $0xb8;
	[tilespmem:$0x18380] =	vst v63  }
0x13a: {  	_ =	swait.ge [sflag:s31], $0x3E80  }
0x13b: {  	[sflag:s31] =	ssyncset.done $0x0  }
0x13c: {  	[sflag:s31] =	ssyncadd.s32 $0xFFFFC180  }
0x13d: {  	[tilespmem:s30], [sflag:$0x1] =	stream.indirect.gather [hbm4b:s9+s3], $0x40, s4, s3, $0xb8;
	[tilespmem:$0x18380] =	vst v63  }
0x13e: {  	_ =	swait.ge [sflag:s15], $0x3E80  }
0x13f: {  	[sflag:s15] =	ssyncset.done $0x0  }
0x140: {  	[sflag:s15] =	ssyncadd.s32 $0xFFFFC180  }
0x141: {  	[spmem:s6] =	stream.indirect.scatter.add.bf16 [tilespmem:s5], [sflag:$0x4], $0x40, s28, s3, $0xb8;
	[tilespmem:$0x18380] =	vst v63  }
0x142: {  	_ =	swait.ge [sflag:s31], $0x3E80  }
0x143: {  	[sflag:s31] =	ssyncset.done $0x0  }
0x144: {  	[sflag:s31] =	ssyncadd.s32 $0xFFFFC180  }
0x145: {  	[tilespmem:s5], [sflag:$0x2] =	stream.indirect.gather [hbm4b:s9+s3], $0x40, s29, s3, $0xb8;
	[tilespmem:$0x18380] =	vst v63  }
0x146: {  	_ =	swait.ge [sflag:s18], $0x3E80  }
0x147: {  	[sflag:s18] =	ssyncset.done $0x0  }
0x148: {  	[sflag:s18] =	ssyncadd.s32 $0xFFFFC180  }
0x149: {  	[spmem:s6] =	stream.indirect.scatter.add.bf16 [tilespmem:s8], [sflag:$0x4], $0x40, s7, s3, $0xb8;
	[tilespmem:$0x18380] =	vst v63  }
0x14a: {  	_ =	swait.ge [sflag:s31], $0x3E80  }
0x14b: {  	[sflag:s31] =	ssyncset.done $0x0  }
0x14c: {  	[sflag:s31] =	ssyncadd.s32 $0xFFFFC180  }
0x14d: {  	[tilespmem:s8], [sflag:$0x3] =	stream.indirect.gather [hbm4b:s9+s3], $0x40, s14, s3, $0xb8;
	[tilespmem:$0x18380] =	vst v63  }
0x14e: {  	_ =	swait.ge [sflag:s13], $0x3E80  }
0x14f: {  	[sflag:s13] =	ssyncset.done $0x0  }
0x150: {  	[sflag:s13] =	ssyncadd.s32 $0xFFFFC180  }
0x151: {  	[spmem:s6] =	stream.indirect.scatter.add.bf16 [tilespmem:s30], [sflag:$0x4], $0x40, s12, s3, $0xb8;
	[tilespmem:$0x18380] =	vst v63  }
0x152: {  	_ =	swait.ge [sflag:s31], $0x3E80  }
0x153: {  	[sflag:s31] =	ssyncset.done $0x0  }
0x154: {  	[sflag:s31] =	ssyncadd.s32 $0xFFFFC180  }
0x155: {  	[tilespmem:s30], [sflag:$0x1] =	stream.indirect.gather [hbm4b:s9+s3], $0x40, s16, s3, $0xb8;
	[tilespmem:$0x18380] =	vst v63  }
0x156: {  	_ =	swait.ge [sflag:s15], $0x3E80  }
0x157: {  	[sflag:s15] =	ssyncset.done $0x0  }
0x158: {  	[sflag:s15] =	ssyncadd.s32 $0xFFFFC180  }
0x159: {  	[spmem:s6] =	stream.indirect.scatter.add.bf16 [tilespmem:s5], [sflag:$0x4], $0x40, s17, s3, $0xb8;
	[tilespmem:$0x18380] =	vst v63  }
0x15a: {  	_ =	swait.ge [sflag:s31], $0x3E80  }
0x15b: {  	[sflag:s31] =	ssyncset.done $0x0  }
0x15c: {  	[sflag:s31] =	ssyncadd.s32 $0xFFFFC180  }
0x15d: {  	[tilespmem:s5], [sflag:$0x2] =	stream.indirect.gather [hbm4b:s9+s3], $0x40, s19, s3, $0xb8;
	[tilespmem:$0x18380] =	vst v63  }
0x15e: {  	_ =	swait.ge [sflag:s18], $0x3E80  }
0x15f: {  	[sflag:s18] =	ssyncset.done $0x0  }
0x160: {  	[sflag:s18] =	ssyncadd.s32 $0xFFFFC180  }
0x161: {  	[spmem:s6] =	stream.indirect.scatter.add.bf16 [tilespmem:s8], [sflag:$0x4], $0x40, s20, s3, $0xb8;
	[tilespmem:$0x18380] =	vst v63  }
0x162: {  	_ =	swait.ge [sflag:s31], $0x3E80  }
0x163: {  	[sflag:s31] =	ssyncset.done $0x0  }
0x164: {  	[sflag:s31] =	ssyncadd.s32 $0xFFFFC180  }
0x165: {  	[tilespmem:s8], [sflag:$0x3] =	stream.indirect.gather [hbm4b:s9+s3], $0x40, s21, s3, $0xb8;
	[tilespmem:$0x18380] =	vst v63  }
0x166: {  	_ =	swait.ge [sflag:s13], $0x3E80  }
0x167: {  	[sflag:s13] =	ssyncset.done $0x0  }
0x168: {  	[sflag:s13] =	ssyncadd.s32 $0xFFFFC180  }
0x169: {  	[spmem:s6] =	stream.indirect.scatter.add.bf16 [tilespmem:s30], [sflag:$0x4], $0x40, s0, s3, $0xb8;
	[tilespmem:$0x18380] =	vst v63  }
0x16a: {  	_ =	swait.ge [sflag:s31], $0x3E80  }
0x16b: {  	[sflag:s31] =	ssyncset.done $0x0  }
0x16c: {  	[sflag:s31] =	ssyncadd.s32 $0xFFFFC180  }
0x16d: {  	[tilespmem:s30], [sflag:$0x1] =	stream.indirect.gather [hbm4b:s9+s3], $0x40, s22, s3, $0xb8;
	[tilespmem:$0x18380] =	vst v63  }
0x16e: {  	_ =	swait.ge [sflag:s15], $0x3E80  }
0x16f: {  	[sflag:s15] =	ssyncset.done $0x0  }
0x170: {  	s21 =	simm.s32 $0xBB00;
	[sflag:s15] =	ssyncadd.s32 $0xFFFFC180  }
0x171: {  	[spmem:s6] =	stream.indirect.scatter.add.bf16 [tilespmem:s5], [sflag:$0x4], $0x40, s21, s3, $0xb8;
	[tilespmem:$0x18380] =	vst v63  }
0x172: {  	_ =	swait.ge [sflag:s31], $0x3E80  }
0x173: {  	[sflag:s31] =	ssyncset.done $0x0  }
0x174: {  	s22 =	simm.s32 $0xAA00;
	[sflag:s31] =	ssyncadd.s32 $0xFFFFC180  }
0x175: {  	[tilespmem:s5], [sflag:$0x2] =	stream.indirect.gather [hbm4b:s9+s3], $0x40, s22, s3, $0xb8;
	[tilespmem:$0x18380] =	vst v63  }
0x176: {  	_ =	swait.ge [sflag:s18], $0x3E80  }
0x177: {  	[sflag:s18] =	ssyncset.done $0x0  }
0x178: {  	s24 =	simm.s32 $0xBC00;
	[sflag:s18] =	ssyncadd.s32 $0xFFFFC180  }
0x179: {  	[spmem:s6] =	stream.indirect.scatter.add.bf16 [tilespmem:s8], [sflag:$0x4], $0x40, s24, s3, $0xb8;
	[tilespmem:$0x18380] =	vst v63  }
0x17a: {  	_ =	swait.ge [sflag:s31], $0x3E80  }
0x17b: {  	[sflag:s31] =	ssyncset.done $0x0  }
0x17c: {  	s25 =	simm.s32 $0xAB00;
	[sflag:s31] =	ssyncadd.s32 $0xFFFFC180  }
0x17d: {  	[tilespmem:s8], [sflag:$0x3] =	stream.indirect.gather [hbm4b:s9+s3], $0x40, s25, s3, $0xb8;
	[tilespmem:$0x18380] =	vst v63  }
0x17e: {  	_ =	swait.ge [sflag:s13], $0x3E80  }
0x17f: {  	[sflag:s13] =	ssyncset.done $0x0  }
0x180: {  	s26 =	simm.s32 $0xBD00;
	[sflag:s13] =	ssyncadd.s32 $0xFFFFC180  }
0x181: {  	[spmem:s6] =	stream.indirect.scatter.add.bf16 [tilespmem:s30], [sflag:$0x4], $0x40, s26, s3, $0xb8;
	[tilespmem:$0x18380] =	vst v63  }
0x182: {  	_ =	swait.ge [sflag:s31], $0x3E80  }
0x183: {  	[sflag:s31] =	ssyncset.done $0x0  }
0x184: {  	s28 =	simm.s32 $0xAC00;
	[sflag:s31] =	ssyncadd.s32 $0xFFFFC180  }
0x185: {  	[tilespmem:s30], [sflag:$0x1] =	stream.indirect.gather [hbm4b:s9+s3], $0x40, s28, s3, $0xb8;
	[tilespmem:$0x18380] =	vst v63  }
0x186: {  	_ =	swait.ge [sflag:s15], $0x3E80  }
0x187: {  	[sflag:s15] =	ssyncset.done $0x0  }
0x188: {  	s29 =	simm.s32 $0xBE00;
	[sflag:s15] =	ssyncadd.s32 $0xFFFFC180  }
0x189: {  	[spmem:s6] =	stream.indirect.scatter.add.bf16 [tilespmem:s5], [sflag:$0x4], $0x40, s29, s3, $0xb8;
	[tilespmem:$0x18380] =	vst v63  }
0x18a: {  	_ =	swait.ge [sflag:s31], $0x3E80  }
0x18b: {  	[sflag:s31] =	ssyncset.done $0x0  }
0x18c: {  	s1 =	simm.s32 $0xAD00;
	[sflag:s31] =	ssyncadd.s32 $0xFFFFC180  }
0x18d: {  	[tilespmem:s5], [sflag:$0x2] =	stream.indirect.gather [hbm4b:s9+s3], $0x40, s1, s3, $0xb8;
	[tilespmem:$0x18380] =	vst v63  }
0x18e: {  	_ =	swait.ge [sflag:s18], $0x3E80  }
0x18f: {  	[sflag:s18] =	ssyncset.done $0x0  }
0x190: {  	s2 =	simm.s32 $0xBF00;
	[sflag:s18] =	ssyncadd.s32 $0xFFFFC180  }
0x191: {  	[spmem:s6] =	stream.indirect.scatter.add.bf16 [tilespmem:s8], [sflag:$0x4], $0x40, s2, s3, $0xb8;
	[tilespmem:$0x18380] =	vst v63  }
0x192: {  	_ =	swait.ge [sflag:s31], $0x3E80  }
0x193: {  	[sflag:s31] =	ssyncset.done $0x0  }
0x194: {  	s4 =	simm.s32 $0xAE00;
	[sflag:s31] =	ssyncadd.s32 $0xFFFFC180  }
0x195: {  	[tilespmem:s8], [sflag:$0x3] =	stream.indirect.gather [hbm4b:s9+s3], $0x40, s4, s3, $0xb8;
	[tilespmem:$0x18380] =	vst v63  }
0x196: {  	_ =	swait.ge [sflag:s13], $0x3E80  }
0x197: {  	[sflag:s13] =	ssyncset.done $0x0  }
0x198: {  	s7 =	simm.s32 $0xC000;
	[sflag:s13] =	ssyncadd.s32 $0xFFFFC180  }
0x199: {  	[spmem:s6] =	stream.indirect.scatter.add.bf16 [tilespmem:s30], [sflag:$0x4], $0x40, s7, s3, $0xb8;
	[tilespmem:$0x18380] =	vst v63  }
0x19a: {  	_ =	swait.ge [sflag:s31], $0x3E80  }
0x19b: {  	[sflag:s31] =	ssyncset.done $0x0  }
0x19c: {  	s12 =	simm.s32 $0xAF00;
	[sflag:s31] =	ssyncadd.s32 $0xFFFFC180  }
0x19d: {  	[tilespmem:s30], [sflag:$0x1] =	stream.indirect.gather [hbm4b:s9+s3], $0x40, s12, s3, $0xb8;
	[tilespmem:$0x18380] =	vst v63  }
0x19e: {  	_ =	swait.ge [sflag:s15], $0x3E80  }
0x19f: {  	[sflag:s15] =	ssyncset.done $0x0  }
0x1a0: {  	s14 =	simm.s32 $0xC100;
	[sflag:s15] =	ssyncadd.s32 $0xFFFFC180  }
0x1a1: {  	[spmem:s6] =	stream.indirect.scatter.add.bf16 [tilespmem:s5], [sflag:$0x4], $0x40, s14, s3, $0xb8;
	[tilespmem:$0x18380] =	vst v63  }
0x1a2: {  	_ =	swait.ge [sflag:s31], $0x3E80  }
0x1a3: {  	[sflag:s31] =	ssyncset.done $0x0  }
0x1a4: {  	s16 =	simm.s32 $0xB000;
	[sflag:s31] =	ssyncadd.s32 $0xFFFFC180  }
0x1a5: {  	[tilespmem:s5], [sflag:$0x2] =	stream.indirect.gather [hbm4b:s9+s3], $0x40, s16, s3, $0xb8;
	[tilespmem:$0x18380] =	vst v63  }
0x1a6: {  	_ =	swait.ge [sflag:s18], $0x3E80  }
0x1a7: {  	[sflag:s18] =	ssyncset.done $0x0  }
0x1a8: {  	s17 =	simm.s32 $0xC200;
	[sflag:s18] =	ssyncadd.s32 $0xFFFFC180  }
0x1a9: {  	[spmem:s6] =	stream.indirect.scatter.add.bf16 [tilespmem:s8], [sflag:$0x4], $0x40, s17, s3, $0xb8;
	[tilespmem:$0x18380] =	vst v63  }
0x1aa: {  	_ =	swait.ge [sflag:s31], $0x3E80  }
0x1ab: {  	[sflag:s31] =	ssyncset.done $0x0  }
0x1ac: {  	s19 =	simm.s32 $0xB100;
	[sflag:s31] =	ssyncadd.s32 $0xFFFFC180  }
0x1ad: {  	[tilespmem:s8], [sflag:$0x3] =	stream.indirect.gather [hbm4b:s9+s3], $0x40, s19, s3, $0xb8;
	[tilespmem:$0x18380] =	vst v63  }
0x1ae: {  	_ =	swait.ge [sflag:s13], $0x3E80  }
0x1af: {  	[sflag:s13] =	ssyncset.done $0x0  }
0x1b0: {  	s20 =	simm.s32 $0xC300;
	[sflag:s13] =	ssyncadd.s32 $0xFFFFC180  }
0x1b1: {  	[spmem:s6] =	stream.indirect.scatter.add.bf16 [tilespmem:s30], [sflag:$0x4], $0x40, s20, s3, $0xb8;
	[tilespmem:$0x18380] =	vst v63  }
0x1b2: {  	_ =	swait.ge [sflag:s31], $0x3E80  }
0x1b3: {  	[sflag:s31] =	ssyncset.done $0x0  }
0x1b4: {  	s21 =	simm.s32 $0xB200;
	[sflag:s31] =	ssyncadd.s32 $0xFFFFC180  }
0x1b5: {  	[tilespmem:s30], [sflag:$0x1] =	stream.indirect.gather [hbm4b:s9+s3], $0x40, s21, s3, $0xb8;
	[tilespmem:$0x18380] =	vst v63  }
0x1b6: {  	_ =	swait.ge [sflag:s15], $0x3E80  }
0x1b7: {  	[sflag:s15] =	ssyncset.done $0x0  }
0x1b8: {  	s22 =	simm.s32 $0xC400;
	[sflag:s15] =	ssyncadd.s32 $0xFFFFC180  }
0x1b9: {  	[spmem:s6] =	stream.indirect.scatter.add.bf16 [tilespmem:s5], [sflag:$0x4], $0x40, s22, s3, $0xb8;
	[tilespmem:$0x18380] =	vst v63  }
0x1ba: {  	_ =	swait.ge [sflag:s31], $0x3E80  }
0x1bb: {  	[sflag:s31] =	ssyncset.done $0x0  }
0x1bc: {  	s24 =	simm.s32 $0xB300;
	[sflag:s31] =	ssyncadd.s32 $0xFFFFC180  }
0x1bd: {  	[tilespmem:s5], [sflag:$0x2] =	stream.indirect.gather [hbm4b:s9+s3], $0x40, s24, s3, $0xb8;
	[tilespmem:$0x18380] =	vst v63  }
0x1be: {  	_ =	swait.ge [sflag:s18], $0x3E80  }
0x1bf: {  	[sflag:s18] =	ssyncset.done $0x0  }
0x1c0: {  	s25 =	simm.s32 $0xC500;
	[sflag:s18] =	ssyncadd.s32 $0xFFFFC180  }
0x1c1: {  	[spmem:s6] =	stream.indirect.scatter.add.bf16 [tilespmem:s8], [sflag:$0x4], $0x40, s25, s3, $0xb8;
	[tilespmem:$0x18380] =	vst v63  }
0x1c2: {  	_ =	swait.ge [sflag:s31], $0x3E80  }
0x1c3: {  	[sflag:s31] =	ssyncset.done $0x0  }
0x1c4: {  	[sflag:s31] =	ssyncadd.s32 $0xFFFFC180  }
0x1c5: {  	_ =	swait.ge [sflag:s13], $0x3E80  }
0x1c6: {  	[sflag:s13] =	ssyncset.done $0x0  }
0x1c7: {  	s26 =	simm.s32 $0xC600;
	[sflag:s13] =	ssyncadd.s32 $0xFFFFC180  }
0x1c8: {  	[spmem:s6] =	stream.indirect.scatter.add.bf16 [tilespmem:s30], [sflag:$0x4], $0x40, s26, s3, $0xb8;
	[tilespmem:$0x18380] =	vst v63  }
0x1c9: {  	_ =	swait.ge [sflag:s31], $0x3E80  }
0x1ca: {  	[sflag:s31] =	ssyncset.done $0x0  }
0x1cb: {  	[sflag:s31] =	ssyncadd.s32 $0xFFFFC180  }
0x1cc: {  	_ =	swait.ge [sflag:s15], $0x3E80  }
0x1cd: {  	[sflag:s15] =	ssyncset.done $0x0  }
0x1ce: {  	s28 =	simm.s32 $0xC700;
	[sflag:s15] =	ssyncadd.s32 $0xFFFFC180  }
0x1cf: {  	[spmem:s6] =	stream.indirect.scatter.add.bf16 [tilespmem:s5], [sflag:$0x4], $0x40, s28, s3, $0xb8;
	[tilespmem:$0x18380] =	vst v63  }
0x1d0: {  	_ =	swait.ge [sflag:s31], $0x3E80  }
0x1d1: {  	[sflag:s31] =	ssyncset.done $0x0  }
0x1d2: {  	[sflag:s31] =	ssyncadd.s32 $0xFFFFC180  }
0x1d3: {  	[bflag:$0x0] =	sbarrier.arrive $0xFFFF  }
0x1d4: {  	s29 =	sld [smem:$0x7ED];
	_ =	sdelay $0x2  }
0x1d5: {  	[tilespmem:s30], [sflag:$0x4] =	stream.linear.gather [spmem:s29], $0x1400, $0x38;
	[tilespmem:$0x18380] =	vst v63  }
0x1d6: {  	_ =	swait.ge [sflag:s31], $0x1400  }
0x1d7: {  	[sflag:s31] =	ssyncset.done $0x0;
	s0 =	rddreg [dreg:$0x12]  }
0x1d8: {  	s1 =	sld [smem:$0x7F2];
	[sflag:s31] =	ssyncadd.s32 $0xFFFFEC00  }
0x1d9: {  	[hbm4b:s0+s23] =	stream.linear.scatter [tilespmem:s30], [sflag:$0x1], $0x1400, $0x38;
	[tilespmem:$0x18380] =	vst v63  }
0x1da: {  	_ = 	snop  }
0x1db: {  	[tilespmem:s5], [sflag:$0x4] =	stream.linear.gather [spmem:s1], $0x1400, $0x38;
	[tilespmem:$0x18380] =	vst v63  }
0x1dc: {  	_ =	swait.ge [sflag:s31], $0x1400  }
0x1dd: {  	[sflag:s31] =	ssyncset.done $0x0  }
0x1de: {  	s2 =	rddreg [dreg:$0x13];
	[sflag:s31] =	ssyncadd.s32 $0xFFFFEC00  }
0x1df: {  	[hbm4b:s2+s23] =	stream.linear.scatter [tilespmem:s5], [sflag:$0x2], $0x1400, $0x38;
	[tilespmem:$0x18380] =	vst v63  }
0x1e0: {  	_ =	swait.ge [sflag:s13], $0x1400  }
0x1e1: {  	[sflag:s13] =	ssyncset.done $0x0  }
0x1e2: {  	[sflag:s13] =	ssyncadd.s32 $0xFFFFEC00  }
0x1e3: {  	_ =	swait.ge [sflag:s15], $0x1400  }
0x1e4: {  	s4 =	sld [smem:$0x7F3]  }
0x1e5: {  	[sflag:s15] =	ssyncset.done $0x0  }
0x1e6: {  	[sflag:s15] =	ssyncadd.s32 $0xFFFFEC00  }
0x1e7: {  	[tilespmem:s30], [sflag:$0x4] =	stream.linear.gather [spmem:s4], $0x1400, $0x38;
	[tilespmem:$0x18380] =	vst v63  }
0x1e8: {  	_ =	swait.ge [sflag:s31], $0x1400  }
0x1e9: {  	[sflag:s31] =	ssyncset.done $0x0;
	s7 =	rddreg [dreg:$0x14]  }
0x1ea: {  	s12 =	sld [smem:$0x7F4];
	[sflag:s31] =	ssyncadd.s32 $0xFFFFEC00  }
0x1eb: {  	[hbm4b:s7+s23] =	stream.linear.scatter [tilespmem:s30], [sflag:$0x1], $0x1400, $0x38;
	[tilespmem:$0x18380] =	vst v63  }
0x1ec: {  	_ = 	snop  }
0x1ed: {  	[tilespmem:s5], [sflag:$0x4] =	stream.linear.gather [spmem:s12], $0x1400, $0x38;
	[tilespmem:$0x18380] =	vst v63  }
0x1ee: {  	_ =	swait.ge [sflag:s31], $0x1400  }
0x1ef: {  	[sflag:s31] =	ssyncset.done $0x0  }
0x1f0: {  	s14 =	rddreg [dreg:$0x15];
	[sflag:s31] =	ssyncadd.s32 $0xFFFFEC00  }
0x1f1: {  	[hbm4b:s14+s23] =	stream.linear.scatter [tilespmem:s5], [sflag:$0x2], $0x1400, $0x38;
	[tilespmem:$0x18380] =	vst v63  }
0x1f2: {  	_ =	swait.ge [sflag:s13], $0x1400  }
0x1f3: {  	[sflag:s13] =	ssyncset.done $0x0  }
0x1f4: {  	[sflag:s13] =	ssyncadd.s32 $0xFFFFEC00  }
0x1f5: {  	_ =	swait.ge [sflag:s15], $0x1400  }
0x1f6: {  	s16 =	sld [smem:$0x7F5]  }
0x1f7: {  	[sflag:s15] =	ssyncset.done $0x0  }
0x1f8: {  	[sflag:s15] =	ssyncadd.s32 $0xFFFFEC00  }
0x1f9: {  	[tilespmem:s30], [sflag:$0x4] =	stream.linear.gather [spmem:s16], $0x1400, $0x38;
	[tilespmem:$0x18380] =	vst v63  }
0x1fa: {  	_ =	swait.ge [sflag:s31], $0x1400  }
0x1fb: {  	[sflag:s31] =	ssyncset.done $0x0;
	s17 =	rddreg [dreg:$0x16]  }
0x1fc: {  	s19 =	sld [smem:$0x7F6];
	[sflag:s31] =	ssyncadd.s32 $0xFFFFEC00  }
0x1fd: {  	[hbm4b:s17+s23] =	stream.linear.scatter [tilespmem:s30], [sflag:$0x1], $0x1400, $0x38;
	[tilespmem:$0x18380] =	vst v63  }
0x1fe: {  	_ = 	snop  }
0x1ff: {  	[tilespmem:s5], [sflag:$0x4] =	stream.linear.gather [spmem:s19], $0x1400, $0x38;
	[tilespmem:$0x18380] =	vst v63  }
0x200: {  	_ =	swait.ge [sflag:s31], $0x1400  }
0x201: {  	[sflag:s31] =	ssyncset.done $0x0  }
0x202: {  	s20 =	rddreg [dreg:$0x17];
	[sflag:s31] =	ssyncadd.s32 $0xFFFFEC00  }
0x203: {  	[hbm4b:s20+s23] =	stream.linear.scatter [tilespmem:s5], [sflag:$0x2], $0x1400, $0x38;
	[tilespmem:$0x18380] =	vst v63  }
0x204: {  	_ =	swait.ge [sflag:s13], $0x1400  }
0x205: {  	[sflag:s13] =	ssyncset.done $0x0  }
0x206: {  	[sflag:s13] =	ssyncadd.s32 $0xFFFFEC00  }
0x207: {  	_ =	swait.ge [sflag:s15], $0x1400  }
0x208: {  	s21 =	sld [smem:$0x7F7]  }
0x209: {  	[sflag:s15] =	ssyncset.done $0x0  }
0x20a: {  	[sflag:s15] =	ssyncadd.s32 $0xFFFFEC00  }
0x20b: {  	[tilespmem:s30], [sflag:$0x4] =	stream.linear.gather [spmem:s21], $0x1400, $0x38;
	[tilespmem:$0x18380] =	vst v63  }
0x20c: {  	_ =	swait.ge [sflag:s31], $0x1400  }
0x20d: {  	[sflag:s31] =	ssyncset.done $0x0;
	s22 =	rddreg [dreg:$0x18]  }
0x20e: {  	s25 =	sld [smem:$0x7F8];
	[sflag:s31] =	ssyncadd.s32 $0xFFFFEC00  }
0x20f: {  	[hbm4b:s22+s23] =	stream.linear.scatter [tilespmem:s30], [sflag:$0x1], $0x1400, $0x38;
	[tilespmem:$0x18380] =	vst v63  }
0x210: {  	_ = 	snop  }
0x211: {  	[tilespmem:s5], [sflag:$0x4] =	stream.linear.gather [spmem:s25], $0x1400, $0x38;
	[tilespmem:$0x18380] =	vst v63  }
0x212: {  	_ =	swait.ge [sflag:s31], $0x1400  }
0x213: {  	[sflag:s31] =	ssyncset.done $0x0  }
0x214: {  	s26 =	rddreg [dreg:$0x19];
	[sflag:s31] =	ssyncadd.s32 $0xFFFFEC00  }
0x215: {  	[hbm4b:s26+s23] =	stream.linear.scatter [tilespmem:s5], [sflag:$0x2], $0x1400, $0x38;
	[tilespmem:$0x18380] =	vst v63  }
0x216: {  	_ =	swait.ge [sflag:s13], $0x1400  }
0x217: {  	[sflag:s13] =	ssyncset.done $0x0  }
0x218: {  	[sflag:s13] =	ssyncadd.s32 $0xFFFFEC00  }
0x219: {  	s28 =	sand.u32 $0x7F00, s23;
	s29 =	sand.u32 $0x60, s23;
	_ =	swait.ge [sflag:s15], $0x1400  }
0x21a: {  	s24 =	sshrl.u32 s28, $0x2;
	s25 =	sshrl.u32 s29, $0x1;
	[sflag:s15] =	ssyncset.done $0x0  }
0x21b: {  	s24 =	sor.u32 s25, s24;
	[sflag:s15] =	ssyncadd.s32 $0xFFFFEC00  }
0x21c: {  	[tilespmem:s24+$0xC800] =	vst v0;
	s24 =	simm.s32 $0x40  }
.LBB2_4:
0x21d: {  	p0 =	sne.s32 s24, $0x4FC0  }
.Ltmp1:
0x21e: {  	s25 =	sand.u32 $0x7F00, s24;
	s23 =	sadd.s32 $0x20, s23;
	(pc) =	sbr.rel @p0 .LBB2_4-.Ltmp1, $4  }
0x21f: {  	s24 =	sadd.s32 $0x40, s24;
	s26 =	sand.u32 $0x60, s23  }
0x220: {  	s25 =	sshrl.u32 s25, $0x2;
	s26 =	sshrl.u32 s26, $0x1  }
0x221: {  	s25 =	sor.u32 s26, s25  }
0x222: {  	[tilespmem:s25+$0xC800] =	vst v0  }
0x223: {  	s4 =	sld [smem:$0x7FC];
	_ =	sdelay $0x2  }
0x224: {  	[spmem:s4] =	stream.linear.scatter [tilespmem:s30], [sflag:$0x4], $0x1400, $0x38;
	[tilespmem:$0x18380] =	vst v63  }
0x225: {  	_ =	swait.ge [sflag:s31], $0x1400  }
0x226: {  	s23 =	sld [smem:$0x7F9]  }
0x227: {  	[sflag:s31] =	ssyncset.done $0x0  }
0x228: {  	[sflag:s31] =	ssyncadd.s32 $0xFFFFEC00  }
0x229: {  	[spmem:s23] =	stream.linear.scatter [tilespmem:s30], [sflag:$0x4], $0x1400, $0x38;
	[tilespmem:$0x18380] =	vst v63  }
0x22a: {  	_ =	swait.ge [sflag:s31], $0x1400  }
0x22b: {  	s7 =	sld [smem:$0x7EF]  }
0x22c: {  	[sflag:s31] =	ssyncset.done $0x0  }
0x22d: {  	[sflag:s31] =	ssyncadd.s32 $0xFFFFEC00  }
0x22e: {  	[spmem:s7] =	stream.linear.scatter [tilespmem:s30], [sflag:$0x4], $0x1400, $0x38;
	[tilespmem:$0x18380] =	vst v63  }
0x22f: {  	_ =	swait.ge [sflag:s31], $0x1400  }
0x230: {  	s12 =	sld [smem:$0x7FA]  }
0x231: {  	[sflag:s31] =	ssyncset.done $0x0  }
0x232: {  	[sflag:s31] =	ssyncadd.s32 $0xFFFFEC00  }
0x233: {  	[spmem:s12] =	stream.linear.scatter [tilespmem:s30], [sflag:$0x4], $0x1400, $0x38;
	[tilespmem:$0x18380] =	vst v63  }
0x234: {  	_ =	swait.ge [sflag:s31], $0x1400  }
0x235: {  	s14 =	sld [smem:$0x7F0]  }
0x236: {  	[sflag:s31] =	ssyncset.done $0x0  }
0x237: {  	[sflag:s31] =	ssyncadd.s32 $0xFFFFEC00  }
0x238: {  	[spmem:s14] =	stream.linear.scatter [tilespmem:s30], [sflag:$0x4], $0x1400, $0x38;
	[tilespmem:$0x18380] =	vst v63  }
0x239: {  	_ =	swait.ge [sflag:s31], $0x1400  }
0x23a: {  	s16 =	sld [smem:$0x7FB]  }
0x23b: {  	[sflag:s31] =	ssyncset.done $0x0  }
0x23c: {  	[sflag:s31] =	ssyncadd.s32 $0xFFFFEC00  }
0x23d: {  	[spmem:s16] =	stream.linear.scatter [tilespmem:s30], [sflag:$0x4], $0x1400, $0x38;
	[tilespmem:$0x18380] =	vst v63  }
0x23e: {  	_ =	swait.ge [sflag:s31], $0x1400  }
0x23f: {  	s17 =	sld [smem:$0x7F1]  }
0x240: {  	[sflag:s31] =	ssyncset.done $0x0  }
0x241: {  	[sflag:s31] =	ssyncadd.s32 $0xFFFFEC00  }
0x242: {  	[spmem:s17] =	stream.linear.scatter [tilespmem:s30], [sflag:$0x4], $0x1400, $0x38;
	[tilespmem:$0x18380] =	vst v63  }
0x243: {  	_ =	swait.ge [sflag:s31], $0x1400  }
0x244: {  	s19 =	sld [smem:$0x7FD]  }
0x245: {  	[sflag:s31] =	ssyncset.done $0x0  }
0x246: {  	[sflag:s31] =	ssyncadd.s32 $0xFFFFEC00  }
0x247: {  	[spmem:s19] =	stream.linear.scatter [tilespmem:s30], [sflag:$0x4], $0x1400, $0x38;
	[tilespmem:$0x18380] =	vst v63  }
0x248: {  	_ =	swait.ge [sflag:s31], $0x1400  }
0x249: {  	[sflag:s31] =	ssyncset.done $0x0  }
0x24a: {  	[sflag:s31] =	ssyncadd.s32 $0xFFFFEC00  }
0x24b: {  	[bflag:$0x0] =	sbarrier.arrive $0xFFFF  }
0x24c: {  	s2 =	simm.s32 $0xA000;
	s23 =	simm.s32 $0x0;
	s24 =	rddreg [dreg:$0xa]  }
0x24d: {  	[tilespmem:s2], [sflag:$0x4] =	stream.linear.gather [hbm4b:s24+s23], $0x1400, $0x38;
	[tilespmem:$0x18380] =	vst v63  }
0x24e: {  	_ =	swait.ge [sflag:s31], $0x1400  }
0x24f: {  	[sflag:s31] =	ssyncset.done $0x0  }
0x250: {  	s1 =	simm.s32 $0xB400;
	s20 =	rddreg [dreg:$0xb];
	[sflag:s31] =	ssyncadd.s32 $0xFFFFEC00  }
0x251: {  	[tilespmem:s1], [sflag:$0x4] =	stream.linear.gather [hbm4b:s20+s23], $0x1400, $0x38;
	[tilespmem:$0x18380] =	vst v63  }
0x252: {  	_ =	swait.ge [sflag:s31], $0x1400  }
0x253: {  	[sflag:s31] =	ssyncset.done $0x0  }
0x254: {  	[sflag:s31] =	ssyncadd.s32 $0xFFFFEC00  }
0x255: {  	[tilespmem:s30], [sflag:$0x1] =	stream.indirect.gather [hbm4b:s10+s3], $0x40, s2, s3, $0xb8;
	[tilespmem:$0x18380] =	vst v63  }
0x256: {  	s25 =	simm.s32 $0xA100  }
0x257: {  	[tilespmem:s5], [sflag:$0x2] =	stream.indirect.gather [hbm4b:s10+s3], $0x40, s25, s3, $0xb8;
	[tilespmem:$0x18380] =	vst v63  }
0x258: {  	s26 =	simm.s32 $0xA200  }
0x259: {  	[tilespmem:s8], [sflag:$0x3] =	stream.indirect.gather [hbm4b:s10+s3], $0x40, s26, s3, $0xb8;
	[tilespmem:$0x18380] =	vst v63  }
0x25a: {  	_ =	swait.ge [sflag:s13], $0x3E80  }
0x25b: {  	[sflag:s13] =	ssyncset.done $0x0  }
0x25c: {  	[sflag:s13] =	ssyncadd.s32 $0xFFFFC180  }
0x25d: {  	[spmem:s6] =	stream.indirect.scatter.add.bf16 [tilespmem:s30], [sflag:$0x4], $0x40, s1, s3, $0xb8;
	[tilespmem:$0x18380] =	vst v63  }
0x25e: {  	_ =	swait.ge [sflag:s31], $0x3E80  }
0x25f: {  	[sflag:s31] =	ssyncset.done $0x0  }
0x260: {  	s4 =	simm.s32 $0xA300;
	[sflag:s31] =	ssyncadd.s32 $0xFFFFC180  }
0x261: {  	[tilespmem:s30], [sflag:$0x1] =	stream.indirect.gather [hbm4b:s10+s3], $0x40, s4, s3, $0xb8;
	[tilespmem:$0x18380] =	vst v63  }
0x262: {  	_ =	swait.ge [sflag:s15], $0x3E80  }
0x263: {  	[sflag:s15] =	ssyncset.done $0x0  }
0x264: {  	s28 =	simm.s32 $0xB500;
	[sflag:s15] =	ssyncadd.s32 $0xFFFFC180  }
0x265: {  	[spmem:s6] =	stream.indirect.scatter.add.bf16 [tilespmem:s5], [sflag:$0x4], $0x40, s28, s3, $0xb8;
	[tilespmem:$0x18380] =	vst v63  }
0x266: {  	_ =	swait.ge [sflag:s31], $0x3E80  }
0x267: {  	[sflag:s31] =	ssyncset.done $0x0  }
0x268: {  	s29 =	simm.s32 $0xA400;
	[sflag:s31] =	ssyncadd.s32 $0xFFFFC180  }
0x269: {  	[tilespmem:s5], [sflag:$0x2] =	stream.indirect.gather [hbm4b:s10+s3], $0x40, s29, s3, $0xb8;
	[tilespmem:$0x18380] =	vst v63  }
0x26a: {  	_ =	swait.ge [sflag:s18], $0x3E80  }
0x26b: {  	[sflag:s18] =	ssyncset.done $0x0  }
0x26c: {  	s7 =	simm.s32 $0xB600;
	[sflag:s18] =	ssyncadd.s32 $0xFFFFC180  }
0x26d: {  	[spmem:s6] =	stream.indirect.scatter.add.bf16 [tilespmem:s8], [sflag:$0x4], $0x40, s7, s3, $0xb8;
	[tilespmem:$0x18380] =	vst v63  }
0x26e: {  	_ =	swait.ge [sflag:s31], $0x3E80  }
0x26f: {  	[sflag:s31] =	ssyncset.done $0x0  }
0x270: {  	s14 =	simm.s32 $0xA500;
	[sflag:s31] =	ssyncadd.s32 $0xFFFFC180  }
0x271: {  	[tilespmem:s8], [sflag:$0x3] =	stream.indirect.gather [hbm4b:s10+s3], $0x40, s14, s3, $0xb8;
	[tilespmem:$0x18380] =	vst v63  }
0x272: {  	_ =	swait.ge [sflag:s13], $0x3E80  }
0x273: {  	[sflag:s13] =	ssyncset.done $0x0  }
0x274: {  	s12 =	simm.s32 $0xB700;
	[sflag:s13] =	ssyncadd.s32 $0xFFFFC180  }
0x275: {  	[spmem:s6] =	stream.indirect.scatter.add.bf16 [tilespmem:s30], [sflag:$0x4], $0x40, s12, s3, $0xb8;
	[tilespmem:$0x18380] =	vst v63  }
0x276: {  	_ =	swait.ge [sflag:s31], $0x3E80  }
0x277: {  	[sflag:s31] =	ssyncset.done $0x0  }
0x278: {  	s16 =	simm.s32 $0xA600;
	[sflag:s31] =	ssyncadd.s32 $0xFFFFC180  }
0x279: {  	[tilespmem:s30], [sflag:$0x1] =	stream.indirect.gather [hbm4b:s10+s3], $0x40, s16, s3, $0xb8;
	[tilespmem:$0x18380] =	vst v63  }
0x27a: {  	_ =	swait.ge [sflag:s15], $0x3E80  }
0x27b: {  	[sflag:s15] =	ssyncset.done $0x0  }
0x27c: {  	s17 =	simm.s32 $0xB800;
	[sflag:s15] =	ssyncadd.s32 $0xFFFFC180  }
0x27d: {  	[spmem:s6] =	stream.indirect.scatter.add.bf16 [tilespmem:s5], [sflag:$0x4], $0x40, s17, s3, $0xb8;
	[tilespmem:$0x18380] =	vst v63  }
0x27e: {  	_ =	swait.ge [sflag:s31], $0x3E80  }
0x27f: {  	[sflag:s31] =	ssyncset.done $0x0  }
0x280: {  	s19 =	simm.s32 $0xA700;
	[sflag:s31] =	ssyncadd.s32 $0xFFFFC180  }
0x281: {  	[tilespmem:s5], [sflag:$0x2] =	stream.indirect.gather [hbm4b:s10+s3], $0x40, s19, s3, $0xb8;
	[tilespmem:$0x18380] =	vst v63  }
0x282: {  	_ =	swait.ge [sflag:s18], $0x3E80  }
0x283: {  	[sflag:s18] =	ssyncset.done $0x0  }
0x284: {  	s20 =	simm.s32 $0xB900;
	[sflag:s18] =	ssyncadd.s32 $0xFFFFC180  }
0x285: {  	[spmem:s6] =	stream.indirect.scatter.add.bf16 [tilespmem:s8], [sflag:$0x4], $0x40, s20, s3, $0xb8;
	[tilespmem:$0x18380] =	vst v63  }
0x286: {  	_ =	swait.ge [sflag:s31], $0x3E80  }
0x287: {  	[sflag:s31] =	ssyncset.done $0x0  }
0x288: {  	s21 =	simm.s32 $0xA800;
	[sflag:s31] =	ssyncadd.s32 $0xFFFFC180  }
0x289: {  	[tilespmem:s8], [sflag:$0x3] =	stream.indirect.gather [hbm4b:s10+s3], $0x40, s21, s3, $0xb8;
	[tilespmem:$0x18380] =	vst v63  }
0x28a: {  	_ =	swait.ge [sflag:s13], $0x3E80  }
0x28b: {  	[sflag:s13] =	ssyncset.done $0x0  }
0x28c: {  	s0 =	simm.s32 $0xBA00;
	[sflag:s13] =	ssyncadd.s32 $0xFFFFC180  }
0x28d: {  	[spmem:s6] =	stream.indirect.scatter.add.bf16 [tilespmem:s30], [sflag:$0x4], $0x40, s0, s3, $0xb8;
	[tilespmem:$0x18380] =	vst v63  }
0x28e: {  	_ =	swait.ge [sflag:s31], $0x3E80  }
0x28f: {  	[sflag:s31] =	ssyncset.done $0x0  }
0x290: {  	s22 =	simm.s32 $0xA900;
	[sflag:s31] =	ssyncadd.s32 $0xFFFFC180  }
0x291: {  	[tilespmem:s30], [sflag:$0x1] =	stream.indirect.gather [hbm4b:s10+s3], $0x40, s22, s3, $0xb8;
	[tilespmem:$0x18380] =	vst v63  }
0x292: {  	_ =	swait.ge [sflag:s15], $0x3E80  }
0x293: {  	[sflag:s15] =	ssyncset.done $0x0  }
0x294: {  	s24 =	simm.s32 $0xBB00;
	[sflag:s15] =	ssyncadd.s32 $0xFFFFC180  }
0x295: {  	[spmem:s6] =	stream.indirect.scatter.add.bf16 [tilespmem:s5], [sflag:$0x4], $0x40, s24, s3, $0xb8;
	[tilespmem:$0x18380] =	vst v63  }
0x296: {  	_ =	swait.ge [sflag:s31], $0x3E80  }
0x297: {  	[sflag:s31] =	ssyncset.done $0x0  }
0x298: {  	s24 =	simm.s32 $0xAA00;
	[sflag:s31] =	ssyncadd.s32 $0xFFFFC180  }
0x299: {  	[tilespmem:s5], [sflag:$0x2] =	stream.indirect.gather [hbm4b:s10+s3], $0x40, s24, s3, $0xb8;
	[tilespmem:$0x18380] =	vst v63  }
0x29a: {  	_ =	swait.ge [sflag:s18], $0x3E80  }
0x29b: {  	[sflag:s18] =	ssyncset.done $0x0  }
0x29c: {  	s24 =	simm.s32 $0xBC00;
	[sflag:s18] =	ssyncadd.s32 $0xFFFFC180  }
0x29d: {  	[spmem:s6] =	stream.indirect.scatter.add.bf16 [tilespmem:s8], [sflag:$0x4], $0x40, s24, s3, $0xb8;
	[tilespmem:$0x18380] =	vst v63  }
0x29e: {  	_ =	swait.ge [sflag:s31], $0x3E80  }
0x29f: {  	[sflag:s31] =	ssyncset.done $0x0  }
0x2a0: {  	s24 =	simm.s32 $0xAB00;
	[sflag:s31] =	ssyncadd.s32 $0xFFFFC180  }
0x2a1: {  	[tilespmem:s8], [sflag:$0x3] =	stream.indirect.gather [hbm4b:s10+s3], $0x40, s24, s3, $0xb8;
	[tilespmem:$0x18380] =	vst v63  }
0x2a2: {  	_ =	swait.ge [sflag:s13], $0x3E80  }
0x2a3: {  	[sflag:s13] =	ssyncset.done $0x0  }
0x2a4: {  	s24 =	simm.s32 $0xBD00;
	[sflag:s13] =	ssyncadd.s32 $0xFFFFC180  }
0x2a5: {  	[spmem:s6] =	stream.indirect.scatter.add.bf16 [tilespmem:s30], [sflag:$0x4], $0x40, s24, s3, $0xb8;
	[tilespmem:$0x18380] =	vst v63  }
0x2a6: {  	_ =	swait.ge [sflag:s31], $0x3E80  }
0x2a7: {  	[sflag:s31] =	ssyncset.done $0x0  }
0x2a8: {  	s24 =	simm.s32 $0xAC00;
	[sflag:s31] =	ssyncadd.s32 $0xFFFFC180  }
0x2a9: {  	[tilespmem:s30], [sflag:$0x1] =	stream.indirect.gather [hbm4b:s10+s3], $0x40, s24, s3, $0xb8;
	[tilespmem:$0x18380] =	vst v63  }
0x2aa: {  	_ =	swait.ge [sflag:s15], $0x3E80  }
0x2ab: {  	[sflag:s15] =	ssyncset.done $0x0  }
0x2ac: {  	s24 =	simm.s32 $0xBE00;
	[sflag:s15] =	ssyncadd.s32 $0xFFFFC180  }
0x2ad: {  	[spmem:s6] =	stream.indirect.scatter.add.bf16 [tilespmem:s5], [sflag:$0x4], $0x40, s24, s3, $0xb8;
	[tilespmem:$0x18380] =	vst v63  }
0x2ae: {  	_ =	swait.ge [sflag:s31], $0x3E80  }
0x2af: {  	[sflag:s31] =	ssyncset.done $0x0  }
0x2b0: {  	s24 =	simm.s32 $0xAD00;
	[sflag:s31] =	ssyncadd.s32 $0xFFFFC180  }
0x2b1: {  	[tilespmem:s5], [sflag:$0x2] =	stream.indirect.gather [hbm4b:s10+s3], $0x40, s24, s3, $0xb8;
	[tilespmem:$0x18380] =	vst v63  }
0x2b2: {  	_ =	swait.ge [sflag:s18], $0x3E80  }
0x2b3: {  	[sflag:s18] =	ssyncset.done $0x0  }
0x2b4: {  	s24 =	simm.s32 $0xBF00;
	[sflag:s18] =	ssyncadd.s32 $0xFFFFC180  }
0x2b5: {  	[spmem:s6] =	stream.indirect.scatter.add.bf16 [tilespmem:s8], [sflag:$0x4], $0x40, s24, s3, $0xb8;
	[tilespmem:$0x18380] =	vst v63  }
0x2b6: {  	_ =	swait.ge [sflag:s31], $0x3E80  }
0x2b7: {  	[sflag:s31] =	ssyncset.done $0x0  }
0x2b8: {  	s24 =	simm.s32 $0xAE00;
	[sflag:s31] =	ssyncadd.s32 $0xFFFFC180  }
0x2b9: {  	[tilespmem:s8], [sflag:$0x3] =	stream.indirect.gather [hbm4b:s10+s3], $0x40, s24, s3, $0xb8;
	[tilespmem:$0x18380] =	vst v63  }
0x2ba: {  	_ =	swait.ge [sflag:s13], $0x3E80  }
0x2bb: {  	[sflag:s13] =	ssyncset.done $0x0  }
0x2bc: {  	s24 =	simm.s32 $0xC000;
	[sflag:s13] =	ssyncadd.s32 $0xFFFFC180  }
0x2bd: {  	[spmem:s6] =	stream.indirect.scatter.add.bf16 [tilespmem:s30], [sflag:$0x4], $0x40, s24, s3, $0xb8;
	[tilespmem:$0x18380] =	vst v63  }
0x2be: {  	_ =	swait.ge [sflag:s31], $0x3E80  }
0x2bf: {  	[sflag:s31] =	ssyncset.done $0x0  }
0x2c0: {  	s24 =	simm.s32 $0xAF00;
	[sflag:s31] =	ssyncadd.s32 $0xFFFFC180  }
0x2c1: {  	[tilespmem:s30], [sflag:$0x1] =	stream.indirect.gather [hbm4b:s10+s3], $0x40, s24, s3, $0xb8;
	[tilespmem:$0x18380] =	vst v63  }
0x2c2: {  	_ =	swait.ge [sflag:s15], $0x3E80  }
0x2c3: {  	[sflag:s15] =	ssyncset.done $0x0  }
0x2c4: {  	s24 =	simm.s32 $0xC100;
	[sflag:s15] =	ssyncadd.s32 $0xFFFFC180  }
0x2c5: {  	[spmem:s6] =	stream.indirect.scatter.add.bf16 [tilespmem:s5], [sflag:$0x4], $0x40, s24, s3, $0xb8;
	[tilespmem:$0x18380] =	vst v63  }
0x2c6: {  	_ =	swait.ge [sflag:s31], $0x3E80  }
0x2c7: {  	[sflag:s31] =	ssyncset.done $0x0  }
0x2c8: {  	s24 =	simm.s32 $0xB000;
	[sflag:s31] =	ssyncadd.s32 $0xFFFFC180  }
0x2c9: {  	[tilespmem:s5], [sflag:$0x2] =	stream.indirect.gather [hbm4b:s10+s3], $0x40, s24, s3, $0xb8;
	[tilespmem:$0x18380] =	vst v63  }
0x2ca: {  	_ =	swait.ge [sflag:s18], $0x3E80  }
0x2cb: {  	[sflag:s18] =	ssyncset.done $0x0  }
0x2cc: {  	s24 =	simm.s32 $0xC200;
	[sflag:s18] =	ssyncadd.s32 $0xFFFFC180  }
0x2cd: {  	[spmem:s6] =	stream.indirect.scatter.add.bf16 [tilespmem:s8], [sflag:$0x4], $0x40, s24, s3, $0xb8;
	[tilespmem:$0x18380] =	vst v63  }
0x2ce: {  	_ =	swait.ge [sflag:s31], $0x3E80  }
0x2cf: {  	[sflag:s31] =	ssyncset.done $0x0  }
0x2d0: {  	s24 =	simm.s32 $0xB100;
	[sflag:s31] =	ssyncadd.s32 $0xFFFFC180  }
0x2d1: {  	[tilespmem:s8], [sflag:$0x3] =	stream.indirect.gather [hbm4b:s10+s3], $0x40, s24, s3, $0xb8;
	[tilespmem:$0x18380] =	vst v63  }
0x2d2: {  	_ =	swait.ge [sflag:s13], $0x3E80  }
0x2d3: {  	[sflag:s13] =	ssyncset.done $0x0  }
0x2d4: {  	s24 =	simm.s32 $0xC300;
	[sflag:s13] =	ssyncadd.s32 $0xFFFFC180  }
0x2d5: {  	[spmem:s6] =	stream.indirect.scatter.add.bf16 [tilespmem:s30], [sflag:$0x4], $0x40, s24, s3, $0xb8;
	[tilespmem:$0x18380] =	vst v63  }
0x2d6: {  	_ =	swait.ge [sflag:s31], $0x3E80  }
0x2d7: {  	[sflag:s31] =	ssyncset.done $0x0  }
0x2d8: {  	s24 =	simm.s32 $0xB200;
	[sflag:s31] =	ssyncadd.s32 $0xFFFFC180  }
0x2d9: {  	[tilespmem:s30], [sflag:$0x1] =	stream.indirect.gather [hbm4b:s10+s3], $0x40, s24, s3, $0xb8;
	[tilespmem:$0x18380] =	vst v63  }
0x2da: {  	_ =	swait.ge [sflag:s15], $0x3E80  }
0x2db: {  	[sflag:s15] =	ssyncset.done $0x0  }
0x2dc: {  	s24 =	simm.s32 $0xC400;
	[sflag:s15] =	ssyncadd.s32 $0xFFFFC180  }
0x2dd: {  	[spmem:s6] =	stream.indirect.scatter.add.bf16 [tilespmem:s5], [sflag:$0x4], $0x40, s24, s3, $0xb8;
	[tilespmem:$0x18380] =	vst v63  }
0x2de: {  	_ =	swait.ge [sflag:s31], $0x3E80  }
0x2df: {  	[sflag:s31] =	ssyncset.done $0x0  }
0x2e0: {  	s24 =	simm.s32 $0xB300;
	[sflag:s31] =	ssyncadd.s32 $0xFFFFC180  }
0x2e1: {  	[tilespmem:s5], [sflag:$0x2] =	stream.indirect.gather [hbm4b:s10+s3], $0x40, s24, s3, $0xb8;
	[tilespmem:$0x18380] =	vst v63  }
0x2e2: {  	_ =	swait.ge [sflag:s18], $0x3E80  }
0x2e3: {  	[sflag:s18] =	ssyncset.done $0x0  }
0x2e4: {  	s24 =	simm.s32 $0xC500;
	[sflag:s18] =	ssyncadd.s32 $0xFFFFC180  }
0x2e5: {  	[spmem:s6] =	stream.indirect.scatter.add.bf16 [tilespmem:s8], [sflag:$0x4], $0x40, s24, s3, $0xb8;
	[tilespmem:$0x18380] =	vst v63  }
0x2e6: {  	_ =	swait.ge [sflag:s31], $0x3E80  }
0x2e7: {  	[sflag:s31] =	ssyncset.done $0x0  }
0x2e8: {  	[sflag:s31] =	ssyncadd.s32 $0xFFFFC180  }
0x2e9: {  	_ =	swait.ge [sflag:s13], $0x3E80  }
0x2ea: {  	[sflag:s13] =	ssyncset.done $0x0  }
0x2eb: {  	s24 =	simm.s32 $0xC600;
	[sflag:s13] =	ssyncadd.s32 $0xFFFFC180  }
0x2ec: {  	[spmem:s6] =	stream.indirect.scatter.add.bf16 [tilespmem:s30], [sflag:$0x4], $0x40, s24, s3, $0xb8;
	[tilespmem:$0x18380] =	vst v63  }
0x2ed: {  	_ =	swait.ge [sflag:s31], $0x3E80  }
0x2ee: {  	[sflag:s31] =	ssyncset.done $0x0  }
0x2ef: {  	[sflag:s31] =	ssyncadd.s32 $0xFFFFC180  }
0x2f0: {  	_ =	swait.ge [sflag:s15], $0x3E80  }
0x2f1: {  	[sflag:s15] =	ssyncset.done $0x0  }
0x2f2: {  	s24 =	simm.s32 $0xC700;
	[sflag:s15] =	ssyncadd.s32 $0xFFFFC180  }
0x2f3: {  	[spmem:s6] =	stream.indirect.scatter.add.bf16 [tilespmem:s5], [sflag:$0x4], $0x40, s24, s3, $0xb8;
	[tilespmem:$0x18380] =	vst v63  }
0x2f4: {  	_ =	swait.ge [sflag:s31], $0x3E80  }
0x2f5: {  	[sflag:s31] =	ssyncset.done $0x0  }
0x2f6: {  	s24 =	rddreg [dreg:$0xc];
	[sflag:s31] =	ssyncadd.s32 $0xFFFFC180  }
0x2f7: {  	[tilespmem:s2], [sflag:$0x4] =	stream.linear.gather [hbm4b:s24+s23], $0x1400, $0x38;
	[tilespmem:$0x18380] =	vst v63  }
0x2f8: {  	_ =	swait.ge [sflag:s31], $0x1400  }
0x2f9: {  	[sflag:s31] =	ssyncset.done $0x0  }
0x2fa: {  	s24 =	rddreg [dreg:$0xd];
	[sflag:s31] =	ssyncadd.s32 $0xFFFFEC00  }
0x2fb: {  	[tilespmem:s1], [sflag:$0x4] =	stream.linear.gather [hbm4b:s24+s23], $0x1400, $0x38;
	[tilespmem:$0x18380] =	vst v63  }
0x2fc: {  	_ =	swait.ge [sflag:s31], $0x1400  }
0x2fd: {  	[sflag:s31] =	ssyncset.done $0x0  }
0x2fe: {  	[sflag:s31] =	ssyncadd.s32 $0xFFFFEC00  }
0x2ff: {  	[tilespmem:s30], [sflag:$0x1] =	stream.indirect.gather [hbm4b:s10+s3], $0x40, s2, s3, $0xb8;
	[tilespmem:$0x18380] =	vst v63  }
0x300: {  	_ = 	snop  }
0x301: {  	[tilespmem:s5], [sflag:$0x2] =	stream.indirect.gather [hbm4b:s10+s3], $0x40, s25, s3, $0xb8;
	[tilespmem:$0x18380] =	vst v63  }
0x302: {  	_ = 	snop  }
0x303: {  	[tilespmem:s8], [sflag:$0x3] =	stream.indirect.gather [hbm4b:s10+s3], $0x40, s26, s3, $0xb8;
	[tilespmem:$0x18380] =	vst v63  }
0x304: {  	_ =	swait.ge [sflag:s13], $0x3E80  }
0x305: {  	[sflag:s13] =	ssyncset.done $0x0  }
0x306: {  	[sflag:s13] =	ssyncadd.s32 $0xFFFFC180  }
0x307: {  	[spmem:s6] =	stream.indirect.scatter.add.bf16 [tilespmem:s30], [sflag:$0x4], $0x40, s1, s3, $0xb8;
	[tilespmem:$0x18380] =	vst v63  }
0x308: {  	_ =	swait.ge [sflag:s31], $0x3E80  }
0x309: {  	[sflag:s31] =	ssyncset.done $0x0  }
0x30a: {  	[sflag:s31] =	ssyncadd.s32 $0xFFFFC180  }
0x30b: {  	[tilespmem:s30], [sflag:$0x1] =	stream.indirect.gather [hbm4b:s10+s3], $0x40, s4, s3, $0xb8;
	[tilespmem:$0x18380] =	vst v63  }
0x30c: {  	_ =	swait.ge [sflag:s15], $0x3E80  }
0x30d: {  	[sflag:s15] =	ssyncset.done $0x0  }
0x30e: {  	[sflag:s15] =	ssyncadd.s32 $0xFFFFC180  }
0x30f: {  	[spmem:s6] =	stream.indirect.scatter.add.bf16 [tilespmem:s5], [sflag:$0x4], $0x40, s28, s3, $0xb8;
	[tilespmem:$0x18380] =	vst v63  }
0x310: {  	_ =	swait.ge [sflag:s31], $0x3E80  }
0x311: {  	[sflag:s31] =	ssyncset.done $0x0  }
0x312: {  	[sflag:s31] =	ssyncadd.s32 $0xFFFFC180  }
0x313: {  	[tilespmem:s5], [sflag:$0x2] =	stream.indirect.gather [hbm4b:s10+s3], $0x40, s29, s3, $0xb8;
	[tilespmem:$0x18380] =	vst v63  }
0x314: {  	_ =	swait.ge [sflag:s18], $0x3E80  }
0x315: {  	[sflag:s18] =	ssyncset.done $0x0  }
0x316: {  	[sflag:s18] =	ssyncadd.s32 $0xFFFFC180  }
0x317: {  	[spmem:s6] =	stream.indirect.scatter.add.bf16 [tilespmem:s8], [sflag:$0x4], $0x40, s7, s3, $0xb8;
	[tilespmem:$0x18380] =	vst v63  }
0x318: {  	_ =	swait.ge [sflag:s31], $0x3E80  }
0x319: {  	[sflag:s31] =	ssyncset.done $0x0  }
0x31a: {  	[sflag:s31] =	ssyncadd.s32 $0xFFFFC180  }
0x31b: {  	[tilespmem:s8], [sflag:$0x3] =	stream.indirect.gather [hbm4b:s10+s3], $0x40, s14, s3, $0xb8;
	[tilespmem:$0x18380] =	vst v63  }
0x31c: {  	_ =	swait.ge [sflag:s13], $0x3E80  }
0x31d: {  	[sflag:s13] =	ssyncset.done $0x0  }
0x31e: {  	[sflag:s13] =	ssyncadd.s32 $0xFFFFC180  }
0x31f: {  	[spmem:s6] =	stream.indirect.scatter.add.bf16 [tilespmem:s30], [sflag:$0x4], $0x40, s12, s3, $0xb8;
	[tilespmem:$0x18380] =	vst v63  }
0x320: {  	_ =	swait.ge [sflag:s31], $0x3E80  }
0x321: {  	[sflag:s31] =	ssyncset.done $0x0  }
0x322: {  	[sflag:s31] =	ssyncadd.s32 $0xFFFFC180  }
0x323: {  	[tilespmem:s30], [sflag:$0x1] =	stream.indirect.gather [hbm4b:s10+s3], $0x40, s16, s3, $0xb8;
	[tilespmem:$0x18380] =	vst v63  }
0x324: {  	_ =	swait.ge [sflag:s15], $0x3E80  }
0x325: {  	[sflag:s15] =	ssyncset.done $0x0  }
0x326: {  	[sflag:s15] =	ssyncadd.s32 $0xFFFFC180  }
0x327: {  	[spmem:s6] =	stream.indirect.scatter.add.bf16 [tilespmem:s5], [sflag:$0x4], $0x40, s17, s3, $0xb8;
	[tilespmem:$0x18380] =	vst v63  }
0x328: {  	_ =	swait.ge [sflag:s31], $0x3E80  }
0x329: {  	[sflag:s31] =	ssyncset.done $0x0  }
0x32a: {  	[sflag:s31] =	ssyncadd.s32 $0xFFFFC180  }
0x32b: {  	[tilespmem:s5], [sflag:$0x2] =	stream.indirect.gather [hbm4b:s10+s3], $0x40, s19, s3, $0xb8;
	[tilespmem:$0x18380] =	vst v63  }
0x32c: {  	_ =	swait.ge [sflag:s18], $0x3E80  }
0x32d: {  	[sflag:s18] =	ssyncset.done $0x0  }
0x32e: {  	[sflag:s18] =	ssyncadd.s32 $0xFFFFC180  }
0x32f: {  	[spmem:s6] =	stream.indirect.scatter.add.bf16 [tilespmem:s8], [sflag:$0x4], $0x40, s20, s3, $0xb8;
	[tilespmem:$0x18380] =	vst v63  }
0x330: {  	_ =	swait.ge [sflag:s31], $0x3E80  }
0x331: {  	[sflag:s31] =	ssyncset.done $0x0  }
0x332: {  	[sflag:s31] =	ssyncadd.s32 $0xFFFFC180  }
0x333: {  	[tilespmem:s8], [sflag:$0x3] =	stream.indirect.gather [hbm4b:s10+s3], $0x40, s21, s3, $0xb8;
	[tilespmem:$0x18380] =	vst v63  }
0x334: {  	_ =	swait.ge [sflag:s13], $0x3E80  }
0x335: {  	[sflag:s13] =	ssyncset.done $0x0  }
0x336: {  	[sflag:s13] =	ssyncadd.s32 $0xFFFFC180  }
0x337: {  	[spmem:s6] =	stream.indirect.scatter.add.bf16 [tilespmem:s30], [sflag:$0x4], $0x40, s0, s3, $0xb8;
	[tilespmem:$0x18380] =	vst v63  }
0x338: {  	_ =	swait.ge [sflag:s31], $0x3E80  }
0x339: {  	[sflag:s31] =	ssyncset.done $0x0  }
0x33a: {  	[sflag:s31] =	ssyncadd.s32 $0xFFFFC180  }
0x33b: {  	[tilespmem:s30], [sflag:$0x1] =	stream.indirect.gather [hbm4b:s10+s3], $0x40, s22, s3, $0xb8;
	[tilespmem:$0x18380] =	vst v63  }
0x33c: {  	_ =	swait.ge [sflag:s15], $0x3E80  }
0x33d: {  	[sflag:s15] =	ssyncset.done $0x0  }
0x33e: {  	s21 =	simm.s32 $0xBB00;
	[sflag:s15] =	ssyncadd.s32 $0xFFFFC180  }
0x33f: {  	[spmem:s6] =	stream.indirect.scatter.add.bf16 [tilespmem:s5], [sflag:$0x4], $0x40, s21, s3, $0xb8;
	[tilespmem:$0x18380] =	vst v63  }
0x340: {  	_ =	swait.ge [sflag:s31], $0x3E80  }
0x341: {  	[sflag:s31] =	ssyncset.done $0x0  }
0x342: {  	s22 =	simm.s32 $0xAA00;
	[sflag:s31] =	ssyncadd.s32 $0xFFFFC180  }
0x343: {  	[tilespmem:s5], [sflag:$0x2] =	stream.indirect.gather [hbm4b:s10+s3], $0x40, s22, s3, $0xb8;
	[tilespmem:$0x18380] =	vst v63  }
0x344: {  	_ =	swait.ge [sflag:s18], $0x3E80  }
0x345: {  	[sflag:s18] =	ssyncset.done $0x0  }
0x346: {  	s24 =	simm.s32 $0xBC00;
	[sflag:s18] =	ssyncadd.s32 $0xFFFFC180  }
0x347: {  	[spmem:s6] =	stream.indirect.scatter.add.bf16 [tilespmem:s8], [sflag:$0x4], $0x40, s24, s3, $0xb8;
	[tilespmem:$0x18380] =	vst v63  }
0x348: {  	_ =	swait.ge [sflag:s31], $0x3E80  }
0x349: {  	[sflag:s31] =	ssyncset.done $0x0  }
0x34a: {  	s25 =	simm.s32 $0xAB00;
	[sflag:s31] =	ssyncadd.s32 $0xFFFFC180  }
0x34b: {  	[tilespmem:s8], [sflag:$0x3] =	stream.indirect.gather [hbm4b:s10+s3], $0x40, s25, s3, $0xb8;
	[tilespmem:$0x18380] =	vst v63  }
0x34c: {  	_ =	swait.ge [sflag:s13], $0x3E80  }
0x34d: {  	[sflag:s13] =	ssyncset.done $0x0  }
0x34e: {  	s26 =	simm.s32 $0xBD00;
	[sflag:s13] =	ssyncadd.s32 $0xFFFFC180  }
0x34f: {  	[spmem:s6] =	stream.indirect.scatter.add.bf16 [tilespmem:s30], [sflag:$0x4], $0x40, s26, s3, $0xb8;
	[tilespmem:$0x18380] =	vst v63  }
0x350: {  	_ =	swait.ge [sflag:s31], $0x3E80  }
0x351: {  	[sflag:s31] =	ssyncset.done $0x0  }
0x352: {  	s28 =	simm.s32 $0xAC00;
	[sflag:s31] =	ssyncadd.s32 $0xFFFFC180  }
0x353: {  	[tilespmem:s30], [sflag:$0x1] =	stream.indirect.gather [hbm4b:s10+s3], $0x40, s28, s3, $0xb8;
	[tilespmem:$0x18380] =	vst v63  }
0x354: {  	_ =	swait.ge [sflag:s15], $0x3E80  }
0x355: {  	[sflag:s15] =	ssyncset.done $0x0  }
0x356: {  	s29 =	simm.s32 $0xBE00;
	[sflag:s15] =	ssyncadd.s32 $0xFFFFC180  }
0x357: {  	[spmem:s6] =	stream.indirect.scatter.add.bf16 [tilespmem:s5], [sflag:$0x4], $0x40, s29, s3, $0xb8;
	[tilespmem:$0x18380] =	vst v63  }
0x358: {  	_ =	swait.ge [sflag:s31], $0x3E80  }
0x359: {  	[sflag:s31] =	ssyncset.done $0x0  }
0x35a: {  	s1 =	simm.s32 $0xAD00;
	[sflag:s31] =	ssyncadd.s32 $0xFFFFC180  }
0x35b: {  	[tilespmem:s5], [sflag:$0x2] =	stream.indirect.gather [hbm4b:s10+s3], $0x40, s1, s3, $0xb8;
	[tilespmem:$0x18380] =	vst v63  }
0x35c: {  	_ =	swait.ge [sflag:s18], $0x3E80  }
0x35d: {  	[sflag:s18] =	ssyncset.done $0x0  }
0x35e: {  	s2 =	simm.s32 $0xBF00;
	[sflag:s18] =	ssyncadd.s32 $0xFFFFC180  }
0x35f: {  	[spmem:s6] =	stream.indirect.scatter.add.bf16 [tilespmem:s8], [sflag:$0x4], $0x40, s2, s3, $0xb8;
	[tilespmem:$0x18380] =	vst v63  }
0x360: {  	_ =	swait.ge [sflag:s31], $0x3E80  }
0x361: {  	[sflag:s31] =	ssyncset.done $0x0  }
0x362: {  	s4 =	simm.s32 $0xAE00;
	[sflag:s31] =	ssyncadd.s32 $0xFFFFC180  }
0x363: {  	[tilespmem:s8], [sflag:$0x3] =	stream.indirect.gather [hbm4b:s10+s3], $0x40, s4, s3, $0xb8;
	[tilespmem:$0x18380] =	vst v63  }
0x364: {  	_ =	swait.ge [sflag:s13], $0x3E80  }
0x365: {  	[sflag:s13] =	ssyncset.done $0x0  }
0x366: {  	s7 =	simm.s32 $0xC000;
	[sflag:s13] =	ssyncadd.s32 $0xFFFFC180  }
0x367: {  	[spmem:s6] =	stream.indirect.scatter.add.bf16 [tilespmem:s30], [sflag:$0x4], $0x40, s7, s3, $0xb8;
	[tilespmem:$0x18380] =	vst v63  }
0x368: {  	_ =	swait.ge [sflag:s31], $0x3E80  }
0x369: {  	[sflag:s31] =	ssyncset.done $0x0  }
0x36a: {  	s12 =	simm.s32 $0xAF00;
	[sflag:s31] =	ssyncadd.s32 $0xFFFFC180  }
0x36b: {  	[tilespmem:s30], [sflag:$0x1] =	stream.indirect.gather [hbm4b:s10+s3], $0x40, s12, s3, $0xb8;
	[tilespmem:$0x18380] =	vst v63  }
0x36c: {  	_ =	swait.ge [sflag:s15], $0x3E80  }
0x36d: {  	[sflag:s15] =	ssyncset.done $0x0  }
0x36e: {  	s14 =	simm.s32 $0xC100;
	[sflag:s15] =	ssyncadd.s32 $0xFFFFC180  }
0x36f: {  	[spmem:s6] =	stream.indirect.scatter.add.bf16 [tilespmem:s5], [sflag:$0x4], $0x40, s14, s3, $0xb8;
	[tilespmem:$0x18380] =	vst v63  }
0x370: {  	_ =	swait.ge [sflag:s31], $0x3E80  }
0x371: {  	[sflag:s31] =	ssyncset.done $0x0  }
0x372: {  	s16 =	simm.s32 $0xB000;
	[sflag:s31] =	ssyncadd.s32 $0xFFFFC180  }
0x373: {  	[tilespmem:s5], [sflag:$0x2] =	stream.indirect.gather [hbm4b:s10+s3], $0x40, s16, s3, $0xb8;
	[tilespmem:$0x18380] =	vst v63  }
0x374: {  	_ =	swait.ge [sflag:s18], $0x3E80  }
0x375: {  	[sflag:s18] =	ssyncset.done $0x0  }
0x376: {  	s17 =	simm.s32 $0xC200;
	[sflag:s18] =	ssyncadd.s32 $0xFFFFC180  }
0x377: {  	[spmem:s6] =	stream.indirect.scatter.add.bf16 [tilespmem:s8], [sflag:$0x4], $0x40, s17, s3, $0xb8;
	[tilespmem:$0x18380] =	vst v63  }
0x378: {  	_ =	swait.ge [sflag:s31], $0x3E80  }
0x379: {  	[sflag:s31] =	ssyncset.done $0x0  }
0x37a: {  	s19 =	simm.s32 $0xB100;
	[sflag:s31] =	ssyncadd.s32 $0xFFFFC180  }
0x37b: {  	[tilespmem:s8], [sflag:$0x3] =	stream.indirect.gather [hbm4b:s10+s3], $0x40, s19, s3, $0xb8;
	[tilespmem:$0x18380] =	vst v63  }
0x37c: {  	_ =	swait.ge [sflag:s13], $0x3E80  }
0x37d: {  	[sflag:s13] =	ssyncset.done $0x0  }
0x37e: {  	s20 =	simm.s32 $0xC300;
	[sflag:s13] =	ssyncadd.s32 $0xFFFFC180  }
0x37f: {  	[spmem:s6] =	stream.indirect.scatter.add.bf16 [tilespmem:s30], [sflag:$0x4], $0x40, s20, s3, $0xb8;
	[tilespmem:$0x18380] =	vst v63  }
0x380: {  	_ =	swait.ge [sflag:s31], $0x3E80  }
0x381: {  	[sflag:s31] =	ssyncset.done $0x0  }
0x382: {  	s21 =	simm.s32 $0xB200;
	[sflag:s31] =	ssyncadd.s32 $0xFFFFC180  }
0x383: {  	[tilespmem:s30], [sflag:$0x1] =	stream.indirect.gather [hbm4b:s10+s3], $0x40, s21, s3, $0xb8;
	[tilespmem:$0x18380] =	vst v63  }
0x384: {  	_ =	swait.ge [sflag:s15], $0x3E80  }
0x385: {  	[sflag:s15] =	ssyncset.done $0x0  }
0x386: {  	s22 =	simm.s32 $0xC400;
	[sflag:s15] =	ssyncadd.s32 $0xFFFFC180  }
0x387: {  	[spmem:s6] =	stream.indirect.scatter.add.bf16 [tilespmem:s5], [sflag:$0x4], $0x40, s22, s3, $0xb8;
	[tilespmem:$0x18380] =	vst v63  }
0x388: {  	_ =	swait.ge [sflag:s31], $0x3E80  }
0x389: {  	[sflag:s31] =	ssyncset.done $0x0  }
0x38a: {  	s24 =	simm.s32 $0xB300;
	[sflag:s31] =	ssyncadd.s32 $0xFFFFC180  }
0x38b: {  	[tilespmem:s5], [sflag:$0x2] =	stream.indirect.gather [hbm4b:s10+s3], $0x40, s24, s3, $0xb8;
	[tilespmem:$0x18380] =	vst v63  }
0x38c: {  	_ =	swait.ge [sflag:s18], $0x3E80  }
0x38d: {  	[sflag:s18] =	ssyncset.done $0x0  }
0x38e: {  	s25 =	simm.s32 $0xC500;
	[sflag:s18] =	ssyncadd.s32 $0xFFFFC180  }
0x38f: {  	[spmem:s6] =	stream.indirect.scatter.add.bf16 [tilespmem:s8], [sflag:$0x4], $0x40, s25, s3, $0xb8;
	[tilespmem:$0x18380] =	vst v63  }
0x390: {  	_ =	swait.ge [sflag:s31], $0x3E80  }
0x391: {  	[sflag:s31] =	ssyncset.done $0x0  }
0x392: {  	[sflag:s31] =	ssyncadd.s32 $0xFFFFC180  }
0x393: {  	_ =	swait.ge [sflag:s13], $0x3E80  }
0x394: {  	[sflag:s13] =	ssyncset.done $0x0  }
0x395: {  	s26 =	simm.s32 $0xC600;
	[sflag:s13] =	ssyncadd.s32 $0xFFFFC180  }
0x396: {  	[spmem:s6] =	stream.indirect.scatter.add.bf16 [tilespmem:s30], [sflag:$0x4], $0x40, s26, s3, $0xb8;
	[tilespmem:$0x18380] =	vst v63  }
0x397: {  	_ =	swait.ge [sflag:s31], $0x3E80  }
0x398: {  	[sflag:s31] =	ssyncset.done $0x0  }
0x399: {  	[sflag:s31] =	ssyncadd.s32 $0xFFFFC180  }
0x39a: {  	_ =	swait.ge [sflag:s15], $0x3E80  }
0x39b: {  	[sflag:s15] =	ssyncset.done $0x0  }
0x39c: {  	s28 =	simm.s32 $0xC700;
	[sflag:s15] =	ssyncadd.s32 $0xFFFFC180  }
0x39d: {  	[spmem:s6] =	stream.indirect.scatter.add.bf16 [tilespmem:s5], [sflag:$0x4], $0x40, s28, s3, $0xb8;
	[tilespmem:$0x18380] =	vst v63  }
0x39e: {  	_ =	swait.ge [sflag:s31], $0x3E80  }
0x39f: {  	[sflag:s31] =	ssyncset.done $0x0  }
0x3a0: {  	[sflag:s31] =	ssyncadd.s32 $0xFFFFC180  }
0x3a1: {  	[bflag:$0x0] =	sbarrier.arrive $0xFFFF  }
0x3a2: {  	s29 =	sld [smem:$0x7ED];
	_ =	sdelay $0x2  }
0x3a3: {  	[tilespmem:s30], [sflag:$0x4] =	stream.linear.gather [spmem:s29], $0x1400, $0x38;
	[tilespmem:$0x18380] =	vst v63  }
0x3a4: {  	_ =	swait.ge [sflag:s31], $0x1400  }
0x3a5: {  	[sflag:s31] =	ssyncset.done $0x0;
	s0 =	rddreg [dreg:$0x1a]  }
0x3a6: {  	s1 =	sld [smem:$0x7F2];
	[sflag:s31] =	ssyncadd.s32 $0xFFFFEC00  }
0x3a7: {  	[hbm4b:s0+s23] =	stream.linear.scatter [tilespmem:s30], [sflag:$0x1], $0x1400, $0x38;
	[tilespmem:$0x18380] =	vst v63  }
0x3a8: {  	_ = 	snop  }
0x3a9: {  	[tilespmem:s5], [sflag:$0x4] =	stream.linear.gather [spmem:s1], $0x1400, $0x38;
	[tilespmem:$0x18380] =	vst v63  }
0x3aa: {  	_ =	swait.ge [sflag:s31], $0x1400  }
0x3ab: {  	[sflag:s31] =	ssyncset.done $0x0  }
0x3ac: {  	s2 =	rddreg [dreg:$0x1b];
	[sflag:s31] =	ssyncadd.s32 $0xFFFFEC00  }
0x3ad: {  	[hbm4b:s2+s23] =	stream.linear.scatter [tilespmem:s5], [sflag:$0x2], $0x1400, $0x38;
	[tilespmem:$0x18380] =	vst v63  }
0x3ae: {  	_ =	swait.ge [sflag:s13], $0x1400  }
0x3af: {  	[sflag:s13] =	ssyncset.done $0x0  }
0x3b0: {  	[sflag:s13] =	ssyncadd.s32 $0xFFFFEC00  }
0x3b1: {  	_ =	swait.ge [sflag:s15], $0x1400  }
0x3b2: {  	s4 =	sld [smem:$0x7F3]  }
0x3b3: {  	[sflag:s15] =	ssyncset.done $0x0  }
0x3b4: {  	[sflag:s15] =	ssyncadd.s32 $0xFFFFEC00  }
0x3b5: {  	[tilespmem:s30], [sflag:$0x4] =	stream.linear.gather [spmem:s4], $0x1400, $0x38;
	[tilespmem:$0x18380] =	vst v63  }
0x3b6: {  	_ =	swait.ge [sflag:s31], $0x1400  }
0x3b7: {  	[sflag:s31] =	ssyncset.done $0x0;
	s7 =	rddreg [dreg:$0x1c]  }
0x3b8: {  	s12 =	sld [smem:$0x7F4];
	[sflag:s31] =	ssyncadd.s32 $0xFFFFEC00  }
0x3b9: {  	[hbm4b:s7+s23] =	stream.linear.scatter [tilespmem:s30], [sflag:$0x1], $0x1400, $0x38;
	[tilespmem:$0x18380] =	vst v63  }
0x3ba: {  	_ = 	snop  }
0x3bb: {  	[tilespmem:s5], [sflag:$0x4] =	stream.linear.gather [spmem:s12], $0x1400, $0x38;
	[tilespmem:$0x18380] =	vst v63  }
0x3bc: {  	_ =	swait.ge [sflag:s31], $0x1400  }
0x3bd: {  	[sflag:s31] =	ssyncset.done $0x0  }
0x3be: {  	s14 =	rddreg [dreg:$0x1d];
	[sflag:s31] =	ssyncadd.s32 $0xFFFFEC00  }
0x3bf: {  	[hbm4b:s14+s23] =	stream.linear.scatter [tilespmem:s5], [sflag:$0x2], $0x1400, $0x38;
	[tilespmem:$0x18380] =	vst v63  }
0x3c0: {  	_ =	swait.ge [sflag:s13], $0x1400  }
0x3c1: {  	[sflag:s13] =	ssyncset.done $0x0  }
0x3c2: {  	[sflag:s13] =	ssyncadd.s32 $0xFFFFEC00  }
0x3c3: {  	_ =	swait.ge [sflag:s15], $0x1400  }
0x3c4: {  	s16 =	sld [smem:$0x7F5]  }
0x3c5: {  	[sflag:s15] =	ssyncset.done $0x0  }
0x3c6: {  	[sflag:s15] =	ssyncadd.s32 $0xFFFFEC00  }
0x3c7: {  	[tilespmem:s30], [sflag:$0x4] =	stream.linear.gather [spmem:s16], $0x1400, $0x38;
	[tilespmem:$0x18380] =	vst v63  }
0x3c8: {  	_ =	swait.ge [sflag:s31], $0x1400  }
0x3c9: {  	[sflag:s31] =	ssyncset.done $0x0;
	s17 =	rddreg [dreg:$0x1e]  }
0x3ca: {  	s19 =	sld [smem:$0x7F6];
	[sflag:s31] =	ssyncadd.s32 $0xFFFFEC00  }
0x3cb: {  	[hbm4b:s17+s23] =	stream.linear.scatter [tilespmem:s30], [sflag:$0x1], $0x1400, $0x38;
	[tilespmem:$0x18380] =	vst v63  }
0x3cc: {  	_ = 	snop  }
0x3cd: {  	[tilespmem:s5], [sflag:$0x4] =	stream.linear.gather [spmem:s19], $0x1400, $0x38;
	[tilespmem:$0x18380] =	vst v63  }
0x3ce: {  	_ =	swait.ge [sflag:s31], $0x1400  }
0x3cf: {  	[sflag:s31] =	ssyncset.done $0x0  }
0x3d0: {  	s20 =	rddreg [dreg:$0x1f];
	[sflag:s31] =	ssyncadd.s32 $0xFFFFEC00  }
0x3d1: {  	[hbm4b:s20+s23] =	stream.linear.scatter [tilespmem:s5], [sflag:$0x2], $0x1400, $0x38;
	[tilespmem:$0x18380] =	vst v63  }
0x3d2: {  	_ =	swait.ge [sflag:s13], $0x1400  }
0x3d3: {  	[sflag:s13] =	ssyncset.done $0x0  }
0x3d4: {  	[sflag:s13] =	ssyncadd.s32 $0xFFFFEC00  }
0x3d5: {  	_ =	swait.ge [sflag:s15], $0x1400  }
0x3d6: {  	s21 =	sld [smem:$0x7F7]  }
0x3d7: {  	[sflag:s15] =	ssyncset.done $0x0  }
0x3d8: {  	[sflag:s15] =	ssyncadd.s32 $0xFFFFEC00  }
0x3d9: {  	[tilespmem:s30], [sflag:$0x4] =	stream.linear.gather [spmem:s21], $0x1400, $0x38;
	[tilespmem:$0x18380] =	vst v63  }
0x3da: {  	_ =	swait.ge [sflag:s31], $0x1400  }
0x3db: {  	s22 =	sld [smem:$0x7E3]  }
0x3dc: {  	[sflag:s31] =	ssyncset.done $0x0  }
0x3dd: {  	s25 =	sld [smem:$0x7F8];
	[sflag:s31] =	ssyncadd.s32 $0xFFFFEC00  }
0x3de: {  	[hbm4b:s22+s23] =	stream.linear.scatter [tilespmem:s30], [sflag:$0x1], $0x1400, $0x38;
	[tilespmem:$0x18380] =	vst v63  }
0x3df: {  	_ = 	snop  }
0x3e0: {  	[tilespmem:s5], [sflag:$0x4] =	stream.linear.gather [spmem:s25], $0x1400, $0x38;
	[tilespmem:$0x18380] =	vst v63  }
0x3e1: {  	_ =	swait.ge [sflag:s31], $0x1400  }
0x3e2: {  	s26 =	sld [smem:$0x7E4]  }
0x3e3: {  	[sflag:s31] =	ssyncset.done $0x0  }
0x3e4: {  	[sflag:s31] =	ssyncadd.s32 $0xFFFFEC00  }
0x3e5: {  	[hbm4b:s26+s23] =	stream.linear.scatter [tilespmem:s5], [sflag:$0x2], $0x1400, $0x38;
	[tilespmem:$0x18380] =	vst v63  }
0x3e6: {  	_ =	swait.ge [sflag:s13], $0x1400  }
0x3e7: {  	[sflag:s13] =	ssyncset.done $0x0  }
0x3e8: {  	[sflag:s13] =	ssyncadd.s32 $0xFFFFEC00  }
0x3e9: {  	s28 =	sand.u32 $0x7F00, s23;
	s29 =	sand.u32 $0x60, s23;
	_ =	swait.ge [sflag:s15], $0x1400  }
0x3ea: {  	s24 =	sshrl.u32 s28, $0x2;
	s25 =	sshrl.u32 s29, $0x1;
	[sflag:s15] =	ssyncset.done $0x0  }
0x3eb: {  	s24 =	sor.u32 s25, s24;
	[sflag:s15] =	ssyncadd.s32 $0xFFFFEC00  }
0x3ec: {  	[tilespmem:s24+$0xC800] =	vst v0;
	s24 =	simm.s32 $0x40  }
.LBB2_6:
0x3ed: {  	p0 =	sne.s32 s24, $0x4FC0  }
.Ltmp2:
0x3ee: {  	s25 =	sand.u32 $0x7F00, s24;
	s23 =	sadd.s32 $0x20, s23;
	(pc) =	sbr.rel @p0 .LBB2_6-.Ltmp2, $4  }
0x3ef: {  	s24 =	sadd.s32 $0x40, s24;
	s26 =	sand.u32 $0x60, s23  }
0x3f0: {  	s25 =	sshrl.u32 s25, $0x2;
	s26 =	sshrl.u32 s26, $0x1  }
0x3f1: {  	s25 =	sor.u32 s26, s25  }
0x3f2: {  	[tilespmem:s25+$0xC800] =	vst v0  }
0x3f3: {  	s4 =	sld [smem:$0x7FC];
	_ =	sdelay $0x2  }
0x3f4: {  	[spmem:s4] =	stream.linear.scatter [tilespmem:s30], [sflag:$0x4], $0x1400, $0x38;
	[tilespmem:$0x18380] =	vst v63  }
0x3f5: {  	_ =	swait.ge [sflag:s31], $0x1400  }
0x3f6: {  	s23 =	sld [smem:$0x7F9]  }
0x3f7: {  	[sflag:s31] =	ssyncset.done $0x0  }
0x3f8: {  	[sflag:s31] =	ssyncadd.s32 $0xFFFFEC00  }
0x3f9: {  	[spmem:s23] =	stream.linear.scatter [tilespmem:s30], [sflag:$0x4], $0x1400, $0x38;
	[tilespmem:$0x18380] =	vst v63  }
0x3fa: {  	_ =	swait.ge [sflag:s31], $0x1400  }
0x3fb: {  	s4 =	sld [smem:$0x7EF]  }
0x3fc: {  	[sflag:s31] =	ssyncset.done $0x0  }
0x3fd: {  	[sflag:s31] =	ssyncadd.s32 $0xFFFFEC00  }
0x3fe: {  	[spmem:s4] =	stream.linear.scatter [tilespmem:s30], [sflag:$0x4], $0x1400, $0x38;
	[tilespmem:$0x18380] =	vst v63  }
0x3ff: {  	_ =	swait.ge [sflag:s31], $0x1400  }
0x400: {  	s7 =	sld [smem:$0x7FA]  }
0x401: {  	[sflag:s31] =	ssyncset.done $0x0  }
0x402: {  	[sflag:s31] =	ssyncadd.s32 $0xFFFFEC00  }
0x403: {  	[spmem:s7] =	stream.linear.scatter [tilespmem:s30], [sflag:$0x4], $0x1400, $0x38;
	[tilespmem:$0x18380] =	vst v63  }
0x404: {  	_ =	swait.ge [sflag:s31], $0x1400  }
0x405: {  	s12 =	sld [smem:$0x7F0]  }
0x406: {  	[sflag:s31] =	ssyncset.done $0x0  }
0x407: {  	[sflag:s31] =	ssyncadd.s32 $0xFFFFEC00  }
0x408: {  	[spmem:s12] =	stream.linear.scatter [tilespmem:s30], [sflag:$0x4], $0x1400, $0x38;
	[tilespmem:$0x18380] =	vst v63  }
0x409: {  	_ =	swait.ge [sflag:s31], $0x1400  }
0x40a: {  	s14 =	sld [smem:$0x7FB]  }
0x40b: {  	[sflag:s31] =	ssyncset.done $0x0  }
0x40c: {  	[sflag:s31] =	ssyncadd.s32 $0xFFFFEC00  }
0x40d: {  	[spmem:s14] =	stream.linear.scatter [tilespmem:s30], [sflag:$0x4], $0x1400, $0x38;
	[tilespmem:$0x18380] =	vst v63  }
0x40e: {  	_ =	swait.ge [sflag:s31], $0x1400  }
0x40f: {  	s16 =	sld [smem:$0x7F1]  }
0x410: {  	[sflag:s31] =	ssyncset.done $0x0  }
0x411: {  	[sflag:s31] =	ssyncadd.s32 $0xFFFFEC00  }
0x412: {  	[spmem:s16] =	stream.linear.scatter [tilespmem:s30], [sflag:$0x4], $0x1400, $0x38;
	[tilespmem:$0x18380] =	vst v63  }
0x413: {  	_ =	swait.ge [sflag:s31], $0x1400  }
0x414: {  	s17 =	sld [smem:$0x7FD]  }
0x415: {  	[sflag:s31] =	ssyncset.done $0x0  }
0x416: {  	[sflag:s31] =	ssyncadd.s32 $0xFFFFEC00  }
0x417: {  	[spmem:s17] =	stream.linear.scatter [tilespmem:s30], [sflag:$0x4], $0x1400, $0x38;
	[tilespmem:$0x18380] =	vst v63  }
0x418: {  	_ =	swait.ge [sflag:s31], $0x1400  }
0x419: {  	[sflag:s31] =	ssyncset.done $0x0  }
0x41a: {  	[sflag:s31] =	ssyncadd.s32 $0xFFFFEC00  }
0x41b: {  	[bflag:$0x0] =	sbarrier.arrive $0xFFFF  }
0x41c: {  	s2 =	simm.s32 $0xA000;
	s29 =	simm.s32 $0x0;
	s19 =	rddreg [dreg:$0xe]  }
0x41d: {  	[tilespmem:s2], [sflag:$0x4] =	stream.linear.gather [hbm4b:s19+s29], $0x1400, $0x38;
	[tilespmem:$0x18380] =	vst v63  }
0x41e: {  	_ =	swait.ge [sflag:s31], $0x1400  }
0x41f: {  	[sflag:s31] =	ssyncset.done $0x0  }
0x420: {  	s1 =	simm.s32 $0xB400;
	s20 =	rddreg [dreg:$0xf];
	[sflag:s31] =	ssyncadd.s32 $0xFFFFEC00  }
0x421: {  	[tilespmem:s1], [sflag:$0x4] =	stream.linear.gather [hbm4b:s20+s29], $0x1400, $0x38;
	[tilespmem:$0x18380] =	vst v63  }
0x422: {  	_ =	swait.ge [sflag:s31], $0x1400  }
0x423: {  	[sflag:s31] =	ssyncset.done $0x0  }
0x424: {  	[sflag:s31] =	ssyncadd.s32 $0xFFFFEC00  }
0x425: {  	[tilespmem:s30], [sflag:$0x1] =	stream.indirect.gather [hbm4b:s11+s3], $0x40, s2, s3, $0xb8;
	[tilespmem:$0x18380] =	vst v63  }
0x426: {  	s24 =	simm.s32 $0xA100  }
0x427: {  	[tilespmem:s5], [sflag:$0x2] =	stream.indirect.gather [hbm4b:s11+s3], $0x40, s24, s3, $0xb8;
	[tilespmem:$0x18380] =	vst v63  }
0x428: {  	s25 =	simm.s32 $0xA200  }
0x429: {  	[tilespmem:s8], [sflag:$0x3] =	stream.indirect.gather [hbm4b:s11+s3], $0x40, s25, s3, $0xb8;
	[tilespmem:$0x18380] =	vst v63  }
0x42a: {  	_ =	swait.ge [sflag:s13], $0x3E80  }
0x42b: {  	[sflag:s13] =	ssyncset.done $0x0  }
0x42c: {  	[sflag:s13] =	ssyncadd.s32 $0xFFFFC180  }
0x42d: {  	[spmem:s6] =	stream.indirect.scatter.add.bf16 [tilespmem:s30], [sflag:$0x4], $0x40, s1, s3, $0xb8;
	[tilespmem:$0x18380] =	vst v63  }
0x42e: {  	_ =	swait.ge [sflag:s31], $0x3E80  }
0x42f: {  	[sflag:s31] =	ssyncset.done $0x0  }
0x430: {  	s4 =	simm.s32 $0xA300;
	[sflag:s31] =	ssyncadd.s32 $0xFFFFC180  }
0x431: {  	[tilespmem:s30], [sflag:$0x1] =	stream.indirect.gather [hbm4b:s11+s3], $0x40, s4, s3, $0xb8;
	[tilespmem:$0x18380] =	vst v63  }
0x432: {  	_ =	swait.ge [sflag:s15], $0x3E80  }
0x433: {  	[sflag:s15] =	ssyncset.done $0x0  }
0x434: {  	s26 =	simm.s32 $0xB500;
	[sflag:s15] =	ssyncadd.s32 $0xFFFFC180  }
0x435: {  	[spmem:s6] =	stream.indirect.scatter.add.bf16 [tilespmem:s5], [sflag:$0x4], $0x40, s26, s3, $0xb8;
	[tilespmem:$0x18380] =	vst v63  }
0x436: {  	_ =	swait.ge [sflag:s31], $0x3E80  }
0x437: {  	[sflag:s31] =	ssyncset.done $0x0  }
0x438: {  	s28 =	simm.s32 $0xA400;
	[sflag:s31] =	ssyncadd.s32 $0xFFFFC180  }
0x439: {  	[tilespmem:s5], [sflag:$0x2] =	stream.indirect.gather [hbm4b:s11+s3], $0x40, s28, s3, $0xb8;
	[tilespmem:$0x18380] =	vst v63  }
0x43a: {  	_ =	swait.ge [sflag:s18], $0x3E80  }
0x43b: {  	[sflag:s18] =	ssyncset.done $0x0  }
0x43c: {  	s7 =	simm.s32 $0xB600;
	[sflag:s18] =	ssyncadd.s32 $0xFFFFC180  }
0x43d: {  	[spmem:s6] =	stream.indirect.scatter.add.bf16 [tilespmem:s8], [sflag:$0x4], $0x40, s7, s3, $0xb8;
	[tilespmem:$0x18380] =	vst v63  }
0x43e: {  	_ =	swait.ge [sflag:s31], $0x3E80  }
0x43f: {  	[sflag:s31] =	ssyncset.done $0x0  }
0x440: {  	s14 =	simm.s32 $0xA500;
	[sflag:s31] =	ssyncadd.s32 $0xFFFFC180  }
0x441: {  	[tilespmem:s8], [sflag:$0x3] =	stream.indirect.gather [hbm4b:s11+s3], $0x40, s14, s3, $0xb8;
	[tilespmem:$0x18380] =	vst v63  }
0x442: {  	_ =	swait.ge [sflag:s13], $0x3E80  }
0x443: {  	[sflag:s13] =	ssyncset.done $0x0  }
0x444: {  	s12 =	simm.s32 $0xB700;
	[sflag:s13] =	ssyncadd.s32 $0xFFFFC180  }
0x445: {  	[spmem:s6] =	stream.indirect.scatter.add.bf16 [tilespmem:s30], [sflag:$0x4], $0x40, s12, s3, $0xb8;
	[tilespmem:$0x18380] =	vst v63  }
0x446: {  	_ =	swait.ge [sflag:s31], $0x3E80  }
0x447: {  	[sflag:s31] =	ssyncset.done $0x0  }
0x448: {  	s16 =	simm.s32 $0xA600;
	[sflag:s31] =	ssyncadd.s32 $0xFFFFC180  }
0x449: {  	[tilespmem:s30], [sflag:$0x1] =	stream.indirect.gather [hbm4b:s11+s3], $0x40, s16, s3, $0xb8;
	[tilespmem:$0x18380] =	vst v63  }
0x44a: {  	_ =	swait.ge [sflag:s15], $0x3E80  }
0x44b: {  	[sflag:s15] =	ssyncset.done $0x0  }
0x44c: {  	s17 =	simm.s32 $0xB800;
	[sflag:s15] =	ssyncadd.s32 $0xFFFFC180  }
0x44d: {  	[spmem:s6] =	stream.indirect.scatter.add.bf16 [tilespmem:s5], [sflag:$0x4], $0x40, s17, s3, $0xb8;
	[tilespmem:$0x18380] =	vst v63  }
0x44e: {  	_ =	swait.ge [sflag:s31], $0x3E80  }
0x44f: {  	[sflag:s31] =	ssyncset.done $0x0  }
0x450: {  	s19 =	simm.s32 $0xA700;
	[sflag:s31] =	ssyncadd.s32 $0xFFFFC180  }
0x451: {  	[tilespmem:s5], [sflag:$0x2] =	stream.indirect.gather [hbm4b:s11+s3], $0x40, s19, s3, $0xb8;
	[tilespmem:$0x18380] =	vst v63  }
0x452: {  	_ =	swait.ge [sflag:s18], $0x3E80  }
0x453: {  	[sflag:s18] =	ssyncset.done $0x0  }
0x454: {  	s20 =	simm.s32 $0xB900;
	[sflag:s18] =	ssyncadd.s32 $0xFFFFC180  }
0x455: {  	[spmem:s6] =	stream.indirect.scatter.add.bf16 [tilespmem:s8], [sflag:$0x4], $0x40, s20, s3, $0xb8;
	[tilespmem:$0x18380] =	vst v63  }
0x456: {  	_ =	swait.ge [sflag:s31], $0x3E80  }
0x457: {  	[sflag:s31] =	ssyncset.done $0x0  }
0x458: {  	s21 =	simm.s32 $0xA800;
	[sflag:s31] =	ssyncadd.s32 $0xFFFFC180  }
0x459: {  	[tilespmem:s8], [sflag:$0x3] =	stream.indirect.gather [hbm4b:s11+s3], $0x40, s21, s3, $0xb8;
	[tilespmem:$0x18380] =	vst v63  }
0x45a: {  	_ =	swait.ge [sflag:s13], $0x3E80  }
0x45b: {  	[sflag:s13] =	ssyncset.done $0x0  }
0x45c: {  	s0 =	simm.s32 $0xBA00;
	[sflag:s13] =	ssyncadd.s32 $0xFFFFC180  }
0x45d: {  	[spmem:s6] =	stream.indirect.scatter.add.bf16 [tilespmem:s30], [sflag:$0x4], $0x40, s0, s3, $0xb8;
	[tilespmem:$0x18380] =	vst v63  }
0x45e: {  	_ =	swait.ge [sflag:s31], $0x3E80  }
0x45f: {  	[sflag:s31] =	ssyncset.done $0x0  }
0x460: {  	s22 =	simm.s32 $0xA900;
	[sflag:s31] =	ssyncadd.s32 $0xFFFFC180  }
0x461: {  	[tilespmem:s30], [sflag:$0x1] =	stream.indirect.gather [hbm4b:s11+s3], $0x40, s22, s3, $0xb8;
	[tilespmem:$0x18380] =	vst v63  }
0x462: {  	_ =	swait.ge [sflag:s15], $0x3E80  }
0x463: {  	[sflag:s15] =	ssyncset.done $0x0  }
0x464: {  	s23 =	simm.s32 $0xBB00;
	[sflag:s15] =	ssyncadd.s32 $0xFFFFC180  }
0x465: {  	[spmem:s6] =	stream.indirect.scatter.add.bf16 [tilespmem:s5], [sflag:$0x4], $0x40, s23, s3, $0xb8;
	[tilespmem:$0x18380] =	vst v63  }
0x466: {  	_ =	swait.ge [sflag:s31], $0x3E80  }
0x467: {  	[sflag:s31] =	ssyncset.done $0x0  }
0x468: {  	s23 =	simm.s32 $0xAA00;
	[sflag:s31] =	ssyncadd.s32 $0xFFFFC180  }
0x469: {  	[tilespmem:s5], [sflag:$0x2] =	stream.indirect.gather [hbm4b:s11+s3], $0x40, s23, s3, $0xb8;
	[tilespmem:$0x18380] =	vst v63  }
0x46a: {  	_ =	swait.ge [sflag:s18], $0x3E80  }
0x46b: {  	[sflag:s18] =	ssyncset.done $0x0  }
0x46c: {  	s23 =	simm.s32 $0xBC00;
	[sflag:s18] =	ssyncadd.s32 $0xFFFFC180  }
0x46d: {  	[spmem:s6] =	stream.indirect.scatter.add.bf16 [tilespmem:s8], [sflag:$0x4], $0x40, s23, s3, $0xb8;
	[tilespmem:$0x18380] =	vst v63  }
0x46e: {  	_ =	swait.ge [sflag:s31], $0x3E80  }
0x46f: {  	[sflag:s31] =	ssyncset.done $0x0  }
0x470: {  	s23 =	simm.s32 $0xAB00;
	[sflag:s31] =	ssyncadd.s32 $0xFFFFC180  }
0x471: {  	[tilespmem:s8], [sflag:$0x3] =	stream.indirect.gather [hbm4b:s11+s3], $0x40, s23, s3, $0xb8;
	[tilespmem:$0x18380] =	vst v63  }
0x472: {  	_ =	swait.ge [sflag:s13], $0x3E80  }
0x473: {  	[sflag:s13] =	ssyncset.done $0x0  }
0x474: {  	s23 =	simm.s32 $0xBD00;
	[sflag:s13] =	ssyncadd.s32 $0xFFFFC180  }
0x475: {  	[spmem:s6] =	stream.indirect.scatter.add.bf16 [tilespmem:s30], [sflag:$0x4], $0x40, s23, s3, $0xb8;
	[tilespmem:$0x18380] =	vst v63  }
0x476: {  	_ =	swait.ge [sflag:s31], $0x3E80  }
0x477: {  	[sflag:s31] =	ssyncset.done $0x0  }
0x478: {  	s23 =	simm.s32 $0xAC00;
	[sflag:s31] =	ssyncadd.s32 $0xFFFFC180  }
0x479: {  	[tilespmem:s30], [sflag:$0x1] =	stream.indirect.gather [hbm4b:s11+s3], $0x40, s23, s3, $0xb8;
	[tilespmem:$0x18380] =	vst v63  }
0x47a: {  	_ =	swait.ge [sflag:s15], $0x3E80  }
0x47b: {  	[sflag:s15] =	ssyncset.done $0x0  }
0x47c: {  	s23 =	simm.s32 $0xBE00;
	[sflag:s15] =	ssyncadd.s32 $0xFFFFC180  }
0x47d: {  	[spmem:s6] =	stream.indirect.scatter.add.bf16 [tilespmem:s5], [sflag:$0x4], $0x40, s23, s3, $0xb8;
	[tilespmem:$0x18380] =	vst v63  }
0x47e: {  	_ =	swait.ge [sflag:s31], $0x3E80  }
0x47f: {  	[sflag:s31] =	ssyncset.done $0x0  }
0x480: {  	s23 =	simm.s32 $0xAD00;
	[sflag:s31] =	ssyncadd.s32 $0xFFFFC180  }
0x481: {  	[tilespmem:s5], [sflag:$0x2] =	stream.indirect.gather [hbm4b:s11+s3], $0x40, s23, s3, $0xb8;
	[tilespmem:$0x18380] =	vst v63  }
0x482: {  	_ =	swait.ge [sflag:s18], $0x3E80  }
0x483: {  	[sflag:s18] =	ssyncset.done $0x0  }
0x484: {  	s23 =	simm.s32 $0xBF00;
	[sflag:s18] =	ssyncadd.s32 $0xFFFFC180  }
0x485: {  	[spmem:s6] =	stream.indirect.scatter.add.bf16 [tilespmem:s8], [sflag:$0x4], $0x40, s23, s3, $0xb8;
	[tilespmem:$0x18380] =	vst v63  }
0x486: {  	_ =	swait.ge [sflag:s31], $0x3E80  }
0x487: {  	[sflag:s31] =	ssyncset.done $0x0  }
0x488: {  	s23 =	simm.s32 $0xAE00;
	[sflag:s31] =	ssyncadd.s32 $0xFFFFC180  }
0x489: {  	[tilespmem:s8], [sflag:$0x3] =	stream.indirect.gather [hbm4b:s11+s3], $0x40, s23, s3, $0xb8;
	[tilespmem:$0x18380] =	vst v63  }
0x48a: {  	_ =	swait.ge [sflag:s13], $0x3E80  }
0x48b: {  	[sflag:s13] =	ssyncset.done $0x0  }
0x48c: {  	s23 =	simm.s32 $0xC000;
	[sflag:s13] =	ssyncadd.s32 $0xFFFFC180  }
0x48d: {  	[spmem:s6] =	stream.indirect.scatter.add.bf16 [tilespmem:s30], [sflag:$0x4], $0x40, s23, s3, $0xb8;
	[tilespmem:$0x18380] =	vst v63  }
0x48e: {  	_ =	swait.ge [sflag:s31], $0x3E80  }
0x48f: {  	[sflag:s31] =	ssyncset.done $0x0  }
0x490: {  	s23 =	simm.s32 $0xAF00;
	[sflag:s31] =	ssyncadd.s32 $0xFFFFC180  }
0x491: {  	[tilespmem:s30], [sflag:$0x1] =	stream.indirect.gather [hbm4b:s11+s3], $0x40, s23, s3, $0xb8;
	[tilespmem:$0x18380] =	vst v63  }
0x492: {  	_ =	swait.ge [sflag:s15], $0x3E80  }
0x493: {  	[sflag:s15] =	ssyncset.done $0x0  }
0x494: {  	s23 =	simm.s32 $0xC100;
	[sflag:s15] =	ssyncadd.s32 $0xFFFFC180  }
0x495: {  	[spmem:s6] =	stream.indirect.scatter.add.bf16 [tilespmem:s5], [sflag:$0x4], $0x40, s23, s3, $0xb8;
	[tilespmem:$0x18380] =	vst v63  }
0x496: {  	_ =	swait.ge [sflag:s31], $0x3E80  }
0x497: {  	[sflag:s31] =	ssyncset.done $0x0  }
0x498: {  	s23 =	simm.s32 $0xB000;
	[sflag:s31] =	ssyncadd.s32 $0xFFFFC180  }
0x499: {  	[tilespmem:s5], [sflag:$0x2] =	stream.indirect.gather [hbm4b:s11+s3], $0x40, s23, s3, $0xb8;
	[tilespmem:$0x18380] =	vst v63  }
0x49a: {  	_ =	swait.ge [sflag:s18], $0x3E80  }
0x49b: {  	[sflag:s18] =	ssyncset.done $0x0  }
0x49c: {  	s23 =	simm.s32 $0xC200;
	[sflag:s18] =	ssyncadd.s32 $0xFFFFC180  }
0x49d: {  	[spmem:s6] =	stream.indirect.scatter.add.bf16 [tilespmem:s8], [sflag:$0x4], $0x40, s23, s3, $0xb8;
	[tilespmem:$0x18380] =	vst v63  }
0x49e: {  	_ =	swait.ge [sflag:s31], $0x3E80  }
0x49f: {  	[sflag:s31] =	ssyncset.done $0x0  }
0x4a0: {  	s23 =	simm.s32 $0xB100;
	[sflag:s31] =	ssyncadd.s32 $0xFFFFC180  }
0x4a1: {  	[tilespmem:s8], [sflag:$0x3] =	stream.indirect.gather [hbm4b:s11+s3], $0x40, s23, s3, $0xb8;
	[tilespmem:$0x18380] =	vst v63  }
0x4a2: {  	_ =	swait.ge [sflag:s13], $0x3E80  }
0x4a3: {  	[sflag:s13] =	ssyncset.done $0x0  }
0x4a4: {  	s23 =	simm.s32 $0xC300;
	[sflag:s13] =	ssyncadd.s32 $0xFFFFC180  }
0x4a5: {  	[spmem:s6] =	stream.indirect.scatter.add.bf16 [tilespmem:s30], [sflag:$0x4], $0x40, s23, s3, $0xb8;
	[tilespmem:$0x18380] =	vst v63  }
0x4a6: {  	_ =	swait.ge [sflag:s31], $0x3E80  }
0x4a7: {  	[sflag:s31] =	ssyncset.done $0x0  }
0x4a8: {  	s23 =	simm.s32 $0xB200;
	[sflag:s31] =	ssyncadd.s32 $0xFFFFC180  }
0x4a9: {  	[tilespmem:s30], [sflag:$0x1] =	stream.indirect.gather [hbm4b:s11+s3], $0x40, s23, s3, $0xb8;
	[tilespmem:$0x18380] =	vst v63  }
0x4aa: {  	_ =	swait.ge [sflag:s15], $0x3E80  }
0x4ab: {  	[sflag:s15] =	ssyncset.done $0x0  }
0x4ac: {  	s23 =	simm.s32 $0xC400;
	[sflag:s15] =	ssyncadd.s32 $0xFFFFC180  }
0x4ad: {  	[spmem:s6] =	stream.indirect.scatter.add.bf16 [tilespmem:s5], [sflag:$0x4], $0x40, s23, s3, $0xb8;
	[tilespmem:$0x18380] =	vst v63  }
0x4ae: {  	_ =	swait.ge [sflag:s31], $0x3E80  }
0x4af: {  	[sflag:s31] =	ssyncset.done $0x0  }
0x4b0: {  	s23 =	simm.s32 $0xB300;
	[sflag:s31] =	ssyncadd.s32 $0xFFFFC180  }
0x4b1: {  	[tilespmem:s5], [sflag:$0x2] =	stream.indirect.gather [hbm4b:s11+s3], $0x40, s23, s3, $0xb8;
	[tilespmem:$0x18380] =	vst v63  }
0x4b2: {  	_ =	swait.ge [sflag:s18], $0x3E80  }
0x4b3: {  	[sflag:s18] =	ssyncset.done $0x0  }
0x4b4: {  	s23 =	simm.s32 $0xC500;
	[sflag:s18] =	ssyncadd.s32 $0xFFFFC180  }
0x4b5: {  	[spmem:s6] =	stream.indirect.scatter.add.bf16 [tilespmem:s8], [sflag:$0x4], $0x40, s23, s3, $0xb8;
	[tilespmem:$0x18380] =	vst v63  }
0x4b6: {  	_ =	swait.ge [sflag:s31], $0x3E80  }
0x4b7: {  	[sflag:s31] =	ssyncset.done $0x0  }
0x4b8: {  	[sflag:s31] =	ssyncadd.s32 $0xFFFFC180  }
0x4b9: {  	_ =	swait.ge [sflag:s13], $0x3E80  }
0x4ba: {  	[sflag:s13] =	ssyncset.done $0x0  }
0x4bb: {  	s23 =	simm.s32 $0xC600;
	[sflag:s13] =	ssyncadd.s32 $0xFFFFC180  }
0x4bc: {  	[spmem:s6] =	stream.indirect.scatter.add.bf16 [tilespmem:s30], [sflag:$0x4], $0x40, s23, s3, $0xb8;
	[tilespmem:$0x18380] =	vst v63  }
0x4bd: {  	_ =	swait.ge [sflag:s31], $0x3E80  }
0x4be: {  	[sflag:s31] =	ssyncset.done $0x0  }
0x4bf: {  	[sflag:s31] =	ssyncadd.s32 $0xFFFFC180  }
0x4c0: {  	_ =	swait.ge [sflag:s15], $0x3E80  }
0x4c1: {  	[sflag:s15] =	ssyncset.done $0x0  }
0x4c2: {  	s23 =	simm.s32 $0xC700;
	[sflag:s15] =	ssyncadd.s32 $0xFFFFC180  }
0x4c3: {  	[spmem:s6] =	stream.indirect.scatter.add.bf16 [tilespmem:s5], [sflag:$0x4], $0x40, s23, s3, $0xb8;
	[tilespmem:$0x18380] =	vst v63  }
0x4c4: {  	_ =	swait.ge [sflag:s31], $0x3E80  }
0x4c5: {  	[sflag:s31] =	ssyncset.done $0x0  }
0x4c6: {  	s23 =	rddreg [dreg:$0x10];
	[sflag:s31] =	ssyncadd.s32 $0xFFFFC180  }
0x4c7: {  	[tilespmem:s2], [sflag:$0x4] =	stream.linear.gather [hbm4b:s23+s29], $0x1400, $0x38;
	[tilespmem:$0x18380] =	vst v63  }
0x4c8: {  	_ =	swait.ge [sflag:s31], $0x1400  }
0x4c9: {  	[sflag:s31] =	ssyncset.done $0x0  }
0x4ca: {  	s23 =	rddreg [dreg:$0x11];
	[sflag:s31] =	ssyncadd.s32 $0xFFFFEC00  }
0x4cb: {  	[tilespmem:s1], [sflag:$0x4] =	stream.linear.gather [hbm4b:s23+s29], $0x1400, $0x38;
	[tilespmem:$0x18380] =	vst v63  }
0x4cc: {  	_ =	swait.ge [sflag:s31], $0x1400  }
0x4cd: {  	[sflag:s31] =	ssyncset.done $0x0  }
0x4ce: {  	[sflag:s31] =	ssyncadd.s32 $0xFFFFEC00  }
0x4cf: {  	[tilespmem:s30], [sflag:$0x1] =	stream.indirect.gather [hbm4b:s11+s3], $0x40, s2, s3, $0xb8;
	[tilespmem:$0x18380] =	vst v63  }
0x4d0: {  	_ = 	snop  }
0x4d1: {  	[tilespmem:s5], [sflag:$0x2] =	stream.indirect.gather [hbm4b:s11+s3], $0x40, s24, s3, $0xb8;
	[tilespmem:$0x18380] =	vst v63  }
0x4d2: {  	_ = 	snop  }
0x4d3: {  	[tilespmem:s8], [sflag:$0x3] =	stream.indirect.gather [hbm4b:s11+s3], $0x40, s25, s3, $0xb8;
	[tilespmem:$0x18380] =	vst v63  }
0x4d4: {  	_ =	swait.ge [sflag:s13], $0x3E80  }
0x4d5: {  	[sflag:s13] =	ssyncset.done $0x0  }
0x4d6: {  	[sflag:s13] =	ssyncadd.s32 $0xFFFFC180  }
0x4d7: {  	[spmem:s6] =	stream.indirect.scatter.add.bf16 [tilespmem:s30], [sflag:$0x4], $0x40, s1, s3, $0xb8;
	[tilespmem:$0x18380] =	vst v63  }
0x4d8: {  	_ =	swait.ge [sflag:s31], $0x3E80  }
0x4d9: {  	[sflag:s31] =	ssyncset.done $0x0  }
0x4da: {  	[sflag:s31] =	ssyncadd.s32 $0xFFFFC180  }
0x4db: {  	[tilespmem:s30], [sflag:$0x1] =	stream.indirect.gather [hbm4b:s11+s3], $0x40, s4, s3, $0xb8;
	[tilespmem:$0x18380] =	vst v63  }
0x4dc: {  	_ =	swait.ge [sflag:s15], $0x3E80  }
0x4dd: {  	[sflag:s15] =	ssyncset.done $0x0  }
0x4de: {  	[sflag:s15] =	ssyncadd.s32 $0xFFFFC180  }
0x4df: {  	[spmem:s6] =	stream.indirect.scatter.add.bf16 [tilespmem:s5], [sflag:$0x4], $0x40, s26, s3, $0xb8;
	[tilespmem:$0x18380] =	vst v63  }
0x4e0: {  	_ =	swait.ge [sflag:s31], $0x3E80  }
0x4e1: {  	[sflag:s31] =	ssyncset.done $0x0  }
0x4e2: {  	[sflag:s31] =	ssyncadd.s32 $0xFFFFC180  }
0x4e3: {  	[tilespmem:s5], [sflag:$0x2] =	stream.indirect.gather [hbm4b:s11+s3], $0x40, s28, s3, $0xb8;
	[tilespmem:$0x18380] =	vst v63  }
0x4e4: {  	_ =	swait.ge [sflag:s18], $0x3E80  }
0x4e5: {  	[sflag:s18] =	ssyncset.done $0x0  }
0x4e6: {  	[sflag:s18] =	ssyncadd.s32 $0xFFFFC180  }
0x4e7: {  	[spmem:s6] =	stream.indirect.scatter.add.bf16 [tilespmem:s8], [sflag:$0x4], $0x40, s7, s3, $0xb8;
	[tilespmem:$0x18380] =	vst v63  }
0x4e8: {  	_ =	swait.ge [sflag:s31], $0x3E80  }
0x4e9: {  	[sflag:s31] =	ssyncset.done $0x0  }
0x4ea: {  	[sflag:s31] =	ssyncadd.s32 $0xFFFFC180  }
0x4eb: {  	[tilespmem:s8], [sflag:$0x3] =	stream.indirect.gather [hbm4b:s11+s3], $0x40, s14, s3, $0xb8;
	[tilespmem:$0x18380] =	vst v63  }
0x4ec: {  	_ =	swait.ge [sflag:s13], $0x3E80  }
0x4ed: {  	[sflag:s13] =	ssyncset.done $0x0  }
0x4ee: {  	[sflag:s13] =	ssyncadd.s32 $0xFFFFC180  }
0x4ef: {  	[spmem:s6] =	stream.indirect.scatter.add.bf16 [tilespmem:s30], [sflag:$0x4], $0x40, s12, s3, $0xb8;
	[tilespmem:$0x18380] =	vst v63  }
0x4f0: {  	_ =	swait.ge [sflag:s31], $0x3E80  }
0x4f1: {  	[sflag:s31] =	ssyncset.done $0x0  }
0x4f2: {  	[sflag:s31] =	ssyncadd.s32 $0xFFFFC180  }
0x4f3: {  	[tilespmem:s30], [sflag:$0x1] =	stream.indirect.gather [hbm4b:s11+s3], $0x40, s16, s3, $0xb8;
	[tilespmem:$0x18380] =	vst v63  }
0x4f4: {  	_ =	swait.ge [sflag:s15], $0x3E80  }
0x4f5: {  	[sflag:s15] =	ssyncset.done $0x0  }
0x4f6: {  	[sflag:s15] =	ssyncadd.s32 $0xFFFFC180  }
0x4f7: {  	[spmem:s6] =	stream.indirect.scatter.add.bf16 [tilespmem:s5], [sflag:$0x4], $0x40, s17, s3, $0xb8;
	[tilespmem:$0x18380] =	vst v63  }
0x4f8: {  	_ =	swait.ge [sflag:s31], $0x3E80  }
0x4f9: {  	[sflag:s31] =	ssyncset.done $0x0  }
0x4fa: {  	[sflag:s31] =	ssyncadd.s32 $0xFFFFC180  }
0x4fb: {  	[tilespmem:s5], [sflag:$0x2] =	stream.indirect.gather [hbm4b:s11+s3], $0x40, s19, s3, $0xb8;
	[tilespmem:$0x18380] =	vst v63  }
0x4fc: {  	_ =	swait.ge [sflag:s18], $0x3E80  }
0x4fd: {  	[sflag:s18] =	ssyncset.done $0x0  }
0x4fe: {  	[sflag:s18] =	ssyncadd.s32 $0xFFFFC180  }
0x4ff: {  	[spmem:s6] =	stream.indirect.scatter.add.bf16 [tilespmem:s8], [sflag:$0x4], $0x40, s20, s3, $0xb8;
	[tilespmem:$0x18380] =	vst v63  }
0x500: {  	_ =	swait.ge [sflag:s31], $0x3E80  }
0x501: {  	[sflag:s31] =	ssyncset.done $0x0  }
0x502: {  	[sflag:s31] =	ssyncadd.s32 $0xFFFFC180  }
0x503: {  	[tilespmem:s8], [sflag:$0x3] =	stream.indirect.gather [hbm4b:s11+s3], $0x40, s21, s3, $0xb8;
	[tilespmem:$0x18380] =	vst v63  }
0x504: {  	_ =	swait.ge [sflag:s13], $0x3E80  }
0x505: {  	[sflag:s13] =	ssyncset.done $0x0  }
0x506: {  	[sflag:s13] =	ssyncadd.s32 $0xFFFFC180  }
0x507: {  	[spmem:s6] =	stream.indirect.scatter.add.bf16 [tilespmem:s30], [sflag:$0x4], $0x40, s0, s3, $0xb8;
	[tilespmem:$0x18380] =	vst v63  }
0x508: {  	_ =	swait.ge [sflag:s31], $0x3E80  }
0x509: {  	[sflag:s31] =	ssyncset.done $0x0  }
0x50a: {  	[sflag:s31] =	ssyncadd.s32 $0xFFFFC180  }
0x50b: {  	[tilespmem:s30], [sflag:$0x1] =	stream.indirect.gather [hbm4b:s11+s3], $0x40, s22, s3, $0xb8;
	[tilespmem:$0x18380] =	vst v63  }
0x50c: {  	_ =	swait.ge [sflag:s15], $0x3E80  }
0x50d: {  	[sflag:s15] =	ssyncset.done $0x0  }
0x50e: {  	s21 =	simm.s32 $0xBB00;
	[sflag:s15] =	ssyncadd.s32 $0xFFFFC180  }
0x50f: {  	[spmem:s6] =	stream.indirect.scatter.add.bf16 [tilespmem:s5], [sflag:$0x4], $0x40, s21, s3, $0xb8;
	[tilespmem:$0x18380] =	vst v63  }
0x510: {  	_ =	swait.ge [sflag:s31], $0x3E80  }
0x511: {  	[sflag:s31] =	ssyncset.done $0x0  }
0x512: {  	s22 =	simm.s32 $0xAA00;
	[sflag:s31] =	ssyncadd.s32 $0xFFFFC180  }
0x513: {  	[tilespmem:s5], [sflag:$0x2] =	stream.indirect.gather [hbm4b:s11+s3], $0x40, s22, s3, $0xb8;
	[tilespmem:$0x18380] =	vst v63  }
0x514: {  	_ =	swait.ge [sflag:s18], $0x3E80  }
0x515: {  	[sflag:s18] =	ssyncset.done $0x0  }
0x516: {  	s23 =	simm.s32 $0xBC00;
	[sflag:s18] =	ssyncadd.s32 $0xFFFFC180  }
0x517: {  	[spmem:s6] =	stream.indirect.scatter.add.bf16 [tilespmem:s8], [sflag:$0x4], $0x40, s23, s3, $0xb8;
	[tilespmem:$0x18380] =	vst v63  }
0x518: {  	_ =	swait.ge [sflag:s31], $0x3E80  }
0x519: {  	[sflag:s31] =	ssyncset.done $0x0  }
0x51a: {  	s24 =	simm.s32 $0xAB00;
	[sflag:s31] =	ssyncadd.s32 $0xFFFFC180  }
0x51b: {  	[tilespmem:s8], [sflag:$0x3] =	stream.indirect.gather [hbm4b:s11+s3], $0x40, s24, s3, $0xb8;
	[tilespmem:$0x18380] =	vst v63  }
0x51c: {  	_ =	swait.ge [sflag:s13], $0x3E80  }
0x51d: {  	[sflag:s13] =	ssyncset.done $0x0  }
0x51e: {  	s25 =	simm.s32 $0xBD00;
	[sflag:s13] =	ssyncadd.s32 $0xFFFFC180  }
0x51f: {  	[spmem:s6] =	stream.indirect.scatter.add.bf16 [tilespmem:s30], [sflag:$0x4], $0x40, s25, s3, $0xb8;
	[tilespmem:$0x18380] =	vst v63  }
0x520: {  	_ =	swait.ge [sflag:s31], $0x3E80  }
0x521: {  	[sflag:s31] =	ssyncset.done $0x0  }
0x522: {  	s26 =	simm.s32 $0xAC00;
	[sflag:s31] =	ssyncadd.s32 $0xFFFFC180  }
0x523: {  	[tilespmem:s30], [sflag:$0x1] =	stream.indirect.gather [hbm4b:s11+s3], $0x40, s26, s3, $0xb8;
	[tilespmem:$0x18380] =	vst v63  }
0x524: {  	_ =	swait.ge [sflag:s15], $0x3E80  }
0x525: {  	[sflag:s15] =	ssyncset.done $0x0  }
0x526: {  	s28 =	simm.s32 $0xBE00;
	[sflag:s15] =	ssyncadd.s32 $0xFFFFC180  }
0x527: {  	[spmem:s6] =	stream.indirect.scatter.add.bf16 [tilespmem:s5], [sflag:$0x4], $0x40, s28, s3, $0xb8;
	[tilespmem:$0x18380] =	vst v63  }
0x528: {  	_ =	swait.ge [sflag:s31], $0x3E80  }
0x529: {  	[sflag:s31] =	ssyncset.done $0x0  }
0x52a: {  	s1 =	simm.s32 $0xAD00;
	[sflag:s31] =	ssyncadd.s32 $0xFFFFC180  }
0x52b: {  	[tilespmem:s5], [sflag:$0x2] =	stream.indirect.gather [hbm4b:s11+s3], $0x40, s1, s3, $0xb8;
	[tilespmem:$0x18380] =	vst v63  }
0x52c: {  	_ =	swait.ge [sflag:s18], $0x3E80  }
0x52d: {  	[sflag:s18] =	ssyncset.done $0x0  }
0x52e: {  	s2 =	simm.s32 $0xBF00;
	[sflag:s18] =	ssyncadd.s32 $0xFFFFC180  }
0x52f: {  	[spmem:s6] =	stream.indirect.scatter.add.bf16 [tilespmem:s8], [sflag:$0x4], $0x40, s2, s3, $0xb8;
	[tilespmem:$0x18380] =	vst v63  }
0x530: {  	_ =	swait.ge [sflag:s31], $0x3E80  }
0x531: {  	[sflag:s31] =	ssyncset.done $0x0  }
0x532: {  	s4 =	simm.s32 $0xAE00;
	[sflag:s31] =	ssyncadd.s32 $0xFFFFC180  }
0x533: {  	[tilespmem:s8], [sflag:$0x3] =	stream.indirect.gather [hbm4b:s11+s3], $0x40, s4, s3, $0xb8;
	[tilespmem:$0x18380] =	vst v63  }
0x534: {  	_ =	swait.ge [sflag:s13], $0x3E80  }
0x535: {  	[sflag:s13] =	ssyncset.done $0x0  }
0x536: {  	s7 =	simm.s32 $0xC000;
	[sflag:s13] =	ssyncadd.s32 $0xFFFFC180  }
0x537: {  	[spmem:s6] =	stream.indirect.scatter.add.bf16 [tilespmem:s30], [sflag:$0x4], $0x40, s7, s3, $0xb8;
	[tilespmem:$0x18380] =	vst v63  }
0x538: {  	_ =	swait.ge [sflag:s31], $0x3E80  }
0x539: {  	[sflag:s31] =	ssyncset.done $0x0  }
0x53a: {  	s12 =	simm.s32 $0xAF00;
	[sflag:s31] =	ssyncadd.s32 $0xFFFFC180  }
0x53b: {  	[tilespmem:s30], [sflag:$0x1] =	stream.indirect.gather [hbm4b:s11+s3], $0x40, s12, s3, $0xb8;
	[tilespmem:$0x18380] =	vst v63  }
0x53c: {  	_ =	swait.ge [sflag:s15], $0x3E80  }
0x53d: {  	[sflag:s15] =	ssyncset.done $0x0  }
0x53e: {  	s14 =	simm.s32 $0xC100;
	[sflag:s15] =	ssyncadd.s32 $0xFFFFC180  }
0x53f: {  	[spmem:s6] =	stream.indirect.scatter.add.bf16 [tilespmem:s5], [sflag:$0x4], $0x40, s14, s3, $0xb8;
	[tilespmem:$0x18380] =	vst v63  }
0x540: {  	_ =	swait.ge [sflag:s31], $0x3E80  }
0x541: {  	[sflag:s31] =	ssyncset.done $0x0  }
0x542: {  	s16 =	simm.s32 $0xB000;
	[sflag:s31] =	ssyncadd.s32 $0xFFFFC180  }
0x543: {  	[tilespmem:s5], [sflag:$0x2] =	stream.indirect.gather [hbm4b:s11+s3], $0x40, s16, s3, $0xb8;
	[tilespmem:$0x18380] =	vst v63  }
0x544: {  	_ =	swait.ge [sflag:s18], $0x3E80  }
0x545: {  	[sflag:s18] =	ssyncset.done $0x0  }
0x546: {  	s17 =	simm.s32 $0xC200;
	[sflag:s18] =	ssyncadd.s32 $0xFFFFC180  }
0x547: {  	[spmem:s6] =	stream.indirect.scatter.add.bf16 [tilespmem:s8], [sflag:$0x4], $0x40, s17, s3, $0xb8;
	[tilespmem:$0x18380] =	vst v63  }
0x548: {  	_ =	swait.ge [sflag:s31], $0x3E80  }
0x549: {  	[sflag:s31] =	ssyncset.done $0x0  }
0x54a: {  	s19 =	simm.s32 $0xB100;
	[sflag:s31] =	ssyncadd.s32 $0xFFFFC180  }
0x54b: {  	[tilespmem:s8], [sflag:$0x3] =	stream.indirect.gather [hbm4b:s11+s3], $0x40, s19, s3, $0xb8;
	[tilespmem:$0x18380] =	vst v63  }
0x54c: {  	_ =	swait.ge [sflag:s13], $0x3E80  }
0x54d: {  	[sflag:s13] =	ssyncset.done $0x0  }
0x54e: {  	s20 =	simm.s32 $0xC300;
	[sflag:s13] =	ssyncadd.s32 $0xFFFFC180  }
0x54f: {  	[spmem:s6] =	stream.indirect.scatter.add.bf16 [tilespmem:s30], [sflag:$0x4], $0x40, s20, s3, $0xb8;
	[tilespmem:$0x18380] =	vst v63  }
0x550: {  	_ =	swait.ge [sflag:s31], $0x3E80  }
0x551: {  	[sflag:s31] =	ssyncset.done $0x0  }
0x552: {  	s21 =	simm.s32 $0xB200;
	[sflag:s31] =	ssyncadd.s32 $0xFFFFC180  }
0x553: {  	[tilespmem:s30], [sflag:$0x1] =	stream.indirect.gather [hbm4b:s11+s3], $0x40, s21, s3, $0xb8;
	[tilespmem:$0x18380] =	vst v63  }
0x554: {  	_ =	swait.ge [sflag:s15], $0x3E80  }
0x555: {  	[sflag:s15] =	ssyncset.done $0x0  }
0x556: {  	s22 =	simm.s32 $0xC400;
	[sflag:s15] =	ssyncadd.s32 $0xFFFFC180  }
0x557: {  	[spmem:s6] =	stream.indirect.scatter.add.bf16 [tilespmem:s5], [sflag:$0x4], $0x40, s22, s3, $0xb8;
	[tilespmem:$0x18380] =	vst v63  }
0x558: {  	_ =	swait.ge [sflag:s31], $0x3E80  }
0x559: {  	[sflag:s31] =	ssyncset.done $0x0  }
0x55a: {  	s23 =	simm.s32 $0xB300;
	[sflag:s31] =	ssyncadd.s32 $0xFFFFC180  }
0x55b: {  	[tilespmem:s5], [sflag:$0x2] =	stream.indirect.gather [hbm4b:s11+s3], $0x40, s23, s3, $0xb8;
	[tilespmem:$0x18380] =	vst v63  }
0x55c: {  	_ =	swait.ge [sflag:s18], $0x3E80  }
0x55d: {  	[sflag:s18] =	ssyncset.done $0x0  }
0x55e: {  	s24 =	simm.s32 $0xC500;
	[sflag:s18] =	ssyncadd.s32 $0xFFFFC180  }
0x55f: {  	[spmem:s6] =	stream.indirect.scatter.add.bf16 [tilespmem:s8], [sflag:$0x4], $0x40, s24, s3, $0xb8;
	[tilespmem:$0x18380] =	vst v63  }
0x560: {  	_ =	swait.ge [sflag:s31], $0x3E80  }
0x561: {  	[sflag:s31] =	ssyncset.done $0x0  }
0x562: {  	[sflag:s31] =	ssyncadd.s32 $0xFFFFC180  }
0x563: {  	_ =	swait.ge [sflag:s13], $0x3E80  }
0x564: {  	[sflag:s13] =	ssyncset.done $0x0  }
0x565: {  	s25 =	simm.s32 $0xC600;
	[sflag:s13] =	ssyncadd.s32 $0xFFFFC180  }
0x566: {  	[spmem:s6] =	stream.indirect.scatter.add.bf16 [tilespmem:s30], [sflag:$0x4], $0x40, s25, s3, $0xb8;
	[tilespmem:$0x18380] =	vst v63  }
0x567: {  	_ =	swait.ge [sflag:s31], $0x3E80  }
0x568: {  	[sflag:s31] =	ssyncset.done $0x0  }
0x569: {  	[sflag:s31] =	ssyncadd.s32 $0xFFFFC180  }
0x56a: {  	_ =	swait.ge [sflag:s15], $0x3E80  }
0x56b: {  	[sflag:s15] =	ssyncset.done $0x0  }
0x56c: {  	s26 =	simm.s32 $0xC700;
	[sflag:s15] =	ssyncadd.s32 $0xFFFFC180  }
0x56d: {  	[spmem:s6] =	stream.indirect.scatter.add.bf16 [tilespmem:s5], [sflag:$0x4], $0x40, s26, s3, $0xb8;
	[tilespmem:$0x18380] =	vst v63  }
0x56e: {  	_ =	swait.ge [sflag:s31], $0x3E80  }
0x56f: {  	[sflag:s31] =	ssyncset.done $0x0  }
0x570: {  	[sflag:s31] =	ssyncadd.s32 $0xFFFFC180  }
0x571: {  	[bflag:$0x0] =	sbarrier.arrive $0xFFFF  }
0x572: {  	s28 =	sld [smem:$0x7ED];
	_ =	sdelay $0x2  }
0x573: {  	[tilespmem:s30], [sflag:$0x4] =	stream.linear.gather [spmem:s28], $0x1400, $0x38;
	[tilespmem:$0x18380] =	vst v63  }
0x574: {  	_ =	swait.ge [sflag:s31], $0x1400  }
0x575: {  	s0 =	sld [smem:$0x7E5]  }
0x576: {  	[sflag:s31] =	ssyncset.done $0x0  }
0x577: {  	s1 =	sld [smem:$0x7F2];
	[sflag:s31] =	ssyncadd.s32 $0xFFFFEC00  }
0x578: {  	[hbm4b:s0+s29] =	stream.linear.scatter [tilespmem:s30], [sflag:$0x1], $0x1400, $0x38;
	[tilespmem:$0x18380] =	vst v63  }
0x579: {  	_ = 	snop  }
0x57a: {  	[tilespmem:s5], [sflag:$0x4] =	stream.linear.gather [spmem:s1], $0x1400, $0x38;
	[tilespmem:$0x18380] =	vst v63  }
0x57b: {  	_ =	swait.ge [sflag:s31], $0x1400  }
0x57c: {  	s2 =	sld [smem:$0x7E6]  }
0x57d: {  	[sflag:s31] =	ssyncset.done $0x0  }
0x57e: {  	[sflag:s31] =	ssyncadd.s32 $0xFFFFEC00  }
0x57f: {  	[hbm4b:s2+s29] =	stream.linear.scatter [tilespmem:s5], [sflag:$0x2], $0x1400, $0x38;
	[tilespmem:$0x18380] =	vst v63  }
0x580: {  	_ =	swait.ge [sflag:s13], $0x1400  }
0x581: {  	[sflag:s13] =	ssyncset.done $0x0  }
0x582: {  	[sflag:s13] =	ssyncadd.s32 $0xFFFFEC00  }
0x583: {  	_ =	swait.ge [sflag:s15], $0x1400  }
0x584: {  	s4 =	sld [smem:$0x7F3]  }
0x585: {  	[sflag:s15] =	ssyncset.done $0x0  }
0x586: {  	[sflag:s15] =	ssyncadd.s32 $0xFFFFEC00  }
0x587: {  	[tilespmem:s30], [sflag:$0x4] =	stream.linear.gather [spmem:s4], $0x1400, $0x38;
	[tilespmem:$0x18380] =	vst v63  }
0x588: {  	_ =	swait.ge [sflag:s31], $0x1400  }
0x589: {  	s7 =	sld [smem:$0x7E7]  }
0x58a: {  	[sflag:s31] =	ssyncset.done $0x0  }
0x58b: {  	s12 =	sld [smem:$0x7F4];
	[sflag:s31] =	ssyncadd.s32 $0xFFFFEC00  }
0x58c: {  	[hbm4b:s7+s29] =	stream.linear.scatter [tilespmem:s30], [sflag:$0x1], $0x1400, $0x38;
	[tilespmem:$0x18380] =	vst v63  }
0x58d: {  	_ = 	snop  }
0x58e: {  	[tilespmem:s5], [sflag:$0x4] =	stream.linear.gather [spmem:s12], $0x1400, $0x38;
	[tilespmem:$0x18380] =	vst v63  }
0x58f: {  	_ =	swait.ge [sflag:s31], $0x1400  }
0x590: {  	s14 =	sld [smem:$0x7E8]  }
0x591: {  	[sflag:s31] =	ssyncset.done $0x0  }
0x592: {  	[sflag:s31] =	ssyncadd.s32 $0xFFFFEC00  }
0x593: {  	[hbm4b:s14+s29] =	stream.linear.scatter [tilespmem:s5], [sflag:$0x2], $0x1400, $0x38;
	[tilespmem:$0x18380] =	vst v63  }
0x594: {  	_ =	swait.ge [sflag:s13], $0x1400  }
0x595: {  	[sflag:s13] =	ssyncset.done $0x0  }
0x596: {  	[sflag:s13] =	ssyncadd.s32 $0xFFFFEC00  }
0x597: {  	_ =	swait.ge [sflag:s15], $0x1400  }
0x598: {  	s16 =	sld [smem:$0x7F5]  }
0x599: {  	[sflag:s15] =	ssyncset.done $0x0  }
0x59a: {  	[sflag:s15] =	ssyncadd.s32 $0xFFFFEC00  }
0x59b: {  	[tilespmem:s30], [sflag:$0x4] =	stream.linear.gather [spmem:s16], $0x1400, $0x38;
	[tilespmem:$0x18380] =	vst v63  }
0x59c: {  	_ =	swait.ge [sflag:s31], $0x1400  }
0x59d: {  	s17 =	sld [smem:$0x7E9]  }
0x59e: {  	[sflag:s31] =	ssyncset.done $0x0  }
0x59f: {  	s19 =	sld [smem:$0x7F6];
	[sflag:s31] =	ssyncadd.s32 $0xFFFFEC00  }
0x5a0: {  	[hbm4b:s17+s29] =	stream.linear.scatter [tilespmem:s30], [sflag:$0x1], $0x1400, $0x38;
	[tilespmem:$0x18380] =	vst v63  }
0x5a1: {  	_ = 	snop  }
0x5a2: {  	[tilespmem:s5], [sflag:$0x4] =	stream.linear.gather [spmem:s19], $0x1400, $0x38;
	[tilespmem:$0x18380] =	vst v63  }
0x5a3: {  	_ =	swait.ge [sflag:s31], $0x1400  }
0x5a4: {  	s20 =	sld [smem:$0x7EA]  }
0x5a5: {  	[sflag:s31] =	ssyncset.done $0x0  }
0x5a6: {  	[sflag:s31] =	ssyncadd.s32 $0xFFFFEC00  }
0x5a7: {  	[hbm4b:s20+s29] =	stream.linear.scatter [tilespmem:s5], [sflag:$0x2], $0x1400, $0x38;
	[tilespmem:$0x18380] =	vst v63  }
0x5a8: {  	_ =	swait.ge [sflag:s13], $0x1400  }
0x5a9: {  	[sflag:s13] =	ssyncset.done $0x0  }
0x5aa: {  	[sflag:s13] =	ssyncadd.s32 $0xFFFFEC00  }
0x5ab: {  	_ =	swait.ge [sflag:s15], $0x1400  }
0x5ac: {  	s21 =	sld [smem:$0x7F7]  }
0x5ad: {  	[sflag:s15] =	ssyncset.done $0x0  }
0x5ae: {  	[sflag:s15] =	ssyncadd.s32 $0xFFFFEC00  }
0x5af: {  	[tilespmem:s30], [sflag:$0x4] =	stream.linear.gather [spmem:s21], $0x1400, $0x38;
	[tilespmem:$0x18380] =	vst v63  }
0x5b0: {  	_ =	swait.ge [sflag:s31], $0x1400  }
0x5b1: {  	s22 =	sld [smem:$0x7EB]  }
0x5b2: {  	[sflag:s31] =	ssyncset.done $0x0  }
0x5b3: {  	s24 =	sld [smem:$0x7F8];
	[sflag:s31] =	ssyncadd.s32 $0xFFFFEC00  }
0x5b4: {  	[hbm4b:s22+s29] =	stream.linear.scatter [tilespmem:s30], [sflag:$0x1], $0x1400, $0x38;
	[tilespmem:$0x18380] =	vst v63  }
0x5b5: {  	_ = 	snop  }
0x5b6: {  	[tilespmem:s5], [sflag:$0x4] =	stream.linear.gather [spmem:s24], $0x1400, $0x38;
	[tilespmem:$0x18380] =	vst v63  }
0x5b7: {  	_ =	swait.ge [sflag:s31], $0x1400  }
0x5b8: {  	s25 =	sld [smem:$0x7EC]  }
0x5b9: {  	[sflag:s31] =	ssyncset.done $0x0  }
0x5ba: {  	[sflag:s31] =	ssyncadd.s32 $0xFFFFEC00  }
0x5bb: {  	[hbm4b:s25+s29] =	stream.linear.scatter [tilespmem:s5], [sflag:$0x2], $0x1400, $0x38;
	[tilespmem:$0x18380] =	vst v63  }
0x5bc: {  	_ =	swait.ge [sflag:s13], $0x1400  }
0x5bd: {  	[sflag:s13] =	ssyncset.done $0x0  }
0x5be: {  	[sflag:s13] =	ssyncadd.s32 $0xFFFFEC00  }
0x5bf: {  	_ =	swait.ge [sflag:s15], $0x1400  }
0x5c0: {  	s26 =	sld [smem:$0x7E2]  }
0x5c1: {  	s28 =	sld [smem:$0x7EE];
	_ =	sdelay $0x1  }
0x5c2: {  	s0 =	sadd.s32 $0x1, s26  }
0x5c3: {  	p0 =	sne.s32 s0, s28  }
.Ltmp3:
0x5c4: {  	_ = 	snop;
	(pc) =	sbr.rel @p0 .LBB2_1-.Ltmp3, $3  }
0x5c5: {  	_ =	sdelay $0x1  }
0x5c6: {  	[sflag:s15] =	ssyncset.done $0x0  }
0x5c7: {  	[sflag:s15] =	ssyncadd.s32 $0xFFFFEC00  }
0x5c8: {  	_ =	sfence.sel $0x180000  }
0x5c9: {  	[bflag:$0x0] =	sbarrier.arrive $0xFFFF  }
0x5ca: {  	_ =	strace $0x90000047  }
0x5cb: {  	s0 =	stileid.u32;
	[bflag:$0x2] =	sbarrier.arrive $0xFFFF  }
0x5cc: {  	p0 =	sne.s32 s0, $0x0;
	s0 =	rddreg [dreg:$0x5]  }
0x5cd: {  	s0 =	sadd.s32 @!p0 $0x100000, s0  }
0x5ce: {  	[sflag:s0] =	ssyncadd.tile.s32 @!p0 $0x1;
	_ =	shalt  }
.Lfunc_end2:
_tile_overlayer_lowered:
.L_overlay_start_2:
0x5cf: {  	(tag) =	ssettag $0x2  }
0x5d0: {  	s0 =	rddreg [dreg:$0x0];
	s2 =	stileid.u32  }
0x5d1: {  	s1 =	rddreg [dreg:$0x1];
	p0 =	sne.s32 s2, $0x0  }
0x5d2: {  	s3 =	rddreg [dreg:$0x2];
	[bflag:$0x3] =	sbarrier.arrive $0xFFFF;
	s2 =	simm.s32 @!p0 $0x1C04  }
0x5d3: {  	[timem:s3], [sflag:s2] =	dma.local @!p0 [hbm:s0], s1  }
0x5d4: {  	s0 =	simm.s32 @!p0 $0x4  }
0x5d5: {  	_ =	swait.ge @!p0 [sflag:s0], s1  }
0x5d6: {  	s1 =	ssub.s32 @!p0 $0x0, s1;
	[sflag:s0] =	ssyncset.done @!p0 $0x0  }
0x5d7: {  	[sflag:s0] =	ssyncadd.s32 @!p0 s1  }
0x5d8: {  	[bflag:$0x3] =	sbarrier.arrive $0xFFFF  }
0x5d9: {  	_ =	shalt  }

</sc_bundles>
